<compile_context>
chip_gen: v7x
topology: tpu7x:2x2x1
jax: 0.10.2.dev20260603
libtpu: 0.0.44.dev20260713+nightly
codegen_flags: <defaults>
</compile_context>

<pallas_src>
import functools

import jax
import jax.numpy as jnp
from jax import lax
from jax.experimental import pallas as pl
from jax.experimental.pallas import tpu as pltpu
from jax.experimental.pallas import tpu_sc as plsc

NC = 2
NS = 16
L = 16
NW = NC * NS
D = 768
VPR = D // L
C = 8
RING = 8
LOOK = 7


def _emb_add(x2, idx, table):
    B = x2.shape[0]
    per_w = B // NW
    nchunk = per_w // C
    nround = nchunk // RING

    mesh = plsc.VectorSubcoreMesh(core_axis_name="c", subcore_axis_name="s")

    @functools.partial(
        pl.kernel,
        out_type=jax.ShapeDtypeStruct((B, D), jnp.float32),
        mesh=mesh,
        scratch_types=[
            pltpu.VMEM((per_w,), jnp.int32),
            pltpu.VMEM((RING, C, D), jnp.float32),
            pltpu.VMEM((RING, C, D), jnp.float32),
            pltpu.SemaphoreType.DMA((RING,)),
            pltpu.SemaphoreType.DMA((RING,)),
            pltpu.SemaphoreType.DMA((RING,)),
        ],
    )
    def emb_add_kernel(x_hbm, idx_hbm, tab_hbm, out_hbm,
                       idx_v, x_v, rows_v, sem_x, sem_g, sem_o):
        wid = lax.axis_index("s") * NC + lax.axis_index("c")
        base = wid * per_w
        pltpu.sync_copy(idx_hbm.at[pl.ds(base, per_w)], idx_v)

        def issue_in(chunk, slot):
            pltpu.async_copy(
                x_hbm.at[pl.ds(base + chunk * C, C)], x_v.at[slot],
                sem_x.at[slot])
            pltpu.async_copy(
                tab_hbm.at[idx_v.at[pl.ds(chunk * C, C)]], rows_v.at[slot],
                sem_g.at[slot])

        def wait_in(chunk, slot):
            pltpu.make_async_copy(
                x_hbm.at[pl.ds(base + chunk * C, C)], x_v.at[slot],
                sem_x.at[slot]).wait()
            pltpu.make_async_copy(
                tab_hbm.at[idx_v.at[pl.ds(chunk * C, C)]], rows_v.at[slot],
                sem_g.at[slot]).wait()

        def issue_out(chunk, slot):
            pltpu.async_copy(
                rows_v.at[slot], out_hbm.at[pl.ds(base + chunk * C, C)],
                sem_o.at[slot])

        def wait_out(chunk, slot):
            pltpu.make_async_copy(
                rows_v.at[slot], out_hbm.at[pl.ds(base + chunk * C, C)],
                sem_o.at[slot]).wait()

        for b in range(LOOK):
            issue_in(b, b)

        @pl.loop(0, nround)
        def _(r):
            for b in range(RING):
                i = r * RING + b
                wait_in(i, b)

                @pl.loop(0, C)
                def _(row):
                    @pl.loop(0, VPR, unroll=16)
                    def _(v):
                        sl = pl.ds(v * L, L)
                        plsc.addupdate(rows_v.at[b, row, sl], x_v[b, row, sl])

                issue_out(i, b)

                j_slot = (b + LOOK) % RING
                if b < RING - LOOK:
                    @pl.when(r > 0)
                    def _():
                        wait_out((r - 1) * RING + b + LOOK, j_slot)
                    issue_in(i + LOOK, j_slot)
                else:
                    @pl.when(r < nround - 1)
                    def _():
                        wait_out(r * RING + b + LOOK - RING, j_slot)
                        issue_in(i + LOOK, j_slot)

        for b in range(RING):
            wait_out((nround - 1) * RING + b, b)

    return emb_add_kernel(x2, idx, table)


def kernel(x, positions, table):
    bt, s, d = x.shape
    x2 = x.reshape(bt * s, d)
    idx = positions.reshape(bt * s).astype(jnp.int32)
    out = _emb_add(x2, idx, table)
    return out.reshape(bt, s, d)

# --- scband reference (transcript-rebuilt; emitter-appended) ---
"""Pipeline reference for scband-positional-embedding-27797028339978 (READ-ONLY COPY).

The authoritative reference and input builder live on the scoring server;
editing this copy changes nothing except your own understanding.
"""

import jax, jax.numpy as jnp
import numpy as np

HIDDEN_DIM = 768
MAX_SEQ_LENGTH = 8192
BATCH = 4
SEQ_LEN = 8192


def setup_inputs(seed: int = 0) -> dict:
    key = jax.random.key(seed)
    k_x, k_pos, k_tab = jax.random.split(key, 3)
    x = jax.random.normal(k_x, (BATCH, SEQ_LEN, HIDDEN_DIM), dtype=jnp.float32)
    positions = jax.random.randint(k_pos, (BATCH, SEQ_LEN), 0, MAX_SEQ_LENGTH, dtype=jnp.int64 if jax.config.read('jax_enable_x64') else jnp.int32)
    # embedding table, matches nn.Embedding(max_seq_length, hidden_dim) default init N(0,1)
    table = jax.random.normal(k_tab, (MAX_SEQ_LENGTH, HIDDEN_DIM), dtype=jnp.float32)
    return {"x": x, "positions": positions, "table": table}


def reference(x, positions, table):
    # pos_emb = self.embedding(positions)  -> gather rows of table
    pos_emb = jnp.take(table, positions, axis=0)
    return x + pos_emb

if __name__ == "__main__":
    import jax
    _d = setup_inputs()
    print(jax.jit(kernel)(*tuple(_d.values())))

</pallas_src>

<mosaic_0001>
#map = affine_map<(d0, d1) -> (0, 0)>
#map1 = affine_map<(d0, d1) -> (0)>
module attributes {stable_mosaic.version = 14 : i64} {
  func.func @emb_add_kernel(%arg0: i32, %arg1: i32, %arg2: memref<32768x768xf32, #tpu.memory_space<hbm>>, %arg3: memref<32768xi32, #tpu.memory_space<hbm>>, %arg4: memref<8192x768xf32, #tpu.memory_space<hbm>>, %arg5: memref<32768x768xf32, #tpu.memory_space<hbm>>, %arg6: memref<1024xi32, #tpu.memory_space<vmem>>, %arg7: memref<8x8x768xf32, #tpu.memory_space<vmem>>, %arg8: memref<8x8x768xf32, #tpu.memory_space<vmem>>, %arg9: memref<8x!tpu.dma_semaphore, #tpu.memory_space<semaphore_mem>>, %arg10: memref<8x!tpu.dma_semaphore, #tpu.memory_space<semaphore_mem>>, %arg11: memref<8x!tpu.dma_semaphore, #tpu.memory_space<semaphore_mem>>) attributes {dimension_semantics = [#tpu.dimension_semantics<core_parallel>, #tpu.dimension_semantics<subcore_parallel>], iteration_bounds = array<i64: 2, 16>, scalar_prefetch = 0 : i64, scratch_operands = 6 : i64, tpu.core_type = #tpu.core_type<sc_vector_subcore>, window_params = [{transform_indices = #map}, {transform_indices = #map1}, {transform_indices = #map}, {transform_indices = #map}]} {
    %mul3A = arith.constant 2 : i32
    %mul3A_0 = arith.muli %arg1, %mul3A : i32
    %add3A = arith.addi %mul3A_0, %arg0 : i32
    %mul3A_1 = arith.constant 1024 : i32
    %mul3A_2 = arith.muli %add3A, %mul3A_1 : i32
    "tpu.region"() ({
      %run_scoped3A = tpu.sem_alloc : memref<!tpu.dma_semaphore, #tpu.memory_space<semaphore_mem>>
      %dma_start3A_366 = tpu.memref_slice %arg3[%mul3A_2] : memref<32768xi32, #tpu.memory_space<hbm>> -> memref<1024xi32, #tpu.memory_space<hbm>>
      %dma_start3A_367 = tpu.memref_slice %arg3[%mul3A_2] : memref<32768xi32, #tpu.memory_space<hbm>> -> memref<1024xi32, #tpu.memory_space<hbm>>
      tpu.enqueue_dma source(%dma_start3A_367 : memref<1024xi32, #tpu.memory_space<hbm>>) target(%arg6 : memref<1024xi32, #tpu.memory_space<vmem>>) target_semaphore(%run_scoped3A : memref<!tpu.dma_semaphore, #tpu.memory_space<semaphore_mem>>)
      %dma_wait3A_368 = tpu.memref_slice %arg3[%mul3A_2] : memref<32768xi32, #tpu.memory_space<hbm>> -> memref<1024xi32, #tpu.memory_space<hbm>>
      %dma_wait3A_369 = tpu.memref_slice %arg3[%mul3A_2] : memref<32768xi32, #tpu.memory_space<hbm>> -> memref<1024xi32, #tpu.memory_space<hbm>>
      tpu.wait_dma2 semaphore(%run_scoped3A : memref<!tpu.dma_semaphore, #tpu.memory_space<semaphore_mem>>) src(%dma_wait3A_369 : memref<1024xi32, #tpu.memory_space<hbm>>) dst(%arg6 : memref<1024xi32, #tpu.memory_space<vmem>>)
      tpu.yield
    }) : () -> ()
    %add3A_3 = arith.constant 0 : i32
    %add3A_4 = arith.addi %mul3A_2, %add3A_3 : i32
    %dma_start3A = arith.constant 0 : i32
    %dma_start3A_5 = arith.constant 0 : i32
    %dma_start3A_6 = arith.constant 0 : i32
    %dma_start3A_7 = arith.constant 0 : i32
    %dma_start3A_8 = tpu.memref_slice %arg7[%dma_start3A, %dma_start3A_6, %dma_start3A_7] : memref<8x8x768xf32, #tpu.memory_space<vmem>> -> memref<1x8x768xf32, #tpu.memory_space<vmem>>
    %dma_start3A_9 = tpu.memref_squeeze %dma_start3A_8 : memref<1x8x768xf32, #tpu.memory_space<vmem>> -> memref<8x768xf32, #tpu.memory_space<vmem>>
    %dma_start3A_10 = arith.constant 0 : i32
    %dma_start3A_11 = tpu.memref_slice %arg2[%add3A_4, %dma_start3A_10] : memref<32768x768xf32, #tpu.memory_space<hbm>> -> memref<8x768xf32, #tpu.memory_space<hbm>>
    %dma_start3A_12 = tpu.memref_slice %arg9[%dma_start3A_5] : memref<8x!tpu.dma_semaphore, #tpu.memory_space<semaphore_mem>> -> memref<1x!tpu.dma_semaphore, #tpu.memory_space<semaphore_mem>>
    %dma_start3A_13 = tpu.memref_squeeze %dma_start3A_12 : memref<1x!tpu.dma_semaphore, #tpu.memory_space<semaphore_mem>> -> memref<!tpu.dma_semaphore, #tpu.memory_space<semaphore_mem>>
    %dma_start3A_14 = arith.constant 0 : i32
    %dma_start3A_15 = arith.constant 0 : i32
    %dma_start3A_16 = tpu.memref_slice %arg7[%dma_start3A, %dma_start3A_14, %dma_start3A_15] : memref<8x8x768xf32, #tpu.memory_space<vmem>> -> memref<1x8x768xf32, #tpu.memory_space<vmem>>
    %dma_start3A_17 = tpu.memref_squeeze %dma_start3A_16 : memref<1x8x768xf32, #tpu.memory_space<vmem>> -> memref<8x768xf32, #tpu.memory_space<vmem>>
    %dma_start3A_18 = arith.constant 0 : i32
    %dma_start3A_19 = tpu.memref_slice %arg2[%add3A_4, %dma_start3A_18] : memref<32768x768xf32, #tpu.memory_space<hbm>> -> memref<8x768xf32, #tpu.memory_space<hbm>>
    tpu.enqueue_dma source(%dma_start3A_19 : memref<8x768xf32, #tpu.memory_space<hbm>>) target(%dma_start3A_17 : memref<8x768xf32, #tpu.memory_space<vmem>>) target_semaphore(%dma_start3A_13 : memref<!tpu.dma_semaphore, #tpu.memory_space<semaphore_mem>>)
    %dma_start3A_20 = arith.constant 0 : i32
    %dma_start3A_21 = arith.constant 0 : i32
    %dma_start3A_22 = arith.constant 0 : i32
    %dma_start3A_23 = arith.constant 0 : i32
    %dma_start3A_24 = tpu.memref_slice %arg8[%dma_start3A_20, %dma_start3A_22, %dma_start3A_23] : memref<8x8x768xf32, #tpu.memory_space<vmem>> -> memref<1x8x768xf32, #tpu.memory_space<vmem>>
    %dma_start3A_25 = tpu.memref_squeeze %dma_start3A_24 : memref<1x8x768xf32, #tpu.memory_space<vmem>> -> memref<8x768xf32, #tpu.memory_space<vmem>>
    %dma_start3A_26 = arith.constant 0 : i32
    %dma_start3A_27 = tpu.memref_slice %arg6[%dma_start3A_26] : memref<1024xi32, #tpu.memory_space<vmem>> -> memref<8xi32, #tpu.memory_space<vmem>>
    %dma_start3A_28 = arith.constant 0 : i32
    %dma_start3A_29 = arith.constant 0 : i32
    %dma_start3A_30 = tpu.memref_slice %arg4[%dma_start3A_28, %dma_start3A_29] : memref<8192x768xf32, #tpu.memory_space<hbm>> -> memref<8192x768xf32, #tpu.memory_space<hbm>>
    %dma_start3A_31 = tpu.memref_slice %arg10[%dma_start3A_21] : memref<8x!tpu.dma_semaphore, #tpu.memory_space<semaphore_mem>> -> memref<1x!tpu.dma_semaphore, #tpu.memory_space<semaphore_mem>>
    %dma_start3A_32 = tpu.memref_squeeze %dma_start3A_31 : memref<1x!tpu.dma_semaphore, #tpu.memory_space<semaphore_mem>> -> memref<!tpu.dma_semaphore, #tpu.memory_space<semaphore_mem>>
    tpu.enqueue_indirect_dma source(%dma_start3A_30 : memref<8192x768xf32, #tpu.memory_space<hbm>>) target(%dma_start3A_25 : memref<8x768xf32, #tpu.memory_space<vmem>>) offsets(%dma_start3A_27 : memref<8xi32, #tpu.memory_space<vmem>>) semaphore(%dma_start3A_32 : memref<!tpu.dma_semaphore, #tpu.memory_space<semaphore_mem>>)
    %add3A_33 = arith.constant 8 : i32
    %add3A_34 = arith.addi %mul3A_2, %add3A_33 : i32
    %dma_start3A_35 = arith.constant 1 : i32
    %dma_start3A_36 = arith.constant 1 : i32
    %dma_start3A_37 = arith.constant 0 : i32
    %dma_start3A_38 = arith.constant 0 : i32
    %dma_start3A_39 = tpu.memref_slice %arg7[%dma_start3A_35, %dma_start3A_37, %dma_start3A_38] : memref<8x8x768xf32, #tpu.memory_space<vmem>> -> memref<1x8x768xf32, #tpu.memory_space<vmem>>
    %dma_start3A_40 = tpu.memref_squeeze %dma_start3A_39 : memref<1x8x768xf32, #tpu.memory_space<vmem>> -> memref<8x768xf32, #tpu.memory_space<vmem>>
    %dma_start3A_41 = arith.constant 0 : i32
    %dma_start3A_42 = tpu.memref_slice %arg2[%add3A_34, %dma_start3A_41] : memref<32768x768xf32, #tpu.memory_space<hbm>> -> memref<8x768xf32, #tpu.memory_space<hbm>>
    %dma_start3A_43 = tpu.memref_slice %arg9[%dma_start3A_36] : memref<8x!tpu.dma_semaphore, #tpu.memory_space<semaphore_mem>> -> memref<1x!tpu.dma_semaphore, #tpu.memory_space<semaphore_mem>>
    %dma_start3A_44 = tpu.memref_squeeze %dma_start3A_43 : memref<1x!tpu.dma_semaphore, #tpu.memory_space<semaphore_mem>> -> memref<!tpu.dma_semaphore, #tpu.memory_space<semaphore_mem>>
    %dma_start3A_45 = arith.constant 0 : i32
    %dma_start3A_46 = arith.constant 0 : i32
    %dma_start3A_47 = tpu.memref_slice %arg7[%dma_start3A_35, %dma_start3A_45, %dma_start3A_46] : memref<8x8x768xf32, #tpu.memory_space<vmem>> -> memref<1x8x768xf32, #tpu.memory_space<vmem>>
    %dma_start3A_48 = tpu.memref_squeeze %dma_start3A_47 : memref<1x8x768xf32, #tpu.memory_space<vmem>> -> memref<8x768xf32, #tpu.memory_space<vmem>>
    %dma_start3A_49 = arith.constant 0 : i32
    %dma_start3A_50 = tpu.memref_slice %arg2[%add3A_34, %dma_start3A_49] : memref<32768x768xf32, #tpu.memory_space<hbm>> -> memref<8x768xf32, #tpu.memory_space<hbm>>
    tpu.enqueue_dma source(%dma_start3A_50 : memref<8x768xf32, #tpu.memory_space<hbm>>) target(%dma_start3A_48 : memref<8x768xf32, #tpu.memory_space<vmem>>) target_semaphore(%dma_start3A_44 : memref<!tpu.dma_semaphore, #tpu.memory_space<semaphore_mem>>)
    %dma_start3A_51 = arith.constant 1 : i32
    %dma_start3A_52 = arith.constant 1 : i32
    %dma_start3A_53 = arith.constant 0 : i32
    %dma_start3A_54 = arith.constant 0 : i32
    %dma_start3A_55 = tpu.memref_slice %arg8[%dma_start3A_51, %dma_start3A_53, %dma_start3A_54] : memref<8x8x768xf32, #tpu.memory_space<vmem>> -> memref<1x8x768xf32, #tpu.memory_space<vmem>>
    %dma_start3A_56 = tpu.memref_squeeze %dma_start3A_55 : memref<1x8x768xf32, #tpu.memory_space<vmem>> -> memref<8x768xf32, #tpu.memory_space<vmem>>
    %dma_start3A_57 = arith.constant 8 : i32
    %dma_start3A_58 = tpu.memref_slice %arg6[%dma_start3A_57] : memref<1024xi32, #tpu.memory_space<vmem>> -> memref<8xi32, #tpu.memory_space<vmem>>
    %dma_start3A_59 = arith.constant 0 : i32
    %dma_start3A_60 = arith.constant 0 : i32
    %dma_start3A_61 = tpu.memref_slice %arg4[%dma_start3A_59, %dma_start3A_60] : memref<8192x768xf32, #tpu.memory_space<hbm>> -> memref<8192x768xf32, #tpu.memory_space<hbm>>
    %dma_start3A_62 = tpu.memref_slice %arg10[%dma_start3A_52] : memref<8x!tpu.dma_semaphore, #tpu.memory_space<semaphore_mem>> -> memref<1x!tpu.dma_semaphore, #tpu.memory_space<semaphore_mem>>
    %dma_start3A_63 = tpu.memref_squeeze %dma_start3A_62 : memref<1x!tpu.dma_semaphore, #tpu.memory_space<semaphore_mem>> -> memref<!tpu.dma_semaphore, #tpu.memory_space<semaphore_mem>>
    tpu.enqueue_indirect_dma source(%dma_start3A_61 : memref<8192x768xf32, #tpu.memory_space<hbm>>) target(%dma_start3A_56 : memref<8x768xf32, #tpu.memory_space<vmem>>) offsets(%dma_start3A_58 : memref<8xi32, #tpu.memory_space<vmem>>) semaphore(%dma_start3A_63 : memref<!tpu.dma_semaphore, #tpu.memory_space<semaphore_mem>>)
    %add3A_64 = arith.constant 16 : i32
    %add3A_65 = arith.addi %mul3A_2, %add3A_64 : i32
    %dma_start3A_66 = arith.constant 2 : i32
    %dma_start3A_67 = arith.constant 2 : i32
    %dma_start3A_68 = arith.constant 0 : i32
    %dma_start3A_69 = arith.constant 0 : i32
    %dma_start3A_70 = tpu.memref_slice %arg7[%dma_start3A_66, %dma_start3A_68, %dma_start3A_69] : memref<8x8x768xf32, #tpu.memory_space<vmem>> -> memref<1x8x768xf32, #tpu.memory_space<vmem>>
    %dma_start3A_71 = tpu.memref_squeeze %dma_start3A_70 : memref<1x8x768xf32, #tpu.memory_space<vmem>> -> memref<8x768xf32, #tpu.memory_space<vmem>>
    %dma_start3A_72 = arith.constant 0 : i32
    %dma_start3A_73 = tpu.memref_slice %arg2[%add3A_65, %dma_start3A_72] : memref<32768x768xf32, #tpu.memory_space<hbm>> -> memref<8x768xf32, #tpu.memory_space<hbm>>
    %dma_start3A_74 = tpu.memref_slice %arg9[%dma_start3A_67] : memref<8x!tpu.dma_semaphore, #tpu.memory_space<semaphore_mem>> -> memref<1x!tpu.dma_semaphore, #tpu.memory_space<semaphore_mem>>
    %dma_start3A_75 = tpu.memref_squeeze %dma_start3A_74 : memref<1x!tpu.dma_semaphore, #tpu.memory_space<semaphore_mem>> -> memref<!tpu.dma_semaphore, #tpu.memory_space<semaphore_mem>>
    %dma_start3A_76 = arith.constant 0 : i32
    %dma_start3A_77 = arith.constant 0 : i32
    %dma_start3A_78 = tpu.memref_slice %arg7[%dma_start3A_66, %dma_start3A_76, %dma_start3A_77] : memref<8x8x768xf32, #tpu.memory_space<vmem>> -> memref<1x8x768xf32, #tpu.memory_space<vmem>>
    %dma_start3A_79 = tpu.memref_squeeze %dma_start3A_78 : memref<1x8x768xf32, #tpu.memory_space<vmem>> -> memref<8x768xf32, #tpu.memory_space<vmem>>
    %dma_start3A_80 = arith.constant 0 : i32
    %dma_start3A_81 = tpu.memref_slice %arg2[%add3A_65, %dma_start3A_80] : memref<32768x768xf32, #tpu.memory_space<hbm>> -> memref<8x768xf32, #tpu.memory_space<hbm>>
    tpu.enqueue_dma source(%dma_start3A_81 : memref<8x768xf32, #tpu.memory_space<hbm>>) target(%dma_start3A_79 : memref<8x768xf32, #tpu.memory_space<vmem>>) target_semaphore(%dma_start3A_75 : memref<!tpu.dma_semaphore, #tpu.memory_space<semaphore_mem>>)
    %dma_start3A_82 = arith.constant 2 : i32
    %dma_start3A_83 = arith.constant 2 : i32
    %dma_start3A_84 = arith.constant 0 : i32
    %dma_start3A_85 = arith.constant 0 : i32
    %dma_start3A_86 = tpu.memref_slice %arg8[%dma_start3A_82, %dma_start3A_84, %dma_start3A_85] : memref<8x8x768xf32, #tpu.memory_space<vmem>> -> memref<1x8x768xf32, #tpu.memory_space<vmem>>
    %dma_start3A_87 = tpu.memref_squeeze %dma_start3A_86 : memref<1x8x768xf32, #tpu.memory_space<vmem>> -> memref<8x768xf32, #tpu.memory_space<vmem>>
    %dma_start3A_88 = arith.constant 16 : i32
    %dma_start3A_89 = tpu.memref_slice %arg6[%dma_start3A_88] : memref<1024xi32, #tpu.memory_space<vmem>> -> memref<8xi32, #tpu.memory_space<vmem>>
    %dma_start3A_90 = arith.constant 0 : i32
    %dma_start3A_91 = arith.constant 0 : i32
    %dma_start3A_92 = tpu.memref_slice %arg4[%dma_start3A_90, %dma_start3A_91] : memref<8192x768xf32, #tpu.memory_space<hbm>> -> memref<8192x768xf32, #tpu.memory_space<hbm>>
    %dma_start3A_93 = tpu.memref_slice %arg10[%dma_start3A_83] : memref<8x!tpu.dma_semaphore, #tpu.memory_space<semaphore_mem>> -> memref<1x!tpu.dma_semaphore, #tpu.memory_space<semaphore_mem>>
    %dma_start3A_94 = tpu.memref_squeeze %dma_start3A_93 : memref<1x!tpu.dma_semaphore, #tpu.memory_space<semaphore_mem>> -> memref<!tpu.dma_semaphore, #tpu.memory_space<semaphore_mem>>
    tpu.enqueue_indirect_dma source(%dma_start3A_92 : memref<8192x768xf32, #tpu.memory_space<hbm>>) target(%dma_start3A_87 : memref<8x768xf32, #tpu.memory_space<vmem>>) offsets(%dma_start3A_89 : memref<8xi32, #tpu.memory_space<vmem>>) semaphore(%dma_start3A_94 : memref<!tpu.dma_semaphore, #tpu.memory_space<semaphore_mem>>)
    %add3A_95 = arith.constant 24 : i32
    %add3A_96 = arith.addi %mul3A_2, %add3A_95 : i32
    %dma_start3A_97 = arith.constant 3 : i32
    %dma_start3A_98 = arith.constant 3 : i32
    %dma_start3A_99 = arith.constant 0 : i32
    %dma_start3A_100 = arith.constant 0 : i32
    %dma_start3A_101 = tpu.memref_slice %arg7[%dma_start3A_97, %dma_start3A_99, %dma_start3A_100] : memref<8x8x768xf32, #tpu.memory_space<vmem>> -> memref<1x8x768xf32, #tpu.memory_space<vmem>>
    %dma_start3A_102 = tpu.memref_squeeze %dma_start3A_101 : memref<1x8x768xf32, #tpu.memory_space<vmem>> -> memref<8x768xf32, #tpu.memory_space<vmem>>
    %dma_start3A_103 = arith.constant 0 : i32
    %dma_start3A_104 = tpu.memref_slice %arg2[%add3A_96, %dma_start3A_103] : memref<32768x768xf32, #tpu.memory_space<hbm>> -> memref<8x768xf32, #tpu.memory_space<hbm>>
    %dma_start3A_105 = tpu.memref_slice %arg9[%dma_start3A_98] : memref<8x!tpu.dma_semaphore, #tpu.memory_space<semaphore_mem>> -> memref<1x!tpu.dma_semaphore, #tpu.memory_space<semaphore_mem>>
    %dma_start3A_106 = tpu.memref_squeeze %dma_start3A_105 : memref<1x!tpu.dma_semaphore, #tpu.memory_space<semaphore_mem>> -> memref<!tpu.dma_semaphore, #tpu.memory_space<semaphore_mem>>
    %dma_start3A_107 = arith.constant 0 : i32
    %dma_start3A_108 = arith.constant 0 : i32
    %dma_start3A_109 = tpu.memref_slice %arg7[%dma_start3A_97, %dma_start3A_107, %dma_start3A_108] : memref<8x8x768xf32, #tpu.memory_space<vmem>> -> memref<1x8x768xf32, #tpu.memory_space<vmem>>
    %dma_start3A_110 = tpu.memref_squeeze %dma_start3A_109 : memref<1x8x768xf32, #tpu.memory_space<vmem>> -> memref<8x768xf32, #tpu.memory_space<vmem>>
    %dma_start3A_111 = arith.constant 0 : i32
    %dma_start3A_112 = tpu.memref_slice %arg2[%add3A_96, %dma_start3A_111] : memref<32768x768xf32, #tpu.memory_space<hbm>> -> memref<8x768xf32, #tpu.memory_space<hbm>>
    tpu.enqueue_dma source(%dma_start3A_112 : memref<8x768xf32, #tpu.memory_space<hbm>>) target(%dma_start3A_110 : memref<8x768xf32, #tpu.memory_space<vmem>>) target_semaphore(%dma_start3A_106 : memref<!tpu.dma_semaphore, #tpu.memory_space<semaphore_mem>>)
    %dma_start3A_113 = arith.constant 3 : i32
    %dma_start3A_114 = arith.constant 3 : i32
    %dma_start3A_115 = arith.constant 0 : i32
    %dma_start3A_116 = arith.constant 0 : i32
    %dma_start3A_117 = tpu.memref_slice %arg8[%dma_start3A_113, %dma_start3A_115, %dma_start3A_116] : memref<8x8x768xf32, #tpu.memory_space<vmem>> -> memref<1x8x768xf32, #tpu.memory_space<vmem>>
    %dma_start3A_118 = tpu.memref_squeeze %dma_start3A_117 : memref<1x8x768xf32, #tpu.memory_space<vmem>> -> memref<8x768xf32, #tpu.memory_space<vmem>>
    %dma_start3A_119 = arith.constant 24 : i32
    %dma_start3A_120 = tpu.memref_slice %arg6[%dma_start3A_119] : memref<1024xi32, #tpu.memory_space<vmem>> -> memref<8xi32, #tpu.memory_space<vmem>>
    %dma_start3A_121 = arith.constant 0 : i32
    %dma_start3A_122 = arith.constant 0 : i32
    %dma_start3A_123 = tpu.memref_slice %arg4[%dma_start3A_121, %dma_start3A_122] : memref<8192x768xf32, #tpu.memory_space<hbm>> -> memref<8192x768xf32, #tpu.memory_space<hbm>>
    %dma_start3A_124 = tpu.memref_slice %arg10[%dma_start3A_114] : memref<8x!tpu.dma_semaphore, #tpu.memory_space<semaphore_mem>> -> memref<1x!tpu.dma_semaphore, #tpu.memory_space<semaphore_mem>>
    %dma_start3A_125 = tpu.memref_squeeze %dma_start3A_124 : memref<1x!tpu.dma_semaphore, #tpu.memory_space<semaphore_mem>> -> memref<!tpu.dma_semaphore, #tpu.memory_space<semaphore_mem>>
    tpu.enqueue_indirect_dma source(%dma_start3A_123 : memref<8192x768xf32, #tpu.memory_space<hbm>>) target(%dma_start3A_118 : memref<8x768xf32, #tpu.memory_space<vmem>>) offsets(%dma_start3A_120 : memref<8xi32, #tpu.memory_space<vmem>>) semaphore(%dma_start3A_125 : memref<!tpu.dma_semaphore, #tpu.memory_space<semaphore_mem>>)
    %add3A_126 = arith.constant 32 : i32
    %add3A_127 = arith.addi %mul3A_2, %add3A_126 : i32
    %dma_start3A_128 = arith.constant 4 : i32
    %dma_start3A_129 = arith.constant 4 : i32
    %dma_start3A_130 = arith.constant 0 : i32
    %dma_start3A_131 = arith.constant 0 : i32
    %dma_start3A_132 = tpu.memref_slice %arg7[%dma_start3A_128, %dma_start3A_130, %dma_start3A_131] : memref<8x8x768xf32, #tpu.memory_space<vmem>> -> memref<1x8x768xf32, #tpu.memory_space<vmem>>
    %dma_start3A_133 = tpu.memref_squeeze %dma_start3A_132 : memref<1x8x768xf32, #tpu.memory_space<vmem>> -> memref<8x768xf32, #tpu.memory_space<vmem>>
    %dma_start3A_134 = arith.constant 0 : i32
    %dma_start3A_135 = tpu.memref_slice %arg2[%add3A_127, %dma_start3A_134] : memref<32768x768xf32, #tpu.memory_space<hbm>> -> memref<8x768xf32, #tpu.memory_space<hbm>>
    %dma_start3A_136 = tpu.memref_slice %arg9[%dma_start3A_129] : memref<8x!tpu.dma_semaphore, #tpu.memory_space<semaphore_mem>> -> memref<1x!tpu.dma_semaphore, #tpu.memory_space<semaphore_mem>>
    %dma_start3A_137 = tpu.memref_squeeze %dma_start3A_136 : memref<1x!tpu.dma_semaphore, #tpu.memory_space<semaphore_mem>> -> memref<!tpu.dma_semaphore, #tpu.memory_space<semaphore_mem>>
    %dma_start3A_138 = arith.constant 0 : i32
    %dma_start3A_139 = arith.constant 0 : i32
    %dma_start3A_140 = tpu.memref_slice %arg7[%dma_start3A_128, %dma_start3A_138, %dma_start3A_139] : memref<8x8x768xf32, #tpu.memory_space<vmem>> -> memref<1x8x768xf32, #tpu.memory_space<vmem>>
    %dma_start3A_141 = tpu.memref_squeeze %dma_start3A_140 : memref<1x8x768xf32, #tpu.memory_space<vmem>> -> memref<8x768xf32, #tpu.memory_space<vmem>>
    %dma_start3A_142 = arith.constant 0 : i32
    %dma_start3A_143 = tpu.memref_slice %arg2[%add3A_127, %dma_start3A_142] : memref<32768x768xf32, #tpu.memory_space<hbm>> -> memref<8x768xf32, #tpu.memory_space<hbm>>
    tpu.enqueue_dma source(%dma_start3A_143 : memref<8x768xf32, #tpu.memory_space<hbm>>) target(%dma_start3A_141 : memref<8x768xf32, #tpu.memory_space<vmem>>) target_semaphore(%dma_start3A_137 : memref<!tpu.dma_semaphore, #tpu.memory_space<semaphore_mem>>)
    %dma_start3A_144 = arith.constant 4 : i32
    %dma_start3A_145 = arith.constant 4 : i32
    %dma_start3A_146 = arith.constant 0 : i32
    %dma_start3A_147 = arith.constant 0 : i32
    %dma_start3A_148 = tpu.memref_slice %arg8[%dma_start3A_144, %dma_start3A_146, %dma_start3A_147] : memref<8x8x768xf32, #tpu.memory_space<vmem>> -> memref<1x8x768xf32, #tpu.memory_space<vmem>>
    %dma_start3A_149 = tpu.memref_squeeze %dma_start3A_148 : memref<1x8x768xf32, #tpu.memory_space<vmem>> -> memref<8x768xf32, #tpu.memory_space<vmem>>
    %dma_start3A_150 = arith.constant 32 : i32
    %dma_start3A_151 = tpu.memref_slice %arg6[%dma_start3A_150] : memref<1024xi32, #tpu.memory_space<vmem>> -> memref<8xi32, #tpu.memory_space<vmem>>
    %dma_start3A_152 = arith.constant 0 : i32
    %dma_start3A_153 = arith.constant 0 : i32
    %dma_start3A_154 = tpu.memref_slice %arg4[%dma_start3A_152, %dma_start3A_153] : memref<8192x768xf32, #tpu.memory_space<hbm>> -> memref<8192x768xf32, #tpu.memory_space<hbm>>
    %dma_start3A_155 = tpu.memref_slice %arg10[%dma_start3A_145] : memref<8x!tpu.dma_semaphore, #tpu.memory_space<semaphore_mem>> -> memref<1x!tpu.dma_semaphore, #tpu.memory_space<semaphore_mem>>
    %dma_start3A_156 = tpu.memref_squeeze %dma_start3A_155 : memref<1x!tpu.dma_semaphore, #tpu.memory_space<semaphore_mem>> -> memref<!tpu.dma_semaphore, #tpu.memory_space<semaphore_mem>>
    tpu.enqueue_indirect_dma source(%dma_start3A_154 : memref<8192x768xf32, #tpu.memory_space<hbm>>) target(%dma_start3A_149 : memref<8x768xf32, #tpu.memory_space<vmem>>) offsets(%dma_start3A_151 : memref<8xi32, #tpu.memory_space<vmem>>) semaphore(%dma_start3A_156 : memref<!tpu.dma_semaphore, #tpu.memory_space<semaphore_mem>>)
    %add3A_157 = arith.constant 40 : i32
    %add3A_158 = arith.addi %mul3A_2, %add3A_157 : i32
    %dma_start3A_159 = arith.constant 5 : i32
    %dma_start3A_160 = arith.constant 5 : i32
    %dma_start3A_161 = arith.constant 0 : i32
    %dma_start3A_162 = arith.constant 0 : i32
    %dma_start3A_163 = tpu.memref_slice %arg7[%dma_start3A_159, %dma_start3A_161, %dma_start3A_162] : memref<8x8x768xf32, #tpu.memory_space<vmem>> -> memref<1x8x768xf32, #tpu.memory_space<vmem>>
    %dma_start3A_164 = tpu.memref_squeeze %dma_start3A_163 : memref<1x8x768xf32, #tpu.memory_space<vmem>> -> memref<8x768xf32, #tpu.memory_space<vmem>>
    %dma_start3A_165 = arith.constant 0 : i32
    %dma_start3A_166 = tpu.memref_slice %arg2[%add3A_158, %dma_start3A_165] : memref<32768x768xf32, #tpu.memory_space<hbm>> -> memref<8x768xf32, #tpu.memory_space<hbm>>
    %dma_start3A_167 = tpu.memref_slice %arg9[%dma_start3A_160] : memref<8x!tpu.dma_semaphore, #tpu.memory_space<semaphore_mem>> -> memref<1x!tpu.dma_semaphore, #tpu.memory_space<semaphore_mem>>
    %dma_start3A_168 = tpu.memref_squeeze %dma_start3A_167 : memref<1x!tpu.dma_semaphore, #tpu.memory_space<semaphore_mem>> -> memref<!tpu.dma_semaphore, #tpu.memory_space<semaphore_mem>>
    %dma_start3A_169 = arith.constant 0 : i32
    %dma_start3A_170 = arith.constant 0 : i32
    %dma_start3A_171 = tpu.memref_slice %arg7[%dma_start3A_159, %dma_start3A_169, %dma_start3A_170] : memref<8x8x768xf32, #tpu.memory_space<vmem>> -> memref<1x8x768xf32, #tpu.memory_space<vmem>>
    %dma_start3A_172 = tpu.memref_squeeze %dma_start3A_171 : memref<1x8x768xf32, #tpu.memory_space<vmem>> -> memref<8x768xf32, #tpu.memory_space<vmem>>
    %dma_start3A_173 = arith.constant 0 : i32
    %dma_start3A_174 = tpu.memref_slice %arg2[%add3A_158, %dma_start3A_173] : memref<32768x768xf32, #tpu.memory_space<hbm>> -> memref<8x768xf32, #tpu.memory_space<hbm>>
    tpu.enqueue_dma source(%dma_start3A_174 : memref<8x768xf32, #tpu.memory_space<hbm>>) target(%dma_start3A_172 : memref<8x768xf32, #tpu.memory_space<vmem>>) target_semaphore(%dma_start3A_168 : memref<!tpu.dma_semaphore, #tpu.memory_space<semaphore_mem>>)
    %dma_start3A_175 = arith.constant 5 : i32
    %dma_start3A_176 = arith.constant 5 : i32
    %dma_start3A_177 = arith.constant 0 : i32
    %dma_start3A_178 = arith.constant 0 : i32
    %dma_start3A_179 = tpu.memref_slice %arg8[%dma_start3A_175, %dma_start3A_177, %dma_start3A_178] : memref<8x8x768xf32, #tpu.memory_space<vmem>> -> memref<1x8x768xf32, #tpu.memory_space<vmem>>
    %dma_start3A_180 = tpu.memref_squeeze %dma_start3A_179 : memref<1x8x768xf32, #tpu.memory_space<vmem>> -> memref<8x768xf32, #tpu.memory_space<vmem>>
    %dma_start3A_181 = arith.constant 40 : i32
    %dma_start3A_182 = tpu.memref_slice %arg6[%dma_start3A_181] : memref<1024xi32, #tpu.memory_space<vmem>> -> memref<8xi32, #tpu.memory_space<vmem>>
    %dma_start3A_183 = arith.constant 0 : i32
    %dma_start3A_184 = arith.constant 0 : i32
    %dma_start3A_185 = tpu.memref_slice %arg4[%dma_start3A_183, %dma_start3A_184] : memref<8192x768xf32, #tpu.memory_space<hbm>> -> memref<8192x768xf32, #tpu.memory_space<hbm>>
    %dma_start3A_186 = tpu.memref_slice %arg10[%dma_start3A_176] : memref<8x!tpu.dma_semaphore, #tpu.memory_space<semaphore_mem>> -> memref<1x!tpu.dma_semaphore, #tpu.memory_space<semaphore_mem>>
    %dma_start3A_187 = tpu.memref_squeeze %dma_start3A_186 : memref<1x!tpu.dma_semaphore, #tpu.memory_space<semaphore_mem>> -> memref<!tpu.dma_semaphore, #tpu.memory_space<semaphore_mem>>
    tpu.enqueue_indirect_dma source(%dma_start3A_185 : memref<8192x768xf32, #tpu.memory_space<hbm>>) target(%dma_start3A_180 : memref<8x768xf32, #tpu.memory_space<vmem>>) offsets(%dma_start3A_182 : memref<8xi32, #tpu.memory_space<vmem>>) semaphore(%dma_start3A_187 : memref<!tpu.dma_semaphore, #tpu.memory_space<semaphore_mem>>)
    %add3A_188 = arith.constant 48 : i32
    %add3A_189 = arith.addi %mul3A_2, %add3A_188 : i32
    %dma_start3A_190 = arith.constant 6 : i32
    %dma_start3A_191 = arith.constant 6 : i32
    %dma_start3A_192 = arith.constant 0 : i32
    %dma_start3A_193 = arith.constant 0 : i32
    %dma_start3A_194 = tpu.memref_slice %arg7[%dma_start3A_190, %dma_start3A_192, %dma_start3A_193] : memref<8x8x768xf32, #tpu.memory_space<vmem>> -> memref<1x8x768xf32, #tpu.memory_space<vmem>>
    %dma_start3A_195 = tpu.memref_squeeze %dma_start3A_194 : memref<1x8x768xf32, #tpu.memory_space<vmem>> -> memref<8x768xf32, #tpu.memory_space<vmem>>
    %dma_start3A_196 = arith.constant 0 : i32
    %dma_start3A_197 = tpu.memref_slice %arg2[%add3A_189, %dma_start3A_196] : memref<32768x768xf32, #tpu.memory_space<hbm>> -> memref<8x768xf32, #tpu.memory_space<hbm>>
    %dma_start3A_198 = tpu.memref_slice %arg9[%dma_start3A_191] : memref<8x!tpu.dma_semaphore, #tpu.memory_space<semaphore_mem>> -> memref<1x!tpu.dma_semaphore, #tpu.memory_space<semaphore_mem>>
    %dma_start3A_199 = tpu.memref_squeeze %dma_start3A_198 : memref<1x!tpu.dma_semaphore, #tpu.memory_space<semaphore_mem>> -> memref<!tpu.dma_semaphore, #tpu.memory_space<semaphore_mem>>
    %dma_start3A_200 = arith.constant 0 : i32
    %dma_start3A_201 = arith.constant 0 : i32
    %dma_start3A_202 = tpu.memref_slice %arg7[%dma_start3A_190, %dma_start3A_200, %dma_start3A_201] : memref<8x8x768xf32, #tpu.memory_space<vmem>> -> memref<1x8x768xf32, #tpu.memory_space<vmem>>
    %dma_start3A_203 = tpu.memref_squeeze %dma_start3A_202 : memref<1x8x768xf32, #tpu.memory_space<vmem>> -> memref<8x768xf32, #tpu.memory_space<vmem>>
    %dma_start3A_204 = arith.constant 0 : i32
    %dma_start3A_205 = tpu.memref_slice %arg2[%add3A_189, %dma_start3A_204] : memref<32768x768xf32, #tpu.memory_space<hbm>> -> memref<8x768xf32, #tpu.memory_space<hbm>>
    tpu.enqueue_dma source(%dma_start3A_205 : memref<8x768xf32, #tpu.memory_space<hbm>>) target(%dma_start3A_203 : memref<8x768xf32, #tpu.memory_space<vmem>>) target_semaphore(%dma_start3A_199 : memref<!tpu.dma_semaphore, #tpu.memory_space<semaphore_mem>>)
    %dma_start3A_206 = arith.constant 6 : i32
    %dma_start3A_207 = arith.constant 6 : i32
    %dma_start3A_208 = arith.constant 0 : i32
    %dma_start3A_209 = arith.constant 0 : i32
    %dma_start3A_210 = tpu.memref_slice %arg8[%dma_start3A_206, %dma_start3A_208, %dma_start3A_209] : memref<8x8x768xf32, #tpu.memory_space<vmem>> -> memref<1x8x768xf32, #tpu.memory_space<vmem>>
    %dma_start3A_211 = tpu.memref_squeeze %dma_start3A_210 : memref<1x8x768xf32, #tpu.memory_space<vmem>> -> memref<8x768xf32, #tpu.memory_space<vmem>>
    %dma_start3A_212 = arith.constant 48 : i32
    %dma_start3A_213 = tpu.memref_slice %arg6[%dma_start3A_212] : memref<1024xi32, #tpu.memory_space<vmem>> -> memref<8xi32, #tpu.memory_space<vmem>>
    %dma_start3A_214 = arith.constant 0 : i32
    %dma_start3A_215 = arith.constant 0 : i32
    %dma_start3A_216 = tpu.memref_slice %arg4[%dma_start3A_214, %dma_start3A_215] : memref<8192x768xf32, #tpu.memory_space<hbm>> -> memref<8192x768xf32, #tpu.memory_space<hbm>>
    %dma_start3A_217 = tpu.memref_slice %arg10[%dma_start3A_207] : memref<8x!tpu.dma_semaphore, #tpu.memory_space<semaphore_mem>> -> memref<1x!tpu.dma_semaphore, #tpu.memory_space<semaphore_mem>>
    %dma_start3A_218 = tpu.memref_squeeze %dma_start3A_217 : memref<1x!tpu.dma_semaphore, #tpu.memory_space<semaphore_mem>> -> memref<!tpu.dma_semaphore, #tpu.memory_space<semaphore_mem>>
    tpu.enqueue_indirect_dma source(%dma_start3A_216 : memref<8192x768xf32, #tpu.memory_space<hbm>>) target(%dma_start3A_211 : memref<8x768xf32, #tpu.memory_space<vmem>>) offsets(%dma_start3A_213 : memref<8xi32, #tpu.memory_space<vmem>>) semaphore(%dma_start3A_218 : memref<!tpu.dma_semaphore, #tpu.memory_space<semaphore_mem>>)
    %scan3A = arith.constant 0 : i32
    %scan3A_219 = arith.constant 16 : i32
    %scan3A_220 = arith.addi %scan3A, %scan3A_219 : i32
    %scan3A_221 = arith.constant 1 : i32
    scf.for %scan3A_366 = %scan3A to %scan3A_220 step %scan3A_221  : i32 {
      %mul3A_367 = arith.constant 1 : i32
      %mul3A_368 = arith.muli %scan3A_366, %mul3A_367 : i32
      %add3A_369 = arith.constant 0 : i32
      %add3A_370 = arith.addi %add3A_369, %mul3A_368 : i32
      %mul3A_371 = arith.constant 8 : i32
      %mul3A_372 = arith.muli %add3A_370, %mul3A_371 : i32
      %add3A_373 = arith.constant 0 : i32
      %add3A_374 = arith.addi %mul3A_372, %add3A_373 : i32
      %mul3A_375 = arith.constant 8 : i32
      %mul3A_376 = arith.muli %add3A_374, %mul3A_375 : i32
      %add3A_377 = arith.addi %mul3A_2, %mul3A_376 : i32
      %dma_wait3A_378 = arith.constant 0 : i32
      %dma_wait3A_379 = arith.constant 0 : i32
      %dma_wait3A_380 = arith.constant 0 : i32
      %dma_wait3A_381 = arith.constant 0 : i32
      %dma_wait3A_382 = tpu.memref_slice %arg7[%dma_wait3A_378, %dma_wait3A_380, %dma_wait3A_381] : memref<8x8x768xf32, #tpu.memory_space<vmem>> -> memref<1x8x768xf32, #tpu.memory_space<vmem>>
      %dma_wait3A_383 = tpu.memref_squeeze %dma_wait3A_382 : memref<1x8x768xf32, #tpu.memory_space<vmem>> -> memref<8x768xf32, #tpu.memory_space<vmem>>
      %dma_wait3A_384 = arith.constant 0 : i32
      %dma_wait3A_385 = tpu.memref_slice %arg2[%add3A_377, %dma_wait3A_384] : memref<32768x768xf32, #tpu.memory_space<hbm>> -> memref<8x768xf32, #tpu.memory_space<hbm>>
      %dma_wait3A_386 = tpu.memref_slice %arg9[%dma_wait3A_379] : memref<8x!tpu.dma_semaphore, #tpu.memory_space<semaphore_mem>> -> memref<1x!tpu.dma_semaphore, #tpu.memory_space<semaphore_mem>>
      %dma_wait3A_387 = tpu.memref_squeeze %dma_wait3A_386 : memref<1x!tpu.dma_semaphore, #tpu.memory_space<semaphore_mem>> -> memref<!tpu.dma_semaphore, #tpu.memory_space<semaphore_mem>>
      %dma_wait3A_388 = arith.constant 0 : i32
      %dma_wait3A_389 = arith.constant 0 : i32
      %dma_wait3A_390 = tpu.memref_slice %arg7[%dma_wait3A_378, %dma_wait3A_388, %dma_wait3A_389] : memref<8x8x768xf32, #tpu.memory_space<vmem>> -> memref<1x8x768xf32, #tpu.memory_space<vmem>>
      %dma_wait3A_391 = tpu.memref_squeeze %dma_wait3A_390 : memref<1x8x768xf32, #tpu.memory_space<vmem>> -> memref<8x768xf32, #tpu.memory_space<vmem>>
      %dma_wait3A_392 = arith.constant 0 : i32
      %dma_wait3A_393 = tpu.memref_slice %arg2[%add3A_377, %dma_wait3A_392] : memref<32768x768xf32, #tpu.memory_space<hbm>> -> memref<8x768xf32, #tpu.memory_space<hbm>>
      tpu.wait_dma2 semaphore(%dma_wait3A_387 : memref<!tpu.dma_semaphore, #tpu.memory_space<semaphore_mem>>) src(%dma_wait3A_393 : memref<8x768xf32, #tpu.memory_space<hbm>>) dst(%dma_wait3A_391 : memref<8x768xf32, #tpu.memory_space<vmem>>)
      %mul3A_394 = arith.constant 8 : i32
      %mul3A_395 = arith.muli %add3A_374, %mul3A_394 : i32
      %dma_wait3A_396 = arith.constant 0 : i32
      %dma_wait3A_397 = arith.constant 0 : i32
      %dma_wait3A_398 = arith.constant 0 : i32
      %dma_wait3A_399 = arith.constant 0 : i32
      %dma_wait3A_400 = tpu.memref_slice %arg8[%dma_wait3A_396, %dma_wait3A_398, %dma_wait3A_399] : memref<8x8x768xf32, #tpu.memory_space<vmem>> -> memref<1x8x768xf32, #tpu.memory_space<vmem>>
      %dma_wait3A_401 = tpu.memref_squeeze %dma_wait3A_400 : memref<1x8x768xf32, #tpu.memory_space<vmem>> -> memref<8x768xf32, #tpu.memory_space<vmem>>
      %dma_wait3A_402 = tpu.memref_slice %arg6[%mul3A_395] : memref<1024xi32, #tpu.memory_space<vmem>> -> memref<8xi32, #tpu.memory_space<vmem>>
      %dma_wait3A_403 = arith.constant 0 : i32
      %dma_wait3A_404 = arith.constant 0 : i32
      %dma_wait3A_405 = tpu.memref_slice %arg4[%dma_wait3A_403, %dma_wait3A_404] : memref<8192x768xf32, #tpu.memory_space<hbm>> -> memref<8192x768xf32, #tpu.memory_space<hbm>>
      %dma_wait3A_406 = tpu.memref_slice %arg10[%dma_wait3A_397] : memref<8x!tpu.dma_semaphore, #tpu.memory_space<semaphore_mem>> -> memref<1x!tpu.dma_semaphore, #tpu.memory_space<semaphore_mem>>
      %dma_wait3A_407 = tpu.memref_squeeze %dma_wait3A_406 : memref<1x!tpu.dma_semaphore, #tpu.memory_space<semaphore_mem>> -> memref<!tpu.dma_semaphore, #tpu.memory_space<semaphore_mem>>
      tpu.wait_indirect_dma semaphore(%dma_wait3A_407 : memref<!tpu.dma_semaphore, #tpu.memory_space<semaphore_mem>>) src(%dma_wait3A_405 : memref<8192x768xf32, #tpu.memory_space<hbm>>) dst(%dma_wait3A_401 : memref<8x768xf32, #tpu.memory_space<vmem>>)
      %scan3A_408 = arith.constant 0 : i32
      %scan3A_409 = arith.constant 8 : i32
      %scan3A_410 = arith.addi %scan3A_408, %scan3A_409 : i32
      %scan3A_411 = arith.constant 1 : i32
      scf.for %scan3A_930 = %scan3A_408 to %scan3A_410 step %scan3A_411  : i32 {
        %mul3A_931 = arith.constant 1 : i32
        %mul3A_932 = arith.muli %scan3A_930, %mul3A_931 : i32
        %add3A_933 = arith.constant 0 : i32
        %add3A_934 = arith.addi %add3A_933, %mul3A_932 : i32
        %scan3A_935 = arith.constant 0 : i32
        %scan3A_936 = arith.constant 48 : i32
        %scan3A_937 = arith.addi %scan3A_935, %scan3A_936 : i32
        %scan3A_938 = arith.constant 16 : i32
        scf.for %scan3A_940 = %scan3A_935 to %scan3A_937 step %scan3A_938  : i32 {
          %mul3A_941 = arith.constant 1 : i32
          %mul3A_942 = arith.muli %scan3A_940, %mul3A_941 : i32
          %add3A_943 = arith.constant 0 : i32
          %add3A_944 = arith.addi %add3A_943, %mul3A_942 : i32
          %mul3A_945 = arith.constant 16 : i32
          %mul3A_946 = arith.muli %add3A_944, %mul3A_945 : i32
          %get3A = arith.constant 0 : i32
          %get3A_947 = arith.index_cast %get3A : i32 to index
          %get3A_948 = arith.index_cast %add3A_934 : i32 to index
          %get3A_949 = arith.index_cast %mul3A_946 : i32 to index
          %get3A_950 = tpu.vector_load %arg7[%get3A_947, %get3A_948, %get3A_949] {strides = array<i32>} : memref<8x8x768xf32, #tpu.memory_space<vmem>>, vector<1x1x16xf32>,
          %get3A_951 = vector.shape_cast %get3A_950 : vector<1x1x16xf32> to vector<16xf32>
          %swap3A = arith.constant 0 : i32
          %swap3A_952 = arith.index_cast %swap3A : i32 to index
          %swap3A_953 = arith.index_cast %add3A_934 : i32 to index
          %swap3A_954 = arith.index_cast %mul3A_946 : i32 to index
          %swap3A_955 = tpu.vector_load %arg8[%swap3A_952, %swap3A_953, %swap3A_954] {strides = array<i32>} : memref<8x8x768xf32, #tpu.memory_space<vmem>>, vector<1x1x16xf32>,
          %swap3A_956 = vector.shape_cast %swap3A_955 : vector<1x1x16xf32> to vector<16xf32>
          %swap3A_957 = vector.shape_cast %get3A_951 : vector<16xf32> to vector<1x1x16xf32>
          tpu.vector_store %arg8[%swap3A_952, %swap3A_953, %swap3A_954], %swap3A_957 {add = true, strides = array<i32>} : memref<8x8x768xf32, #tpu.memory_space<vmem>>, vector<1x1x16xf32>,
          %scan3A_958 = arith.constant 1 : i32
          %scan3A_959 = arith.addi %scan3A_940, %scan3A_958 : i32
          %mul3A_960 = arith.constant 1 : i32
          %mul3A_961 = arith.muli %scan3A_959, %mul3A_960 : i32
          %add3A_962 = arith.constant 0 : i32
          %add3A_963 = arith.addi %add3A_962, %mul3A_961 : i32
          %mul3A_964 = arith.constant 16 : i32
          %mul3A_965 = arith.muli %add3A_963, %mul3A_964 : i32
          %get3A_966 = arith.constant 0 : i32
          %get3A_967 = arith.index_cast %get3A_966 : i32 to index
          %get3A_968 = arith.index_cast %add3A_934 : i32 to index
          %get3A_969 = arith.index_cast %mul3A_965 : i32 to index
          %get3A_970 = tpu.vector_load %arg7[%get3A_967, %get3A_968, %get3A_969] {strides = array<i32>} : memref<8x8x768xf32, #tpu.memory_space<vmem>>, vector<1x1x16xf32>,
          %get3A_971 = vector.shape_cast %get3A_970 : vector<1x1x16xf32> to vector<16xf32>
          %swap3A_972 = arith.constant 0 : i32
          %swap3A_973 = arith.index_cast %swap3A_972 : i32 to index
          %swap3A_974 = arith.index_cast %add3A_934 : i32 to index
          %swap3A_975 = arith.index_cast %mul3A_965 : i32 to index
          %swap3A_976 = tpu.vector_load %arg8[%swap3A_973, %swap3A_974, %swap3A_975] {strides = array<i32>} : memref<8x8x768xf32, #tpu.memory_space<vmem>>, vector<1x1x16xf32>,
          %swap3A_977 = vector.shape_cast %swap3A_976 : vector<1x1x16xf32> to vector<16xf32>
          %swap3A_978 = vector.shape_cast %get3A_971 : vector<16xf32> to vector<1x1x16xf32>
          tpu.vector_store %arg8[%swap3A_973, %swap3A_974, %swap3A_975], %swap3A_978 {add = true, strides = array<i32>} : memref<8x8x768xf32, #tpu.memory_space<vmem>>, vector<1x1x16xf32>,
          %scan3A_979 = arith.constant 2 : i32
          %scan3A_980 = arith.addi %scan3A_940, %scan3A_979 : i32
          %mul3A_981 = arith.constant 1 : i32
          %mul3A_982 = arith.muli %scan3A_980, %mul3A_981 : i32
          %add3A_983 = arith.constant 0 : i32
          %add3A_984 = arith.addi %add3A_983, %mul3A_982 : i32
          %mul3A_985 = arith.constant 16 : i32
          %mul3A_986 = arith.muli %add3A_984, %mul3A_985 : i32
          %get3A_987 = arith.constant 0 : i32
          %get3A_988 = arith.index_cast %get3A_987 : i32 to index
          %get3A_989 = arith.index_cast %add3A_934 : i32 to index
          %get3A_990 = arith.index_cast %mul3A_986 : i32 to index
          %get3A_991 = tpu.vector_load %arg7[%get3A_988, %get3A_989, %get3A_990] {strides = array<i32>} : memref<8x8x768xf32, #tpu.memory_space<vmem>>, vector<1x1x16xf32>,
          %get3A_992 = vector.shape_cast %get3A_991 : vector<1x1x16xf32> to vector<16xf32>
          %swap3A_993 = arith.constant 0 : i32
          %swap3A_994 = arith.index_cast %swap3A_993 : i32 to index
          %swap3A_995 = arith.index_cast %add3A_934 : i32 to index
          %swap3A_996 = arith.index_cast %mul3A_986 : i32 to index
          %swap3A_997 = tpu.vector_load %arg8[%swap3A_994, %swap3A_995, %swap3A_996] {strides = array<i32>} : memref<8x8x768xf32, #tpu.memory_space<vmem>>, vector<1x1x16xf32>,
          %swap3A_998 = vector.shape_cast %swap3A_997 : vector<1x1x16xf32> to vector<16xf32>
          %swap3A_999 = vector.shape_cast %get3A_992 : vector<16xf32> to vector<1x1x16xf32>
          tpu.vector_store %arg8[%swap3A_994, %swap3A_995, %swap3A_996], %swap3A_999 {add = true, strides = array<i32>} : memref<8x8x768xf32, #tpu.memory_space<vmem>>, vector<1x1x16xf32>,
          %scan3A_1000 = arith.constant 3 : i32
          %scan3A_1001 = arith.addi %scan3A_940, %scan3A_1000 : i32
          %mul3A_1002 = arith.constant 1 : i32
          %mul3A_1003 = arith.muli %scan3A_1001, %mul3A_1002 : i32
          %add3A_1004 = arith.constant 0 : i32
          %add3A_1005 = arith.addi %add3A_1004, %mul3A_1003 : i32
          %mul3A_1006 = arith.constant 16 : i32
          %mul3A_1007 = arith.muli %add3A_1005, %mul3A_1006 : i32
          %get3A_1008 = arith.constant 0 : i32
          %get3A_1009 = arith.index_cast %get3A_1008 : i32 to index
          %get3A_1010 = arith.index_cast %add3A_934 : i32 to index
          %get3A_1011 = arith.index_cast %mul3A_1007 : i32 to index
          %get3A_1012 = tpu.vector_load %arg7[%get3A_1009, %get3A_1010, %get3A_1011] {strides = array<i32>} : memref<8x8x768xf32, #tpu.memory_space<vmem>>, vector<1x1x16xf32>,
          %get3A_1013 = vector.shape_cast %get3A_1012 : vector<1x1x16xf32> to vector<16xf32>
          %swap3A_1014 = arith.constant 0 : i32
          %swap3A_1015 = arith.index_cast %swap3A_1014 : i32 to index
          %swap3A_1016 = arith.index_cast %add3A_934 : i32 to index
          %swap3A_1017 = arith.index_cast %mul3A_1007 : i32 to index
          %swap3A_1018 = tpu.vector_load %arg8[%swap3A_1015, %swap3A_1016, %swap3A_1017] {strides = array<i32>} : memref<8x8x768xf32, #tpu.memory_space<vmem>>, vector<1x1x16xf32>,
          %swap3A_1019 = vector.shape_cast %swap3A_1018 : vector<1x1x16xf32> to vector<16xf32>
          %swap3A_1020 = vector.shape_cast %get3A_1013 : vector<16xf32> to vector<1x1x16xf32>
          tpu.vector_store %arg8[%swap3A_1015, %swap3A_1016, %swap3A_1017], %swap3A_1020 {add = true, strides = array<i32>} : memref<8x8x768xf32, #tpu.memory_space<vmem>>, vector<1x1x16xf32>,
          %scan3A_1021 = arith.constant 4 : i32
          %scan3A_1022 = arith.addi %scan3A_940, %scan3A_1021 : i32
          %mul3A_1023 = arith.constant 1 : i32
          %mul3A_1024 = arith.muli %scan3A_1022, %mul3A_1023 : i32
          %add3A_1025 = arith.constant 0 : i32
          %add3A_1026 = arith.addi %add3A_1025, %mul3A_1024 : i32
          %mul3A_1027 = arith.constant 16 : i32
          %mul3A_1028 = arith.muli %add3A_1026, %mul3A_1027 : i32
          %get3A_1029 = arith.constant 0 : i32
          %get3A_1030 = arith.index_cast %get3A_1029 : i32 to index
          %get3A_1031 = arith.index_cast %add3A_934 : i32 to index
          %get3A_1032 = arith.index_cast %mul3A_1028 : i32 to index
          %get3A_1033 = tpu.vector_load %arg7[%get3A_1030, %get3A_1031, %get3A_1032] {strides = array<i32>} : memref<8x8x768xf32, #tpu.memory_space<vmem>>, vector<1x1x16xf32>,
          %get3A_1034 = vector.shape_cast %get3A_1033 : vector<1x1x16xf32> to vector<16xf32>
          %swap3A_1035 = arith.constant 0 : i32
          %swap3A_1036 = arith.index_cast %swap3A_1035 : i32 to index
          %swap3A_1037 = arith.index_cast %add3A_934 : i32 to index
          %swap3A_1038 = arith.index_cast %mul3A_1028 : i32 to index
          %swap3A_1039 = tpu.vector_load %arg8[%swap3A_1036, %swap3A_1037, %swap3A_1038] {strides = array<i32>} : memref<8x8x768xf32, #tpu.memory_space<vmem>>, vector<1x1x16xf32>,
          %swap3A_1040 = vector.shape_cast %swap3A_1039 : vector<1x1x16xf32> to vector<16xf32>
          %swap3A_1041 = vector.shape_cast %get3A_1034 : vector<16xf32> to vector<1x1x16xf32>
          tpu.vector_store %arg8[%swap3A_1036, %swap3A_1037, %swap3A_1038], %swap3A_1041 {add = true, strides = array<i32>} : memref<8x8x768xf32, #tpu.memory_space<vmem>>, vector<1x1x16xf32>,
          %scan3A_1042 = arith.constant 5 : i32
          %scan3A_1043 = arith.addi %scan3A_940, %scan3A_1042 : i32
          %mul3A_1044 = arith.constant 1 : i32
          %mul3A_1045 = arith.muli %scan3A_1043, %mul3A_1044 : i32
          %add3A_1046 = arith.constant 0 : i32
          %add3A_1047 = arith.addi %add3A_1046, %mul3A_1045 : i32
          %mul3A_1048 = arith.constant 16 : i32
          %mul3A_1049 = arith.muli %add3A_1047, %mul3A_1048 : i32
          %get3A_1050 = arith.constant 0 : i32
          %get3A_1051 = arith.index_cast %get3A_1050 : i32 to index
          %get3A_1052 = arith.index_cast %add3A_934 : i32 to index
          %get3A_1053 = arith.index_cast %mul3A_1049 : i32 to index
          %get3A_1054 = tpu.vector_load %arg7[%get3A_1051, %get3A_1052, %get3A_1053] {strides = array<i32>} : memref<8x8x768xf32, #tpu.memory_space<vmem>>, vector<1x1x16xf32>,
          %get3A_1055 = vector.shape_cast %get3A_1054 : vector<1x1x16xf32> to vector<16xf32>
          %swap3A_1056 = arith.constant 0 : i32
          %swap3A_1057 = arith.index_cast %swap3A_1056 : i32 to index
          %swap3A_1058 = arith.index_cast %add3A_934 : i32 to index
          %swap3A_1059 = arith.index_cast %mul3A_1049 : i32 to index
          %swap3A_1060 = tpu.vector_load %arg8[%swap3A_1057, %swap3A_1058, %swap3A_1059] {strides = array<i32>} : memref<8x8x768xf32, #tpu.memory_space<vmem>>, vector<1x1x16xf32>,
          %swap3A_1061 = vector.shape_cast %swap3A_1060 : vector<1x1x16xf32> to vector<16xf32>
          %swap3A_1062 = vector.shape_cast %get3A_1055 : vector<16xf32> to vector<1x1x16xf32>
          tpu.vector_store %arg8[%swap3A_1057, %swap3A_1058, %swap3A_1059], %swap3A_1062 {add = true, strides = array<i32>} : memref<8x8x768xf32, #tpu.memory_space<vmem>>, vector<1x1x16xf32>,
          %scan3A_1063 = arith.constant 6 : i32
          %scan3A_1064 = arith.addi %scan3A_940, %scan3A_1063 : i32
          %mul3A_1065 = arith.constant 1 : i32
          %mul3A_1066 = arith.muli %scan3A_1064, %mul3A_1065 : i32
          %add3A_1067 = arith.constant 0 : i32
          %add3A_1068 = arith.addi %add3A_1067, %mul3A_1066 : i32
          %mul3A_1069 = arith.constant 16 : i32
          %mul3A_1070 = arith.muli %add3A_1068, %mul3A_1069 : i32
          %get3A_1071 = arith.constant 0 : i32
          %get3A_1072 = arith.index_cast %get3A_1071 : i32 to index
          %get3A_1073 = arith.index_cast %add3A_934 : i32 to index
          %get3A_1074 = arith.index_cast %mul3A_1070 : i32 to index
          %get3A_1075 = tpu.vector_load %arg7[%get3A_1072, %get3A_1073, %get3A_1074] {strides = array<i32>} : memref<8x8x768xf32, #tpu.memory_space<vmem>>, vector<1x1x16xf32>,
          %get3A_1076 = vector.shape_cast %get3A_1075 : vector<1x1x16xf32> to vector<16xf32>
          %swap3A_1077 = arith.constant 0 : i32
          %swap3A_1078 = arith.index_cast %swap3A_1077 : i32 to index
          %swap3A_1079 = arith.index_cast %add3A_934 : i32 to index
          %swap3A_1080 = arith.index_cast %mul3A_1070 : i32 to index
          %swap3A_1081 = tpu.vector_load %arg8[%swap3A_1078, %swap3A_1079, %swap3A_1080] {strides = array<i32>} : memref<8x8x768xf32, #tpu.memory_space<vmem>>, vector<1x1x16xf32>,
          %swap3A_1082 = vector.shape_cast %swap3A_1081 : vector<1x1x16xf32> to vector<16xf32>
          %swap3A_1083 = vector.shape_cast %get3A_1076 : vector<16xf32> to vector<1x1x16xf32>
          tpu.vector_store %arg8[%swap3A_1078, %swap3A_1079, %swap3A_1080], %swap3A_1083 {add = true, strides = array<i32>} : memref<8x8x768xf32, #tpu.memory_space<vmem>>, vector<1x1x16xf32>,
          %scan3A_1084 = arith.constant 7 : i32
          %scan3A_1085 = arith.addi %scan3A_940, %scan3A_1084 : i32
          %mul3A_1086 = arith.constant 1 : i32
          %mul3A_1087 = arith.muli %scan3A_1085, %mul3A_1086 : i32
          %add3A_1088 = arith.constant 0 : i32
          %add3A_1089 = arith.addi %add3A_1088, %mul3A_1087 : i32
          %mul3A_1090 = arith.constant 16 : i32
          %mul3A_1091 = arith.muli %add3A_1089, %mul3A_1090 : i32
          %get3A_1092 = arith.constant 0 : i32
          %get3A_1093 = arith.index_cast %get3A_1092 : i32 to index
          %get3A_1094 = arith.index_cast %add3A_934 : i32 to index
          %get3A_1095 = arith.index_cast %mul3A_1091 : i32 to index
          %get3A_1096 = tpu.vector_load %arg7[%get3A_1093, %get3A_1094, %get3A_1095] {strides = array<i32>} : memref<8x8x768xf32, #tpu.memory_space<vmem>>, vector<1x1x16xf32>,
          %get3A_1097 = vector.shape_cast %get3A_1096 : vector<1x1x16xf32> to vector<16xf32>
          %swap3A_1098 = arith.constant 0 : i32
          %swap3A_1099 = arith.index_cast %swap3A_1098 : i32 to index
          %swap3A_1100 = arith.index_cast %add3A_934 : i32 to index
          %swap3A_1101 = arith.index_cast %mul3A_1091 : i32 to index
          %swap3A_1102 = tpu.vector_load %arg8[%swap3A_1099, %swap3A_1100, %swap3A_1101] {strides = array<i32>} : memref<8x8x768xf32, #tpu.memory_space<vmem>>, vector<1x1x16xf32>,
          %swap3A_1103 = vector.shape_cast %swap3A_1102 : vector<1x1x16xf32> to vector<16xf32>
          %swap3A_1104 = vector.shape_cast %get3A_1097 : vector<16xf32> to vector<1x1x16xf32>
          tpu.vector_store %arg8[%swap3A_1099, %swap3A_1100, %swap3A_1101], %swap3A_1104 {add = true, strides = array<i32>} : memref<8x8x768xf32, #tpu.memory_space<vmem>>, vector<1x1x16xf32>,
          %scan3A_1105 = arith.constant 8 : i32
          %scan3A_1106 = arith.addi %scan3A_940, %scan3A_1105 : i32
          %mul3A_1107 = arith.constant 1 : i32
          %mul3A_1108 = arith.muli %scan3A_1106, %mul3A_1107 : i32
          %add3A_1109 = arith.constant 0 : i32
          %add3A_1110 = arith.addi %add3A_1109, %mul3A_1108 : i32
          %mul3A_1111 = arith.constant 16 : i32
          %mul3A_1112 = arith.muli %add3A_1110, %mul3A_1111 : i32
          %get3A_1113 = arith.constant 0 : i32
          %get3A_1114 = arith.index_cast %get3A_1113 : i32 to index
          %get3A_1115 = arith.index_cast %add3A_934 : i32 to index
          %get3A_1116 = arith.index_cast %mul3A_1112 : i32 to index
          %get3A_1117 = tpu.vector_load %arg7[%get3A_1114, %get3A_1115, %get3A_1116] {strides = array<i32>} : memref<8x8x768xf32, #tpu.memory_space<vmem>>, vector<1x1x16xf32>,
          %get3A_1118 = vector.shape_cast %get3A_1117 : vector<1x1x16xf32> to vector<16xf32>
          %swap3A_1119 = arith.constant 0 : i32
          %swap3A_1120 = arith.index_cast %swap3A_1119 : i32 to index
          %swap3A_1121 = arith.index_cast %add3A_934 : i32 to index
          %swap3A_1122 = arith.index_cast %mul3A_1112 : i32 to index
          %swap3A_1123 = tpu.vector_load %arg8[%swap3A_1120, %swap3A_1121, %swap3A_1122] {strides = array<i32>} : memref<8x8x768xf32, #tpu.memory_space<vmem>>, vector<1x1x16xf32>,
          %swap3A_1124 = vector.shape_cast %swap3A_1123 : vector<1x1x16xf32> to vector<16xf32>
          %swap3A_1125 = vector.shape_cast %get3A_1118 : vector<16xf32> to vector<1x1x16xf32>
          tpu.vector_store %arg8[%swap3A_1120, %swap3A_1121, %swap3A_1122], %swap3A_1125 {add = true, strides = array<i32>} : memref<8x8x768xf32, #tpu.memory_space<vmem>>, vector<1x1x16xf32>,
          %scan3A_1126 = arith.constant 9 : i32
          %scan3A_1127 = arith.addi %scan3A_940, %scan3A_1126 : i32
          %mul3A_1128 = arith.constant 1 : i32
          %mul3A_1129 = arith.muli %scan3A_1127, %mul3A_1128 : i32
          %add3A_1130 = arith.constant 0 : i32
          %add3A_1131 = arith.addi %add3A_1130, %mul3A_1129 : i32
          %mul3A_1132 = arith.constant 16 : i32
          %mul3A_1133 = arith.muli %add3A_1131, %mul3A_1132 : i32
          %get3A_1134 = arith.constant 0 : i32
          %get3A_1135 = arith.index_cast %get3A_1134 : i32 to index
          %get3A_1136 = arith.index_cast %add3A_934 : i32 to index
          %get3A_1137 = arith.index_cast %mul3A_1133 : i32 to index
          %get3A_1138 = tpu.vector_load %arg7[%get3A_1135, %get3A_1136, %get3A_1137] {strides = array<i32>} : memref<8x8x768xf32, #tpu.memory_space<vmem>>, vector<1x1x16xf32>,
          %get3A_1139 = vector.shape_cast %get3A_1138 : vector<1x1x16xf32> to vector<16xf32>
          %swap3A_1140 = arith.constant 0 : i32
          %swap3A_1141 = arith.index_cast %swap3A_1140 : i32 to index
          %swap3A_1142 = arith.index_cast %add3A_934 : i32 to index
          %swap3A_1143 = arith.index_cast %mul3A_1133 : i32 to index
          %swap3A_1144 = tpu.vector_load %arg8[%swap3A_1141, %swap3A_1142, %swap3A_1143] {strides = array<i32>} : memref<8x8x768xf32, #tpu.memory_space<vmem>>, vector<1x1x16xf32>,
          %swap3A_1145 = vector.shape_cast %swap3A_1144 : vector<1x1x16xf32> to vector<16xf32>
          %swap3A_1146 = vector.shape_cast %get3A_1139 : vector<16xf32> to vector<1x1x16xf32>
          tpu.vector_store %arg8[%swap3A_1141, %swap3A_1142, %swap3A_1143], %swap3A_1146 {add = true, strides = array<i32>} : memref<8x8x768xf32, #tpu.memory_space<vmem>>, vector<1x1x16xf32>,
          %scan3A_1147 = arith.constant 10 : i32
          %scan3A_1148 = arith.addi %scan3A_940, %scan3A_1147 : i32
          %mul3A_1149 = arith.constant 1 : i32
          %mul3A_1150 = arith.muli %scan3A_1148, %mul3A_1149 : i32
          %add3A_1151 = arith.constant 0 : i32
          %add3A_1152 = arith.addi %add3A_1151, %mul3A_1150 : i32
          %mul3A_1153 = arith.constant 16 : i32
          %mul3A_1154 = arith.muli %add3A_1152, %mul3A_1153 : i32
          %get3A_1155 = arith.constant 0 : i32
          %get3A_1156 = arith.index_cast %get3A_1155 : i32 to index
          %get3A_1157 = arith.index_cast %add3A_934 : i32 to index
          %get3A_1158 = arith.index_cast %mul3A_1154 : i32 to index
          %get3A_1159 = tpu.vector_load %arg7[%get3A_1156, %get3A_1157, %get3A_1158] {strides = array<i32>} : memref<8x8x768xf32, #tpu.memory_space<vmem>>, vector<1x1x16xf32>,
          %get3A_1160 = vector.shape_cast %get3A_1159 : vector<1x1x16xf32> to vector<16xf32>
          %swap3A_1161 = arith.constant 0 : i32
          %swap3A_1162 = arith.index_cast %swap3A_1161 : i32 to index
          %swap3A_1163 = arith.index_cast %add3A_934 : i32 to index
          %swap3A_1164 = arith.index_cast %mul3A_1154 : i32 to index
          %swap3A_1165 = tpu.vector_load %arg8[%swap3A_1162, %swap3A_1163, %swap3A_1164] {strides = array<i32>} : memref<8x8x768xf32, #tpu.memory_space<vmem>>, vector<1x1x16xf32>,
          %swap3A_1166 = vector.shape_cast %swap3A_1165 : vector<1x1x16xf32> to vector<16xf32>
          %swap3A_1167 = vector.shape_cast %get3A_1160 : vector<16xf32> to vector<1x1x16xf32>
          tpu.vector_store %arg8[%swap3A_1162, %swap3A_1163, %swap3A_1164], %swap3A_1167 {add = true, strides = array<i32>} : memref<8x8x768xf32, #tpu.memory_space<vmem>>, vector<1x1x16xf32>,
          %scan3A_1168 = arith.constant 11 : i32
          %scan3A_1169 = arith.addi %scan3A_940, %scan3A_1168 : i32
          %mul3A_1170 = arith.constant 1 : i32
          %mul3A_1171 = arith.muli %scan3A_1169, %mul3A_1170 : i32
          %add3A_1172 = arith.constant 0 : i32
          %add3A_1173 = arith.addi %add3A_1172, %mul3A_1171 : i32
          %mul3A_1174 = arith.constant 16 : i32
          %mul3A_1175 = arith.muli %add3A_1173, %mul3A_1174 : i32
          %get3A_1176 = arith.constant 0 : i32
          %get3A_1177 = arith.index_cast %get3A_1176 : i32 to index
          %get3A_1178 = arith.index_cast %add3A_934 : i32 to index
          %get3A_1179 = arith.index_cast %mul3A_1175 : i32 to index
          %get3A_1180 = tpu.vector_load %arg7[%get3A_1177, %get3A_1178, %get3A_1179] {strides = array<i32>} : memref<8x8x768xf32, #tpu.memory_space<vmem>>, vector<1x1x16xf32>,
          %get3A_1181 = vector.shape_cast %get3A_1180 : vector<1x1x16xf32> to vector<16xf32>
          %swap3A_1182 = arith.constant 0 : i32
          %swap3A_1183 = arith.index_cast %swap3A_1182 : i32 to index
          %swap3A_1184 = arith.index_cast %add3A_934 : i32 to index
          %swap3A_1185 = arith.index_cast %mul3A_1175 : i32 to index
          %swap3A_1186 = tpu.vector_load %arg8[%swap3A_1183, %swap3A_1184, %swap3A_1185] {strides = array<i32>} : memref<8x8x768xf32, #tpu.memory_space<vmem>>, vector<1x1x16xf32>,
          %swap3A_1187 = vector.shape_cast %swap3A_1186 : vector<1x1x16xf32> to vector<16xf32>
          %swap3A_1188 = vector.shape_cast %get3A_1181 : vector<16xf32> to vector<1x1x16xf32>
          tpu.vector_store %arg8[%swap3A_1183, %swap3A_1184, %swap3A_1185], %swap3A_1188 {add = true, strides = array<i32>} : memref<8x8x768xf32, #tpu.memory_space<vmem>>, vector<1x1x16xf32>,
          %scan3A_1189 = arith.constant 12 : i32
          %scan3A_1190 = arith.addi %scan3A_940, %scan3A_1189 : i32
          %mul3A_1191 = arith.constant 1 : i32
          %mul3A_1192 = arith.muli %scan3A_1190, %mul3A_1191 : i32
          %add3A_1193 = arith.constant 0 : i32
          %add3A_1194 = arith.addi %add3A_1193, %mul3A_1192 : i32
          %mul3A_1195 = arith.constant 16 : i32
          %mul3A_1196 = arith.muli %add3A_1194, %mul3A_1195 : i32
          %get3A_1197 = arith.constant 0 : i32
          %get3A_1198 = arith.index_cast %get3A_1197 : i32 to index
          %get3A_1199 = arith.index_cast %add3A_934 : i32 to index
          %get3A_1200 = arith.index_cast %mul3A_1196 : i32 to index
          %get3A_1201 = tpu.vector_load %arg7[%get3A_1198, %get3A_1199, %get3A_1200] {strides = array<i32>} : memref<8x8x768xf32, #tpu.memory_space<vmem>>, vector<1x1x16xf32>,
          %get3A_1202 = vector.shape_cast %get3A_1201 : vector<1x1x16xf32> to vector<16xf32>
          %swap3A_1203 = arith.constant 0 : i32
          %swap3A_1204 = arith.index_cast %swap3A_1203 : i32 to index
          %swap3A_1205 = arith.index_cast %add3A_934 : i32 to index
          %swap3A_1206 = arith.index_cast %mul3A_1196 : i32 to index
          %swap3A_1207 = tpu.vector_load %arg8[%swap3A_1204, %swap3A_1205, %swap3A_1206] {strides = array<i32>} : memref<8x8x768xf32, #tpu.memory_space<vmem>>, vector<1x1x16xf32>,
          %swap3A_1208 = vector.shape_cast %swap3A_1207 : vector<1x1x16xf32> to vector<16xf32>
          %swap3A_1209 = vector.shape_cast %get3A_1202 : vector<16xf32> to vector<1x1x16xf32>
          tpu.vector_store %arg8[%swap3A_1204, %swap3A_1205, %swap3A_1206], %swap3A_1209 {add = true, strides = array<i32>} : memref<8x8x768xf32, #tpu.memory_space<vmem>>, vector<1x1x16xf32>,
          %scan3A_1210 = arith.constant 13 : i32
          %scan3A_1211 = arith.addi %scan3A_940, %scan3A_1210 : i32
          %mul3A_1212 = arith.constant 1 : i32
          %mul3A_1213 = arith.muli %scan3A_1211, %mul3A_1212 : i32
          %add3A_1214 = arith.constant 0 : i32
          %add3A_1215 = arith.addi %add3A_1214, %mul3A_1213 : i32
          %mul3A_1216 = arith.constant 16 : i32
          %mul3A_1217 = arith.muli %add3A_1215, %mul3A_1216 : i32
          %get3A_1218 = arith.constant 0 : i32
          %get3A_1219 = arith.index_cast %get3A_1218 : i32 to index
          %get3A_1220 = arith.index_cast %add3A_934 : i32 to index
          %get3A_1221 = arith.index_cast %mul3A_1217 : i32 to index
          %get3A_1222 = tpu.vector_load %arg7[%get3A_1219, %get3A_1220, %get3A_1221] {strides = array<i32>} : memref<8x8x768xf32, #tpu.memory_space<vmem>>, vector<1x1x16xf32>,
          %get3A_1223 = vector.shape_cast %get3A_1222 : vector<1x1x16xf32> to vector<16xf32>
          %swap3A_1224 = arith.constant 0 : i32
          %swap3A_1225 = arith.index_cast %swap3A_1224 : i32 to index
          %swap3A_1226 = arith.index_cast %add3A_934 : i32 to index
          %swap3A_1227 = arith.index_cast %mul3A_1217 : i32 to index
          %swap3A_1228 = tpu.vector_load %arg8[%swap3A_1225, %swap3A_1226, %swap3A_1227] {strides = array<i32>} : memref<8x8x768xf32, #tpu.memory_space<vmem>>, vector<1x1x16xf32>,
          %swap3A_1229 = vector.shape_cast %swap3A_1228 : vector<1x1x16xf32> to vector<16xf32>
          %swap3A_1230 = vector.shape_cast %get3A_1223 : vector<16xf32> to vector<1x1x16xf32>
          tpu.vector_store %arg8[%swap3A_1225, %swap3A_1226, %swap3A_1227], %swap3A_1230 {add = true, strides = array<i32>} : memref<8x8x768xf32, #tpu.memory_space<vmem>>, vector<1x1x16xf32>,
          %scan3A_1231 = arith.constant 14 : i32
          %scan3A_1232 = arith.addi %scan3A_940, %scan3A_1231 : i32
          %mul3A_1233 = arith.constant 1 : i32
          %mul3A_1234 = arith.muli %scan3A_1232, %mul3A_1233 : i32
          %add3A_1235 = arith.constant 0 : i32
          %add3A_1236 = arith.addi %add3A_1235, %mul3A_1234 : i32
          %mul3A_1237 = arith.constant 16 : i32
          %mul3A_1238 = arith.muli %add3A_1236, %mul3A_1237 : i32
          %get3A_1239 = arith.constant 0 : i32
          %get3A_1240 = arith.index_cast %get3A_1239 : i32 to index
          %get3A_1241 = arith.index_cast %add3A_934 : i32 to index
          %get3A_1242 = arith.index_cast %mul3A_1238 : i32 to index
          %get3A_1243 = tpu.vector_load %arg7[%get3A_1240, %get3A_1241, %get3A_1242] {strides = array<i32>} : memref<8x8x768xf32, #tpu.memory_space<vmem>>, vector<1x1x16xf32>,
          %get3A_1244 = vector.shape_cast %get3A_1243 : vector<1x1x16xf32> to vector<16xf32>
          %swap3A_1245 = arith.constant 0 : i32
          %swap3A_1246 = arith.index_cast %swap3A_1245 : i32 to index
          %swap3A_1247 = arith.index_cast %add3A_934 : i32 to index
          %swap3A_1248 = arith.index_cast %mul3A_1238 : i32 to index
          %swap3A_1249 = tpu.vector_load %arg8[%swap3A_1246, %swap3A_1247, %swap3A_1248] {strides = array<i32>} : memref<8x8x768xf32, #tpu.memory_space<vmem>>, vector<1x1x16xf32>,
          %swap3A_1250 = vector.shape_cast %swap3A_1249 : vector<1x1x16xf32> to vector<16xf32>
          %swap3A_1251 = vector.shape_cast %get3A_1244 : vector<16xf32> to vector<1x1x16xf32>
          tpu.vector_store %arg8[%swap3A_1246, %swap3A_1247, %swap3A_1248], %swap3A_1251 {add = true, strides = array<i32>} : memref<8x8x768xf32, #tpu.memory_space<vmem>>, vector<1x1x16xf32>,
          %scan3A_1252 = arith.constant 15 : i32
          %scan3A_1253 = arith.addi %scan3A_940, %scan3A_1252 : i32
          %mul3A_1254 = arith.constant 1 : i32
          %mul3A_1255 = arith.muli %scan3A_1253, %mul3A_1254 : i32
          %add3A_1256 = arith.constant 0 : i32
          %add3A_1257 = arith.addi %add3A_1256, %mul3A_1255 : i32
          %mul3A_1258 = arith.constant 16 : i32
          %mul3A_1259 = arith.muli %add3A_1257, %mul3A_1258 : i32
          %get3A_1260 = arith.constant 0 : i32
          %get3A_1261 = arith.index_cast %get3A_1260 : i32 to index
          %get3A_1262 = arith.index_cast %add3A_934 : i32 to index
          %get3A_1263 = arith.index_cast %mul3A_1259 : i32 to index
          %get3A_1264 = tpu.vector_load %arg7[%get3A_1261, %get3A_1262, %get3A_1263] {strides = array<i32>} : memref<8x8x768xf32, #tpu.memory_space<vmem>>, vector<1x1x16xf32>,
          %get3A_1265 = vector.shape_cast %get3A_1264 : vector<1x1x16xf32> to vector<16xf32>
          %swap3A_1266 = arith.constant 0 : i32
          %swap3A_1267 = arith.index_cast %swap3A_1266 : i32 to index
          %swap3A_1268 = arith.index_cast %add3A_934 : i32 to index
          %swap3A_1269 = arith.index_cast %mul3A_1259 : i32 to index
          %swap3A_1270 = tpu.vector_load %arg8[%swap3A_1267, %swap3A_1268, %swap3A_1269] {strides = array<i32>} : memref<8x8x768xf32, #tpu.memory_space<vmem>>, vector<1x1x16xf32>,
          %swap3A_1271 = vector.shape_cast %swap3A_1270 : vector<1x1x16xf32> to vector<16xf32>
          %swap3A_1272 = vector.shape_cast %get3A_1265 : vector<16xf32> to vector<1x1x16xf32>
          tpu.vector_store %arg8[%swap3A_1267, %swap3A_1268, %swap3A_1269], %swap3A_1272 {add = true, strides = array<i32>} : memref<8x8x768xf32, #tpu.memory_space<vmem>>, vector<1x1x16xf32>,
        }
        %scan3A_939 = arith.constant 48 : i32
      }
      %scan3A_412 = arith.constant 8 : i32
      %mul3A_413 = arith.constant 8 : i32
      %mul3A_414 = arith.muli %add3A_374, %mul3A_413 : i32
      %add3A_415 = arith.addi %mul3A_2, %mul3A_414 : i32
      %dma_start3A_416 = arith.constant 0 : i32
      %dma_start3A_417 = arith.constant 0 : i32
      %dma_start3A_418 = arith.constant 0 : i32
      %dma_start3A_419 = arith.constant 0 : i32
      %dma_start3A_420 = tpu.memref_slice %arg8[%dma_start3A_416, %dma_start3A_418, %dma_start3A_419] : memref<8x8x768xf32, #tpu.memory_space<vmem>> -> memref<1x8x768xf32, #tpu.memory_space<vmem>>
      %dma_start3A_421 = tpu.memref_squeeze %dma_start3A_420 : memref<1x8x768xf32, #tpu.memory_space<vmem>> -> memref<8x768xf32, #tpu.memory_space<vmem>>
      %dma_start3A_422 = arith.constant 0 : i32
      %dma_start3A_423 = tpu.memref_slice %arg5[%add3A_415, %dma_start3A_422] : memref<32768x768xf32, #tpu.memory_space<hbm>> -> memref<8x768xf32, #tpu.memory_space<hbm>>
      %dma_start3A_424 = tpu.memref_slice %arg11[%dma_start3A_417] : memref<8x!tpu.dma_semaphore, #tpu.memory_space<semaphore_mem>> -> memref<1x!tpu.dma_semaphore, #tpu.memory_space<semaphore_mem>>
      %dma_start3A_425 = tpu.memref_squeeze %dma_start3A_424 : memref<1x!tpu.dma_semaphore, #tpu.memory_space<semaphore_mem>> -> memref<!tpu.dma_semaphore, #tpu.memory_space<semaphore_mem>>
      %dma_start3A_426 = arith.constant 0 : i32
      %dma_start3A_427 = tpu.memref_slice %arg5[%add3A_415, %dma_start3A_426] : memref<32768x768xf32, #tpu.memory_space<hbm>> -> memref<8x768xf32, #tpu.memory_space<hbm>>
      %dma_start3A_428 = arith.constant 0 : i32
      %dma_start3A_429 = arith.constant 0 : i32
      %dma_start3A_430 = tpu.memref_slice %arg8[%dma_start3A_416, %dma_start3A_428, %dma_start3A_429] : memref<8x8x768xf32, #tpu.memory_space<vmem>> -> memref<1x8x768xf32, #tpu.memory_space<vmem>>
      %dma_start3A_431 = tpu.memref_squeeze %dma_start3A_430 : memref<1x8x768xf32, #tpu.memory_space<vmem>> -> memref<8x768xf32, #tpu.memory_space<vmem>>
      tpu.enqueue_dma source(%dma_start3A_431 : memref<8x768xf32, #tpu.memory_space<vmem>>) target(%dma_start3A_427 : memref<8x768xf32, #tpu.memory_space<hbm>>) target_semaphore(%dma_start3A_425 : memref<!tpu.dma_semaphore, #tpu.memory_space<semaphore_mem>>)
      %gt3A = arith.constant 0 : i32
      %gt3A_432 = arith.cmpi sgt, %add3A_370, %gt3A : i32
      %convert_element_type3A = arith.extui %gt3A_432 : i1 to i32
      %cond3A = arith.constant 0 : i32
      %cond3A_433 = arith.cmpi ne, %convert_element_type3A, %cond3A : i32
      scf.if %cond3A_433 {
        %sub3A = arith.constant 1 : i32
        %sub3A_930 = arith.subi %add3A_370, %sub3A : i32
        %mul3A_931 = arith.constant 8 : i32
        %mul3A_932 = arith.muli %sub3A_930, %mul3A_931 : i32
        %add3A_933 = arith.constant 0 : i32
        %add3A_934 = arith.addi %mul3A_932, %add3A_933 : i32
        %add3A_935 = arith.constant 7 : i32
        %add3A_936 = arith.addi %add3A_934, %add3A_935 : i32
        %mul3A_937 = arith.constant 8 : i32
        %mul3A_938 = arith.muli %add3A_936, %mul3A_937 : i32
        %add3A_939 = arith.addi %mul3A_2, %mul3A_938 : i32
        %dma_wait3A_940 = arith.constant 7 : i32
        %dma_wait3A_941 = arith.constant 7 : i32
        %dma_wait3A_942 = arith.constant 0 : i32
        %dma_wait3A_943 = arith.constant 0 : i32
        %dma_wait3A_944 = tpu.memref_slice %arg8[%dma_wait3A_940, %dma_wait3A_942, %dma_wait3A_943] : memref<8x8x768xf32, #tpu.memory_space<vmem>> -> memref<1x8x768xf32, #tpu.memory_space<vmem>>
        %dma_wait3A_945 = tpu.memref_squeeze %dma_wait3A_944 : memref<1x8x768xf32, #tpu.memory_space<vmem>> -> memref<8x768xf32, #tpu.memory_space<vmem>>
        %dma_wait3A_946 = arith.constant 0 : i32
        %dma_wait3A_947 = tpu.memref_slice %arg5[%add3A_939, %dma_wait3A_946] : memref<32768x768xf32, #tpu.memory_space<hbm>> -> memref<8x768xf32, #tpu.memory_space<hbm>>
        %dma_wait3A_948 = tpu.memref_slice %arg11[%dma_wait3A_941] : memref<8x!tpu.dma_semaphore, #tpu.memory_space<semaphore_mem>> -> memref<1x!tpu.dma_semaphore, #tpu.memory_space<semaphore_mem>>
        %dma_wait3A_949 = tpu.memref_squeeze %dma_wait3A_948 : memref<1x!tpu.dma_semaphore, #tpu.memory_space<semaphore_mem>> -> memref<!tpu.dma_semaphore, #tpu.memory_space<semaphore_mem>>
        %dma_wait3A_950 = arith.constant 0 : i32
        %dma_wait3A_951 = tpu.memref_slice %arg5[%add3A_939, %dma_wait3A_950] : memref<32768x768xf32, #tpu.memory_space<hbm>> -> memref<8x768xf32, #tpu.memory_space<hbm>>
        %dma_wait3A_952 = arith.constant 0 : i32
        %dma_wait3A_953 = arith.constant 0 : i32
        %dma_wait3A_954 = tpu.memref_slice %arg8[%dma_wait3A_940, %dma_wait3A_952, %dma_wait3A_953] : memref<8x8x768xf32, #tpu.memory_space<vmem>> -> memref<1x8x768xf32, #tpu.memory_space<vmem>>
        %dma_wait3A_955 = tpu.memref_squeeze %dma_wait3A_954 : memref<1x8x768xf32, #tpu.memory_space<vmem>> -> memref<8x768xf32, #tpu.memory_space<vmem>>
        tpu.wait_dma2 semaphore(%dma_wait3A_949 : memref<!tpu.dma_semaphore, #tpu.memory_space<semaphore_mem>>) src(%dma_wait3A_955 : memref<8x768xf32, #tpu.memory_space<vmem>>) dst(%dma_wait3A_951 : memref<8x768xf32, #tpu.memory_space<hbm>>)
      } else {
      }
      %add3A_434 = arith.constant 7 : i32
      %add3A_435 = arith.addi %add3A_374, %add3A_434 : i32
      %mul3A_436 = arith.constant 8 : i32
      %mul3A_437 = arith.muli %add3A_435, %mul3A_436 : i32
      %add3A_438 = arith.addi %mul3A_2, %mul3A_437 : i32
      %dma_start3A_439 = arith.constant 7 : i32
      %dma_start3A_440 = arith.constant 7 : i32
      %dma_start3A_441 = arith.constant 0 : i32
      %dma_start3A_442 = arith.constant 0 : i32
      %dma_start3A_443 = tpu.memref_slice %arg7[%dma_start3A_439, %dma_start3A_441, %dma_start3A_442] : memref<8x8x768xf32, #tpu.memory_space<vmem>> -> memref<1x8x768xf32, #tpu.memory_space<vmem>>
      %dma_start3A_444 = tpu.memref_squeeze %dma_start3A_443 : memref<1x8x768xf32, #tpu.memory_space<vmem>> -> memref<8x768xf32, #tpu.memory_space<vmem>>
      %dma_start3A_445 = arith.constant 0 : i32
      %dma_start3A_446 = tpu.memref_slice %arg2[%add3A_438, %dma_start3A_445] : memref<32768x768xf32, #tpu.memory_space<hbm>> -> memref<8x768xf32, #tpu.memory_space<hbm>>
      %dma_start3A_447 = tpu.memref_slice %arg9[%dma_start3A_440] : memref<8x!tpu.dma_semaphore, #tpu.memory_space<semaphore_mem>> -> memref<1x!tpu.dma_semaphore, #tpu.memory_space<semaphore_mem>>
      %dma_start3A_448 = tpu.memref_squeeze %dma_start3A_447 : memref<1x!tpu.dma_semaphore, #tpu.memory_space<semaphore_mem>> -> memref<!tpu.dma_semaphore, #tpu.memory_space<semaphore_mem>>
      %dma_start3A_449 = arith.constant 0 : i32
      %dma_start3A_450 = arith.constant 0 : i32
      %dma_start3A_451 = tpu.memref_slice %arg7[%dma_start3A_439, %dma_start3A_449, %dma_start3A_450] : memref<8x8x768xf32, #tpu.memory_space<vmem>> -> memref<1x8x768xf32, #tpu.memory_space<vmem>>
      %dma_start3A_452 = tpu.memref_squeeze %dma_start3A_451 : memref<1x8x768xf32, #tpu.memory_space<vmem>> -> memref<8x768xf32, #tpu.memory_space<vmem>>
      %dma_start3A_453 = arith.constant 0 : i32
      %dma_start3A_454 = tpu.memref_slice %arg2[%add3A_438, %dma_start3A_453] : memref<32768x768xf32, #tpu.memory_space<hbm>> -> memref<8x768xf32, #tpu.memory_space<hbm>>
      tpu.enqueue_dma source(%dma_start3A_454 : memref<8x768xf32, #tpu.memory_space<hbm>>) target(%dma_start3A_452 : memref<8x768xf32, #tpu.memory_space<vmem>>) target_semaphore(%dma_start3A_448 : memref<!tpu.dma_semaphore, #tpu.memory_space<semaphore_mem>>)
      %mul3A_455 = arith.constant 8 : i32
      %mul3A_456 = arith.muli %add3A_435, %mul3A_455 : i32
      %dma_start3A_457 = arith.constant 7 : i32
      %dma_start3A_458 = arith.constant 7 : i32
      %dma_start3A_459 = arith.constant 0 : i32
      %dma_start3A_460 = arith.constant 0 : i32
      %dma_start3A_461 = tpu.memref_slice %arg8[%dma_start3A_457, %dma_start3A_459, %dma_start3A_460] : memref<8x8x768xf32, #tpu.memory_space<vmem>> -> memref<1x8x768xf32, #tpu.memory_space<vmem>>
      %dma_start3A_462 = tpu.memref_squeeze %dma_start3A_461 : memref<1x8x768xf32, #tpu.memory_space<vmem>> -> memref<8x768xf32, #tpu.memory_space<vmem>>
      %dma_start3A_463 = tpu.memref_slice %arg6[%mul3A_456] : memref<1024xi32, #tpu.memory_space<vmem>> -> memref<8xi32, #tpu.memory_space<vmem>>
      %dma_start3A_464 = arith.constant 0 : i32
      %dma_start3A_465 = arith.constant 0 : i32
      %dma_start3A_466 = tpu.memref_slice %arg4[%dma_start3A_464, %dma_start3A_465] : memref<8192x768xf32, #tpu.memory_space<hbm>> -> memref<8192x768xf32, #tpu.memory_space<hbm>>
      %dma_start3A_467 = tpu.memref_slice %arg10[%dma_start3A_458] : memref<8x!tpu.dma_semaphore, #tpu.memory_space<semaphore_mem>> -> memref<1x!tpu.dma_semaphore, #tpu.memory_space<semaphore_mem>>
      %dma_start3A_468 = tpu.memref_squeeze %dma_start3A_467 : memref<1x!tpu.dma_semaphore, #tpu.memory_space<semaphore_mem>> -> memref<!tpu.dma_semaphore, #tpu.memory_space<semaphore_mem>>
      tpu.enqueue_indirect_dma source(%dma_start3A_466 : memref<8192x768xf32, #tpu.memory_space<hbm>>) target(%dma_start3A_462 : memref<8x768xf32, #tpu.memory_space<vmem>>) offsets(%dma_start3A_463 : memref<8xi32, #tpu.memory_space<vmem>>) semaphore(%dma_start3A_468 : memref<!tpu.dma_semaphore, #tpu.memory_space<semaphore_mem>>)
      %mul3A_469 = arith.constant 8 : i32
      %mul3A_470 = arith.muli %add3A_370, %mul3A_469 : i32
      %add3A_471 = arith.constant 1 : i32
      %add3A_472 = arith.addi %mul3A_470, %add3A_471 : i32
      %mul3A_473 = arith.constant 8 : i32
      %mul3A_474 = arith.muli %add3A_472, %mul3A_473 : i32
      %add3A_475 = arith.addi %mul3A_2, %mul3A_474 : i32
      %dma_wait3A_476 = arith.constant 1 : i32
      %dma_wait3A_477 = arith.constant 1 : i32
      %dma_wait3A_478 = arith.constant 0 : i32
      %dma_wait3A_479 = arith.constant 0 : i32
      %dma_wait3A_480 = tpu.memref_slice %arg7[%dma_wait3A_476, %dma_wait3A_478, %dma_wait3A_479] : memref<8x8x768xf32, #tpu.memory_space<vmem>> -> memref<1x8x768xf32, #tpu.memory_space<vmem>>
      %dma_wait3A_481 = tpu.memref_squeeze %dma_wait3A_480 : memref<1x8x768xf32, #tpu.memory_space<vmem>> -> memref<8x768xf32, #tpu.memory_space<vmem>>
      %dma_wait3A_482 = arith.constant 0 : i32
      %dma_wait3A_483 = tpu.memref_slice %arg2[%add3A_475, %dma_wait3A_482] : memref<32768x768xf32, #tpu.memory_space<hbm>> -> memref<8x768xf32, #tpu.memory_space<hbm>>
      %dma_wait3A_484 = tpu.memref_slice %arg9[%dma_wait3A_477] : memref<8x!tpu.dma_semaphore, #tpu.memory_space<semaphore_mem>> -> memref<1x!tpu.dma_semaphore, #tpu.memory_space<semaphore_mem>>
      %dma_wait3A_485 = tpu.memref_squeeze %dma_wait3A_484 : memref<1x!tpu.dma_semaphore, #tpu.memory_space<semaphore_mem>> -> memref<!tpu.dma_semaphore, #tpu.memory_space<semaphore_mem>>
      %dma_wait3A_486 = arith.constant 0 : i32
      %dma_wait3A_487 = arith.constant 0 : i32
      %dma_wait3A_488 = tpu.memref_slice %arg7[%dma_wait3A_476, %dma_wait3A_486, %dma_wait3A_487] : memref<8x8x768xf32, #tpu.memory_space<vmem>> -> memref<1x8x768xf32, #tpu.memory_space<vmem>>
      %dma_wait3A_489 = tpu.memref_squeeze %dma_wait3A_488 : memref<1x8x768xf32, #tpu.memory_space<vmem>> -> memref<8x768xf32, #tpu.memory_space<vmem>>
      %dma_wait3A_490 = arith.constant 0 : i32
      %dma_wait3A_491 = tpu.memref_slice %arg2[%add3A_475, %dma_wait3A_490] : memref<32768x768xf32, #tpu.memory_space<hbm>> -> memref<8x768xf32, #tpu.memory_space<hbm>>
      tpu.wait_dma2 semaphore(%dma_wait3A_485 : memref<!tpu.dma_semaphore, #tpu.memory_space<semaphore_mem>>) src(%dma_wait3A_491 : memref<8x768xf32, #tpu.memory_space<hbm>>) dst(%dma_wait3A_489 : memref<8x768xf32, #tpu.memory_space<vmem>>)
      %mul3A_492 = arith.constant 8 : i32
      %mul3A_493 = arith.muli %add3A_472, %mul3A_492 : i32
      %dma_wait3A_494 = arith.constant 1 : i32
      %dma_wait3A_495 = arith.constant 1 : i32
      %dma_wait3A_496 = arith.constant 0 : i32
      %dma_wait3A_497 = arith.constant 0 : i32
      %dma_wait3A_498 = tpu.memref_slice %arg8[%dma_wait3A_494, %dma_wait3A_496, %dma_wait3A_497] : memref<8x8x768xf32, #tpu.memory_space<vmem>> -> memref<1x8x768xf32, #tpu.memory_space<vmem>>
      %dma_wait3A_499 = tpu.memref_squeeze %dma_wait3A_498 : memref<1x8x768xf32, #tpu.memory_space<vmem>> -> memref<8x768xf32, #tpu.memory_space<vmem>>
      %dma_wait3A_500 = tpu.memref_slice %arg6[%mul3A_493] : memref<1024xi32, #tpu.memory_space<vmem>> -> memref<8xi32, #tpu.memory_space<vmem>>
      %dma_wait3A_501 = arith.constant 0 : i32
      %dma_wait3A_502 = arith.constant 0 : i32
      %dma_wait3A_503 = tpu.memref_slice %arg4[%dma_wait3A_501, %dma_wait3A_502] : memref<8192x768xf32, #tpu.memory_space<hbm>> -> memref<8192x768xf32, #tpu.memory_space<hbm>>
      %dma_wait3A_504 = tpu.memref_slice %arg10[%dma_wait3A_495] : memref<8x!tpu.dma_semaphore, #tpu.memory_space<semaphore_mem>> -> memref<1x!tpu.dma_semaphore, #tpu.memory_space<semaphore_mem>>
      %dma_wait3A_505 = tpu.memref_squeeze %dma_wait3A_504 : memref<1x!tpu.dma_semaphore, #tpu.memory_space<semaphore_mem>> -> memref<!tpu.dma_semaphore, #tpu.memory_space<semaphore_mem>>
      tpu.wait_indirect_dma semaphore(%dma_wait3A_505 : memref<!tpu.dma_semaphore, #tpu.memory_space<semaphore_mem>>) src(%dma_wait3A_503 : memref<8192x768xf32, #tpu.memory_space<hbm>>) dst(%dma_wait3A_499 : memref<8x768xf32, #tpu.memory_space<vmem>>)
      %scan3A_506 = arith.constant 0 : i32
      %scan3A_507 = arith.constant 8 : i32
      %scan3A_508 = arith.addi %scan3A_506, %scan3A_507 : i32
      %scan3A_509 = arith.constant 1 : i32
      scf.for %scan3A_930 = %scan3A_506 to %scan3A_508 step %scan3A_509  : i32 {
        %mul3A_931 = arith.constant 1 : i32
        %mul3A_932 = arith.muli %scan3A_930, %mul3A_931 : i32
        %add3A_933 = arith.constant 0 : i32
        %add3A_934 = arith.addi %add3A_933, %mul3A_932 : i32
        %scan3A_935 = arith.constant 0 : i32
        %scan3A_936 = arith.constant 48 : i32
        %scan3A_937 = arith.addi %scan3A_935, %scan3A_936 : i32
        %scan3A_938 = arith.constant 16 : i32
        scf.for %scan3A_940 = %scan3A_935 to %scan3A_937 step %scan3A_938  : i32 {
          %mul3A_941 = arith.constant 1 : i32
          %mul3A_942 = arith.muli %scan3A_940, %mul3A_941 : i32
          %add3A_943 = arith.constant 0 : i32
          %add3A_944 = arith.addi %add3A_943, %mul3A_942 : i32
          %mul3A_945 = arith.constant 16 : i32
          %mul3A_946 = arith.muli %add3A_944, %mul3A_945 : i32
          %get3A = arith.constant 1 : i32
          %get3A_947 = arith.index_cast %get3A : i32 to index
          %get3A_948 = arith.index_cast %add3A_934 : i32 to index
          %get3A_949 = arith.index_cast %mul3A_946 : i32 to index
          %get3A_950 = tpu.vector_load %arg7[%get3A_947, %get3A_948, %get3A_949] {strides = array<i32>} : memref<8x8x768xf32, #tpu.memory_space<vmem>>, vector<1x1x16xf32>,
          %get3A_951 = vector.shape_cast %get3A_950 : vector<1x1x16xf32> to vector<16xf32>
          %swap3A = arith.constant 1 : i32
          %swap3A_952 = arith.index_cast %swap3A : i32 to index
          %swap3A_953 = arith.index_cast %add3A_934 : i32 to index
          %swap3A_954 = arith.index_cast %mul3A_946 : i32 to index
          %swap3A_955 = tpu.vector_load %arg8[%swap3A_952, %swap3A_953, %swap3A_954] {strides = array<i32>} : memref<8x8x768xf32, #tpu.memory_space<vmem>>, vector<1x1x16xf32>,
          %swap3A_956 = vector.shape_cast %swap3A_955 : vector<1x1x16xf32> to vector<16xf32>
          %swap3A_957 = vector.shape_cast %get3A_951 : vector<16xf32> to vector<1x1x16xf32>
          tpu.vector_store %arg8[%swap3A_952, %swap3A_953, %swap3A_954], %swap3A_957 {add = true, strides = array<i32>} : memref<8x8x768xf32, #tpu.memory_space<vmem>>, vector<1x1x16xf32>,
          %scan3A_958 = arith.constant 1 : i32
          %scan3A_959 = arith.addi %scan3A_940, %scan3A_958 : i32
          %mul3A_960 = arith.constant 1 : i32
          %mul3A_961 = arith.muli %scan3A_959, %mul3A_960 : i32
          %add3A_962 = arith.constant 0 : i32
          %add3A_963 = arith.addi %add3A_962, %mul3A_961 : i32
          %mul3A_964 = arith.constant 16 : i32
          %mul3A_965 = arith.muli %add3A_963, %mul3A_964 : i32
          %get3A_966 = arith.constant 1 : i32
          %get3A_967 = arith.index_cast %get3A_966 : i32 to index
          %get3A_968 = arith.index_cast %add3A_934 : i32 to index
          %get3A_969 = arith.index_cast %mul3A_965 : i32 to index
          %get3A_970 = tpu.vector_load %arg7[%get3A_967, %get3A_968, %get3A_969] {strides = array<i32>} : memref<8x8x768xf32, #tpu.memory_space<vmem>>, vector<1x1x16xf32>,
          %get3A_971 = vector.shape_cast %get3A_970 : vector<1x1x16xf32> to vector<16xf32>
          %swap3A_972 = arith.constant 1 : i32
          %swap3A_973 = arith.index_cast %swap3A_972 : i32 to index
          %swap3A_974 = arith.index_cast %add3A_934 : i32 to index
          %swap3A_975 = arith.index_cast %mul3A_965 : i32 to index
          %swap3A_976 = tpu.vector_load %arg8[%swap3A_973, %swap3A_974, %swap3A_975] {strides = array<i32>} : memref<8x8x768xf32, #tpu.memory_space<vmem>>, vector<1x1x16xf32>,
          %swap3A_977 = vector.shape_cast %swap3A_976 : vector<1x1x16xf32> to vector<16xf32>
          %swap3A_978 = vector.shape_cast %get3A_971 : vector<16xf32> to vector<1x1x16xf32>
          tpu.vector_store %arg8[%swap3A_973, %swap3A_974, %swap3A_975], %swap3A_978 {add = true, strides = array<i32>} : memref<8x8x768xf32, #tpu.memory_space<vmem>>, vector<1x1x16xf32>,
          %scan3A_979 = arith.constant 2 : i32
          %scan3A_980 = arith.addi %scan3A_940, %scan3A_979 : i32
          %mul3A_981 = arith.constant 1 : i32
          %mul3A_982 = arith.muli %scan3A_980, %mul3A_981 : i32
          %add3A_983 = arith.constant 0 : i32
          %add3A_984 = arith.addi %add3A_983, %mul3A_982 : i32
          %mul3A_985 = arith.constant 16 : i32
          %mul3A_986 = arith.muli %add3A_984, %mul3A_985 : i32
          %get3A_987 = arith.constant 1 : i32
          %get3A_988 = arith.index_cast %get3A_987 : i32 to index
          %get3A_989 = arith.index_cast %add3A_934 : i32 to index
          %get3A_990 = arith.index_cast %mul3A_986 : i32 to index
          %get3A_991 = tpu.vector_load %arg7[%get3A_988, %get3A_989, %get3A_990] {strides = array<i32>} : memref<8x8x768xf32, #tpu.memory_space<vmem>>, vector<1x1x16xf32>,
          %get3A_992 = vector.shape_cast %get3A_991 : vector<1x1x16xf32> to vector<16xf32>
          %swap3A_993 = arith.constant 1 : i32
          %swap3A_994 = arith.index_cast %swap3A_993 : i32 to index
          %swap3A_995 = arith.index_cast %add3A_934 : i32 to index
          %swap3A_996 = arith.index_cast %mul3A_986 : i32 to index
          %swap3A_997 = tpu.vector_load %arg8[%swap3A_994, %swap3A_995, %swap3A_996] {strides = array<i32>} : memref<8x8x768xf32, #tpu.memory_space<vmem>>, vector<1x1x16xf32>,
          %swap3A_998 = vector.shape_cast %swap3A_997 : vector<1x1x16xf32> to vector<16xf32>
          %swap3A_999 = vector.shape_cast %get3A_992 : vector<16xf32> to vector<1x1x16xf32>
          tpu.vector_store %arg8[%swap3A_994, %swap3A_995, %swap3A_996], %swap3A_999 {add = true, strides = array<i32>} : memref<8x8x768xf32, #tpu.memory_space<vmem>>, vector<1x1x16xf32>,
          %scan3A_1000 = arith.constant 3 : i32
          %scan3A_1001 = arith.addi %scan3A_940, %scan3A_1000 : i32
          %mul3A_1002 = arith.constant 1 : i32
          %mul3A_1003 = arith.muli %scan3A_1001, %mul3A_1002 : i32
          %add3A_1004 = arith.constant 0 : i32
          %add3A_1005 = arith.addi %add3A_1004, %mul3A_1003 : i32
          %mul3A_1006 = arith.constant 16 : i32
          %mul3A_1007 = arith.muli %add3A_1005, %mul3A_1006 : i32
          %get3A_1008 = arith.constant 1 : i32
          %get3A_1009 = arith.index_cast %get3A_1008 : i32 to index
          %get3A_1010 = arith.index_cast %add3A_934 : i32 to index
          %get3A_1011 = arith.index_cast %mul3A_1007 : i32 to index
          %get3A_1012 = tpu.vector_load %arg7[%get3A_1009, %get3A_1010, %get3A_1011] {strides = array<i32>} : memref<8x8x768xf32, #tpu.memory_space<vmem>>, vector<1x1x16xf32>,
          %get3A_1013 = vector.shape_cast %get3A_1012 : vector<1x1x16xf32> to vector<16xf32>
          %swap3A_1014 = arith.constant 1 : i32
          %swap3A_1015 = arith.index_cast %swap3A_1014 : i32 to index
          %swap3A_1016 = arith.index_cast %add3A_934 : i32 to index
          %swap3A_1017 = arith.index_cast %mul3A_1007 : i32 to index
          %swap3A_1018 = tpu.vector_load %arg8[%swap3A_1015, %swap3A_1016, %swap3A_1017] {strides = array<i32>} : memref<8x8x768xf32, #tpu.memory_space<vmem>>, vector<1x1x16xf32>,
          %swap3A_1019 = vector.shape_cast %swap3A_1018 : vector<1x1x16xf32> to vector<16xf32>
          %swap3A_1020 = vector.shape_cast %get3A_1013 : vector<16xf32> to vector<1x1x16xf32>
          tpu.vector_store %arg8[%swap3A_1015, %swap3A_1016, %swap3A_1017], %swap3A_1020 {add = true, strides = array<i32>} : memref<8x8x768xf32, #tpu.memory_space<vmem>>, vector<1x1x16xf32>,
          %scan3A_1021 = arith.constant 4 : i32
          %scan3A_1022 = arith.addi %scan3A_940, %scan3A_1021 : i32
          %mul3A_1023 = arith.constant 1 : i32
          %mul3A_1024 = arith.muli %scan3A_1022, %mul3A_1023 : i32
          %add3A_1025 = arith.constant 0 : i32
          %add3A_1026 = arith.addi %add3A_1025, %mul3A_1024 : i32
          %mul3A_1027 = arith.constant 16 : i32
          %mul3A_1028 = arith.muli %add3A_1026, %mul3A_1027 : i32
          %get3A_1029 = arith.constant 1 : i32
          %get3A_1030 = arith.index_cast %get3A_1029 : i32 to index
          %get3A_1031 = arith.index_cast %add3A_934 : i32 to index
          %get3A_1032 = arith.index_cast %mul3A_1028 : i32 to index
          %get3A_1033 = tpu.vector_load %arg7[%get3A_1030, %get3A_1031, %get3A_1032] {strides = array<i32>} : memref<8x8x768xf32, #tpu.memory_space<vmem>>, vector<1x1x16xf32>,
          %get3A_1034 = vector.shape_cast %get3A_1033 : vector<1x1x16xf32> to vector<16xf32>
          %swap3A_1035 = arith.constant 1 : i32
          %swap3A_1036 = arith.index_cast %swap3A_1035 : i32 to index
          %swap3A_1037 = arith.index_cast %add3A_934 : i32 to index
          %swap3A_1038 = arith.index_cast %mul3A_1028 : i32 to index
          %swap3A_1039 = tpu.vector_load %arg8[%swap3A_1036, %swap3A_1037, %swap3A_1038] {strides = array<i32>} : memref<8x8x768xf32, #tpu.memory_space<vmem>>, vector<1x1x16xf32>,
          %swap3A_1040 = vector.shape_cast %swap3A_1039 : vector<1x1x16xf32> to vector<16xf32>
          %swap3A_1041 = vector.shape_cast %get3A_1034 : vector<16xf32> to vector<1x1x16xf32>
          tpu.vector_store %arg8[%swap3A_1036, %swap3A_1037, %swap3A_1038], %swap3A_1041 {add = true, strides = array<i32>} : memref<8x8x768xf32, #tpu.memory_space<vmem>>, vector<1x1x16xf32>,
          %scan3A_1042 = arith.constant 5 : i32
          %scan3A_1043 = arith.addi %scan3A_940, %scan3A_1042 : i32
          %mul3A_1044 = arith.constant 1 : i32
          %mul3A_1045 = arith.muli %scan3A_1043, %mul3A_1044 : i32
          %add3A_1046 = arith.constant 0 : i32
          %add3A_1047 = arith.addi %add3A_1046, %mul3A_1045 : i32
          %mul3A_1048 = arith.constant 16 : i32
          %mul3A_1049 = arith.muli %add3A_1047, %mul3A_1048 : i32
          %get3A_1050 = arith.constant 1 : i32
          %get3A_1051 = arith.index_cast %get3A_1050 : i32 to index
          %get3A_1052 = arith.index_cast %add3A_934 : i32 to index
          %get3A_1053 = arith.index_cast %mul3A_1049 : i32 to index
          %get3A_1054 = tpu.vector_load %arg7[%get3A_1051, %get3A_1052, %get3A_1053] {strides = array<i32>} : memref<8x8x768xf32, #tpu.memory_space<vmem>>, vector<1x1x16xf32>,
          %get3A_1055 = vector.shape_cast %get3A_1054 : vector<1x1x16xf32> to vector<16xf32>
          %swap3A_1056 = arith.constant 1 : i32
          %swap3A_1057 = arith.index_cast %swap3A_1056 : i32 to index
          %swap3A_1058 = arith.index_cast %add3A_934 : i32 to index
          %swap3A_1059 = arith.index_cast %mul3A_1049 : i32 to index
          %swap3A_1060 = tpu.vector_load %arg8[%swap3A_1057, %swap3A_1058, %swap3A_1059] {strides = array<i32>} : memref<8x8x768xf32, #tpu.memory_space<vmem>>, vector<1x1x16xf32>,
          %swap3A_1061 = vector.shape_cast %swap3A_1060 : vector<1x1x16xf32> to vector<16xf32>
          %swap3A_1062 = vector.shape_cast %get3A_1055 : vector<16xf32> to vector<1x1x16xf32>
          tpu.vector_store %arg8[%swap3A_1057, %swap3A_1058, %swap3A_1059], %swap3A_1062 {add = true, strides = array<i32>} : memref<8x8x768xf32, #tpu.memory_space<vmem>>, vector<1x1x16xf32>,
          %scan3A_1063 = arith.constant 6 : i32
          %scan3A_1064 = arith.addi %scan3A_940, %scan3A_1063 : i32
          %mul3A_1065 = arith.constant 1 : i32
          %mul3A_1066 = arith.muli %scan3A_1064, %mul3A_1065 : i32
          %add3A_1067 = arith.constant 0 : i32
          %add3A_1068 = arith.addi %add3A_1067, %mul3A_1066 : i32
          %mul3A_1069 = arith.constant 16 : i32
          %mul3A_1070 = arith.muli %add3A_1068, %mul3A_1069 : i32
          %get3A_1071 = arith.constant 1 : i32
          %get3A_1072 = arith.index_cast %get3A_1071 : i32 to index
          %get3A_1073 = arith.index_cast %add3A_934 : i32 to index
          %get3A_1074 = arith.index_cast %mul3A_1070 : i32 to index
          %get3A_1075 = tpu.vector_load %arg7[%get3A_1072, %get3A_1073, %get3A_1074] {strides = array<i32>} : memref<8x8x768xf32, #tpu.memory_space<vmem>>, vector<1x1x16xf32>,
          %get3A_1076 = vector.shape_cast %get3A_1075 : vector<1x1x16xf32> to vector<16xf32>
          %swap3A_1077 = arith.constant 1 : i32
          %swap3A_1078 = arith.index_cast %swap3A_1077 : i32 to index
          %swap3A_1079 = arith.index_cast %add3A_934 : i32 to index
          %swap3A_1080 = arith.index_cast %mul3A_1070 : i32 to index
          %swap3A_1081 = tpu.vector_load %arg8[%swap3A_1078, %swap3A_1079, %swap3A_1080] {strides = array<i32>} : memref<8x8x768xf32, #tpu.memory_space<vmem>>, vector<1x1x16xf32>,
          %swap3A_1082 = vector.shape_cast %swap3A_1081 : vector<1x1x16xf32> to vector<16xf32>
          %swap3A_1083 = vector.shape_cast %get3A_1076 : vector<16xf32> to vector<1x1x16xf32>
          tpu.vector_store %arg8[%swap3A_1078, %swap3A_1079, %swap3A_1080], %swap3A_1083 {add = true, strides = array<i32>} : memref<8x8x768xf32, #tpu.memory_space<vmem>>, vector<1x1x16xf32>,
          %scan3A_1084 = arith.constant 7 : i32
          %scan3A_1085 = arith.addi %scan3A_940, %scan3A_1084 : i32
          %mul3A_1086 = arith.constant 1 : i32
          %mul3A_1087 = arith.muli %scan3A_1085, %mul3A_1086 : i32
          %add3A_1088 = arith.constant 0 : i32
          %add3A_1089 = arith.addi %add3A_1088, %mul3A_1087 : i32
          %mul3A_1090 = arith.constant 16 : i32
          %mul3A_1091 = arith.muli %add3A_1089, %mul3A_1090 : i32
          %get3A_1092 = arith.constant 1 : i32
          %get3A_1093 = arith.index_cast %get3A_1092 : i32 to index
          %get3A_1094 = arith.index_cast %add3A_934 : i32 to index
          %get3A_1095 = arith.index_cast %mul3A_1091 : i32 to index
          %get3A_1096 = tpu.vector_load %arg7[%get3A_1093, %get3A_1094, %get3A_1095] {strides = array<i32>} : memref<8x8x768xf32, #tpu.memory_space<vmem>>, vector<1x1x16xf32>,
          %get3A_1097 = vector.shape_cast %get3A_1096 : vector<1x1x16xf32> to vector<16xf32>
          %swap3A_1098 = arith.constant 1 : i32
          %swap3A_1099 = arith.index_cast %swap3A_1098 : i32 to index
          %swap3A_1100 = arith.index_cast %add3A_934 : i32 to index
          %swap3A_1101 = arith.index_cast %mul3A_1091 : i32 to index
          %swap3A_1102 = tpu.vector_load %arg8[%swap3A_1099, %swap3A_1100, %swap3A_1101] {strides = array<i32>} : memref<8x8x768xf32, #tpu.memory_space<vmem>>, vector<1x1x16xf32>,
          %swap3A_1103 = vector.shape_cast %swap3A_1102 : vector<1x1x16xf32> to vector<16xf32>
          %swap3A_1104 = vector.shape_cast %get3A_1097 : vector<16xf32> to vector<1x1x16xf32>
          tpu.vector_store %arg8[%swap3A_1099, %swap3A_1100, %swap3A_1101], %swap3A_1104 {add = true, strides = array<i32>} : memref<8x8x768xf32, #tpu.memory_space<vmem>>, vector<1x1x16xf32>,
          %scan3A_1105 = arith.constant 8 : i32
          %scan3A_1106 = arith.addi %scan3A_940, %scan3A_1105 : i32
          %mul3A_1107 = arith.constant 1 : i32
          %mul3A_1108 = arith.muli %scan3A_1106, %mul3A_1107 : i32
          %add3A_1109 = arith.constant 0 : i32
          %add3A_1110 = arith.addi %add3A_1109, %mul3A_1108 : i32
          %mul3A_1111 = arith.constant 16 : i32
          %mul3A_1112 = arith.muli %add3A_1110, %mul3A_1111 : i32
          %get3A_1113 = arith.constant 1 : i32
          %get3A_1114 = arith.index_cast %get3A_1113 : i32 to index
          %get3A_1115 = arith.index_cast %add3A_934 : i32 to index
          %get3A_1116 = arith.index_cast %mul3A_1112 : i32 to index
          %get3A_1117 = tpu.vector_load %arg7[%get3A_1114, %get3A_1115, %get3A_1116] {strides = array<i32>} : memref<8x8x768xf32, #tpu.memory_space<vmem>>, vector<1x1x16xf32>,
          %get3A_1118 = vector.shape_cast %get3A_1117 : vector<1x1x16xf32> to vector<16xf32>
          %swap3A_1119 = arith.constant 1 : i32
          %swap3A_1120 = arith.index_cast %swap3A_1119 : i32 to index
          %swap3A_1121 = arith.index_cast %add3A_934 : i32 to index
          %swap3A_1122 = arith.index_cast %mul3A_1112 : i32 to index
          %swap3A_1123 = tpu.vector_load %arg8[%swap3A_1120, %swap3A_1121, %swap3A_1122] {strides = array<i32>} : memref<8x8x768xf32, #tpu.memory_space<vmem>>, vector<1x1x16xf32>,
          %swap3A_1124 = vector.shape_cast %swap3A_1123 : vector<1x1x16xf32> to vector<16xf32>
          %swap3A_1125 = vector.shape_cast %get3A_1118 : vector<16xf32> to vector<1x1x16xf32>
          tpu.vector_store %arg8[%swap3A_1120, %swap3A_1121, %swap3A_1122], %swap3A_1125 {add = true, strides = array<i32>} : memref<8x8x768xf32, #tpu.memory_space<vmem>>, vector<1x1x16xf32>,
          %scan3A_1126 = arith.constant 9 : i32
          %scan3A_1127 = arith.addi %scan3A_940, %scan3A_1126 : i32
          %mul3A_1128 = arith.constant 1 : i32
          %mul3A_1129 = arith.muli %scan3A_1127, %mul3A_1128 : i32
          %add3A_1130 = arith.constant 0 : i32
          %add3A_1131 = arith.addi %add3A_1130, %mul3A_1129 : i32
          %mul3A_1132 = arith.constant 16 : i32
          %mul3A_1133 = arith.muli %add3A_1131, %mul3A_1132 : i32
          %get3A_1134 = arith.constant 1 : i32
          %get3A_1135 = arith.index_cast %get3A_1134 : i32 to index
          %get3A_1136 = arith.index_cast %add3A_934 : i32 to index
          %get3A_1137 = arith.index_cast %mul3A_1133 : i32 to index
          %get3A_1138 = tpu.vector_load %arg7[%get3A_1135, %get3A_1136, %get3A_1137] {strides = array<i32>} : memref<8x8x768xf32, #tpu.memory_space<vmem>>, vector<1x1x16xf32>,
          %get3A_1139 = vector.shape_cast %get3A_1138 : vector<1x1x16xf32> to vector<16xf32>
          %swap3A_1140 = arith.constant 1 : i32
          %swap3A_1141 = arith.index_cast %swap3A_1140 : i32 to index
          %swap3A_1142 = arith.index_cast %add3A_934 : i32 to index
          %swap3A_1143 = arith.index_cast %mul3A_1133 : i32 to index
          %swap3A_1144 = tpu.vector_load %arg8[%swap3A_1141, %swap3A_1142, %swap3A_1143] {strides = array<i32>} : memref<8x8x768xf32, #tpu.memory_space<vmem>>, vector<1x1x16xf32>,
          %swap3A_1145 = vector.shape_cast %swap3A_1144 : vector<1x1x16xf32> to vector<16xf32>
          %swap3A_1146 = vector.shape_cast %get3A_1139 : vector<16xf32> to vector<1x1x16xf32>
          tpu.vector_store %arg8[%swap3A_1141, %swap3A_1142, %swap3A_1143], %swap3A_1146 {add = true, strides = array<i32>} : memref<8x8x768xf32, #tpu.memory_space<vmem>>, vector<1x1x16xf32>,
          %scan3A_1147 = arith.constant 10 : i32
          %scan3A_1148 = arith.addi %scan3A_940, %scan3A_1147 : i32
          %mul3A_1149 = arith.constant 1 : i32
          %mul3A_1150 = arith.muli %scan3A_1148, %mul3A_1149 : i32
          %add3A_1151 = arith.constant 0 : i32
          %add3A_1152 = arith.addi %add3A_1151, %mul3A_1150 : i32
          %mul3A_1153 = arith.constant 16 : i32
          %mul3A_1154 = arith.muli %add3A_1152, %mul3A_1153 : i32
          %get3A_1155 = arith.constant 1 : i32
          %get3A_1156 = arith.index_cast %get3A_1155 : i32 to index
          %get3A_1157 = arith.index_cast %add3A_934 : i32 to index
          %get3A_1158 = arith.index_cast %mul3A_1154 : i32 to index
          %get3A_1159 = tpu.vector_load %arg7[%get3A_1156, %get3A_1157, %get3A_1158] {strides = array<i32>} : memref<8x8x768xf32, #tpu.memory_space<vmem>>, vector<1x1x16xf32>,
          %get3A_1160 = vector.shape_cast %get3A_1159 : vector<1x1x16xf32> to vector<16xf32>
          %swap3A_1161 = arith.constant 1 : i32
          %swap3A_1162 = arith.index_cast %swap3A_1161 : i32 to index
          %swap3A_1163 = arith.index_cast %add3A_934 : i32 to index
          %swap3A_1164 = arith.index_cast %mul3A_1154 : i32 to index
          %swap3A_1165 = tpu.vector_load %arg8[%swap3A_1162, %swap3A_1163, %swap3A_1164] {strides = array<i32>} : memref<8x8x768xf32, #tpu.memory_space<vmem>>, vector<1x1x16xf32>,
          %swap3A_1166 = vector.shape_cast %swap3A_1165 : vector<1x1x16xf32> to vector<16xf32>
          %swap3A_1167 = vector.shape_cast %get3A_1160 : vector<16xf32> to vector<1x1x16xf32>
          tpu.vector_store %arg8[%swap3A_1162, %swap3A_1163, %swap3A_1164], %swap3A_1167 {add = true, strides = array<i32>} : memref<8x8x768xf32, #tpu.memory_space<vmem>>, vector<1x1x16xf32>,
          %scan3A_1168 = arith.constant 11 : i32
          %scan3A_1169 = arith.addi %scan3A_940, %scan3A_1168 : i32
          %mul3A_1170 = arith.constant 1 : i32
          %mul3A_1171 = arith.muli %scan3A_1169, %mul3A_1170 : i32
          %add3A_1172 = arith.constant 0 : i32
          %add3A_1173 = arith.addi %add3A_1172, %mul3A_1171 : i32
          %mul3A_1174 = arith.constant 16 : i32
          %mul3A_1175 = arith.muli %add3A_1173, %mul3A_1174 : i32
          %get3A_1176 = arith.constant 1 : i32
          %get3A_1177 = arith.index_cast %get3A_1176 : i32 to index
          %get3A_1178 = arith.index_cast %add3A_934 : i32 to index
          %get3A_1179 = arith.index_cast %mul3A_1175 : i32 to index
          %get3A_1180 = tpu.vector_load %arg7[%get3A_1177, %get3A_1178, %get3A_1179] {strides = array<i32>} : memref<8x8x768xf32, #tpu.memory_space<vmem>>, vector<1x1x16xf32>,
          %get3A_1181 = vector.shape_cast %get3A_1180 : vector<1x1x16xf32> to vector<16xf32>
          %swap3A_1182 = arith.constant 1 : i32
          %swap3A_1183 = arith.index_cast %swap3A_1182 : i32 to index
          %swap3A_1184 = arith.index_cast %add3A_934 : i32 to index
          %swap3A_1185 = arith.index_cast %mul3A_1175 : i32 to index
          %swap3A_1186 = tpu.vector_load %arg8[%swap3A_1183, %swap3A_1184, %swap3A_1185] {strides = array<i32>} : memref<8x8x768xf32, #tpu.memory_space<vmem>>, vector<1x1x16xf32>,
          %swap3A_1187 = vector.shape_cast %swap3A_1186 : vector<1x1x16xf32> to vector<16xf32>
          %swap3A_1188 = vector.shape_cast %get3A_1181 : vector<16xf32> to vector<1x1x16xf32>
          tpu.vector_store %arg8[%swap3A_1183, %swap3A_1184, %swap3A_1185], %swap3A_1188 {add = true, strides = array<i32>} : memref<8x8x768xf32, #tpu.memory_space<vmem>>, vector<1x1x16xf32>,
          %scan3A_1189 = arith.constant 12 : i32
          %scan3A_1190 = arith.addi %scan3A_940, %scan3A_1189 : i32
          %mul3A_1191 = arith.constant 1 : i32
          %mul3A_1192 = arith.muli %scan3A_1190, %mul3A_1191 : i32
          %add3A_1193 = arith.constant 0 : i32
          %add3A_1194 = arith.addi %add3A_1193, %mul3A_1192 : i32
          %mul3A_1195 = arith.constant 16 : i32
          %mul3A_1196 = arith.muli %add3A_1194, %mul3A_1195 : i32
          %get3A_1197 = arith.constant 1 : i32
          %get3A_1198 = arith.index_cast %get3A_1197 : i32 to index
          %get3A_1199 = arith.index_cast %add3A_934 : i32 to index
          %get3A_1200 = arith.index_cast %mul3A_1196 : i32 to index
          %get3A_1201 = tpu.vector_load %arg7[%get3A_1198, %get3A_1199, %get3A_1200] {strides = array<i32>} : memref<8x8x768xf32, #tpu.memory_space<vmem>>, vector<1x1x16xf32>,
          %get3A_1202 = vector.shape_cast %get3A_1201 : vector<1x1x16xf32> to vector<16xf32>
          %swap3A_1203 = arith.constant 1 : i32
          %swap3A_1204 = arith.index_cast %swap3A_1203 : i32 to index
          %swap3A_1205 = arith.index_cast %add3A_934 : i32 to index
          %swap3A_1206 = arith.index_cast %mul3A_1196 : i32 to index
          %swap3A_1207 = tpu.vector_load %arg8[%swap3A_1204, %swap3A_1205, %swap3A_1206] {strides = array<i32>} : memref<8x8x768xf32, #tpu.memory_space<vmem>>, vector<1x1x16xf32>,
          %swap3A_1208 = vector.shape_cast %swap3A_1207 : vector<1x1x16xf32> to vector<16xf32>
          %swap3A_1209 = vector.shape_cast %get3A_1202 : vector<16xf32> to vector<1x1x16xf32>
          tpu.vector_store %arg8[%swap3A_1204, %swap3A_1205, %swap3A_1206], %swap3A_1209 {add = true, strides = array<i32>} : memref<8x8x768xf32, #tpu.memory_space<vmem>>, vector<1x1x16xf32>,
          %scan3A_1210 = arith.constant 13 : i32
          %scan3A_1211 = arith.addi %scan3A_940, %scan3A_1210 : i32
          %mul3A_1212 = arith.constant 1 : i32
          %mul3A_1213 = arith.muli %scan3A_1211, %mul3A_1212 : i32
          %add3A_1214 = arith.constant 0 : i32
          %add3A_1215 = arith.addi %add3A_1214, %mul3A_1213 : i32
          %mul3A_1216 = arith.constant 16 : i32
          %mul3A_1217 = arith.muli %add3A_1215, %mul3A_1216 : i32
          %get3A_1218 = arith.constant 1 : i32
          %get3A_1219 = arith.index_cast %get3A_1218 : i32 to index
          %get3A_1220 = arith.index_cast %add3A_934 : i32 to index
          %get3A_1221 = arith.index_cast %mul3A_1217 : i32 to index
          %get3A_1222 = tpu.vector_load %arg7[%get3A_1219, %get3A_1220, %get3A_1221] {strides = array<i32>} : memref<8x8x768xf32, #tpu.memory_space<vmem>>, vector<1x1x16xf32>,
          %get3A_1223 = vector.shape_cast %get3A_1222 : vector<1x1x16xf32> to vector<16xf32>
          %swap3A_1224 = arith.constant 1 : i32
          %swap3A_1225 = arith.index_cast %swap3A_1224 : i32 to index
          %swap3A_1226 = arith.index_cast %add3A_934 : i32 to index
          %swap3A_1227 = arith.index_cast %mul3A_1217 : i32 to index
          %swap3A_1228 = tpu.vector_load %arg8[%swap3A_1225, %swap3A_1226, %swap3A_1227] {strides = array<i32>} : memref<8x8x768xf32, #tpu.memory_space<vmem>>, vector<1x1x16xf32>,
          %swap3A_1229 = vector.shape_cast %swap3A_1228 : vector<1x1x16xf32> to vector<16xf32>
          %swap3A_1230 = vector.shape_cast %get3A_1223 : vector<16xf32> to vector<1x1x16xf32>
          tpu.vector_store %arg8[%swap3A_1225, %swap3A_1226, %swap3A_1227], %swap3A_1230 {add = true, strides = array<i32>} : memref<8x8x768xf32, #tpu.memory_space<vmem>>, vector<1x1x16xf32>,
          %scan3A_1231 = arith.constant 14 : i32
          %scan3A_1232 = arith.addi %scan3A_940, %scan3A_1231 : i32
          %mul3A_1233 = arith.constant 1 : i32
          %mul3A_1234 = arith.muli %scan3A_1232, %mul3A_1233 : i32
          %add3A_1235 = arith.constant 0 : i32
          %add3A_1236 = arith.addi %add3A_1235, %mul3A_1234 : i32
          %mul3A_1237 = arith.constant 16 : i32
          %mul3A_1238 = arith.muli %add3A_1236, %mul3A_1237 : i32
          %get3A_1239 = arith.constant 1 : i32
          %get3A_1240 = arith.index_cast %get3A_1239 : i32 to index
          %get3A_1241 = arith.index_cast %add3A_934 : i32 to index
          %get3A_1242 = arith.index_cast %mul3A_1238 : i32 to index
          %get3A_1243 = tpu.vector_load %arg7[%get3A_1240, %get3A_1241, %get3A_1242] {strides = array<i32>} : memref<8x8x768xf32, #tpu.memory_space<vmem>>, vector<1x1x16xf32>,
          %get3A_1244 = vector.shape_cast %get3A_1243 : vector<1x1x16xf32> to vector<16xf32>
          %swap3A_1245 = arith.constant 1 : i32
          %swap3A_1246 = arith.index_cast %swap3A_1245 : i32 to index
          %swap3A_1247 = arith.index_cast %add3A_934 : i32 to index
          %swap3A_1248 = arith.index_cast %mul3A_1238 : i32 to index
          %swap3A_1249 = tpu.vector_load %arg8[%swap3A_1246, %swap3A_1247, %swap3A_1248] {strides = array<i32>} : memref<8x8x768xf32, #tpu.memory_space<vmem>>, vector<1x1x16xf32>,
          %swap3A_1250 = vector.shape_cast %swap3A_1249 : vector<1x1x16xf32> to vector<16xf32>
          %swap3A_1251 = vector.shape_cast %get3A_1244 : vector<16xf32> to vector<1x1x16xf32>
          tpu.vector_store %arg8[%swap3A_1246, %swap3A_1247, %swap3A_1248], %swap3A_1251 {add = true, strides = array<i32>} : memref<8x8x768xf32, #tpu.memory_space<vmem>>, vector<1x1x16xf32>,
          %scan3A_1252 = arith.constant 15 : i32
          %scan3A_1253 = arith.addi %scan3A_940, %scan3A_1252 : i32
          %mul3A_1254 = arith.constant 1 : i32
          %mul3A_1255 = arith.muli %scan3A_1253, %mul3A_1254 : i32
          %add3A_1256 = arith.constant 0 : i32
          %add3A_1257 = arith.addi %add3A_1256, %mul3A_1255 : i32
          %mul3A_1258 = arith.constant 16 : i32
          %mul3A_1259 = arith.muli %add3A_1257, %mul3A_1258 : i32
          %get3A_1260 = arith.constant 1 : i32
          %get3A_1261 = arith.index_cast %get3A_1260 : i32 to index
          %get3A_1262 = arith.index_cast %add3A_934 : i32 to index
          %get3A_1263 = arith.index_cast %mul3A_1259 : i32 to index
          %get3A_1264 = tpu.vector_load %arg7[%get3A_1261, %get3A_1262, %get3A_1263] {strides = array<i32>} : memref<8x8x768xf32, #tpu.memory_space<vmem>>, vector<1x1x16xf32>,
          %get3A_1265 = vector.shape_cast %get3A_1264 : vector<1x1x16xf32> to vector<16xf32>
          %swap3A_1266 = arith.constant 1 : i32
          %swap3A_1267 = arith.index_cast %swap3A_1266 : i32 to index
          %swap3A_1268 = arith.index_cast %add3A_934 : i32 to index
          %swap3A_1269 = arith.index_cast %mul3A_1259 : i32 to index
          %swap3A_1270 = tpu.vector_load %arg8[%swap3A_1267, %swap3A_1268, %swap3A_1269] {strides = array<i32>} : memref<8x8x768xf32, #tpu.memory_space<vmem>>, vector<1x1x16xf32>,
          %swap3A_1271 = vector.shape_cast %swap3A_1270 : vector<1x1x16xf32> to vector<16xf32>
          %swap3A_1272 = vector.shape_cast %get3A_1265 : vector<16xf32> to vector<1x1x16xf32>
          tpu.vector_store %arg8[%swap3A_1267, %swap3A_1268, %swap3A_1269], %swap3A_1272 {add = true, strides = array<i32>} : memref<8x8x768xf32, #tpu.memory_space<vmem>>, vector<1x1x16xf32>,
        }
        %scan3A_939 = arith.constant 48 : i32
      }
      %scan3A_510 = arith.constant 8 : i32
      %mul3A_511 = arith.constant 8 : i32
      %mul3A_512 = arith.muli %add3A_472, %mul3A_511 : i32
      %add3A_513 = arith.addi %mul3A_2, %mul3A_512 : i32
      %dma_start3A_514 = arith.constant 1 : i32
      %dma_start3A_515 = arith.constant 1 : i32
      %dma_start3A_516 = arith.constant 0 : i32
      %dma_start3A_517 = arith.constant 0 : i32
      %dma_start3A_518 = tpu.memref_slice %arg8[%dma_start3A_514, %dma_start3A_516, %dma_start3A_517] : memref<8x8x768xf32, #tpu.memory_space<vmem>> -> memref<1x8x768xf32, #tpu.memory_space<vmem>>
      %dma_start3A_519 = tpu.memref_squeeze %dma_start3A_518 : memref<1x8x768xf32, #tpu.memory_space<vmem>> -> memref<8x768xf32, #tpu.memory_space<vmem>>
      %dma_start3A_520 = arith.constant 0 : i32
      %dma_start3A_521 = tpu.memref_slice %arg5[%add3A_513, %dma_start3A_520] : memref<32768x768xf32, #tpu.memory_space<hbm>> -> memref<8x768xf32, #tpu.memory_space<hbm>>
      %dma_start3A_522 = tpu.memref_slice %arg11[%dma_start3A_515] : memref<8x!tpu.dma_semaphore, #tpu.memory_space<semaphore_mem>> -> memref<1x!tpu.dma_semaphore, #tpu.memory_space<semaphore_mem>>
      %dma_start3A_523 = tpu.memref_squeeze %dma_start3A_522 : memref<1x!tpu.dma_semaphore, #tpu.memory_space<semaphore_mem>> -> memref<!tpu.dma_semaphore, #tpu.memory_space<semaphore_mem>>
      %dma_start3A_524 = arith.constant 0 : i32
      %dma_start3A_525 = tpu.memref_slice %arg5[%add3A_513, %dma_start3A_524] : memref<32768x768xf32, #tpu.memory_space<hbm>> -> memref<8x768xf32, #tpu.memory_space<hbm>>
      %dma_start3A_526 = arith.constant 0 : i32
      %dma_start3A_527 = arith.constant 0 : i32
      %dma_start3A_528 = tpu.memref_slice %arg8[%dma_start3A_514, %dma_start3A_526, %dma_start3A_527] : memref<8x8x768xf32, #tpu.memory_space<vmem>> -> memref<1x8x768xf32, #tpu.memory_space<vmem>>
      %dma_start3A_529 = tpu.memref_squeeze %dma_start3A_528 : memref<1x8x768xf32, #tpu.memory_space<vmem>> -> memref<8x768xf32, #tpu.memory_space<vmem>>
      tpu.enqueue_dma source(%dma_start3A_529 : memref<8x768xf32, #tpu.memory_space<vmem>>) target(%dma_start3A_525 : memref<8x768xf32, #tpu.memory_space<hbm>>) target_semaphore(%dma_start3A_523 : memref<!tpu.dma_semaphore, #tpu.memory_space<semaphore_mem>>)
      %lt3A = arith.constant 15 : i32
      %lt3A_530 = arith.cmpi slt, %add3A_370, %lt3A : i32
      %convert_element_type3A_531 = arith.extui %lt3A_530 : i1 to i32
      %cond3A_532 = arith.constant 0 : i32
      %cond3A_533 = arith.cmpi ne, %convert_element_type3A_531, %cond3A_532 : i32
      scf.if %cond3A_533 {
        %mul3A_930 = arith.constant 8 : i32
        %mul3A_931 = arith.muli %add3A_370, %mul3A_930 : i32
        %add3A_932 = arith.constant 1 : i32
        %add3A_933 = arith.addi %mul3A_931, %add3A_932 : i32
        %add3A_934 = arith.constant 7 : i32
        %add3A_935 = arith.addi %add3A_933, %add3A_934 : i32
        %sub3A = arith.constant 8 : i32
        %sub3A_936 = arith.subi %add3A_935, %sub3A : i32
        %mul3A_937 = arith.constant 8 : i32
        %mul3A_938 = arith.muli %sub3A_936, %mul3A_937 : i32
        %add3A_939 = arith.addi %mul3A_2, %mul3A_938 : i32
        %dma_wait3A_940 = arith.constant 0 : i32
        %dma_wait3A_941 = arith.constant 0 : i32
        %dma_wait3A_942 = arith.constant 0 : i32
        %dma_wait3A_943 = arith.constant 0 : i32
        %dma_wait3A_944 = tpu.memref_slice %arg8[%dma_wait3A_940, %dma_wait3A_942, %dma_wait3A_943] : memref<8x8x768xf32, #tpu.memory_space<vmem>> -> memref<1x8x768xf32, #tpu.memory_space<vmem>>
        %dma_wait3A_945 = tpu.memref_squeeze %dma_wait3A_944 : memref<1x8x768xf32, #tpu.memory_space<vmem>> -> memref<8x768xf32, #tpu.memory_space<vmem>>
        %dma_wait3A_946 = arith.constant 0 : i32
        %dma_wait3A_947 = tpu.memref_slice %arg5[%add3A_939, %dma_wait3A_946] : memref<32768x768xf32, #tpu.memory_space<hbm>> -> memref<8x768xf32, #tpu.memory_space<hbm>>
        %dma_wait3A_948 = tpu.memref_slice %arg11[%dma_wait3A_941] : memref<8x!tpu.dma_semaphore, #tpu.memory_space<semaphore_mem>> -> memref<1x!tpu.dma_semaphore, #tpu.memory_space<semaphore_mem>>
        %dma_wait3A_949 = tpu.memref_squeeze %dma_wait3A_948 : memref<1x!tpu.dma_semaphore, #tpu.memory_space<semaphore_mem>> -> memref<!tpu.dma_semaphore, #tpu.memory_space<semaphore_mem>>
        %dma_wait3A_950 = arith.constant 0 : i32
        %dma_wait3A_951 = tpu.memref_slice %arg5[%add3A_939, %dma_wait3A_950] : memref<32768x768xf32, #tpu.memory_space<hbm>> -> memref<8x768xf32, #tpu.memory_space<hbm>>
        %dma_wait3A_952 = arith.constant 0 : i32
        %dma_wait3A_953 = arith.constant 0 : i32
        %dma_wait3A_954 = tpu.memref_slice %arg8[%dma_wait3A_940, %dma_wait3A_952, %dma_wait3A_953] : memref<8x8x768xf32, #tpu.memory_space<vmem>> -> memref<1x8x768xf32, #tpu.memory_space<vmem>>
        %dma_wait3A_955 = tpu.memref_squeeze %dma_wait3A_954 : memref<1x8x768xf32, #tpu.memory_space<vmem>> -> memref<8x768xf32, #tpu.memory_space<vmem>>
        tpu.wait_dma2 semaphore(%dma_wait3A_949 : memref<!tpu.dma_semaphore, #tpu.memory_space<semaphore_mem>>) src(%dma_wait3A_955 : memref<8x768xf32, #tpu.memory_space<vmem>>) dst(%dma_wait3A_951 : memref<8x768xf32, #tpu.memory_space<hbm>>)
        %add3A_956 = arith.constant 7 : i32
        %add3A_957 = arith.addi %add3A_472, %add3A_956 : i32
        %mul3A_958 = arith.constant 8 : i32
        %mul3A_959 = arith.muli %add3A_957, %mul3A_958 : i32
        %add3A_960 = arith.addi %mul3A_2, %mul3A_959 : i32
        %dma_start3A_961 = arith.constant 0 : i32
        %dma_start3A_962 = arith.constant 0 : i32
        %dma_start3A_963 = arith.constant 0 : i32
        %dma_start3A_964 = arith.constant 0 : i32
        %dma_start3A_965 = tpu.memref_slice %arg7[%dma_start3A_961, %dma_start3A_963, %dma_start3A_964] : memref<8x8x768xf32, #tpu.memory_space<vmem>> -> memref<1x8x768xf32, #tpu.memory_space<vmem>>
        %dma_start3A_966 = tpu.memref_squeeze %dma_start3A_965 : memref<1x8x768xf32, #tpu.memory_space<vmem>> -> memref<8x768xf32, #tpu.memory_space<vmem>>
        %dma_start3A_967 = arith.constant 0 : i32
        %dma_start3A_968 = tpu.memref_slice %arg2[%add3A_960, %dma_start3A_967] : memref<32768x768xf32, #tpu.memory_space<hbm>> -> memref<8x768xf32, #tpu.memory_space<hbm>>
        %dma_start3A_969 = tpu.memref_slice %arg9[%dma_start3A_962] : memref<8x!tpu.dma_semaphore, #tpu.memory_space<semaphore_mem>> -> memref<1x!tpu.dma_semaphore, #tpu.memory_space<semaphore_mem>>
        %dma_start3A_970 = tpu.memref_squeeze %dma_start3A_969 : memref<1x!tpu.dma_semaphore, #tpu.memory_space<semaphore_mem>> -> memref<!tpu.dma_semaphore, #tpu.memory_space<semaphore_mem>>
        %dma_start3A_971 = arith.constant 0 : i32
        %dma_start3A_972 = arith.constant 0 : i32
        %dma_start3A_973 = tpu.memref_slice %arg7[%dma_start3A_961, %dma_start3A_971, %dma_start3A_972] : memref<8x8x768xf32, #tpu.memory_space<vmem>> -> memref<1x8x768xf32, #tpu.memory_space<vmem>>
        %dma_start3A_974 = tpu.memref_squeeze %dma_start3A_973 : memref<1x8x768xf32, #tpu.memory_space<vmem>> -> memref<8x768xf32, #tpu.memory_space<vmem>>
        %dma_start3A_975 = arith.constant 0 : i32
        %dma_start3A_976 = tpu.memref_slice %arg2[%add3A_960, %dma_start3A_975] : memref<32768x768xf32, #tpu.memory_space<hbm>> -> memref<8x768xf32, #tpu.memory_space<hbm>>
        tpu.enqueue_dma source(%dma_start3A_976 : memref<8x768xf32, #tpu.memory_space<hbm>>) target(%dma_start3A_974 : memref<8x768xf32, #tpu.memory_space<vmem>>) target_semaphore(%dma_start3A_970 : memref<!tpu.dma_semaphore, #tpu.memory_space<semaphore_mem>>)
        %mul3A_977 = arith.constant 8 : i32
        %mul3A_978 = arith.muli %add3A_957, %mul3A_977 : i32
        %dma_start3A_979 = arith.constant 0 : i32
        %dma_start3A_980 = arith.constant 0 : i32
        %dma_start3A_981 = arith.constant 0 : i32
        %dma_start3A_982 = arith.constant 0 : i32
        %dma_start3A_983 = tpu.memref_slice %arg8[%dma_start3A_979, %dma_start3A_981, %dma_start3A_982] : memref<8x8x768xf32, #tpu.memory_space<vmem>> -> memref<1x8x768xf32, #tpu.memory_space<vmem>>
        %dma_start3A_984 = tpu.memref_squeeze %dma_start3A_983 : memref<1x8x768xf32, #tpu.memory_space<vmem>> -> memref<8x768xf32, #tpu.memory_space<vmem>>
        %dma_start3A_985 = tpu.memref_slice %arg6[%mul3A_978] : memref<1024xi32, #tpu.memory_space<vmem>> -> memref<8xi32, #tpu.memory_space<vmem>>
        %dma_start3A_986 = arith.constant 0 : i32
        %dma_start3A_987 = arith.constant 0 : i32
        %dma_start3A_988 = tpu.memref_slice %arg4[%dma_start3A_986, %dma_start3A_987] : memref<8192x768xf32, #tpu.memory_space<hbm>> -> memref<8192x768xf32, #tpu.memory_space<hbm>>
        %dma_start3A_989 = tpu.memref_slice %arg10[%dma_start3A_980] : memref<8x!tpu.dma_semaphore, #tpu.memory_space<semaphore_mem>> -> memref<1x!tpu.dma_semaphore, #tpu.memory_space<semaphore_mem>>
        %dma_start3A_990 = tpu.memref_squeeze %dma_start3A_989 : memref<1x!tpu.dma_semaphore, #tpu.memory_space<semaphore_mem>> -> memref<!tpu.dma_semaphore, #tpu.memory_space<semaphore_mem>>
        tpu.enqueue_indirect_dma source(%dma_start3A_988 : memref<8192x768xf32, #tpu.memory_space<hbm>>) target(%dma_start3A_984 : memref<8x768xf32, #tpu.memory_space<vmem>>) offsets(%dma_start3A_985 : memref<8xi32, #tpu.memory_space<vmem>>) semaphore(%dma_start3A_990 : memref<!tpu.dma_semaphore, #tpu.memory_space<semaphore_mem>>)
      } else {
      }
      %mul3A_534 = arith.constant 8 : i32
      %mul3A_535 = arith.muli %add3A_370, %mul3A_534 : i32
      %add3A_536 = arith.constant 2 : i32
      %add3A_537 = arith.addi %mul3A_535, %add3A_536 : i32
      %mul3A_538 = arith.constant 8 : i32
      %mul3A_539 = arith.muli %add3A_537, %mul3A_538 : i32
      %add3A_540 = arith.addi %mul3A_2, %mul3A_539 : i32
      %dma_wait3A_541 = arith.constant 2 : i32
      %dma_wait3A_542 = arith.constant 2 : i32
      %dma_wait3A_543 = arith.constant 0 : i32
      %dma_wait3A_544 = arith.constant 0 : i32
      %dma_wait3A_545 = tpu.memref_slice %arg7[%dma_wait3A_541, %dma_wait3A_543, %dma_wait3A_544] : memref<8x8x768xf32, #tpu.memory_space<vmem>> -> memref<1x8x768xf32, #tpu.memory_space<vmem>>
      %dma_wait3A_546 = tpu.memref_squeeze %dma_wait3A_545 : memref<1x8x768xf32, #tpu.memory_space<vmem>> -> memref<8x768xf32, #tpu.memory_space<vmem>>
      %dma_wait3A_547 = arith.constant 0 : i32
      %dma_wait3A_548 = tpu.memref_slice %arg2[%add3A_540, %dma_wait3A_547] : memref<32768x768xf32, #tpu.memory_space<hbm>> -> memref<8x768xf32, #tpu.memory_space<hbm>>
      %dma_wait3A_549 = tpu.memref_slice %arg9[%dma_wait3A_542] : memref<8x!tpu.dma_semaphore, #tpu.memory_space<semaphore_mem>> -> memref<1x!tpu.dma_semaphore, #tpu.memory_space<semaphore_mem>>
      %dma_wait3A_550 = tpu.memref_squeeze %dma_wait3A_549 : memref<1x!tpu.dma_semaphore, #tpu.memory_space<semaphore_mem>> -> memref<!tpu.dma_semaphore, #tpu.memory_space<semaphore_mem>>
      %dma_wait3A_551 = arith.constant 0 : i32
      %dma_wait3A_552 = arith.constant 0 : i32
      %dma_wait3A_553 = tpu.memref_slice %arg7[%dma_wait3A_541, %dma_wait3A_551, %dma_wait3A_552] : memref<8x8x768xf32, #tpu.memory_space<vmem>> -> memref<1x8x768xf32, #tpu.memory_space<vmem>>
      %dma_wait3A_554 = tpu.memref_squeeze %dma_wait3A_553 : memref<1x8x768xf32, #tpu.memory_space<vmem>> -> memref<8x768xf32, #tpu.memory_space<vmem>>
      %dma_wait3A_555 = arith.constant 0 : i32
      %dma_wait3A_556 = tpu.memref_slice %arg2[%add3A_540, %dma_wait3A_555] : memref<32768x768xf32, #tpu.memory_space<hbm>> -> memref<8x768xf32, #tpu.memory_space<hbm>>
      tpu.wait_dma2 semaphore(%dma_wait3A_550 : memref<!tpu.dma_semaphore, #tpu.memory_space<semaphore_mem>>) src(%dma_wait3A_556 : memref<8x768xf32, #tpu.memory_space<hbm>>) dst(%dma_wait3A_554 : memref<8x768xf32, #tpu.memory_space<vmem>>)
      %mul3A_557 = arith.constant 8 : i32
      %mul3A_558 = arith.muli %add3A_537, %mul3A_557 : i32
      %dma_wait3A_559 = arith.constant 2 : i32
      %dma_wait3A_560 = arith.constant 2 : i32
      %dma_wait3A_561 = arith.constant 0 : i32
      %dma_wait3A_562 = arith.constant 0 : i32
      %dma_wait3A_563 = tpu.memref_slice %arg8[%dma_wait3A_559, %dma_wait3A_561, %dma_wait3A_562] : memref<8x8x768xf32, #tpu.memory_space<vmem>> -> memref<1x8x768xf32, #tpu.memory_space<vmem>>
      %dma_wait3A_564 = tpu.memref_squeeze %dma_wait3A_563 : memref<1x8x768xf32, #tpu.memory_space<vmem>> -> memref<8x768xf32, #tpu.memory_space<vmem>>
      %dma_wait3A_565 = tpu.memref_slice %arg6[%mul3A_558] : memref<1024xi32, #tpu.memory_space<vmem>> -> memref<8xi32, #tpu.memory_space<vmem>>
      %dma_wait3A_566 = arith.constant 0 : i32
      %dma_wait3A_567 = arith.constant 0 : i32
      %dma_wait3A_568 = tpu.memref_slice %arg4[%dma_wait3A_566, %dma_wait3A_567] : memref<8192x768xf32, #tpu.memory_space<hbm>> -> memref<8192x768xf32, #tpu.memory_space<hbm>>
      %dma_wait3A_569 = tpu.memref_slice %arg10[%dma_wait3A_560] : memref<8x!tpu.dma_semaphore, #tpu.memory_space<semaphore_mem>> -> memref<1x!tpu.dma_semaphore, #tpu.memory_space<semaphore_mem>>
      %dma_wait3A_570 = tpu.memref_squeeze %dma_wait3A_569 : memref<1x!tpu.dma_semaphore, #tpu.memory_space<semaphore_mem>> -> memref<!tpu.dma_semaphore, #tpu.memory_space<semaphore_mem>>
      tpu.wait_indirect_dma semaphore(%dma_wait3A_570 : memref<!tpu.dma_semaphore, #tpu.memory_space<semaphore_mem>>) src(%dma_wait3A_568 : memref<8192x768xf32, #tpu.memory_space<hbm>>) dst(%dma_wait3A_564 : memref<8x768xf32, #tpu.memory_space<vmem>>)
      %scan3A_571 = arith.constant 0 : i32
      %scan3A_572 = arith.constant 8 : i32
      %scan3A_573 = arith.addi %scan3A_571, %scan3A_572 : i32
      %scan3A_574 = arith.constant 1 : i32
      scf.for %scan3A_930 = %scan3A_571 to %scan3A_573 step %scan3A_574  : i32 {
        %mul3A_931 = arith.constant 1 : i32
        %mul3A_932 = arith.muli %scan3A_930, %mul3A_931 : i32
        %add3A_933 = arith.constant 0 : i32
        %add3A_934 = arith.addi %add3A_933, %mul3A_932 : i32
        %scan3A_935 = arith.constant 0 : i32
        %scan3A_936 = arith.constant 48 : i32
        %scan3A_937 = arith.addi %scan3A_935, %scan3A_936 : i32
        %scan3A_938 = arith.constant 16 : i32
        scf.for %scan3A_940 = %scan3A_935 to %scan3A_937 step %scan3A_938  : i32 {
          %mul3A_941 = arith.constant 1 : i32
          %mul3A_942 = arith.muli %scan3A_940, %mul3A_941 : i32
          %add3A_943 = arith.constant 0 : i32
          %add3A_944 = arith.addi %add3A_943, %mul3A_942 : i32
          %mul3A_945 = arith.constant 16 : i32
          %mul3A_946 = arith.muli %add3A_944, %mul3A_945 : i32
          %get3A = arith.constant 2 : i32
          %get3A_947 = arith.index_cast %get3A : i32 to index
          %get3A_948 = arith.index_cast %add3A_934 : i32 to index
          %get3A_949 = arith.index_cast %mul3A_946 : i32 to index
          %get3A_950 = tpu.vector_load %arg7[%get3A_947, %get3A_948, %get3A_949] {strides = array<i32>} : memref<8x8x768xf32, #tpu.memory_space<vmem>>, vector<1x1x16xf32>,
          %get3A_951 = vector.shape_cast %get3A_950 : vector<1x1x16xf32> to vector<16xf32>
          %swap3A = arith.constant 2 : i32
          %swap3A_952 = arith.index_cast %swap3A : i32 to index
          %swap3A_953 = arith.index_cast %add3A_934 : i32 to index
          %swap3A_954 = arith.index_cast %mul3A_946 : i32 to index
          %swap3A_955 = tpu.vector_load %arg8[%swap3A_952, %swap3A_953, %swap3A_954] {strides = array<i32>} : memref<8x8x768xf32, #tpu.memory_space<vmem>>, vector<1x1x16xf32>,
          %swap3A_956 = vector.shape_cast %swap3A_955 : vector<1x1x16xf32> to vector<16xf32>
          %swap3A_957 = vector.shape_cast %get3A_951 : vector<16xf32> to vector<1x1x16xf32>
          tpu.vector_store %arg8[%swap3A_952, %swap3A_953, %swap3A_954], %swap3A_957 {add = true, strides = array<i32>} : memref<8x8x768xf32, #tpu.memory_space<vmem>>, vector<1x1x16xf32>,
          %scan3A_958 = arith.constant 1 : i32
          %scan3A_959 = arith.addi %scan3A_940, %scan3A_958 : i32
          %mul3A_960 = arith.constant 1 : i32
          %mul3A_961 = arith.muli %scan3A_959, %mul3A_960 : i32
          %add3A_962 = arith.constant 0 : i32
          %add3A_963 = arith.addi %add3A_962, %mul3A_961 : i32
          %mul3A_964 = arith.constant 16 : i32
          %mul3A_965 = arith.muli %add3A_963, %mul3A_964 : i32
          %get3A_966 = arith.constant 2 : i32
          %get3A_967 = arith.index_cast %get3A_966 : i32 to index
          %get3A_968 = arith.index_cast %add3A_934 : i32 to index
          %get3A_969 = arith.index_cast %mul3A_965 : i32 to index
          %get3A_970 = tpu.vector_load %arg7[%get3A_967, %get3A_968, %get3A_969] {strides = array<i32>} : memref<8x8x768xf32, #tpu.memory_space<vmem>>, vector<1x1x16xf32>,
          %get3A_971 = vector.shape_cast %get3A_970 : vector<1x1x16xf32> to vector<16xf32>
          %swap3A_972 = arith.constant 2 : i32
          %swap3A_973 = arith.index_cast %swap3A_972 : i32 to index
          %swap3A_974 = arith.index_cast %add3A_934 : i32 to index
          %swap3A_975 = arith.index_cast %mul3A_965 : i32 to index
          %swap3A_976 = tpu.vector_load %arg8[%swap3A_973, %swap3A_974, %swap3A_975] {strides = array<i32>} : memref<8x8x768xf32, #tpu.memory_space<vmem>>, vector<1x1x16xf32>,
          %swap3A_977 = vector.shape_cast %swap3A_976 : vector<1x1x16xf32> to vector<16xf32>
          %swap3A_978 = vector.shape_cast %get3A_971 : vector<16xf32> to vector<1x1x16xf32>
          tpu.vector_store %arg8[%swap3A_973, %swap3A_974, %swap3A_975], %swap3A_978 {add = true, strides = array<i32>} : memref<8x8x768xf32, #tpu.memory_space<vmem>>, vector<1x1x16xf32>,
          %scan3A_979 = arith.constant 2 : i32
          %scan3A_980 = arith.addi %scan3A_940, %scan3A_979 : i32
          %mul3A_981 = arith.constant 1 : i32
          %mul3A_982 = arith.muli %scan3A_980, %mul3A_981 : i32
          %add3A_983 = arith.constant 0 : i32
          %add3A_984 = arith.addi %add3A_983, %mul3A_982 : i32
          %mul3A_985 = arith.constant 16 : i32
          %mul3A_986 = arith.muli %add3A_984, %mul3A_985 : i32
          %get3A_987 = arith.constant 2 : i32
          %get3A_988 = arith.index_cast %get3A_987 : i32 to index
          %get3A_989 = arith.index_cast %add3A_934 : i32 to index
          %get3A_990 = arith.index_cast %mul3A_986 : i32 to index
          %get3A_991 = tpu.vector_load %arg7[%get3A_988, %get3A_989, %get3A_990] {strides = array<i32>} : memref<8x8x768xf32, #tpu.memory_space<vmem>>, vector<1x1x16xf32>,
          %get3A_992 = vector.shape_cast %get3A_991 : vector<1x1x16xf32> to vector<16xf32>
          %swap3A_993 = arith.constant 2 : i32
          %swap3A_994 = arith.index_cast %swap3A_993 : i32 to index
          %swap3A_995 = arith.index_cast %add3A_934 : i32 to index
          %swap3A_996 = arith.index_cast %mul3A_986 : i32 to index
          %swap3A_997 = tpu.vector_load %arg8[%swap3A_994, %swap3A_995, %swap3A_996] {strides = array<i32>} : memref<8x8x768xf32, #tpu.memory_space<vmem>>, vector<1x1x16xf32>,
          %swap3A_998 = vector.shape_cast %swap3A_997 : vector<1x1x16xf32> to vector<16xf32>
          %swap3A_999 = vector.shape_cast %get3A_992 : vector<16xf32> to vector<1x1x16xf32>
          tpu.vector_store %arg8[%swap3A_994, %swap3A_995, %swap3A_996], %swap3A_999 {add = true, strides = array<i32>} : memref<8x8x768xf32, #tpu.memory_space<vmem>>, vector<1x1x16xf32>,
          %scan3A_1000 = arith.constant 3 : i32
          %scan3A_1001 = arith.addi %scan3A_940, %scan3A_1000 : i32
          %mul3A_1002 = arith.constant 1 : i32
          %mul3A_1003 = arith.muli %scan3A_1001, %mul3A_1002 : i32
          %add3A_1004 = arith.constant 0 : i32
          %add3A_1005 = arith.addi %add3A_1004, %mul3A_1003 : i32
          %mul3A_1006 = arith.constant 16 : i32
          %mul3A_1007 = arith.muli %add3A_1005, %mul3A_1006 : i32
          %get3A_1008 = arith.constant 2 : i32
          %get3A_1009 = arith.index_cast %get3A_1008 : i32 to index
          %get3A_1010 = arith.index_cast %add3A_934 : i32 to index
          %get3A_1011 = arith.index_cast %mul3A_1007 : i32 to index
          %get3A_1012 = tpu.vector_load %arg7[%get3A_1009, %get3A_1010, %get3A_1011] {strides = array<i32>} : memref<8x8x768xf32, #tpu.memory_space<vmem>>, vector<1x1x16xf32>,
          %get3A_1013 = vector.shape_cast %get3A_1012 : vector<1x1x16xf32> to vector<16xf32>
          %swap3A_1014 = arith.constant 2 : i32
          %swap3A_1015 = arith.index_cast %swap3A_1014 : i32 to index
          %swap3A_1016 = arith.index_cast %add3A_934 : i32 to index
          %swap3A_1017 = arith.index_cast %mul3A_1007 : i32 to index
          %swap3A_1018 = tpu.vector_load %arg8[%swap3A_1015, %swap3A_1016, %swap3A_1017] {strides = array<i32>} : memref<8x8x768xf32, #tpu.memory_space<vmem>>, vector<1x1x16xf32>,
          %swap3A_1019 = vector.shape_cast %swap3A_1018 : vector<1x1x16xf32> to vector<16xf32>
          %swap3A_1020 = vector.shape_cast %get3A_1013 : vector<16xf32> to vector<1x1x16xf32>
          tpu.vector_store %arg8[%swap3A_1015, %swap3A_1016, %swap3A_1017], %swap3A_1020 {add = true, strides = array<i32>} : memref<8x8x768xf32, #tpu.memory_space<vmem>>, vector<1x1x16xf32>,
          %scan3A_1021 = arith.constant 4 : i32
          %scan3A_1022 = arith.addi %scan3A_940, %scan3A_1021 : i32
          %mul3A_1023 = arith.constant 1 : i32
          %mul3A_1024 = arith.muli %scan3A_1022, %mul3A_1023 : i32
          %add3A_1025 = arith.constant 0 : i32
          %add3A_1026 = arith.addi %add3A_1025, %mul3A_1024 : i32
          %mul3A_1027 = arith.constant 16 : i32
          %mul3A_1028 = arith.muli %add3A_1026, %mul3A_1027 : i32
          %get3A_1029 = arith.constant 2 : i32
          %get3A_1030 = arith.index_cast %get3A_1029 : i32 to index
          %get3A_1031 = arith.index_cast %add3A_934 : i32 to index
          %get3A_1032 = arith.index_cast %mul3A_1028 : i32 to index
          %get3A_1033 = tpu.vector_load %arg7[%get3A_1030, %get3A_1031, %get3A_1032] {strides = array<i32>} : memref<8x8x768xf32, #tpu.memory_space<vmem>>, vector<1x1x16xf32>,
          %get3A_1034 = vector.shape_cast %get3A_1033 : vector<1x1x16xf32> to vector<16xf32>
          %swap3A_1035 = arith.constant 2 : i32
          %swap3A_1036 = arith.index_cast %swap3A_1035 : i32 to index
          %swap3A_1037 = arith.index_cast %add3A_934 : i32 to index
          %swap3A_1038 = arith.index_cast %mul3A_1028 : i32 to index
          %swap3A_1039 = tpu.vector_load %arg8[%swap3A_1036, %swap3A_1037, %swap3A_1038] {strides = array<i32>} : memref<8x8x768xf32, #tpu.memory_space<vmem>>, vector<1x1x16xf32>,
          %swap3A_1040 = vector.shape_cast %swap3A_1039 : vector<1x1x16xf32> to vector<16xf32>
          %swap3A_1041 = vector.shape_cast %get3A_1034 : vector<16xf32> to vector<1x1x16xf32>
          tpu.vector_store %arg8[%swap3A_1036, %swap3A_1037, %swap3A_1038], %swap3A_1041 {add = true, strides = array<i32>} : memref<8x8x768xf32, #tpu.memory_space<vmem>>, vector<1x1x16xf32>,
          %scan3A_1042 = arith.constant 5 : i32
          %scan3A_1043 = arith.addi %scan3A_940, %scan3A_1042 : i32
          %mul3A_1044 = arith.constant 1 : i32
          %mul3A_1045 = arith.muli %scan3A_1043, %mul3A_1044 : i32
          %add3A_1046 = arith.constant 0 : i32
          %add3A_1047 = arith.addi %add3A_1046, %mul3A_1045 : i32
          %mul3A_1048 = arith.constant 16 : i32
          %mul3A_1049 = arith.muli %add3A_1047, %mul3A_1048 : i32
          %get3A_1050 = arith.constant 2 : i32
          %get3A_1051 = arith.index_cast %get3A_1050 : i32 to index
          %get3A_1052 = arith.index_cast %add3A_934 : i32 to index
          %get3A_1053 = arith.index_cast %mul3A_1049 : i32 to index
          %get3A_1054 = tpu.vector_load %arg7[%get3A_1051, %get3A_1052, %get3A_1053] {strides = array<i32>} : memref<8x8x768xf32, #tpu.memory_space<vmem>>, vector<1x1x16xf32>,
          %get3A_1055 = vector.shape_cast %get3A_1054 : vector<1x1x16xf32> to vector<16xf32>
          %swap3A_1056 = arith.constant 2 : i32
          %swap3A_1057 = arith.index_cast %swap3A_1056 : i32 to index
          %swap3A_1058 = arith.index_cast %add3A_934 : i32 to index
          %swap3A_1059 = arith.index_cast %mul3A_1049 : i32 to index
          %swap3A_1060 = tpu.vector_load %arg8[%swap3A_1057, %swap3A_1058, %swap3A_1059] {strides = array<i32>} : memref<8x8x768xf32, #tpu.memory_space<vmem>>, vector<1x1x16xf32>,
          %swap3A_1061 = vector.shape_cast %swap3A_1060 : vector<1x1x16xf32> to vector<16xf32>
          %swap3A_1062 = vector.shape_cast %get3A_1055 : vector<16xf32> to vector<1x1x16xf32>
          tpu.vector_store %arg8[%swap3A_1057, %swap3A_1058, %swap3A_1059], %swap3A_1062 {add = true, strides = array<i32>} : memref<8x8x768xf32, #tpu.memory_space<vmem>>, vector<1x1x16xf32>,
          %scan3A_1063 = arith.constant 6 : i32
          %scan3A_1064 = arith.addi %scan3A_940, %scan3A_1063 : i32
          %mul3A_1065 = arith.constant 1 : i32
          %mul3A_1066 = arith.muli %scan3A_1064, %mul3A_1065 : i32
          %add3A_1067 = arith.constant 0 : i32
          %add3A_1068 = arith.addi %add3A_1067, %mul3A_1066 : i32
          %mul3A_1069 = arith.constant 16 : i32
          %mul3A_1070 = arith.muli %add3A_1068, %mul3A_1069 : i32
          %get3A_1071 = arith.constant 2 : i32
          %get3A_1072 = arith.index_cast %get3A_1071 : i32 to index
          %get3A_1073 = arith.index_cast %add3A_934 : i32 to index
          %get3A_1074 = arith.index_cast %mul3A_1070 : i32 to index
          %get3A_1075 = tpu.vector_load %arg7[%get3A_1072, %get3A_1073, %get3A_1074] {strides = array<i32>} : memref<8x8x768xf32, #tpu.memory_space<vmem>>, vector<1x1x16xf32>,
          %get3A_1076 = vector.shape_cast %get3A_1075 : vector<1x1x16xf32> to vector<16xf32>
          %swap3A_1077 = arith.constant 2 : i32
          %swap3A_1078 = arith.index_cast %swap3A_1077 : i32 to index
          %swap3A_1079 = arith.index_cast %add3A_934 : i32 to index
          %swap3A_1080 = arith.index_cast %mul3A_1070 : i32 to index
          %swap3A_1081 = tpu.vector_load %arg8[%swap3A_1078, %swap3A_1079, %swap3A_1080] {strides = array<i32>} : memref<8x8x768xf32, #tpu.memory_space<vmem>>, vector<1x1x16xf32>,
          %swap3A_1082 = vector.shape_cast %swap3A_1081 : vector<1x1x16xf32> to vector<16xf32>
          %swap3A_1083 = vector.shape_cast %get3A_1076 : vector<16xf32> to vector<1x1x16xf32>
          tpu.vector_store %arg8[%swap3A_1078, %swap3A_1079, %swap3A_1080], %swap3A_1083 {add = true, strides = array<i32>} : memref<8x8x768xf32, #tpu.memory_space<vmem>>, vector<1x1x16xf32>,
          %scan3A_1084 = arith.constant 7 : i32
          %scan3A_1085 = arith.addi %scan3A_940, %scan3A_1084 : i32
          %mul3A_1086 = arith.constant 1 : i32
          %mul3A_1087 = arith.muli %scan3A_1085, %mul3A_1086 : i32
          %add3A_1088 = arith.constant 0 : i32
          %add3A_1089 = arith.addi %add3A_1088, %mul3A_1087 : i32
          %mul3A_1090 = arith.constant 16 : i32
          %mul3A_1091 = arith.muli %add3A_1089, %mul3A_1090 : i32
          %get3A_1092 = arith.constant 2 : i32
          %get3A_1093 = arith.index_cast %get3A_1092 : i32 to index
          %get3A_1094 = arith.index_cast %add3A_934 : i32 to index
          %get3A_1095 = arith.index_cast %mul3A_1091 : i32 to index
          %get3A_1096 = tpu.vector_load %arg7[%get3A_1093, %get3A_1094, %get3A_1095] {strides = array<i32>} : memref<8x8x768xf32, #tpu.memory_space<vmem>>, vector<1x1x16xf32>,
          %get3A_1097 = vector.shape_cast %get3A_1096 : vector<1x1x16xf32> to vector<16xf32>
          %swap3A_1098 = arith.constant 2 : i32
          %swap3A_1099 = arith.index_cast %swap3A_1098 : i32 to index
          %swap3A_1100 = arith.index_cast %add3A_934 : i32 to index
          %swap3A_1101 = arith.index_cast %mul3A_1091 : i32 to index
          %swap3A_1102 = tpu.vector_load %arg8[%swap3A_1099, %swap3A_1100, %swap3A_1101] {strides = array<i32>} : memref<8x8x768xf32, #tpu.memory_space<vmem>>, vector<1x1x16xf32>,
          %swap3A_1103 = vector.shape_cast %swap3A_1102 : vector<1x1x16xf32> to vector<16xf32>
          %swap3A_1104 = vector.shape_cast %get3A_1097 : vector<16xf32> to vector<1x1x16xf32>
          tpu.vector_store %arg8[%swap3A_1099, %swap3A_1100, %swap3A_1101], %swap3A_1104 {add = true, strides = array<i32>} : memref<8x8x768xf32, #tpu.memory_space<vmem>>, vector<1x1x16xf32>,
          %scan3A_1105 = arith.constant 8 : i32
          %scan3A_1106 = arith.addi %scan3A_940, %scan3A_1105 : i32
          %mul3A_1107 = arith.constant 1 : i32
          %mul3A_1108 = arith.muli %scan3A_1106, %mul3A_1107 : i32
          %add3A_1109 = arith.constant 0 : i32
          %add3A_1110 = arith.addi %add3A_1109, %mul3A_1108 : i32
          %mul3A_1111 = arith.constant 16 : i32
          %mul3A_1112 = arith.muli %add3A_1110, %mul3A_1111 : i32
          %get3A_1113 = arith.constant 2 : i32
          %get3A_1114 = arith.index_cast %get3A_1113 : i32 to index
          %get3A_1115 = arith.index_cast %add3A_934 : i32 to index
          %get3A_1116 = arith.index_cast %mul3A_1112 : i32 to index
          %get3A_1117 = tpu.vector_load %arg7[%get3A_1114, %get3A_1115, %get3A_1116] {strides = array<i32>} : memref<8x8x768xf32, #tpu.memory_space<vmem>>, vector<1x1x16xf32>,
          %get3A_1118 = vector.shape_cast %get3A_1117 : vector<1x1x16xf32> to vector<16xf32>
          %swap3A_1119 = arith.constant 2 : i32
          %swap3A_1120 = arith.index_cast %swap3A_1119 : i32 to index
          %swap3A_1121 = arith.index_cast %add3A_934 : i32 to index
          %swap3A_1122 = arith.index_cast %mul3A_1112 : i32 to index
          %swap3A_1123 = tpu.vector_load %arg8[%swap3A_1120, %swap3A_1121, %swap3A_1122] {strides = array<i32>} : memref<8x8x768xf32, #tpu.memory_space<vmem>>, vector<1x1x16xf32>,
          %swap3A_1124 = vector.shape_cast %swap3A_1123 : vector<1x1x16xf32> to vector<16xf32>
          %swap3A_1125 = vector.shape_cast %get3A_1118 : vector<16xf32> to vector<1x1x16xf32>
          tpu.vector_store %arg8[%swap3A_1120, %swap3A_1121, %swap3A_1122], %swap3A_1125 {add = true, strides = array<i32>} : memref<8x8x768xf32, #tpu.memory_space<vmem>>, vector<1x1x16xf32>,
          %scan3A_1126 = arith.constant 9 : i32
          %scan3A_1127 = arith.addi %scan3A_940, %scan3A_1126 : i32
          %mul3A_1128 = arith.constant 1 : i32
          %mul3A_1129 = arith.muli %scan3A_1127, %mul3A_1128 : i32
          %add3A_1130 = arith.constant 0 : i32
          %add3A_1131 = arith.addi %add3A_1130, %mul3A_1129 : i32
          %mul3A_1132 = arith.constant 16 : i32
          %mul3A_1133 = arith.muli %add3A_1131, %mul3A_1132 : i32
          %get3A_1134 = arith.constant 2 : i32
          %get3A_1135 = arith.index_cast %get3A_1134 : i32 to index
          %get3A_1136 = arith.index_cast %add3A_934 : i32 to index
          %get3A_1137 = arith.index_cast %mul3A_1133 : i32 to index
          %get3A_1138 = tpu.vector_load %arg7[%get3A_1135, %get3A_1136, %get3A_1137] {strides = array<i32>} : memref<8x8x768xf32, #tpu.memory_space<vmem>>, vector<1x1x16xf32>,
          %get3A_1139 = vector.shape_cast %get3A_1138 : vector<1x1x16xf32> to vector<16xf32>
          %swap3A_1140 = arith.constant 2 : i32
          %swap3A_1141 = arith.index_cast %swap3A_1140 : i32 to index
          %swap3A_1142 = arith.index_cast %add3A_934 : i32 to index
          %swap3A_1143 = arith.index_cast %mul3A_1133 : i32 to index
          %swap3A_1144 = tpu.vector_load %arg8[%swap3A_1141, %swap3A_1142, %swap3A_1143] {strides = array<i32>} : memref<8x8x768xf32, #tpu.memory_space<vmem>>, vector<1x1x16xf32>,
          %swap3A_1145 = vector.shape_cast %swap3A_1144 : vector<1x1x16xf32> to vector<16xf32>
          %swap3A_1146 = vector.shape_cast %get3A_1139 : vector<16xf32> to vector<1x1x16xf32>
          tpu.vector_store %arg8[%swap3A_1141, %swap3A_1142, %swap3A_1143], %swap3A_1146 {add = true, strides = array<i32>} : memref<8x8x768xf32, #tpu.memory_space<vmem>>, vector<1x1x16xf32>,
          %scan3A_1147 = arith.constant 10 : i32
          %scan3A_1148 = arith.addi %scan3A_940, %scan3A_1147 : i32
          %mul3A_1149 = arith.constant 1 : i32
          %mul3A_1150 = arith.muli %scan3A_1148, %mul3A_1149 : i32
          %add3A_1151 = arith.constant 0 : i32
          %add3A_1152 = arith.addi %add3A_1151, %mul3A_1150 : i32
          %mul3A_1153 = arith.constant 16 : i32
          %mul3A_1154 = arith.muli %add3A_1152, %mul3A_1153 : i32
          %get3A_1155 = arith.constant 2 : i32
          %get3A_1156 = arith.index_cast %get3A_1155 : i32 to index
          %get3A_1157 = arith.index_cast %add3A_934 : i32 to index
          %get3A_1158 = arith.index_cast %mul3A_1154 : i32 to index
          %get3A_1159 = tpu.vector_load %arg7[%get3A_1156, %get3A_1157, %get3A_1158] {strides = array<i32>} : memref<8x8x768xf32, #tpu.memory_space<vmem>>, vector<1x1x16xf32>,
          %get3A_1160 = vector.shape_cast %get3A_1159 : vector<1x1x16xf32> to vector<16xf32>
          %swap3A_1161 = arith.constant 2 : i32
          %swap3A_1162 = arith.index_cast %swap3A_1161 : i32 to index
          %swap3A_1163 = arith.index_cast %add3A_934 : i32 to index
          %swap3A_1164 = arith.index_cast %mul3A_1154 : i32 to index
          %swap3A_1165 = tpu.vector_load %arg8[%swap3A_1162, %swap3A_1163, %swap3A_1164] {strides = array<i32>} : memref<8x8x768xf32, #tpu.memory_space<vmem>>, vector<1x1x16xf32>,
          %swap3A_1166 = vector.shape_cast %swap3A_1165 : vector<1x1x16xf32> to vector<16xf32>
          %swap3A_1167 = vector.shape_cast %get3A_1160 : vector<16xf32> to vector<1x1x16xf32>
          tpu.vector_store %arg8[%swap3A_1162, %swap3A_1163, %swap3A_1164], %swap3A_1167 {add = true, strides = array<i32>} : memref<8x8x768xf32, #tpu.memory_space<vmem>>, vector<1x1x16xf32>,
          %scan3A_1168 = arith.constant 11 : i32
          %scan3A_1169 = arith.addi %scan3A_940, %scan3A_1168 : i32
          %mul3A_1170 = arith.constant 1 : i32
          %mul3A_1171 = arith.muli %scan3A_1169, %mul3A_1170 : i32
          %add3A_1172 = arith.constant 0 : i32
          %add3A_1173 = arith.addi %add3A_1172, %mul3A_1171 : i32
          %mul3A_1174 = arith.constant 16 : i32
          %mul3A_1175 = arith.muli %add3A_1173, %mul3A_1174 : i32
          %get3A_1176 = arith.constant 2 : i32
          %get3A_1177 = arith.index_cast %get3A_1176 : i32 to index
          %get3A_1178 = arith.index_cast %add3A_934 : i32 to index
          %get3A_1179 = arith.index_cast %mul3A_1175 : i32 to index
          %get3A_1180 = tpu.vector_load %arg7[%get3A_1177, %get3A_1178, %get3A_1179] {strides = array<i32>} : memref<8x8x768xf32, #tpu.memory_space<vmem>>, vector<1x1x16xf32>,
          %get3A_1181 = vector.shape_cast %get3A_1180 : vector<1x1x16xf32> to vector<16xf32>
          %swap3A_1182 = arith.constant 2 : i32
          %swap3A_1183 = arith.index_cast %swap3A_1182 : i32 to index
          %swap3A_1184 = arith.index_cast %add3A_934 : i32 to index
          %swap3A_1185 = arith.index_cast %mul3A_1175 : i32 to index
          %swap3A_1186 = tpu.vector_load %arg8[%swap3A_1183, %swap3A_1184, %swap3A_1185] {strides = array<i32>} : memref<8x8x768xf32, #tpu.memory_space<vmem>>, vector<1x1x16xf32>,
          %swap3A_1187 = vector.shape_cast %swap3A_1186 : vector<1x1x16xf32> to vector<16xf32>
          %swap3A_1188 = vector.shape_cast %get3A_1181 : vector<16xf32> to vector<1x1x16xf32>
          tpu.vector_store %arg8[%swap3A_1183, %swap3A_1184, %swap3A_1185], %swap3A_1188 {add = true, strides = array<i32>} : memref<8x8x768xf32, #tpu.memory_space<vmem>>, vector<1x1x16xf32>,
          %scan3A_1189 = arith.constant 12 : i32
          %scan3A_1190 = arith.addi %scan3A_940, %scan3A_1189 : i32
          %mul3A_1191 = arith.constant 1 : i32
          %mul3A_1192 = arith.muli %scan3A_1190, %mul3A_1191 : i32
          %add3A_1193 = arith.constant 0 : i32
          %add3A_1194 = arith.addi %add3A_1193, %mul3A_1192 : i32
          %mul3A_1195 = arith.constant 16 : i32
          %mul3A_1196 = arith.muli %add3A_1194, %mul3A_1195 : i32
          %get3A_1197 = arith.constant 2 : i32
          %get3A_1198 = arith.index_cast %get3A_1197 : i32 to index
          %get3A_1199 = arith.index_cast %add3A_934 : i32 to index
          %get3A_1200 = arith.index_cast %mul3A_1196 : i32 to index
          %get3A_1201 = tpu.vector_load %arg7[%get3A_1198, %get3A_1199, %get3A_1200] {strides = array<i32>} : memref<8x8x768xf32, #tpu.memory_space<vmem>>, vector<1x1x16xf32>,
          %get3A_1202 = vector.shape_cast %get3A_1201 : vector<1x1x16xf32> to vector<16xf32>
          %swap3A_1203 = arith.constant 2 : i32
          %swap3A_1204 = arith.index_cast %swap3A_1203 : i32 to index
          %swap3A_1205 = arith.index_cast %add3A_934 : i32 to index
          %swap3A_1206 = arith.index_cast %mul3A_1196 : i32 to index
          %swap3A_1207 = tpu.vector_load %arg8[%swap3A_1204, %swap3A_1205, %swap3A_1206] {strides = array<i32>} : memref<8x8x768xf32, #tpu.memory_space<vmem>>, vector<1x1x16xf32>,
          %swap3A_1208 = vector.shape_cast %swap3A_1207 : vector<1x1x16xf32> to vector<16xf32>
          %swap3A_1209 = vector.shape_cast %get3A_1202 : vector<16xf32> to vector<1x1x16xf32>
          tpu.vector_store %arg8[%swap3A_1204, %swap3A_1205, %swap3A_1206], %swap3A_1209 {add = true, strides = array<i32>} : memref<8x8x768xf32, #tpu.memory_space<vmem>>, vector<1x1x16xf32>,
          %scan3A_1210 = arith.constant 13 : i32
          %scan3A_1211 = arith.addi %scan3A_940, %scan3A_1210 : i32
          %mul3A_1212 = arith.constant 1 : i32
          %mul3A_1213 = arith.muli %scan3A_1211, %mul3A_1212 : i32
          %add3A_1214 = arith.constant 0 : i32
          %add3A_1215 = arith.addi %add3A_1214, %mul3A_1213 : i32
          %mul3A_1216 = arith.constant 16 : i32
          %mul3A_1217 = arith.muli %add3A_1215, %mul3A_1216 : i32
          %get3A_1218 = arith.constant 2 : i32
          %get3A_1219 = arith.index_cast %get3A_1218 : i32 to index
          %get3A_1220 = arith.index_cast %add3A_934 : i32 to index
          %get3A_1221 = arith.index_cast %mul3A_1217 : i32 to index
          %get3A_1222 = tpu.vector_load %arg7[%get3A_1219, %get3A_1220, %get3A_1221] {strides = array<i32>} : memref<8x8x768xf32, #tpu.memory_space<vmem>>, vector<1x1x16xf32>,
          %get3A_1223 = vector.shape_cast %get3A_1222 : vector<1x1x16xf32> to vector<16xf32>
          %swap3A_1224 = arith.constant 2 : i32
          %swap3A_1225 = arith.index_cast %swap3A_1224 : i32 to index
          %swap3A_1226 = arith.index_cast %add3A_934 : i32 to index
          %swap3A_1227 = arith.index_cast %mul3A_1217 : i32 to index
          %swap3A_1228 = tpu.vector_load %arg8[%swap3A_1225, %swap3A_1226, %swap3A_1227] {strides = array<i32>} : memref<8x8x768xf32, #tpu.memory_space<vmem>>, vector<1x1x16xf32>,
          %swap3A_1229 = vector.shape_cast %swap3A_1228 : vector<1x1x16xf32> to vector<16xf32>
          %swap3A_1230 = vector.shape_cast %get3A_1223 : vector<16xf32> to vector<1x1x16xf32>
          tpu.vector_store %arg8[%swap3A_1225, %swap3A_1226, %swap3A_1227], %swap3A_1230 {add = true, strides = array<i32>} : memref<8x8x768xf32, #tpu.memory_space<vmem>>, vector<1x1x16xf32>,
          %scan3A_1231 = arith.constant 14 : i32
          %scan3A_1232 = arith.addi %scan3A_940, %scan3A_1231 : i32
          %mul3A_1233 = arith.constant 1 : i32
          %mul3A_1234 = arith.muli %scan3A_1232, %mul3A_1233 : i32
          %add3A_1235 = arith.constant 0 : i32
          %add3A_1236 = arith.addi %add3A_1235, %mul3A_1234 : i32
          %mul3A_1237 = arith.constant 16 : i32
          %mul3A_1238 = arith.muli %add3A_1236, %mul3A_1237 : i32
          %get3A_1239 = arith.constant 2 : i32
          %get3A_1240 = arith.index_cast %get3A_1239 : i32 to index
          %get3A_1241 = arith.index_cast %add3A_934 : i32 to index
          %get3A_1242 = arith.index_cast %mul3A_1238 : i32 to index
          %get3A_1243 = tpu.vector_load %arg7[%get3A_1240, %get3A_1241, %get3A_1242] {strides = array<i32>} : memref<8x8x768xf32, #tpu.memory_space<vmem>>, vector<1x1x16xf32>,
          %get3A_1244 = vector.shape_cast %get3A_1243 : vector<1x1x16xf32> to vector<16xf32>
          %swap3A_1245 = arith.constant 2 : i32
          %swap3A_1246 = arith.index_cast %swap3A_1245 : i32 to index
          %swap3A_1247 = arith.index_cast %add3A_934 : i32 to index
          %swap3A_1248 = arith.index_cast %mul3A_1238 : i32 to index
          %swap3A_1249 = tpu.vector_load %arg8[%swap3A_1246, %swap3A_1247, %swap3A_1248] {strides = array<i32>} : memref<8x8x768xf32, #tpu.memory_space<vmem>>, vector<1x1x16xf32>,
          %swap3A_1250 = vector.shape_cast %swap3A_1249 : vector<1x1x16xf32> to vector<16xf32>
          %swap3A_1251 = vector.shape_cast %get3A_1244 : vector<16xf32> to vector<1x1x16xf32>
          tpu.vector_store %arg8[%swap3A_1246, %swap3A_1247, %swap3A_1248], %swap3A_1251 {add = true, strides = array<i32>} : memref<8x8x768xf32, #tpu.memory_space<vmem>>, vector<1x1x16xf32>,
          %scan3A_1252 = arith.constant 15 : i32
          %scan3A_1253 = arith.addi %scan3A_940, %scan3A_1252 : i32
          %mul3A_1254 = arith.constant 1 : i32
          %mul3A_1255 = arith.muli %scan3A_1253, %mul3A_1254 : i32
          %add3A_1256 = arith.constant 0 : i32
          %add3A_1257 = arith.addi %add3A_1256, %mul3A_1255 : i32
          %mul3A_1258 = arith.constant 16 : i32
          %mul3A_1259 = arith.muli %add3A_1257, %mul3A_1258 : i32
          %get3A_1260 = arith.constant 2 : i32
          %get3A_1261 = arith.index_cast %get3A_1260 : i32 to index
          %get3A_1262 = arith.index_cast %add3A_934 : i32 to index
          %get3A_1263 = arith.index_cast %mul3A_1259 : i32 to index
          %get3A_1264 = tpu.vector_load %arg7[%get3A_1261, %get3A_1262, %get3A_1263] {strides = array<i32>} : memref<8x8x768xf32, #tpu.memory_space<vmem>>, vector<1x1x16xf32>,
          %get3A_1265 = vector.shape_cast %get3A_1264 : vector<1x1x16xf32> to vector<16xf32>
          %swap3A_1266 = arith.constant 2 : i32
          %swap3A_1267 = arith.index_cast %swap3A_1266 : i32 to index
          %swap3A_1268 = arith.index_cast %add3A_934 : i32 to index
          %swap3A_1269 = arith.index_cast %mul3A_1259 : i32 to index
          %swap3A_1270 = tpu.vector_load %arg8[%swap3A_1267, %swap3A_1268, %swap3A_1269] {strides = array<i32>} : memref<8x8x768xf32, #tpu.memory_space<vmem>>, vector<1x1x16xf32>,
          %swap3A_1271 = vector.shape_cast %swap3A_1270 : vector<1x1x16xf32> to vector<16xf32>
          %swap3A_1272 = vector.shape_cast %get3A_1265 : vector<16xf32> to vector<1x1x16xf32>
          tpu.vector_store %arg8[%swap3A_1267, %swap3A_1268, %swap3A_1269], %swap3A_1272 {add = true, strides = array<i32>} : memref<8x8x768xf32, #tpu.memory_space<vmem>>, vector<1x1x16xf32>,
        }
        %scan3A_939 = arith.constant 48 : i32
      }
      %scan3A_575 = arith.constant 8 : i32
      %mul3A_576 = arith.constant 8 : i32
      %mul3A_577 = arith.muli %add3A_537, %mul3A_576 : i32
      %add3A_578 = arith.addi %mul3A_2, %mul3A_577 : i32
      %dma_start3A_579 = arith.constant 2 : i32
      %dma_start3A_580 = arith.constant 2 : i32
      %dma_start3A_581 = arith.constant 0 : i32
      %dma_start3A_582 = arith.constant 0 : i32
      %dma_start3A_583 = tpu.memref_slice %arg8[%dma_start3A_579, %dma_start3A_581, %dma_start3A_582] : memref<8x8x768xf32, #tpu.memory_space<vmem>> -> memref<1x8x768xf32, #tpu.memory_space<vmem>>
      %dma_start3A_584 = tpu.memref_squeeze %dma_start3A_583 : memref<1x8x768xf32, #tpu.memory_space<vmem>> -> memref<8x768xf32, #tpu.memory_space<vmem>>
      %dma_start3A_585 = arith.constant 0 : i32
      %dma_start3A_586 = tpu.memref_slice %arg5[%add3A_578, %dma_start3A_585] : memref<32768x768xf32, #tpu.memory_space<hbm>> -> memref<8x768xf32, #tpu.memory_space<hbm>>
      %dma_start3A_587 = tpu.memref_slice %arg11[%dma_start3A_580] : memref<8x!tpu.dma_semaphore, #tpu.memory_space<semaphore_mem>> -> memref<1x!tpu.dma_semaphore, #tpu.memory_space<semaphore_mem>>
      %dma_start3A_588 = tpu.memref_squeeze %dma_start3A_587 : memref<1x!tpu.dma_semaphore, #tpu.memory_space<semaphore_mem>> -> memref<!tpu.dma_semaphore, #tpu.memory_space<semaphore_mem>>
      %dma_start3A_589 = arith.constant 0 : i32
      %dma_start3A_590 = tpu.memref_slice %arg5[%add3A_578, %dma_start3A_589] : memref<32768x768xf32, #tpu.memory_space<hbm>> -> memref<8x768xf32, #tpu.memory_space<hbm>>
      %dma_start3A_591 = arith.constant 0 : i32
      %dma_start3A_592 = arith.constant 0 : i32
      %dma_start3A_593 = tpu.memref_slice %arg8[%dma_start3A_579, %dma_start3A_591, %dma_start3A_592] : memref<8x8x768xf32, #tpu.memory_space<vmem>> -> memref<1x8x768xf32, #tpu.memory_space<vmem>>
      %dma_start3A_594 = tpu.memref_squeeze %dma_start3A_593 : memref<1x8x768xf32, #tpu.memory_space<vmem>> -> memref<8x768xf32, #tpu.memory_space<vmem>>
      tpu.enqueue_dma source(%dma_start3A_594 : memref<8x768xf32, #tpu.memory_space<vmem>>) target(%dma_start3A_590 : memref<8x768xf32, #tpu.memory_space<hbm>>) target_semaphore(%dma_start3A_588 : memref<!tpu.dma_semaphore, #tpu.memory_space<semaphore_mem>>)
      %lt3A_595 = arith.constant 15 : i32
      %lt3A_596 = arith.cmpi slt, %add3A_370, %lt3A_595 : i32
      %convert_element_type3A_597 = arith.extui %lt3A_596 : i1 to i32
      %cond3A_598 = arith.constant 0 : i32
      %cond3A_599 = arith.cmpi ne, %convert_element_type3A_597, %cond3A_598 : i32
      scf.if %cond3A_599 {
        %mul3A_930 = arith.constant 8 : i32
        %mul3A_931 = arith.muli %add3A_370, %mul3A_930 : i32
        %add3A_932 = arith.constant 2 : i32
        %add3A_933 = arith.addi %mul3A_931, %add3A_932 : i32
        %add3A_934 = arith.constant 7 : i32
        %add3A_935 = arith.addi %add3A_933, %add3A_934 : i32
        %sub3A = arith.constant 8 : i32
        %sub3A_936 = arith.subi %add3A_935, %sub3A : i32
        %mul3A_937 = arith.constant 8 : i32
        %mul3A_938 = arith.muli %sub3A_936, %mul3A_937 : i32
        %add3A_939 = arith.addi %mul3A_2, %mul3A_938 : i32
        %dma_wait3A_940 = arith.constant 1 : i32
        %dma_wait3A_941 = arith.constant 1 : i32
        %dma_wait3A_942 = arith.constant 0 : i32
        %dma_wait3A_943 = arith.constant 0 : i32
        %dma_wait3A_944 = tpu.memref_slice %arg8[%dma_wait3A_940, %dma_wait3A_942, %dma_wait3A_943] : memref<8x8x768xf32, #tpu.memory_space<vmem>> -> memref<1x8x768xf32, #tpu.memory_space<vmem>>
        %dma_wait3A_945 = tpu.memref_squeeze %dma_wait3A_944 : memref<1x8x768xf32, #tpu.memory_space<vmem>> -> memref<8x768xf32, #tpu.memory_space<vmem>>
        %dma_wait3A_946 = arith.constant 0 : i32
        %dma_wait3A_947 = tpu.memref_slice %arg5[%add3A_939, %dma_wait3A_946] : memref<32768x768xf32, #tpu.memory_space<hbm>> -> memref<8x768xf32, #tpu.memory_space<hbm>>
        %dma_wait3A_948 = tpu.memref_slice %arg11[%dma_wait3A_941] : memref<8x!tpu.dma_semaphore, #tpu.memory_space<semaphore_mem>> -> memref<1x!tpu.dma_semaphore, #tpu.memory_space<semaphore_mem>>
        %dma_wait3A_949 = tpu.memref_squeeze %dma_wait3A_948 : memref<1x!tpu.dma_semaphore, #tpu.memory_space<semaphore_mem>> -> memref<!tpu.dma_semaphore, #tpu.memory_space<semaphore_mem>>
        %dma_wait3A_950 = arith.constant 0 : i32
        %dma_wait3A_951 = tpu.memref_slice %arg5[%add3A_939, %dma_wait3A_950] : memref<32768x768xf32, #tpu.memory_space<hbm>> -> memref<8x768xf32, #tpu.memory_space<hbm>>
        %dma_wait3A_952 = arith.constant 0 : i32
        %dma_wait3A_953 = arith.constant 0 : i32
        %dma_wait3A_954 = tpu.memref_slice %arg8[%dma_wait3A_940, %dma_wait3A_952, %dma_wait3A_953] : memref<8x8x768xf32, #tpu.memory_space<vmem>> -> memref<1x8x768xf32, #tpu.memory_space<vmem>>
        %dma_wait3A_955 = tpu.memref_squeeze %dma_wait3A_954 : memref<1x8x768xf32, #tpu.memory_space<vmem>> -> memref<8x768xf32, #tpu.memory_space<vmem>>
        tpu.wait_dma2 semaphore(%dma_wait3A_949 : memref<!tpu.dma_semaphore, #tpu.memory_space<semaphore_mem>>) src(%dma_wait3A_955 : memref<8x768xf32, #tpu.memory_space<vmem>>) dst(%dma_wait3A_951 : memref<8x768xf32, #tpu.memory_space<hbm>>)
        %add3A_956 = arith.constant 7 : i32
        %add3A_957 = arith.addi %add3A_537, %add3A_956 : i32
        %mul3A_958 = arith.constant 8 : i32
        %mul3A_959 = arith.muli %add3A_957, %mul3A_958 : i32
        %add3A_960 = arith.addi %mul3A_2, %mul3A_959 : i32
        %dma_start3A_961 = arith.constant 1 : i32
        %dma_start3A_962 = arith.constant 1 : i32
        %dma_start3A_963 = arith.constant 0 : i32
        %dma_start3A_964 = arith.constant 0 : i32
        %dma_start3A_965 = tpu.memref_slice %arg7[%dma_start3A_961, %dma_start3A_963, %dma_start3A_964] : memref<8x8x768xf32, #tpu.memory_space<vmem>> -> memref<1x8x768xf32, #tpu.memory_space<vmem>>
        %dma_start3A_966 = tpu.memref_squeeze %dma_start3A_965 : memref<1x8x768xf32, #tpu.memory_space<vmem>> -> memref<8x768xf32, #tpu.memory_space<vmem>>
        %dma_start3A_967 = arith.constant 0 : i32
        %dma_start3A_968 = tpu.memref_slice %arg2[%add3A_960, %dma_start3A_967] : memref<32768x768xf32, #tpu.memory_space<hbm>> -> memref<8x768xf32, #tpu.memory_space<hbm>>
        %dma_start3A_969 = tpu.memref_slice %arg9[%dma_start3A_962] : memref<8x!tpu.dma_semaphore, #tpu.memory_space<semaphore_mem>> -> memref<1x!tpu.dma_semaphore, #tpu.memory_space<semaphore_mem>>
        %dma_start3A_970 = tpu.memref_squeeze %dma_start3A_969 : memref<1x!tpu.dma_semaphore, #tpu.memory_space<semaphore_mem>> -> memref<!tpu.dma_semaphore, #tpu.memory_space<semaphore_mem>>
        %dma_start3A_971 = arith.constant 0 : i32
        %dma_start3A_972 = arith.constant 0 : i32
        %dma_start3A_973 = tpu.memref_slice %arg7[%dma_start3A_961, %dma_start3A_971, %dma_start3A_972] : memref<8x8x768xf32, #tpu.memory_space<vmem>> -> memref<1x8x768xf32, #tpu.memory_space<vmem>>
        %dma_start3A_974 = tpu.memref_squeeze %dma_start3A_973 : memref<1x8x768xf32, #tpu.memory_space<vmem>> -> memref<8x768xf32, #tpu.memory_space<vmem>>
        %dma_start3A_975 = arith.constant 0 : i32
        %dma_start3A_976 = tpu.memref_slice %arg2[%add3A_960, %dma_start3A_975] : memref<32768x768xf32, #tpu.memory_space<hbm>> -> memref<8x768xf32, #tpu.memory_space<hbm>>
        tpu.enqueue_dma source(%dma_start3A_976 : memref<8x768xf32, #tpu.memory_space<hbm>>) target(%dma_start3A_974 : memref<8x768xf32, #tpu.memory_space<vmem>>) target_semaphore(%dma_start3A_970 : memref<!tpu.dma_semaphore, #tpu.memory_space<semaphore_mem>>)
        %mul3A_977 = arith.constant 8 : i32
        %mul3A_978 = arith.muli %add3A_957, %mul3A_977 : i32
        %dma_start3A_979 = arith.constant 1 : i32
        %dma_start3A_980 = arith.constant 1 : i32
        %dma_start3A_981 = arith.constant 0 : i32
        %dma_start3A_982 = arith.constant 0 : i32
        %dma_start3A_983 = tpu.memref_slice %arg8[%dma_start3A_979, %dma_start3A_981, %dma_start3A_982] : memref<8x8x768xf32, #tpu.memory_space<vmem>> -> memref<1x8x768xf32, #tpu.memory_space<vmem>>
        %dma_start3A_984 = tpu.memref_squeeze %dma_start3A_983 : memref<1x8x768xf32, #tpu.memory_space<vmem>> -> memref<8x768xf32, #tpu.memory_space<vmem>>
        %dma_start3A_985 = tpu.memref_slice %arg6[%mul3A_978] : memref<1024xi32, #tpu.memory_space<vmem>> -> memref<8xi32, #tpu.memory_space<vmem>>
        %dma_start3A_986 = arith.constant 0 : i32
        %dma_start3A_987 = arith.constant 0 : i32
        %dma_start3A_988 = tpu.memref_slice %arg4[%dma_start3A_986, %dma_start3A_987] : memref<8192x768xf32, #tpu.memory_space<hbm>> -> memref<8192x768xf32, #tpu.memory_space<hbm>>
        %dma_start3A_989 = tpu.memref_slice %arg10[%dma_start3A_980] : memref<8x!tpu.dma_semaphore, #tpu.memory_space<semaphore_mem>> -> memref<1x!tpu.dma_semaphore, #tpu.memory_space<semaphore_mem>>
        %dma_start3A_990 = tpu.memref_squeeze %dma_start3A_989 : memref<1x!tpu.dma_semaphore, #tpu.memory_space<semaphore_mem>> -> memref<!tpu.dma_semaphore, #tpu.memory_space<semaphore_mem>>
        tpu.enqueue_indirect_dma source(%dma_start3A_988 : memref<8192x768xf32, #tpu.memory_space<hbm>>) target(%dma_start3A_984 : memref<8x768xf32, #tpu.memory_space<vmem>>) offsets(%dma_start3A_985 : memref<8xi32, #tpu.memory_space<vmem>>) semaphore(%dma_start3A_990 : memref<!tpu.dma_semaphore, #tpu.memory_space<semaphore_mem>>)
      } else {
      }
      %mul3A_600 = arith.constant 8 : i32
      %mul3A_601 = arith.muli %add3A_370, %mul3A_600 : i32
      %add3A_602 = arith.constant 3 : i32
      %add3A_603 = arith.addi %mul3A_601, %add3A_602 : i32
      %mul3A_604 = arith.constant 8 : i32
      %mul3A_605 = arith.muli %add3A_603, %mul3A_604 : i32
      %add3A_606 = arith.addi %mul3A_2, %mul3A_605 : i32
      %dma_wait3A_607 = arith.constant 3 : i32
      %dma_wait3A_608 = arith.constant 3 : i32
      %dma_wait3A_609 = arith.constant 0 : i32
      %dma_wait3A_610 = arith.constant 0 : i32
      %dma_wait3A_611 = tpu.memref_slice %arg7[%dma_wait3A_607, %dma_wait3A_609, %dma_wait3A_610] : memref<8x8x768xf32, #tpu.memory_space<vmem>> -> memref<1x8x768xf32, #tpu.memory_space<vmem>>
      %dma_wait3A_612 = tpu.memref_squeeze %dma_wait3A_611 : memref<1x8x768xf32, #tpu.memory_space<vmem>> -> memref<8x768xf32, #tpu.memory_space<vmem>>
      %dma_wait3A_613 = arith.constant 0 : i32
      %dma_wait3A_614 = tpu.memref_slice %arg2[%add3A_606, %dma_wait3A_613] : memref<32768x768xf32, #tpu.memory_space<hbm>> -> memref<8x768xf32, #tpu.memory_space<hbm>>
      %dma_wait3A_615 = tpu.memref_slice %arg9[%dma_wait3A_608] : memref<8x!tpu.dma_semaphore, #tpu.memory_space<semaphore_mem>> -> memref<1x!tpu.dma_semaphore, #tpu.memory_space<semaphore_mem>>
      %dma_wait3A_616 = tpu.memref_squeeze %dma_wait3A_615 : memref<1x!tpu.dma_semaphore, #tpu.memory_space<semaphore_mem>> -> memref<!tpu.dma_semaphore, #tpu.memory_space<semaphore_mem>>
      %dma_wait3A_617 = arith.constant 0 : i32
      %dma_wait3A_618 = arith.constant 0 : i32
      %dma_wait3A_619 = tpu.memref_slice %arg7[%dma_wait3A_607, %dma_wait3A_617, %dma_wait3A_618] : memref<8x8x768xf32, #tpu.memory_space<vmem>> -> memref<1x8x768xf32, #tpu.memory_space<vmem>>
      %dma_wait3A_620 = tpu.memref_squeeze %dma_wait3A_619 : memref<1x8x768xf32, #tpu.memory_space<vmem>> -> memref<8x768xf32, #tpu.memory_space<vmem>>
      %dma_wait3A_621 = arith.constant 0 : i32
      %dma_wait3A_622 = tpu.memref_slice %arg2[%add3A_606, %dma_wait3A_621] : memref<32768x768xf32, #tpu.memory_space<hbm>> -> memref<8x768xf32, #tpu.memory_space<hbm>>
      tpu.wait_dma2 semaphore(%dma_wait3A_616 : memref<!tpu.dma_semaphore, #tpu.memory_space<semaphore_mem>>) src(%dma_wait3A_622 : memref<8x768xf32, #tpu.memory_space<hbm>>) dst(%dma_wait3A_620 : memref<8x768xf32, #tpu.memory_space<vmem>>)
      %mul3A_623 = arith.constant 8 : i32
      %mul3A_624 = arith.muli %add3A_603, %mul3A_623 : i32
      %dma_wait3A_625 = arith.constant 3 : i32
      %dma_wait3A_626 = arith.constant 3 : i32
      %dma_wait3A_627 = arith.constant 0 : i32
      %dma_wait3A_628 = arith.constant 0 : i32
      %dma_wait3A_629 = tpu.memref_slice %arg8[%dma_wait3A_625, %dma_wait3A_627, %dma_wait3A_628] : memref<8x8x768xf32, #tpu.memory_space<vmem>> -> memref<1x8x768xf32, #tpu.memory_space<vmem>>
      %dma_wait3A_630 = tpu.memref_squeeze %dma_wait3A_629 : memref<1x8x768xf32, #tpu.memory_space<vmem>> -> memref<8x768xf32, #tpu.memory_space<vmem>>
      %dma_wait3A_631 = tpu.memref_slice %arg6[%mul3A_624] : memref<1024xi32, #tpu.memory_space<vmem>> -> memref<8xi32, #tpu.memory_space<vmem>>
      %dma_wait3A_632 = arith.constant 0 : i32
      %dma_wait3A_633 = arith.constant 0 : i32
      %dma_wait3A_634 = tpu.memref_slice %arg4[%dma_wait3A_632, %dma_wait3A_633] : memref<8192x768xf32, #tpu.memory_space<hbm>> -> memref<8192x768xf32, #tpu.memory_space<hbm>>
      %dma_wait3A_635 = tpu.memref_slice %arg10[%dma_wait3A_626] : memref<8x!tpu.dma_semaphore, #tpu.memory_space<semaphore_mem>> -> memref<1x!tpu.dma_semaphore, #tpu.memory_space<semaphore_mem>>
      %dma_wait3A_636 = tpu.memref_squeeze %dma_wait3A_635 : memref<1x!tpu.dma_semaphore, #tpu.memory_space<semaphore_mem>> -> memref<!tpu.dma_semaphore, #tpu.memory_space<semaphore_mem>>
      tpu.wait_indirect_dma semaphore(%dma_wait3A_636 : memref<!tpu.dma_semaphore, #tpu.memory_space<semaphore_mem>>) src(%dma_wait3A_634 : memref<8192x768xf32, #tpu.memory_space<hbm>>) dst(%dma_wait3A_630 : memref<8x768xf32, #tpu.memory_space<vmem>>)
      %scan3A_637 = arith.constant 0 : i32
      %scan3A_638 = arith.constant 8 : i32
      %scan3A_639 = arith.addi %scan3A_637, %scan3A_638 : i32
      %scan3A_640 = arith.constant 1 : i32
      scf.for %scan3A_930 = %scan3A_637 to %scan3A_639 step %scan3A_640  : i32 {
        %mul3A_931 = arith.constant 1 : i32
        %mul3A_932 = arith.muli %scan3A_930, %mul3A_931 : i32
        %add3A_933 = arith.constant 0 : i32
        %add3A_934 = arith.addi %add3A_933, %mul3A_932 : i32
        %scan3A_935 = arith.constant 0 : i32
        %scan3A_936 = arith.constant 48 : i32
        %scan3A_937 = arith.addi %scan3A_935, %scan3A_936 : i32
        %scan3A_938 = arith.constant 16 : i32
        scf.for %scan3A_940 = %scan3A_935 to %scan3A_937 step %scan3A_938  : i32 {
          %mul3A_941 = arith.constant 1 : i32
          %mul3A_942 = arith.muli %scan3A_940, %mul3A_941 : i32
          %add3A_943 = arith.constant 0 : i32
          %add3A_944 = arith.addi %add3A_943, %mul3A_942 : i32
          %mul3A_945 = arith.constant 16 : i32
          %mul3A_946 = arith.muli %add3A_944, %mul3A_945 : i32
          %get3A = arith.constant 3 : i32
          %get3A_947 = arith.index_cast %get3A : i32 to index
          %get3A_948 = arith.index_cast %add3A_934 : i32 to index
          %get3A_949 = arith.index_cast %mul3A_946 : i32 to index
          %get3A_950 = tpu.vector_load %arg7[%get3A_947, %get3A_948, %get3A_949] {strides = array<i32>} : memref<8x8x768xf32, #tpu.memory_space<vmem>>, vector<1x1x16xf32>,
          %get3A_951 = vector.shape_cast %get3A_950 : vector<1x1x16xf32> to vector<16xf32>
          %swap3A = arith.constant 3 : i32
          %swap3A_952 = arith.index_cast %swap3A : i32 to index
          %swap3A_953 = arith.index_cast %add3A_934 : i32 to index
          %swap3A_954 = arith.index_cast %mul3A_946 : i32 to index
          %swap3A_955 = tpu.vector_load %arg8[%swap3A_952, %swap3A_953, %swap3A_954] {strides = array<i32>} : memref<8x8x768xf32, #tpu.memory_space<vmem>>, vector<1x1x16xf32>,
          %swap3A_956 = vector.shape_cast %swap3A_955 : vector<1x1x16xf32> to vector<16xf32>
          %swap3A_957 = vector.shape_cast %get3A_951 : vector<16xf32> to vector<1x1x16xf32>
          tpu.vector_store %arg8[%swap3A_952, %swap3A_953, %swap3A_954], %swap3A_957 {add = true, strides = array<i32>} : memref<8x8x768xf32, #tpu.memory_space<vmem>>, vector<1x1x16xf32>,
          %scan3A_958 = arith.constant 1 : i32
          %scan3A_959 = arith.addi %scan3A_940, %scan3A_958 : i32
          %mul3A_960 = arith.constant 1 : i32
          %mul3A_961 = arith.muli %scan3A_959, %mul3A_960 : i32
          %add3A_962 = arith.constant 0 : i32
          %add3A_963 = arith.addi %add3A_962, %mul3A_961 : i32
          %mul3A_964 = arith.constant 16 : i32
          %mul3A_965 = arith.muli %add3A_963, %mul3A_964 : i32
          %get3A_966 = arith.constant 3 : i32
          %get3A_967 = arith.index_cast %get3A_966 : i32 to index
          %get3A_968 = arith.index_cast %add3A_934 : i32 to index
          %get3A_969 = arith.index_cast %mul3A_965 : i32 to index
          %get3A_970 = tpu.vector_load %arg7[%get3A_967, %get3A_968, %get3A_969] {strides = array<i32>} : memref<8x8x768xf32, #tpu.memory_space<vmem>>, vector<1x1x16xf32>,
          %get3A_971 = vector.shape_cast %get3A_970 : vector<1x1x16xf32> to vector<16xf32>
          %swap3A_972 = arith.constant 3 : i32
          %swap3A_973 = arith.index_cast %swap3A_972 : i32 to index
          %swap3A_974 = arith.index_cast %add3A_934 : i32 to index
          %swap3A_975 = arith.index_cast %mul3A_965 : i32 to index
          %swap3A_976 = tpu.vector_load %arg8[%swap3A_973, %swap3A_974, %swap3A_975] {strides = array<i32>} : memref<8x8x768xf32, #tpu.memory_space<vmem>>, vector<1x1x16xf32>,
          %swap3A_977 = vector.shape_cast %swap3A_976 : vector<1x1x16xf32> to vector<16xf32>
          %swap3A_978 = vector.shape_cast %get3A_971 : vector<16xf32> to vector<1x1x16xf32>
          tpu.vector_store %arg8[%swap3A_973, %swap3A_974, %swap3A_975], %swap3A_978 {add = true, strides = array<i32>} : memref<8x8x768xf32, #tpu.memory_space<vmem>>, vector<1x1x16xf32>,
          %scan3A_979 = arith.constant 2 : i32
          %scan3A_980 = arith.addi %scan3A_940, %scan3A_979 : i32
          %mul3A_981 = arith.constant 1 : i32
          %mul3A_982 = arith.muli %scan3A_980, %mul3A_981 : i32
          %add3A_983 = arith.constant 0 : i32
          %add3A_984 = arith.addi %add3A_983, %mul3A_982 : i32
          %mul3A_985 = arith.constant 16 : i32
          %mul3A_986 = arith.muli %add3A_984, %mul3A_985 : i32
          %get3A_987 = arith.constant 3 : i32
          %get3A_988 = arith.index_cast %get3A_987 : i32 to index
          %get3A_989 = arith.index_cast %add3A_934 : i32 to index
          %get3A_990 = arith.index_cast %mul3A_986 : i32 to index
          %get3A_991 = tpu.vector_load %arg7[%get3A_988, %get3A_989, %get3A_990] {strides = array<i32>} : memref<8x8x768xf32, #tpu.memory_space<vmem>>, vector<1x1x16xf32>,
          %get3A_992 = vector.shape_cast %get3A_991 : vector<1x1x16xf32> to vector<16xf32>
          %swap3A_993 = arith.constant 3 : i32
          %swap3A_994 = arith.index_cast %swap3A_993 : i32 to index
          %swap3A_995 = arith.index_cast %add3A_934 : i32 to index
          %swap3A_996 = arith.index_cast %mul3A_986 : i32 to index
          %swap3A_997 = tpu.vector_load %arg8[%swap3A_994, %swap3A_995, %swap3A_996] {strides = array<i32>} : memref<8x8x768xf32, #tpu.memory_space<vmem>>, vector<1x1x16xf32>,
          %swap3A_998 = vector.shape_cast %swap3A_997 : vector<1x1x16xf32> to vector<16xf32>
          %swap3A_999 = vector.shape_cast %get3A_992 : vector<16xf32> to vector<1x1x16xf32>
          tpu.vector_store %arg8[%swap3A_994, %swap3A_995, %swap3A_996], %swap3A_999 {add = true, strides = array<i32>} : memref<8x8x768xf32, #tpu.memory_space<vmem>>, vector<1x1x16xf32>,
          %scan3A_1000 = arith.constant 3 : i32
          %scan3A_1001 = arith.addi %scan3A_940, %scan3A_1000 : i32
          %mul3A_1002 = arith.constant 1 : i32
          %mul3A_1003 = arith.muli %scan3A_1001, %mul3A_1002 : i32
          %add3A_1004 = arith.constant 0 : i32
          %add3A_1005 = arith.addi %add3A_1004, %mul3A_1003 : i32
          %mul3A_1006 = arith.constant 16 : i32
          %mul3A_1007 = arith.muli %add3A_1005, %mul3A_1006 : i32
          %get3A_1008 = arith.constant 3 : i32
          %get3A_1009 = arith.index_cast %get3A_1008 : i32 to index
          %get3A_1010 = arith.index_cast %add3A_934 : i32 to index
          %get3A_1011 = arith.index_cast %mul3A_1007 : i32 to index
          %get3A_1012 = tpu.vector_load %arg7[%get3A_1009, %get3A_1010, %get3A_1011] {strides = array<i32>} : memref<8x8x768xf32, #tpu.memory_space<vmem>>, vector<1x1x16xf32>,
          %get3A_1013 = vector.shape_cast %get3A_1012 : vector<1x1x16xf32> to vector<16xf32>
          %swap3A_1014 = arith.constant 3 : i32
          %swap3A_1015 = arith.index_cast %swap3A_1014 : i32 to index
          %swap3A_1016 = arith.index_cast %add3A_934 : i32 to index
          %swap3A_1017 = arith.index_cast %mul3A_1007 : i32 to index
          %swap3A_1018 = tpu.vector_load %arg8[%swap3A_1015, %swap3A_1016, %swap3A_1017] {strides = array<i32>} : memref<8x8x768xf32, #tpu.memory_space<vmem>>, vector<1x1x16xf32>,
          %swap3A_1019 = vector.shape_cast %swap3A_1018 : vector<1x1x16xf32> to vector<16xf32>
          %swap3A_1020 = vector.shape_cast %get3A_1013 : vector<16xf32> to vector<1x1x16xf32>
          tpu.vector_store %arg8[%swap3A_1015, %swap3A_1016, %swap3A_1017], %swap3A_1020 {add = true, strides = array<i32>} : memref<8x8x768xf32, #tpu.memory_space<vmem>>, vector<1x1x16xf32>,
          %scan3A_1021 = arith.constant 4 : i32
          %scan3A_1022 = arith.addi %scan3A_940, %scan3A_1021 : i32
          %mul3A_1023 = arith.constant 1 : i32
          %mul3A_1024 = arith.muli %scan3A_1022, %mul3A_1023 : i32
          %add3A_1025 = arith.constant 0 : i32
          %add3A_1026 = arith.addi %add3A_1025, %mul3A_1024 : i32
          %mul3A_1027 = arith.constant 16 : i32
          %mul3A_1028 = arith.muli %add3A_1026, %mul3A_1027 : i32
          %get3A_1029 = arith.constant 3 : i32
          %get3A_1030 = arith.index_cast %get3A_1029 : i32 to index
          %get3A_1031 = arith.index_cast %add3A_934 : i32 to index
          %get3A_1032 = arith.index_cast %mul3A_1028 : i32 to index
          %get3A_1033 = tpu.vector_load %arg7[%get3A_1030, %get3A_1031, %get3A_1032] {strides = array<i32>} : memref<8x8x768xf32, #tpu.memory_space<vmem>>, vector<1x1x16xf32>,
          %get3A_1034 = vector.shape_cast %get3A_1033 : vector<1x1x16xf32> to vector<16xf32>
          %swap3A_1035 = arith.constant 3 : i32
          %swap3A_1036 = arith.index_cast %swap3A_1035 : i32 to index
          %swap3A_1037 = arith.index_cast %add3A_934 : i32 to index
          %swap3A_1038 = arith.index_cast %mul3A_1028 : i32 to index
          %swap3A_1039 = tpu.vector_load %arg8[%swap3A_1036, %swap3A_1037, %swap3A_1038] {strides = array<i32>} : memref<8x8x768xf32, #tpu.memory_space<vmem>>, vector<1x1x16xf32>,
          %swap3A_1040 = vector.shape_cast %swap3A_1039 : vector<1x1x16xf32> to vector<16xf32>
          %swap3A_1041 = vector.shape_cast %get3A_1034 : vector<16xf32> to vector<1x1x16xf32>
          tpu.vector_store %arg8[%swap3A_1036, %swap3A_1037, %swap3A_1038], %swap3A_1041 {add = true, strides = array<i32>} : memref<8x8x768xf32, #tpu.memory_space<vmem>>, vector<1x1x16xf32>,
          %scan3A_1042 = arith.constant 5 : i32
          %scan3A_1043 = arith.addi %scan3A_940, %scan3A_1042 : i32
          %mul3A_1044 = arith.constant 1 : i32
          %mul3A_1045 = arith.muli %scan3A_1043, %mul3A_1044 : i32
          %add3A_1046 = arith.constant 0 : i32
          %add3A_1047 = arith.addi %add3A_1046, %mul3A_1045 : i32
          %mul3A_1048 = arith.constant 16 : i32
          %mul3A_1049 = arith.muli %add3A_1047, %mul3A_1048 : i32
          %get3A_1050 = arith.constant 3 : i32
          %get3A_1051 = arith.index_cast %get3A_1050 : i32 to index
          %get3A_1052 = arith.index_cast %add3A_934 : i32 to index
          %get3A_1053 = arith.index_cast %mul3A_1049 : i32 to index
          %get3A_1054 = tpu.vector_load %arg7[%get3A_1051, %get3A_1052, %get3A_1053] {strides = array<i32>} : memref<8x8x768xf32, #tpu.memory_space<vmem>>, vector<1x1x16xf32>,
          %get3A_1055 = vector.shape_cast %get3A_1054 : vector<1x1x16xf32> to vector<16xf32>
          %swap3A_1056 = arith.constant 3 : i32
          %swap3A_1057 = arith.index_cast %swap3A_1056 : i32 to index
          %swap3A_1058 = arith.index_cast %add3A_934 : i32 to index
          %swap3A_1059 = arith.index_cast %mul3A_1049 : i32 to index
          %swap3A_1060 = tpu.vector_load %arg8[%swap3A_1057, %swap3A_1058, %swap3A_1059] {strides = array<i32>} : memref<8x8x768xf32, #tpu.memory_space<vmem>>, vector<1x1x16xf32>,
          %swap3A_1061 = vector.shape_cast %swap3A_1060 : vector<1x1x16xf32> to vector<16xf32>
          %swap3A_1062 = vector.shape_cast %get3A_1055 : vector<16xf32> to vector<1x1x16xf32>
          tpu.vector_store %arg8[%swap3A_1057, %swap3A_1058, %swap3A_1059], %swap3A_1062 {add = true, strides = array<i32>} : memref<8x8x768xf32, #tpu.memory_space<vmem>>, vector<1x1x16xf32>,
          %scan3A_1063 = arith.constant 6 : i32
          %scan3A_1064 = arith.addi %scan3A_940, %scan3A_1063 : i32
          %mul3A_1065 = arith.constant 1 : i32
          %mul3A_1066 = arith.muli %scan3A_1064, %mul3A_1065 : i32
          %add3A_1067 = arith.constant 0 : i32
          %add3A_1068 = arith.addi %add3A_1067, %mul3A_1066 : i32
          %mul3A_1069 = arith.constant 16 : i32
          %mul3A_1070 = arith.muli %add3A_1068, %mul3A_1069 : i32
          %get3A_1071 = arith.constant 3 : i32
          %get3A_1072 = arith.index_cast %get3A_1071 : i32 to index
          %get3A_1073 = arith.index_cast %add3A_934 : i32 to index
          %get3A_1074 = arith.index_cast %mul3A_1070 : i32 to index
          %get3A_1075 = tpu.vector_load %arg7[%get3A_1072, %get3A_1073, %get3A_1074] {strides = array<i32>} : memref<8x8x768xf32, #tpu.memory_space<vmem>>, vector<1x1x16xf32>,
          %get3A_1076 = vector.shape_cast %get3A_1075 : vector<1x1x16xf32> to vector<16xf32>
          %swap3A_1077 = arith.constant 3 : i32
          %swap3A_1078 = arith.index_cast %swap3A_1077 : i32 to index
          %swap3A_1079 = arith.index_cast %add3A_934 : i32 to index
          %swap3A_1080 = arith.index_cast %mul3A_1070 : i32 to index
          %swap3A_1081 = tpu.vector_load %arg8[%swap3A_1078, %swap3A_1079, %swap3A_1080] {strides = array<i32>} : memref<8x8x768xf32, #tpu.memory_space<vmem>>, vector<1x1x16xf32>,
          %swap3A_1082 = vector.shape_cast %swap3A_1081 : vector<1x1x16xf32> to vector<16xf32>
          %swap3A_1083 = vector.shape_cast %get3A_1076 : vector<16xf32> to vector<1x1x16xf32>
          tpu.vector_store %arg8[%swap3A_1078, %swap3A_1079, %swap3A_1080], %swap3A_1083 {add = true, strides = array<i32>} : memref<8x8x768xf32, #tpu.memory_space<vmem>>, vector<1x1x16xf32>,
          %scan3A_1084 = arith.constant 7 : i32
          %scan3A_1085 = arith.addi %scan3A_940, %scan3A_1084 : i32
          %mul3A_1086 = arith.constant 1 : i32
          %mul3A_1087 = arith.muli %scan3A_1085, %mul3A_1086 : i32
          %add3A_1088 = arith.constant 0 : i32
          %add3A_1089 = arith.addi %add3A_1088, %mul3A_1087 : i32
          %mul3A_1090 = arith.constant 16 : i32
          %mul3A_1091 = arith.muli %add3A_1089, %mul3A_1090 : i32
          %get3A_1092 = arith.constant 3 : i32
          %get3A_1093 = arith.index_cast %get3A_1092 : i32 to index
          %get3A_1094 = arith.index_cast %add3A_934 : i32 to index
          %get3A_1095 = arith.index_cast %mul3A_1091 : i32 to index
          %get3A_1096 = tpu.vector_load %arg7[%get3A_1093, %get3A_1094, %get3A_1095] {strides = array<i32>} : memref<8x8x768xf32, #tpu.memory_space<vmem>>, vector<1x1x16xf32>,
          %get3A_1097 = vector.shape_cast %get3A_1096 : vector<1x1x16xf32> to vector<16xf32>
          %swap3A_1098 = arith.constant 3 : i32
          %swap3A_1099 = arith.index_cast %swap3A_1098 : i32 to index
          %swap3A_1100 = arith.index_cast %add3A_934 : i32 to index
          %swap3A_1101 = arith.index_cast %mul3A_1091 : i32 to index
          %swap3A_1102 = tpu.vector_load %arg8[%swap3A_1099, %swap3A_1100, %swap3A_1101] {strides = array<i32>} : memref<8x8x768xf32, #tpu.memory_space<vmem>>, vector<1x1x16xf32>,
          %swap3A_1103 = vector.shape_cast %swap3A_1102 : vector<1x1x16xf32> to vector<16xf32>
          %swap3A_1104 = vector.shape_cast %get3A_1097 : vector<16xf32> to vector<1x1x16xf32>
          tpu.vector_store %arg8[%swap3A_1099, %swap3A_1100, %swap3A_1101], %swap3A_1104 {add = true, strides = array<i32>} : memref<8x8x768xf32, #tpu.memory_space<vmem>>, vector<1x1x16xf32>,
          %scan3A_1105 = arith.constant 8 : i32
          %scan3A_1106 = arith.addi %scan3A_940, %scan3A_1105 : i32
          %mul3A_1107 = arith.constant 1 : i32
          %mul3A_1108 = arith.muli %scan3A_1106, %mul3A_1107 : i32
          %add3A_1109 = arith.constant 0 : i32
          %add3A_1110 = arith.addi %add3A_1109, %mul3A_1108 : i32
          %mul3A_1111 = arith.constant 16 : i32
          %mul3A_1112 = arith.muli %add3A_1110, %mul3A_1111 : i32
          %get3A_1113 = arith.constant 3 : i32
          %get3A_1114 = arith.index_cast %get3A_1113 : i32 to index
          %get3A_1115 = arith.index_cast %add3A_934 : i32 to index
          %get3A_1116 = arith.index_cast %mul3A_1112 : i32 to index
          %get3A_1117 = tpu.vector_load %arg7[%get3A_1114, %get3A_1115, %get3A_1116] {strides = array<i32>} : memref<8x8x768xf32, #tpu.memory_space<vmem>>, vector<1x1x16xf32>,
          %get3A_1118 = vector.shape_cast %get3A_1117 : vector<1x1x16xf32> to vector<16xf32>
          %swap3A_1119 = arith.constant 3 : i32
          %swap3A_1120 = arith.index_cast %swap3A_1119 : i32 to index
          %swap3A_1121 = arith.index_cast %add3A_934 : i32 to index
          %swap3A_1122 = arith.index_cast %mul3A_1112 : i32 to index
          %swap3A_1123 = tpu.vector_load %arg8[%swap3A_1120, %swap3A_1121, %swap3A_1122] {strides = array<i32>} : memref<8x8x768xf32, #tpu.memory_space<vmem>>, vector<1x1x16xf32>,
          %swap3A_1124 = vector.shape_cast %swap3A_1123 : vector<1x1x16xf32> to vector<16xf32>
          %swap3A_1125 = vector.shape_cast %get3A_1118 : vector<16xf32> to vector<1x1x16xf32>
          tpu.vector_store %arg8[%swap3A_1120, %swap3A_1121, %swap3A_1122], %swap3A_1125 {add = true, strides = array<i32>} : memref<8x8x768xf32, #tpu.memory_space<vmem>>, vector<1x1x16xf32>,
          %scan3A_1126 = arith.constant 9 : i32
          %scan3A_1127 = arith.addi %scan3A_940, %scan3A_1126 : i32
          %mul3A_1128 = arith.constant 1 : i32
          %mul3A_1129 = arith.muli %scan3A_1127, %mul3A_1128 : i32
          %add3A_1130 = arith.constant 0 : i32
          %add3A_1131 = arith.addi %add3A_1130, %mul3A_1129 : i32
          %mul3A_1132 = arith.constant 16 : i32
          %mul3A_1133 = arith.muli %add3A_1131, %mul3A_1132 : i32
          %get3A_1134 = arith.constant 3 : i32
          %get3A_1135 = arith.index_cast %get3A_1134 : i32 to index
          %get3A_1136 = arith.index_cast %add3A_934 : i32 to index
          %get3A_1137 = arith.index_cast %mul3A_1133 : i32 to index
          %get3A_1138 = tpu.vector_load %arg7[%get3A_1135, %get3A_1136, %get3A_1137] {strides = array<i32>} : memref<8x8x768xf32, #tpu.memory_space<vmem>>, vector<1x1x16xf32>,
          %get3A_1139 = vector.shape_cast %get3A_1138 : vector<1x1x16xf32> to vector<16xf32>
          %swap3A_1140 = arith.constant 3 : i32
          %swap3A_1141 = arith.index_cast %swap3A_1140 : i32 to index
          %swap3A_1142 = arith.index_cast %add3A_934 : i32 to index
          %swap3A_1143 = arith.index_cast %mul3A_1133 : i32 to index
          %swap3A_1144 = tpu.vector_load %arg8[%swap3A_1141, %swap3A_1142, %swap3A_1143] {strides = array<i32>} : memref<8x8x768xf32, #tpu.memory_space<vmem>>, vector<1x1x16xf32>,
          %swap3A_1145 = vector.shape_cast %swap3A_1144 : vector<1x1x16xf32> to vector<16xf32>
          %swap3A_1146 = vector.shape_cast %get3A_1139 : vector<16xf32> to vector<1x1x16xf32>
          tpu.vector_store %arg8[%swap3A_1141, %swap3A_1142, %swap3A_1143], %swap3A_1146 {add = true, strides = array<i32>} : memref<8x8x768xf32, #tpu.memory_space<vmem>>, vector<1x1x16xf32>,
          %scan3A_1147 = arith.constant 10 : i32
          %scan3A_1148 = arith.addi %scan3A_940, %scan3A_1147 : i32
          %mul3A_1149 = arith.constant 1 : i32
          %mul3A_1150 = arith.muli %scan3A_1148, %mul3A_1149 : i32
          %add3A_1151 = arith.constant 0 : i32
          %add3A_1152 = arith.addi %add3A_1151, %mul3A_1150 : i32
          %mul3A_1153 = arith.constant 16 : i32
          %mul3A_1154 = arith.muli %add3A_1152, %mul3A_1153 : i32
          %get3A_1155 = arith.constant 3 : i32
          %get3A_1156 = arith.index_cast %get3A_1155 : i32 to index
          %get3A_1157 = arith.index_cast %add3A_934 : i32 to index
          %get3A_1158 = arith.index_cast %mul3A_1154 : i32 to index
          %get3A_1159 = tpu.vector_load %arg7[%get3A_1156, %get3A_1157, %get3A_1158] {strides = array<i32>} : memref<8x8x768xf32, #tpu.memory_space<vmem>>, vector<1x1x16xf32>,
          %get3A_1160 = vector.shape_cast %get3A_1159 : vector<1x1x16xf32> to vector<16xf32>
          %swap3A_1161 = arith.constant 3 : i32
          %swap3A_1162 = arith.index_cast %swap3A_1161 : i32 to index
          %swap3A_1163 = arith.index_cast %add3A_934 : i32 to index
          %swap3A_1164 = arith.index_cast %mul3A_1154 : i32 to index
          %swap3A_1165 = tpu.vector_load %arg8[%swap3A_1162, %swap3A_1163, %swap3A_1164] {strides = array<i32>} : memref<8x8x768xf32, #tpu.memory_space<vmem>>, vector<1x1x16xf32>,
          %swap3A_1166 = vector.shape_cast %swap3A_1165 : vector<1x1x16xf32> to vector<16xf32>
          %swap3A_1167 = vector.shape_cast %get3A_1160 : vector<16xf32> to vector<1x1x16xf32>
          tpu.vector_store %arg8[%swap3A_1162, %swap3A_1163, %swap3A_1164], %swap3A_1167 {add = true, strides = array<i32>} : memref<8x8x768xf32, #tpu.memory_space<vmem>>, vector<1x1x16xf32>,
          %scan3A_1168 = arith.constant 11 : i32
          %scan3A_1169 = arith.addi %scan3A_940, %scan3A_1168 : i32
          %mul3A_1170 = arith.constant 1 : i32
          %mul3A_1171 = arith.muli %scan3A_1169, %mul3A_1170 : i32
          %add3A_1172 = arith.constant 0 : i32
          %add3A_1173 = arith.addi %add3A_1172, %mul3A_1171 : i32
          %mul3A_1174 = arith.constant 16 : i32
          %mul3A_1175 = arith.muli %add3A_1173, %mul3A_1174 : i32
          %get3A_1176 = arith.constant 3 : i32
          %get3A_1177 = arith.index_cast %get3A_1176 : i32 to index
          %get3A_1178 = arith.index_cast %add3A_934 : i32 to index
          %get3A_1179 = arith.index_cast %mul3A_1175 : i32 to index
          %get3A_1180 = tpu.vector_load %arg7[%get3A_1177, %get3A_1178, %get3A_1179] {strides = array<i32>} : memref<8x8x768xf32, #tpu.memory_space<vmem>>, vector<1x1x16xf32>,
          %get3A_1181 = vector.shape_cast %get3A_1180 : vector<1x1x16xf32> to vector<16xf32>
          %swap3A_1182 = arith.constant 3 : i32
          %swap3A_1183 = arith.index_cast %swap3A_1182 : i32 to index
          %swap3A_1184 = arith.index_cast %add3A_934 : i32 to index
          %swap3A_1185 = arith.index_cast %mul3A_1175 : i32 to index
          %swap3A_1186 = tpu.vector_load %arg8[%swap3A_1183, %swap3A_1184, %swap3A_1185] {strides = array<i32>} : memref<8x8x768xf32, #tpu.memory_space<vmem>>, vector<1x1x16xf32>,
          %swap3A_1187 = vector.shape_cast %swap3A_1186 : vector<1x1x16xf32> to vector<16xf32>
          %swap3A_1188 = vector.shape_cast %get3A_1181 : vector<16xf32> to vector<1x1x16xf32>
          tpu.vector_store %arg8[%swap3A_1183, %swap3A_1184, %swap3A_1185], %swap3A_1188 {add = true, strides = array<i32>} : memref<8x8x768xf32, #tpu.memory_space<vmem>>, vector<1x1x16xf32>,
          %scan3A_1189 = arith.constant 12 : i32
          %scan3A_1190 = arith.addi %scan3A_940, %scan3A_1189 : i32
          %mul3A_1191 = arith.constant 1 : i32
          %mul3A_1192 = arith.muli %scan3A_1190, %mul3A_1191 : i32
          %add3A_1193 = arith.constant 0 : i32
          %add3A_1194 = arith.addi %add3A_1193, %mul3A_1192 : i32
          %mul3A_1195 = arith.constant 16 : i32
          %mul3A_1196 = arith.muli %add3A_1194, %mul3A_1195 : i32
          %get3A_1197 = arith.constant 3 : i32
          %get3A_1198 = arith.index_cast %get3A_1197 : i32 to index
          %get3A_1199 = arith.index_cast %add3A_934 : i32 to index
          %get3A_1200 = arith.index_cast %mul3A_1196 : i32 to index
          %get3A_1201 = tpu.vector_load %arg7[%get3A_1198, %get3A_1199, %get3A_1200] {strides = array<i32>} : memref<8x8x768xf32, #tpu.memory_space<vmem>>, vector<1x1x16xf32>,
          %get3A_1202 = vector.shape_cast %get3A_1201 : vector<1x1x16xf32> to vector<16xf32>
          %swap3A_1203 = arith.constant 3 : i32
          %swap3A_1204 = arith.index_cast %swap3A_1203 : i32 to index
          %swap3A_1205 = arith.index_cast %add3A_934 : i32 to index
          %swap3A_1206 = arith.index_cast %mul3A_1196 : i32 to index
          %swap3A_1207 = tpu.vector_load %arg8[%swap3A_1204, %swap3A_1205, %swap3A_1206] {strides = array<i32>} : memref<8x8x768xf32, #tpu.memory_space<vmem>>, vector<1x1x16xf32>,
          %swap3A_1208 = vector.shape_cast %swap3A_1207 : vector<1x1x16xf32> to vector<16xf32>
          %swap3A_1209 = vector.shape_cast %get3A_1202 : vector<16xf32> to vector<1x1x16xf32>
          tpu.vector_store %arg8[%swap3A_1204, %swap3A_1205, %swap3A_1206], %swap3A_1209 {add = true, strides = array<i32>} : memref<8x8x768xf32, #tpu.memory_space<vmem>>, vector<1x1x16xf32>,
          %scan3A_1210 = arith.constant 13 : i32
          %scan3A_1211 = arith.addi %scan3A_940, %scan3A_1210 : i32
          %mul3A_1212 = arith.constant 1 : i32
          %mul3A_1213 = arith.muli %scan3A_1211, %mul3A_1212 : i32
          %add3A_1214 = arith.constant 0 : i32
          %add3A_1215 = arith.addi %add3A_1214, %mul3A_1213 : i32
          %mul3A_1216 = arith.constant 16 : i32
          %mul3A_1217 = arith.muli %add3A_1215, %mul3A_1216 : i32
          %get3A_1218 = arith.constant 3 : i32
          %get3A_1219 = arith.index_cast %get3A_1218 : i32 to index
          %get3A_1220 = arith.index_cast %add3A_934 : i32 to index
          %get3A_1221 = arith.index_cast %mul3A_1217 : i32 to index
          %get3A_1222 = tpu.vector_load %arg7[%get3A_1219, %get3A_1220, %get3A_1221] {strides = array<i32>} : memref<8x8x768xf32, #tpu.memory_space<vmem>>, vector<1x1x16xf32>,
          %get3A_1223 = vector.shape_cast %get3A_1222 : vector<1x1x16xf32> to vector<16xf32>
          %swap3A_1224 = arith.constant 3 : i32
          %swap3A_1225 = arith.index_cast %swap3A_1224 : i32 to index
          %swap3A_1226 = arith.index_cast %add3A_934 : i32 to index
          %swap3A_1227 = arith.index_cast %mul3A_1217 : i32 to index
          %swap3A_1228 = tpu.vector_load %arg8[%swap3A_1225, %swap3A_1226, %swap3A_1227] {strides = array<i32>} : memref<8x8x768xf32, #tpu.memory_space<vmem>>, vector<1x1x16xf32>,
          %swap3A_1229 = vector.shape_cast %swap3A_1228 : vector<1x1x16xf32> to vector<16xf32>
          %swap3A_1230 = vector.shape_cast %get3A_1223 : vector<16xf32> to vector<1x1x16xf32>
          tpu.vector_store %arg8[%swap3A_1225, %swap3A_1226, %swap3A_1227], %swap3A_1230 {add = true, strides = array<i32>} : memref<8x8x768xf32, #tpu.memory_space<vmem>>, vector<1x1x16xf32>,
          %scan3A_1231 = arith.constant 14 : i32
          %scan3A_1232 = arith.addi %scan3A_940, %scan3A_1231 : i32
          %mul3A_1233 = arith.constant 1 : i32
          %mul3A_1234 = arith.muli %scan3A_1232, %mul3A_1233 : i32
          %add3A_1235 = arith.constant 0 : i32
          %add3A_1236 = arith.addi %add3A_1235, %mul3A_1234 : i32
          %mul3A_1237 = arith.constant 16 : i32
          %mul3A_1238 = arith.muli %add3A_1236, %mul3A_1237 : i32
          %get3A_1239 = arith.constant 3 : i32
          %get3A_1240 = arith.index_cast %get3A_1239 : i32 to index
          %get3A_1241 = arith.index_cast %add3A_934 : i32 to index
          %get3A_1242 = arith.index_cast %mul3A_1238 : i32 to index
          %get3A_1243 = tpu.vector_load %arg7[%get3A_1240, %get3A_1241, %get3A_1242] {strides = array<i32>} : memref<8x8x768xf32, #tpu.memory_space<vmem>>, vector<1x1x16xf32>,
          %get3A_1244 = vector.shape_cast %get3A_1243 : vector<1x1x16xf32> to vector<16xf32>
          %swap3A_1245 = arith.constant 3 : i32
          %swap3A_1246 = arith.index_cast %swap3A_1245 : i32 to index
          %swap3A_1247 = arith.index_cast %add3A_934 : i32 to index
          %swap3A_1248 = arith.index_cast %mul3A_1238 : i32 to index
          %swap3A_1249 = tpu.vector_load %arg8[%swap3A_1246, %swap3A_1247, %swap3A_1248] {strides = array<i32>} : memref<8x8x768xf32, #tpu.memory_space<vmem>>, vector<1x1x16xf32>,
          %swap3A_1250 = vector.shape_cast %swap3A_1249 : vector<1x1x16xf32> to vector<16xf32>
          %swap3A_1251 = vector.shape_cast %get3A_1244 : vector<16xf32> to vector<1x1x16xf32>
          tpu.vector_store %arg8[%swap3A_1246, %swap3A_1247, %swap3A_1248], %swap3A_1251 {add = true, strides = array<i32>} : memref<8x8x768xf32, #tpu.memory_space<vmem>>, vector<1x1x16xf32>,
          %scan3A_1252 = arith.constant 15 : i32
          %scan3A_1253 = arith.addi %scan3A_940, %scan3A_1252 : i32
          %mul3A_1254 = arith.constant 1 : i32
          %mul3A_1255 = arith.muli %scan3A_1253, %mul3A_1254 : i32
          %add3A_1256 = arith.constant 0 : i32
          %add3A_1257 = arith.addi %add3A_1256, %mul3A_1255 : i32
          %mul3A_1258 = arith.constant 16 : i32
          %mul3A_1259 = arith.muli %add3A_1257, %mul3A_1258 : i32
          %get3A_1260 = arith.constant 3 : i32
          %get3A_1261 = arith.index_cast %get3A_1260 : i32 to index
          %get3A_1262 = arith.index_cast %add3A_934 : i32 to index
          %get3A_1263 = arith.index_cast %mul3A_1259 : i32 to index
          %get3A_1264 = tpu.vector_load %arg7[%get3A_1261, %get3A_1262, %get3A_1263] {strides = array<i32>} : memref<8x8x768xf32, #tpu.memory_space<vmem>>, vector<1x1x16xf32>,
          %get3A_1265 = vector.shape_cast %get3A_1264 : vector<1x1x16xf32> to vector<16xf32>
          %swap3A_1266 = arith.constant 3 : i32
          %swap3A_1267 = arith.index_cast %swap3A_1266 : i32 to index
          %swap3A_1268 = arith.index_cast %add3A_934 : i32 to index
          %swap3A_1269 = arith.index_cast %mul3A_1259 : i32 to index
          %swap3A_1270 = tpu.vector_load %arg8[%swap3A_1267, %swap3A_1268, %swap3A_1269] {strides = array<i32>} : memref<8x8x768xf32, #tpu.memory_space<vmem>>, vector<1x1x16xf32>,
          %swap3A_1271 = vector.shape_cast %swap3A_1270 : vector<1x1x16xf32> to vector<16xf32>
          %swap3A_1272 = vector.shape_cast %get3A_1265 : vector<16xf32> to vector<1x1x16xf32>
          tpu.vector_store %arg8[%swap3A_1267, %swap3A_1268, %swap3A_1269], %swap3A_1272 {add = true, strides = array<i32>} : memref<8x8x768xf32, #tpu.memory_space<vmem>>, vector<1x1x16xf32>,
        }
        %scan3A_939 = arith.constant 48 : i32
      }
      %scan3A_641 = arith.constant 8 : i32
      %mul3A_642 = arith.constant 8 : i32
      %mul3A_643 = arith.muli %add3A_603, %mul3A_642 : i32
      %add3A_644 = arith.addi %mul3A_2, %mul3A_643 : i32
      %dma_start3A_645 = arith.constant 3 : i32
      %dma_start3A_646 = arith.constant 3 : i32
      %dma_start3A_647 = arith.constant 0 : i32
      %dma_start3A_648 = arith.constant 0 : i32
      %dma_start3A_649 = tpu.memref_slice %arg8[%dma_start3A_645, %dma_start3A_647, %dma_start3A_648] : memref<8x8x768xf32, #tpu.memory_space<vmem>> -> memref<1x8x768xf32, #tpu.memory_space<vmem>>
      %dma_start3A_650 = tpu.memref_squeeze %dma_start3A_649 : memref<1x8x768xf32, #tpu.memory_space<vmem>> -> memref<8x768xf32, #tpu.memory_space<vmem>>
      %dma_start3A_651 = arith.constant 0 : i32
      %dma_start3A_652 = tpu.memref_slice %arg5[%add3A_644, %dma_start3A_651] : memref<32768x768xf32, #tpu.memory_space<hbm>> -> memref<8x768xf32, #tpu.memory_space<hbm>>
      %dma_start3A_653 = tpu.memref_slice %arg11[%dma_start3A_646] : memref<8x!tpu.dma_semaphore, #tpu.memory_space<semaphore_mem>> -> memref<1x!tpu.dma_semaphore, #tpu.memory_space<semaphore_mem>>
      %dma_start3A_654 = tpu.memref_squeeze %dma_start3A_653 : memref<1x!tpu.dma_semaphore, #tpu.memory_space<semaphore_mem>> -> memref<!tpu.dma_semaphore, #tpu.memory_space<semaphore_mem>>
      %dma_start3A_655 = arith.constant 0 : i32
      %dma_start3A_656 = tpu.memref_slice %arg5[%add3A_644, %dma_start3A_655] : memref<32768x768xf32, #tpu.memory_space<hbm>> -> memref<8x768xf32, #tpu.memory_space<hbm>>
      %dma_start3A_657 = arith.constant 0 : i32
      %dma_start3A_658 = arith.constant 0 : i32
      %dma_start3A_659 = tpu.memref_slice %arg8[%dma_start3A_645, %dma_start3A_657, %dma_start3A_658] : memref<8x8x768xf32, #tpu.memory_space<vmem>> -> memref<1x8x768xf32, #tpu.memory_space<vmem>>
      %dma_start3A_660 = tpu.memref_squeeze %dma_start3A_659 : memref<1x8x768xf32, #tpu.memory_space<vmem>> -> memref<8x768xf32, #tpu.memory_space<vmem>>
      tpu.enqueue_dma source(%dma_start3A_660 : memref<8x768xf32, #tpu.memory_space<vmem>>) target(%dma_start3A_656 : memref<8x768xf32, #tpu.memory_space<hbm>>) target_semaphore(%dma_start3A_654 : memref<!tpu.dma_semaphore, #tpu.memory_space<semaphore_mem>>)
      %lt3A_661 = arith.constant 15 : i32
      %lt3A_662 = arith.cmpi slt, %add3A_370, %lt3A_661 : i32
      %convert_element_type3A_663 = arith.extui %lt3A_662 : i1 to i32
      %cond3A_664 = arith.constant 0 : i32
      %cond3A_665 = arith.cmpi ne, %convert_element_type3A_663, %cond3A_664 : i32
      scf.if %cond3A_665 {
        %mul3A_930 = arith.constant 8 : i32
        %mul3A_931 = arith.muli %add3A_370, %mul3A_930 : i32
        %add3A_932 = arith.constant 3 : i32
        %add3A_933 = arith.addi %mul3A_931, %add3A_932 : i32
        %add3A_934 = arith.constant 7 : i32
        %add3A_935 = arith.addi %add3A_933, %add3A_934 : i32
        %sub3A = arith.constant 8 : i32
        %sub3A_936 = arith.subi %add3A_935, %sub3A : i32
        %mul3A_937 = arith.constant 8 : i32
        %mul3A_938 = arith.muli %sub3A_936, %mul3A_937 : i32
        %add3A_939 = arith.addi %mul3A_2, %mul3A_938 : i32
        %dma_wait3A_940 = arith.constant 2 : i32
        %dma_wait3A_941 = arith.constant 2 : i32
        %dma_wait3A_942 = arith.constant 0 : i32
        %dma_wait3A_943 = arith.constant 0 : i32
        %dma_wait3A_944 = tpu.memref_slice %arg8[%dma_wait3A_940, %dma_wait3A_942, %dma_wait3A_943] : memref<8x8x768xf32, #tpu.memory_space<vmem>> -> memref<1x8x768xf32, #tpu.memory_space<vmem>>
        %dma_wait3A_945 = tpu.memref_squeeze %dma_wait3A_944 : memref<1x8x768xf32, #tpu.memory_space<vmem>> -> memref<8x768xf32, #tpu.memory_space<vmem>>
        %dma_wait3A_946 = arith.constant 0 : i32
        %dma_wait3A_947 = tpu.memref_slice %arg5[%add3A_939, %dma_wait3A_946] : memref<32768x768xf32, #tpu.memory_space<hbm>> -> memref<8x768xf32, #tpu.memory_space<hbm>>
        %dma_wait3A_948 = tpu.memref_slice %arg11[%dma_wait3A_941] : memref<8x!tpu.dma_semaphore, #tpu.memory_space<semaphore_mem>> -> memref<1x!tpu.dma_semaphore, #tpu.memory_space<semaphore_mem>>
        %dma_wait3A_949 = tpu.memref_squeeze %dma_wait3A_948 : memref<1x!tpu.dma_semaphore, #tpu.memory_space<semaphore_mem>> -> memref<!tpu.dma_semaphore, #tpu.memory_space<semaphore_mem>>
        %dma_wait3A_950 = arith.constant 0 : i32
        %dma_wait3A_951 = tpu.memref_slice %arg5[%add3A_939, %dma_wait3A_950] : memref<32768x768xf32, #tpu.memory_space<hbm>> -> memref<8x768xf32, #tpu.memory_space<hbm>>
        %dma_wait3A_952 = arith.constant 0 : i32
        %dma_wait3A_953 = arith.constant 0 : i32
        %dma_wait3A_954 = tpu.memref_slice %arg8[%dma_wait3A_940, %dma_wait3A_952, %dma_wait3A_953] : memref<8x8x768xf32, #tpu.memory_space<vmem>> -> memref<1x8x768xf32, #tpu.memory_space<vmem>>
        %dma_wait3A_955 = tpu.memref_squeeze %dma_wait3A_954 : memref<1x8x768xf32, #tpu.memory_space<vmem>> -> memref<8x768xf32, #tpu.memory_space<vmem>>
        tpu.wait_dma2 semaphore(%dma_wait3A_949 : memref<!tpu.dma_semaphore, #tpu.memory_space<semaphore_mem>>) src(%dma_wait3A_955 : memref<8x768xf32, #tpu.memory_space<vmem>>) dst(%dma_wait3A_951 : memref<8x768xf32, #tpu.memory_space<hbm>>)
        %add3A_956 = arith.constant 7 : i32
        %add3A_957 = arith.addi %add3A_603, %add3A_956 : i32
        %mul3A_958 = arith.constant 8 : i32
        %mul3A_959 = arith.muli %add3A_957, %mul3A_958 : i32
        %add3A_960 = arith.addi %mul3A_2, %mul3A_959 : i32
        %dma_start3A_961 = arith.constant 2 : i32
        %dma_start3A_962 = arith.constant 2 : i32
        %dma_start3A_963 = arith.constant 0 : i32
        %dma_start3A_964 = arith.constant 0 : i32
        %dma_start3A_965 = tpu.memref_slice %arg7[%dma_start3A_961, %dma_start3A_963, %dma_start3A_964] : memref<8x8x768xf32, #tpu.memory_space<vmem>> -> memref<1x8x768xf32, #tpu.memory_space<vmem>>
        %dma_start3A_966 = tpu.memref_squeeze %dma_start3A_965 : memref<1x8x768xf32, #tpu.memory_space<vmem>> -> memref<8x768xf32, #tpu.memory_space<vmem>>
        %dma_start3A_967 = arith.constant 0 : i32
        %dma_start3A_968 = tpu.memref_slice %arg2[%add3A_960, %dma_start3A_967] : memref<32768x768xf32, #tpu.memory_space<hbm>> -> memref<8x768xf32, #tpu.memory_space<hbm>>
        %dma_start3A_969 = tpu.memref_slice %arg9[%dma_start3A_962] : memref<8x!tpu.dma_semaphore, #tpu.memory_space<semaphore_mem>> -> memref<1x!tpu.dma_semaphore, #tpu.memory_space<semaphore_mem>>
        %dma_start3A_970 = tpu.memref_squeeze %dma_start3A_969 : memref<1x!tpu.dma_semaphore, #tpu.memory_space<semaphore_mem>> -> memref<!tpu.dma_semaphore, #tpu.memory_space<semaphore_mem>>
        %dma_start3A_971 = arith.constant 0 : i32
        %dma_start3A_972 = arith.constant 0 : i32
        %dma_start3A_973 = tpu.memref_slice %arg7[%dma_start3A_961, %dma_start3A_971, %dma_start3A_972] : memref<8x8x768xf32, #tpu.memory_space<vmem>> -> memref<1x8x768xf32, #tpu.memory_space<vmem>>
        %dma_start3A_974 = tpu.memref_squeeze %dma_start3A_973 : memref<1x8x768xf32, #tpu.memory_space<vmem>> -> memref<8x768xf32, #tpu.memory_space<vmem>>
        %dma_start3A_975 = arith.constant 0 : i32
        %dma_start3A_976 = tpu.memref_slice %arg2[%add3A_960, %dma_start3A_975] : memref<32768x768xf32, #tpu.memory_space<hbm>> -> memref<8x768xf32, #tpu.memory_space<hbm>>
        tpu.enqueue_dma source(%dma_start3A_976 : memref<8x768xf32, #tpu.memory_space<hbm>>) target(%dma_start3A_974 : memref<8x768xf32, #tpu.memory_space<vmem>>) target_semaphore(%dma_start3A_970 : memref<!tpu.dma_semaphore, #tpu.memory_space<semaphore_mem>>)
        %mul3A_977 = arith.constant 8 : i32
        %mul3A_978 = arith.muli %add3A_957, %mul3A_977 : i32
        %dma_start3A_979 = arith.constant 2 : i32
        %dma_start3A_980 = arith.constant 2 : i32
        %dma_start3A_981 = arith.constant 0 : i32
        %dma_start3A_982 = arith.constant 0 : i32
        %dma_start3A_983 = tpu.memref_slice %arg8[%dma_start3A_979, %dma_start3A_981, %dma_start3A_982] : memref<8x8x768xf32, #tpu.memory_space<vmem>> -> memref<1x8x768xf32, #tpu.memory_space<vmem>>
        %dma_start3A_984 = tpu.memref_squeeze %dma_start3A_983 : memref<1x8x768xf32, #tpu.memory_space<vmem>> -> memref<8x768xf32, #tpu.memory_space<vmem>>
        %dma_start3A_985 = tpu.memref_slice %arg6[%mul3A_978] : memref<1024xi32, #tpu.memory_space<vmem>> -> memref<8xi32, #tpu.memory_space<vmem>>
        %dma_start3A_986 = arith.constant 0 : i32
        %dma_start3A_987 = arith.constant 0 : i32
        %dma_start3A_988 = tpu.memref_slice %arg4[%dma_start3A_986, %dma_start3A_987] : memref<8192x768xf32, #tpu.memory_space<hbm>> -> memref<8192x768xf32, #tpu.memory_space<hbm>>
        %dma_start3A_989 = tpu.memref_slice %arg10[%dma_start3A_980] : memref<8x!tpu.dma_semaphore, #tpu.memory_space<semaphore_mem>> -> memref<1x!tpu.dma_semaphore, #tpu.memory_space<semaphore_mem>>
        %dma_start3A_990 = tpu.memref_squeeze %dma_start3A_989 : memref<1x!tpu.dma_semaphore, #tpu.memory_space<semaphore_mem>> -> memref<!tpu.dma_semaphore, #tpu.memory_space<semaphore_mem>>
        tpu.enqueue_indirect_dma source(%dma_start3A_988 : memref<8192x768xf32, #tpu.memory_space<hbm>>) target(%dma_start3A_984 : memref<8x768xf32, #tpu.memory_space<vmem>>) offsets(%dma_start3A_985 : memref<8xi32, #tpu.memory_space<vmem>>) semaphore(%dma_start3A_990 : memref<!tpu.dma_semaphore, #tpu.memory_space<semaphore_mem>>)
      } else {
      }
      %mul3A_666 = arith.constant 8 : i32
      %mul3A_667 = arith.muli %add3A_370, %mul3A_666 : i32
      %add3A_668 = arith.constant 4 : i32
      %add3A_669 = arith.addi %mul3A_667, %add3A_668 : i32
      %mul3A_670 = arith.constant 8 : i32
      %mul3A_671 = arith.muli %add3A_669, %mul3A_670 : i32
      %add3A_672 = arith.addi %mul3A_2, %mul3A_671 : i32
      %dma_wait3A_673 = arith.constant 4 : i32
      %dma_wait3A_674 = arith.constant 4 : i32
      %dma_wait3A_675 = arith.constant 0 : i32
      %dma_wait3A_676 = arith.constant 0 : i32
      %dma_wait3A_677 = tpu.memref_slice %arg7[%dma_wait3A_673, %dma_wait3A_675, %dma_wait3A_676] : memref<8x8x768xf32, #tpu.memory_space<vmem>> -> memref<1x8x768xf32, #tpu.memory_space<vmem>>
      %dma_wait3A_678 = tpu.memref_squeeze %dma_wait3A_677 : memref<1x8x768xf32, #tpu.memory_space<vmem>> -> memref<8x768xf32, #tpu.memory_space<vmem>>
      %dma_wait3A_679 = arith.constant 0 : i32
      %dma_wait3A_680 = tpu.memref_slice %arg2[%add3A_672, %dma_wait3A_679] : memref<32768x768xf32, #tpu.memory_space<hbm>> -> memref<8x768xf32, #tpu.memory_space<hbm>>
      %dma_wait3A_681 = tpu.memref_slice %arg9[%dma_wait3A_674] : memref<8x!tpu.dma_semaphore, #tpu.memory_space<semaphore_mem>> -> memref<1x!tpu.dma_semaphore, #tpu.memory_space<semaphore_mem>>
      %dma_wait3A_682 = tpu.memref_squeeze %dma_wait3A_681 : memref<1x!tpu.dma_semaphore, #tpu.memory_space<semaphore_mem>> -> memref<!tpu.dma_semaphore, #tpu.memory_space<semaphore_mem>>
      %dma_wait3A_683 = arith.constant 0 : i32
      %dma_wait3A_684 = arith.constant 0 : i32
      %dma_wait3A_685 = tpu.memref_slice %arg7[%dma_wait3A_673, %dma_wait3A_683, %dma_wait3A_684] : memref<8x8x768xf32, #tpu.memory_space<vmem>> -> memref<1x8x768xf32, #tpu.memory_space<vmem>>
      %dma_wait3A_686 = tpu.memref_squeeze %dma_wait3A_685 : memref<1x8x768xf32, #tpu.memory_space<vmem>> -> memref<8x768xf32, #tpu.memory_space<vmem>>
      %dma_wait3A_687 = arith.constant 0 : i32
      %dma_wait3A_688 = tpu.memref_slice %arg2[%add3A_672, %dma_wait3A_687] : memref<32768x768xf32, #tpu.memory_space<hbm>> -> memref<8x768xf32, #tpu.memory_space<hbm>>
      tpu.wait_dma2 semaphore(%dma_wait3A_682 : memref<!tpu.dma_semaphore, #tpu.memory_space<semaphore_mem>>) src(%dma_wait3A_688 : memref<8x768xf32, #tpu.memory_space<hbm>>) dst(%dma_wait3A_686 : memref<8x768xf32, #tpu.memory_space<vmem>>)
      %mul3A_689 = arith.constant 8 : i32
      %mul3A_690 = arith.muli %add3A_669, %mul3A_689 : i32
      %dma_wait3A_691 = arith.constant 4 : i32
      %dma_wait3A_692 = arith.constant 4 : i32
      %dma_wait3A_693 = arith.constant 0 : i32
      %dma_wait3A_694 = arith.constant 0 : i32
      %dma_wait3A_695 = tpu.memref_slice %arg8[%dma_wait3A_691, %dma_wait3A_693, %dma_wait3A_694] : memref<8x8x768xf32, #tpu.memory_space<vmem>> -> memref<1x8x768xf32, #tpu.memory_space<vmem>>
      %dma_wait3A_696 = tpu.memref_squeeze %dma_wait3A_695 : memref<1x8x768xf32, #tpu.memory_space<vmem>> -> memref<8x768xf32, #tpu.memory_space<vmem>>
      %dma_wait3A_697 = tpu.memref_slice %arg6[%mul3A_690] : memref<1024xi32, #tpu.memory_space<vmem>> -> memref<8xi32, #tpu.memory_space<vmem>>
      %dma_wait3A_698 = arith.constant 0 : i32
      %dma_wait3A_699 = arith.constant 0 : i32
      %dma_wait3A_700 = tpu.memref_slice %arg4[%dma_wait3A_698, %dma_wait3A_699] : memref<8192x768xf32, #tpu.memory_space<hbm>> -> memref<8192x768xf32, #tpu.memory_space<hbm>>
      %dma_wait3A_701 = tpu.memref_slice %arg10[%dma_wait3A_692] : memref<8x!tpu.dma_semaphore, #tpu.memory_space<semaphore_mem>> -> memref<1x!tpu.dma_semaphore, #tpu.memory_space<semaphore_mem>>
      %dma_wait3A_702 = tpu.memref_squeeze %dma_wait3A_701 : memref<1x!tpu.dma_semaphore, #tpu.memory_space<semaphore_mem>> -> memref<!tpu.dma_semaphore, #tpu.memory_space<semaphore_mem>>
      tpu.wait_indirect_dma semaphore(%dma_wait3A_702 : memref<!tpu.dma_semaphore, #tpu.memory_space<semaphore_mem>>) src(%dma_wait3A_700 : memref<8192x768xf32, #tpu.memory_space<hbm>>) dst(%dma_wait3A_696 : memref<8x768xf32, #tpu.memory_space<vmem>>)
      %scan3A_703 = arith.constant 0 : i32
      %scan3A_704 = arith.constant 8 : i32
      %scan3A_705 = arith.addi %scan3A_703, %scan3A_704 : i32
      %scan3A_706 = arith.constant 1 : i32
      scf.for %scan3A_930 = %scan3A_703 to %scan3A_705 step %scan3A_706  : i32 {
        %mul3A_931 = arith.constant 1 : i32
        %mul3A_932 = arith.muli %scan3A_930, %mul3A_931 : i32
        %add3A_933 = arith.constant 0 : i32
        %add3A_934 = arith.addi %add3A_933, %mul3A_932 : i32
        %scan3A_935 = arith.constant 0 : i32
        %scan3A_936 = arith.constant 48 : i32
        %scan3A_937 = arith.addi %scan3A_935, %scan3A_936 : i32
        %scan3A_938 = arith.constant 16 : i32
        scf.for %scan3A_940 = %scan3A_935 to %scan3A_937 step %scan3A_938  : i32 {
          %mul3A_941 = arith.constant 1 : i32
          %mul3A_942 = arith.muli %scan3A_940, %mul3A_941 : i32
          %add3A_943 = arith.constant 0 : i32
          %add3A_944 = arith.addi %add3A_943, %mul3A_942 : i32
          %mul3A_945 = arith.constant 16 : i32
          %mul3A_946 = arith.muli %add3A_944, %mul3A_945 : i32
          %get3A = arith.constant 4 : i32
          %get3A_947 = arith.index_cast %get3A : i32 to index
          %get3A_948 = arith.index_cast %add3A_934 : i32 to index
          %get3A_949 = arith.index_cast %mul3A_946 : i32 to index
          %get3A_950 = tpu.vector_load %arg7[%get3A_947, %get3A_948, %get3A_949] {strides = array<i32>} : memref<8x8x768xf32, #tpu.memory_space<vmem>>, vector<1x1x16xf32>,
          %get3A_951 = vector.shape_cast %get3A_950 : vector<1x1x16xf32> to vector<16xf32>
          %swap3A = arith.constant 4 : i32
          %swap3A_952 = arith.index_cast %swap3A : i32 to index
          %swap3A_953 = arith.index_cast %add3A_934 : i32 to index
          %swap3A_954 = arith.index_cast %mul3A_946 : i32 to index
          %swap3A_955 = tpu.vector_load %arg8[%swap3A_952, %swap3A_953, %swap3A_954] {strides = array<i32>} : memref<8x8x768xf32, #tpu.memory_space<vmem>>, vector<1x1x16xf32>,
          %swap3A_956 = vector.shape_cast %swap3A_955 : vector<1x1x16xf32> to vector<16xf32>
          %swap3A_957 = vector.shape_cast %get3A_951 : vector<16xf32> to vector<1x1x16xf32>
          tpu.vector_store %arg8[%swap3A_952, %swap3A_953, %swap3A_954], %swap3A_957 {add = true, strides = array<i32>} : memref<8x8x768xf32, #tpu.memory_space<vmem>>, vector<1x1x16xf32>,
          %scan3A_958 = arith.constant 1 : i32
          %scan3A_959 = arith.addi %scan3A_940, %scan3A_958 : i32
          %mul3A_960 = arith.constant 1 : i32
          %mul3A_961 = arith.muli %scan3A_959, %mul3A_960 : i32
          %add3A_962 = arith.constant 0 : i32
          %add3A_963 = arith.addi %add3A_962, %mul3A_961 : i32
          %mul3A_964 = arith.constant 16 : i32
          %mul3A_965 = arith.muli %add3A_963, %mul3A_964 : i32
          %get3A_966 = arith.constant 4 : i32
          %get3A_967 = arith.index_cast %get3A_966 : i32 to index
          %get3A_968 = arith.index_cast %add3A_934 : i32 to index
          %get3A_969 = arith.index_cast %mul3A_965 : i32 to index
          %get3A_970 = tpu.vector_load %arg7[%get3A_967, %get3A_968, %get3A_969] {strides = array<i32>} : memref<8x8x768xf32, #tpu.memory_space<vmem>>, vector<1x1x16xf32>,
          %get3A_971 = vector.shape_cast %get3A_970 : vector<1x1x16xf32> to vector<16xf32>
          %swap3A_972 = arith.constant 4 : i32
          %swap3A_973 = arith.index_cast %swap3A_972 : i32 to index
          %swap3A_974 = arith.index_cast %add3A_934 : i32 to index
          %swap3A_975 = arith.index_cast %mul3A_965 : i32 to index
          %swap3A_976 = tpu.vector_load %arg8[%swap3A_973, %swap3A_974, %swap3A_975] {strides = array<i32>} : memref<8x8x768xf32, #tpu.memory_space<vmem>>, vector<1x1x16xf32>,
          %swap3A_977 = vector.shape_cast %swap3A_976 : vector<1x1x16xf32> to vector<16xf32>
          %swap3A_978 = vector.shape_cast %get3A_971 : vector<16xf32> to vector<1x1x16xf32>
          tpu.vector_store %arg8[%swap3A_973, %swap3A_974, %swap3A_975], %swap3A_978 {add = true, strides = array<i32>} : memref<8x8x768xf32, #tpu.memory_space<vmem>>, vector<1x1x16xf32>,
          %scan3A_979 = arith.constant 2 : i32
          %scan3A_980 = arith.addi %scan3A_940, %scan3A_979 : i32
          %mul3A_981 = arith.constant 1 : i32
          %mul3A_982 = arith.muli %scan3A_980, %mul3A_981 : i32
          %add3A_983 = arith.constant 0 : i32
          %add3A_984 = arith.addi %add3A_983, %mul3A_982 : i32
          %mul3A_985 = arith.constant 16 : i32
          %mul3A_986 = arith.muli %add3A_984, %mul3A_985 : i32
          %get3A_987 = arith.constant 4 : i32
          %get3A_988 = arith.index_cast %get3A_987 : i32 to index
          %get3A_989 = arith.index_cast %add3A_934 : i32 to index
          %get3A_990 = arith.index_cast %mul3A_986 : i32 to index
          %get3A_991 = tpu.vector_load %arg7[%get3A_988, %get3A_989, %get3A_990] {strides = array<i32>} : memref<8x8x768xf32, #tpu.memory_space<vmem>>, vector<1x1x16xf32>,
          %get3A_992 = vector.shape_cast %get3A_991 : vector<1x1x16xf32> to vector<16xf32>
          %swap3A_993 = arith.constant 4 : i32
          %swap3A_994 = arith.index_cast %swap3A_993 : i32 to index
          %swap3A_995 = arith.index_cast %add3A_934 : i32 to index
          %swap3A_996 = arith.index_cast %mul3A_986 : i32 to index
          %swap3A_997 = tpu.vector_load %arg8[%swap3A_994, %swap3A_995, %swap3A_996] {strides = array<i32>} : memref<8x8x768xf32, #tpu.memory_space<vmem>>, vector<1x1x16xf32>,
          %swap3A_998 = vector.shape_cast %swap3A_997 : vector<1x1x16xf32> to vector<16xf32>
          %swap3A_999 = vector.shape_cast %get3A_992 : vector<16xf32> to vector<1x1x16xf32>
          tpu.vector_store %arg8[%swap3A_994, %swap3A_995, %swap3A_996], %swap3A_999 {add = true, strides = array<i32>} : memref<8x8x768xf32, #tpu.memory_space<vmem>>, vector<1x1x16xf32>,
          %scan3A_1000 = arith.constant 3 : i32
          %scan3A_1001 = arith.addi %scan3A_940, %scan3A_1000 : i32
          %mul3A_1002 = arith.constant 1 : i32
          %mul3A_1003 = arith.muli %scan3A_1001, %mul3A_1002 : i32
          %add3A_1004 = arith.constant 0 : i32
          %add3A_1005 = arith.addi %add3A_1004, %mul3A_1003 : i32
          %mul3A_1006 = arith.constant 16 : i32
          %mul3A_1007 = arith.muli %add3A_1005, %mul3A_1006 : i32
          %get3A_1008 = arith.constant 4 : i32
          %get3A_1009 = arith.index_cast %get3A_1008 : i32 to index
          %get3A_1010 = arith.index_cast %add3A_934 : i32 to index
          %get3A_1011 = arith.index_cast %mul3A_1007 : i32 to index
          %get3A_1012 = tpu.vector_load %arg7[%get3A_1009, %get3A_1010, %get3A_1011] {strides = array<i32>} : memref<8x8x768xf32, #tpu.memory_space<vmem>>, vector<1x1x16xf32>,
          %get3A_1013 = vector.shape_cast %get3A_1012 : vector<1x1x16xf32> to vector<16xf32>
          %swap3A_1014 = arith.constant 4 : i32
          %swap3A_1015 = arith.index_cast %swap3A_1014 : i32 to index
          %swap3A_1016 = arith.index_cast %add3A_934 : i32 to index
          %swap3A_1017 = arith.index_cast %mul3A_1007 : i32 to index
          %swap3A_1018 = tpu.vector_load %arg8[%swap3A_1015, %swap3A_1016, %swap3A_1017] {strides = array<i32>} : memref<8x8x768xf32, #tpu.memory_space<vmem>>, vector<1x1x16xf32>,
          %swap3A_1019 = vector.shape_cast %swap3A_1018 : vector<1x1x16xf32> to vector<16xf32>
          %swap3A_1020 = vector.shape_cast %get3A_1013 : vector<16xf32> to vector<1x1x16xf32>
          tpu.vector_store %arg8[%swap3A_1015, %swap3A_1016, %swap3A_1017], %swap3A_1020 {add = true, strides = array<i32>} : memref<8x8x768xf32, #tpu.memory_space<vmem>>, vector<1x1x16xf32>,
          %scan3A_1021 = arith.constant 4 : i32
          %scan3A_1022 = arith.addi %scan3A_940, %scan3A_1021 : i32
          %mul3A_1023 = arith.constant 1 : i32
          %mul3A_1024 = arith.muli %scan3A_1022, %mul3A_1023 : i32
          %add3A_1025 = arith.constant 0 : i32
          %add3A_1026 = arith.addi %add3A_1025, %mul3A_1024 : i32
          %mul3A_1027 = arith.constant 16 : i32
          %mul3A_1028 = arith.muli %add3A_1026, %mul3A_1027 : i32
          %get3A_1029 = arith.constant 4 : i32
          %get3A_1030 = arith.index_cast %get3A_1029 : i32 to index
          %get3A_1031 = arith.index_cast %add3A_934 : i32 to index
          %get3A_1032 = arith.index_cast %mul3A_1028 : i32 to index
          %get3A_1033 = tpu.vector_load %arg7[%get3A_1030, %get3A_1031, %get3A_1032] {strides = array<i32>} : memref<8x8x768xf32, #tpu.memory_space<vmem>>, vector<1x1x16xf32>,
          %get3A_1034 = vector.shape_cast %get3A_1033 : vector<1x1x16xf32> to vector<16xf32>
          %swap3A_1035 = arith.constant 4 : i32
          %swap3A_1036 = arith.index_cast %swap3A_1035 : i32 to index
          %swap3A_1037 = arith.index_cast %add3A_934 : i32 to index
          %swap3A_1038 = arith.index_cast %mul3A_1028 : i32 to index
          %swap3A_1039 = tpu.vector_load %arg8[%swap3A_1036, %swap3A_1037, %swap3A_1038] {strides = array<i32>} : memref<8x8x768xf32, #tpu.memory_space<vmem>>, vector<1x1x16xf32>,
          %swap3A_1040 = vector.shape_cast %swap3A_1039 : vector<1x1x16xf32> to vector<16xf32>
          %swap3A_1041 = vector.shape_cast %get3A_1034 : vector<16xf32> to vector<1x1x16xf32>
          tpu.vector_store %arg8[%swap3A_1036, %swap3A_1037, %swap3A_1038], %swap3A_1041 {add = true, strides = array<i32>} : memref<8x8x768xf32, #tpu.memory_space<vmem>>, vector<1x1x16xf32>,
          %scan3A_1042 = arith.constant 5 : i32
          %scan3A_1043 = arith.addi %scan3A_940, %scan3A_1042 : i32
          %mul3A_1044 = arith.constant 1 : i32
          %mul3A_1045 = arith.muli %scan3A_1043, %mul3A_1044 : i32
          %add3A_1046 = arith.constant 0 : i32
          %add3A_1047 = arith.addi %add3A_1046, %mul3A_1045 : i32
          %mul3A_1048 = arith.constant 16 : i32
          %mul3A_1049 = arith.muli %add3A_1047, %mul3A_1048 : i32
          %get3A_1050 = arith.constant 4 : i32
          %get3A_1051 = arith.index_cast %get3A_1050 : i32 to index
          %get3A_1052 = arith.index_cast %add3A_934 : i32 to index
          %get3A_1053 = arith.index_cast %mul3A_1049 : i32 to index
          %get3A_1054 = tpu.vector_load %arg7[%get3A_1051, %get3A_1052, %get3A_1053] {strides = array<i32>} : memref<8x8x768xf32, #tpu.memory_space<vmem>>, vector<1x1x16xf32>,
          %get3A_1055 = vector.shape_cast %get3A_1054 : vector<1x1x16xf32> to vector<16xf32>
          %swap3A_1056 = arith.constant 4 : i32
          %swap3A_1057 = arith.index_cast %swap3A_1056 : i32 to index
          %swap3A_1058 = arith.index_cast %add3A_934 : i32 to index
          %swap3A_1059 = arith.index_cast %mul3A_1049 : i32 to index
          %swap3A_1060 = tpu.vector_load %arg8[%swap3A_1057, %swap3A_1058, %swap3A_1059] {strides = array<i32>} : memref<8x8x768xf32, #tpu.memory_space<vmem>>, vector<1x1x16xf32>,
          %swap3A_1061 = vector.shape_cast %swap3A_1060 : vector<1x1x16xf32> to vector<16xf32>
          %swap3A_1062 = vector.shape_cast %get3A_1055 : vector<16xf32> to vector<1x1x16xf32>
          tpu.vector_store %arg8[%swap3A_1057, %swap3A_1058, %swap3A_1059], %swap3A_1062 {add = true, strides = array<i32>} : memref<8x8x768xf32, #tpu.memory_space<vmem>>, vector<1x1x16xf32>,
          %scan3A_1063 = arith.constant 6 : i32
          %scan3A_1064 = arith.addi %scan3A_940, %scan3A_1063 : i32
          %mul3A_1065 = arith.constant 1 : i32
          %mul3A_1066 = arith.muli %scan3A_1064, %mul3A_1065 : i32
          %add3A_1067 = arith.constant 0 : i32
          %add3A_1068 = arith.addi %add3A_1067, %mul3A_1066 : i32
          %mul3A_1069 = arith.constant 16 : i32
          %mul3A_1070 = arith.muli %add3A_1068, %mul3A_1069 : i32
          %get3A_1071 = arith.constant 4 : i32
          %get3A_1072 = arith.index_cast %get3A_1071 : i32 to index
          %get3A_1073 = arith.index_cast %add3A_934 : i32 to index
          %get3A_1074 = arith.index_cast %mul3A_1070 : i32 to index
          %get3A_1075 = tpu.vector_load %arg7[%get3A_1072, %get3A_1073, %get3A_1074] {strides = array<i32>} : memref<8x8x768xf32, #tpu.memory_space<vmem>>, vector<1x1x16xf32>,
          %get3A_1076 = vector.shape_cast %get3A_1075 : vector<1x1x16xf32> to vector<16xf32>
          %swap3A_1077 = arith.constant 4 : i32
          %swap3A_1078 = arith.index_cast %swap3A_1077 : i32 to index
          %swap3A_1079 = arith.index_cast %add3A_934 : i32 to index
          %swap3A_1080 = arith.index_cast %mul3A_1070 : i32 to index
          %swap3A_1081 = tpu.vector_load %arg8[%swap3A_1078, %swap3A_1079, %swap3A_1080] {strides = array<i32>} : memref<8x8x768xf32, #tpu.memory_space<vmem>>, vector<1x1x16xf32>,
          %swap3A_1082 = vector.shape_cast %swap3A_1081 : vector<1x1x16xf32> to vector<16xf32>
          %swap3A_1083 = vector.shape_cast %get3A_1076 : vector<16xf32> to vector<1x1x16xf32>
          tpu.vector_store %arg8[%swap3A_1078, %swap3A_1079, %swap3A_1080], %swap3A_1083 {add = true, strides = array<i32>} : memref<8x8x768xf32, #tpu.memory_space<vmem>>, vector<1x1x16xf32>,
          %scan3A_1084 = arith.constant 7 : i32
          %scan3A_1085 = arith.addi %scan3A_940, %scan3A_1084 : i32
          %mul3A_1086 = arith.constant 1 : i32
          %mul3A_1087 = arith.muli %scan3A_1085, %mul3A_1086 : i32
          %add3A_1088 = arith.constant 0 : i32
          %add3A_1089 = arith.addi %add3A_1088, %mul3A_1087 : i32
          %mul3A_1090 = arith.constant 16 : i32
          %mul3A_1091 = arith.muli %add3A_1089, %mul3A_1090 : i32
          %get3A_1092 = arith.constant 4 : i32
          %get3A_1093 = arith.index_cast %get3A_1092 : i32 to index
          %get3A_1094 = arith.index_cast %add3A_934 : i32 to index
          %get3A_1095 = arith.index_cast %mul3A_1091 : i32 to index
          %get3A_1096 = tpu.vector_load %arg7[%get3A_1093, %get3A_1094, %get3A_1095] {strides = array<i32>} : memref<8x8x768xf32, #tpu.memory_space<vmem>>, vector<1x1x16xf32>,
          %get3A_1097 = vector.shape_cast %get3A_1096 : vector<1x1x16xf32> to vector<16xf32>
          %swap3A_1098 = arith.constant 4 : i32
          %swap3A_1099 = arith.index_cast %swap3A_1098 : i32 to index
          %swap3A_1100 = arith.index_cast %add3A_934 : i32 to index
          %swap3A_1101 = arith.index_cast %mul3A_1091 : i32 to index
          %swap3A_1102 = tpu.vector_load %arg8[%swap3A_1099, %swap3A_1100, %swap3A_1101] {strides = array<i32>} : memref<8x8x768xf32, #tpu.memory_space<vmem>>, vector<1x1x16xf32>,
          %swap3A_1103 = vector.shape_cast %swap3A_1102 : vector<1x1x16xf32> to vector<16xf32>
          %swap3A_1104 = vector.shape_cast %get3A_1097 : vector<16xf32> to vector<1x1x16xf32>
          tpu.vector_store %arg8[%swap3A_1099, %swap3A_1100, %swap3A_1101], %swap3A_1104 {add = true, strides = array<i32>} : memref<8x8x768xf32, #tpu.memory_space<vmem>>, vector<1x1x16xf32>,
          %scan3A_1105 = arith.constant 8 : i32
          %scan3A_1106 = arith.addi %scan3A_940, %scan3A_1105 : i32
          %mul3A_1107 = arith.constant 1 : i32
          %mul3A_1108 = arith.muli %scan3A_1106, %mul3A_1107 : i32
          %add3A_1109 = arith.constant 0 : i32
          %add3A_1110 = arith.addi %add3A_1109, %mul3A_1108 : i32
          %mul3A_1111 = arith.constant 16 : i32
          %mul3A_1112 = arith.muli %add3A_1110, %mul3A_1111 : i32
          %get3A_1113 = arith.constant 4 : i32
          %get3A_1114 = arith.index_cast %get3A_1113 : i32 to index
          %get3A_1115 = arith.index_cast %add3A_934 : i32 to index
          %get3A_1116 = arith.index_cast %mul3A_1112 : i32 to index
          %get3A_1117 = tpu.vector_load %arg7[%get3A_1114, %get3A_1115, %get3A_1116] {strides = array<i32>} : memref<8x8x768xf32, #tpu.memory_space<vmem>>, vector<1x1x16xf32>,
          %get3A_1118 = vector.shape_cast %get3A_1117 : vector<1x1x16xf32> to vector<16xf32>
          %swap3A_1119 = arith.constant 4 : i32
          %swap3A_1120 = arith.index_cast %swap3A_1119 : i32 to index
          %swap3A_1121 = arith.index_cast %add3A_934 : i32 to index
          %swap3A_1122 = arith.index_cast %mul3A_1112 : i32 to index
          %swap3A_1123 = tpu.vector_load %arg8[%swap3A_1120, %swap3A_1121, %swap3A_1122] {strides = array<i32>} : memref<8x8x768xf32, #tpu.memory_space<vmem>>, vector<1x1x16xf32>,
          %swap3A_1124 = vector.shape_cast %swap3A_1123 : vector<1x1x16xf32> to vector<16xf32>
          %swap3A_1125 = vector.shape_cast %get3A_1118 : vector<16xf32> to vector<1x1x16xf32>
          tpu.vector_store %arg8[%swap3A_1120, %swap3A_1121, %swap3A_1122], %swap3A_1125 {add = true, strides = array<i32>} : memref<8x8x768xf32, #tpu.memory_space<vmem>>, vector<1x1x16xf32>,
          %scan3A_1126 = arith.constant 9 : i32
          %scan3A_1127 = arith.addi %scan3A_940, %scan3A_1126 : i32
          %mul3A_1128 = arith.constant 1 : i32
          %mul3A_1129 = arith.muli %scan3A_1127, %mul3A_1128 : i32
          %add3A_1130 = arith.constant 0 : i32
          %add3A_1131 = arith.addi %add3A_1130, %mul3A_1129 : i32
          %mul3A_1132 = arith.constant 16 : i32
          %mul3A_1133 = arith.muli %add3A_1131, %mul3A_1132 : i32
          %get3A_1134 = arith.constant 4 : i32
          %get3A_1135 = arith.index_cast %get3A_1134 : i32 to index
          %get3A_1136 = arith.index_cast %add3A_934 : i32 to index
          %get3A_1137 = arith.index_cast %mul3A_1133 : i32 to index
          %get3A_1138 = tpu.vector_load %arg7[%get3A_1135, %get3A_1136, %get3A_1137] {strides = array<i32>} : memref<8x8x768xf32, #tpu.memory_space<vmem>>, vector<1x1x16xf32>,
          %get3A_1139 = vector.shape_cast %get3A_1138 : vector<1x1x16xf32> to vector<16xf32>
          %swap3A_1140 = arith.constant 4 : i32
          %swap3A_1141 = arith.index_cast %swap3A_1140 : i32 to index
          %swap3A_1142 = arith.index_cast %add3A_934 : i32 to index
          %swap3A_1143 = arith.index_cast %mul3A_1133 : i32 to index
          %swap3A_1144 = tpu.vector_load %arg8[%swap3A_1141, %swap3A_1142, %swap3A_1143] {strides = array<i32>} : memref<8x8x768xf32, #tpu.memory_space<vmem>>, vector<1x1x16xf32>,
          %swap3A_1145 = vector.shape_cast %swap3A_1144 : vector<1x1x16xf32> to vector<16xf32>
          %swap3A_1146 = vector.shape_cast %get3A_1139 : vector<16xf32> to vector<1x1x16xf32>
          tpu.vector_store %arg8[%swap3A_1141, %swap3A_1142, %swap3A_1143], %swap3A_1146 {add = true, strides = array<i32>} : memref<8x8x768xf32, #tpu.memory_space<vmem>>, vector<1x1x16xf32>,
          %scan3A_1147 = arith.constant 10 : i32
          %scan3A_1148 = arith.addi %scan3A_940, %scan3A_1147 : i32
          %mul3A_1149 = arith.constant 1 : i32
          %mul3A_1150 = arith.muli %scan3A_1148, %mul3A_1149 : i32
          %add3A_1151 = arith.constant 0 : i32
          %add3A_1152 = arith.addi %add3A_1151, %mul3A_1150 : i32
          %mul3A_1153 = arith.constant 16 : i32
          %mul3A_1154 = arith.muli %add3A_1152, %mul3A_1153 : i32
          %get3A_1155 = arith.constant 4 : i32
          %get3A_1156 = arith.index_cast %get3A_1155 : i32 to index
          %get3A_1157 = arith.index_cast %add3A_934 : i32 to index
          %get3A_1158 = arith.index_cast %mul3A_1154 : i32 to index
          %get3A_1159 = tpu.vector_load %arg7[%get3A_1156, %get3A_1157, %get3A_1158] {strides = array<i32>} : memref<8x8x768xf32, #tpu.memory_space<vmem>>, vector<1x1x16xf32>,
          %get3A_1160 = vector.shape_cast %get3A_1159 : vector<1x1x16xf32> to vector<16xf32>
          %swap3A_1161 = arith.constant 4 : i32
          %swap3A_1162 = arith.index_cast %swap3A_1161 : i32 to index
          %swap3A_1163 = arith.index_cast %add3A_934 : i32 to index
          %swap3A_1164 = arith.index_cast %mul3A_1154 : i32 to index
          %swap3A_1165 = tpu.vector_load %arg8[%swap3A_1162, %swap3A_1163, %swap3A_1164] {strides = array<i32>} : memref<8x8x768xf32, #tpu.memory_space<vmem>>, vector<1x1x16xf32>,
          %swap3A_1166 = vector.shape_cast %swap3A_1165 : vector<1x1x16xf32> to vector<16xf32>
          %swap3A_1167 = vector.shape_cast %get3A_1160 : vector<16xf32> to vector<1x1x16xf32>
          tpu.vector_store %arg8[%swap3A_1162, %swap3A_1163, %swap3A_1164], %swap3A_1167 {add = true, strides = array<i32>} : memref<8x8x768xf32, #tpu.memory_space<vmem>>, vector<1x1x16xf32>,
          %scan3A_1168 = arith.constant 11 : i32
          %scan3A_1169 = arith.addi %scan3A_940, %scan3A_1168 : i32
          %mul3A_1170 = arith.constant 1 : i32
          %mul3A_1171 = arith.muli %scan3A_1169, %mul3A_1170 : i32
          %add3A_1172 = arith.constant 0 : i32
          %add3A_1173 = arith.addi %add3A_1172, %mul3A_1171 : i32
          %mul3A_1174 = arith.constant 16 : i32
          %mul3A_1175 = arith.muli %add3A_1173, %mul3A_1174 : i32
          %get3A_1176 = arith.constant 4 : i32
          %get3A_1177 = arith.index_cast %get3A_1176 : i32 to index
          %get3A_1178 = arith.index_cast %add3A_934 : i32 to index
          %get3A_1179 = arith.index_cast %mul3A_1175 : i32 to index
          %get3A_1180 = tpu.vector_load %arg7[%get3A_1177, %get3A_1178, %get3A_1179] {strides = array<i32>} : memref<8x8x768xf32, #tpu.memory_space<vmem>>, vector<1x1x16xf32>,
          %get3A_1181 = vector.shape_cast %get3A_1180 : vector<1x1x16xf32> to vector<16xf32>
          %swap3A_1182 = arith.constant 4 : i32
          %swap3A_1183 = arith.index_cast %swap3A_1182 : i32 to index
          %swap3A_1184 = arith.index_cast %add3A_934 : i32 to index
          %swap3A_1185 = arith.index_cast %mul3A_1175 : i32 to index
          %swap3A_1186 = tpu.vector_load %arg8[%swap3A_1183, %swap3A_1184, %swap3A_1185] {strides = array<i32>} : memref<8x8x768xf32, #tpu.memory_space<vmem>>, vector<1x1x16xf32>,
          %swap3A_1187 = vector.shape_cast %swap3A_1186 : vector<1x1x16xf32> to vector<16xf32>
          %swap3A_1188 = vector.shape_cast %get3A_1181 : vector<16xf32> to vector<1x1x16xf32>
          tpu.vector_store %arg8[%swap3A_1183, %swap3A_1184, %swap3A_1185], %swap3A_1188 {add = true, strides = array<i32>} : memref<8x8x768xf32, #tpu.memory_space<vmem>>, vector<1x1x16xf32>,
          %scan3A_1189 = arith.constant 12 : i32
          %scan3A_1190 = arith.addi %scan3A_940, %scan3A_1189 : i32
          %mul3A_1191 = arith.constant 1 : i32
          %mul3A_1192 = arith.muli %scan3A_1190, %mul3A_1191 : i32
          %add3A_1193 = arith.constant 0 : i32
          %add3A_1194 = arith.addi %add3A_1193, %mul3A_1192 : i32
          %mul3A_1195 = arith.constant 16 : i32
          %mul3A_1196 = arith.muli %add3A_1194, %mul3A_1195 : i32
          %get3A_1197 = arith.constant 4 : i32
          %get3A_1198 = arith.index_cast %get3A_1197 : i32 to index
          %get3A_1199 = arith.index_cast %add3A_934 : i32 to index
          %get3A_1200 = arith.index_cast %mul3A_1196 : i32 to index
          %get3A_1201 = tpu.vector_load %arg7[%get3A_1198, %get3A_1199, %get3A_1200] {strides = array<i32>} : memref<8x8x768xf32, #tpu.memory_space<vmem>>, vector<1x1x16xf32>,
          %get3A_1202 = vector.shape_cast %get3A_1201 : vector<1x1x16xf32> to vector<16xf32>
          %swap3A_1203 = arith.constant 4 : i32
          %swap3A_1204 = arith.index_cast %swap3A_1203 : i32 to index
          %swap3A_1205 = arith.index_cast %add3A_934 : i32 to index
          %swap3A_1206 = arith.index_cast %mul3A_1196 : i32 to index
          %swap3A_1207 = tpu.vector_load %arg8[%swap3A_1204, %swap3A_1205, %swap3A_1206] {strides = array<i32>} : memref<8x8x768xf32, #tpu.memory_space<vmem>>, vector<1x1x16xf32>,
          %swap3A_1208 = vector.shape_cast %swap3A_1207 : vector<1x1x16xf32> to vector<16xf32>
          %swap3A_1209 = vector.shape_cast %get3A_1202 : vector<16xf32> to vector<1x1x16xf32>
          tpu.vector_store %arg8[%swap3A_1204, %swap3A_1205, %swap3A_1206], %swap3A_1209 {add = true, strides = array<i32>} : memref<8x8x768xf32, #tpu.memory_space<vmem>>, vector<1x1x16xf32>,
          %scan3A_1210 = arith.constant 13 : i32
          %scan3A_1211 = arith.addi %scan3A_940, %scan3A_1210 : i32
          %mul3A_1212 = arith.constant 1 : i32
          %mul3A_1213 = arith.muli %scan3A_1211, %mul3A_1212 : i32
          %add3A_1214 = arith.constant 0 : i32
          %add3A_1215 = arith.addi %add3A_1214, %mul3A_1213 : i32
          %mul3A_1216 = arith.constant 16 : i32
          %mul3A_1217 = arith.muli %add3A_1215, %mul3A_1216 : i32
          %get3A_1218 = arith.constant 4 : i32
          %get3A_1219 = arith.index_cast %get3A_1218 : i32 to index
          %get3A_1220 = arith.index_cast %add3A_934 : i32 to index
          %get3A_1221 = arith.index_cast %mul3A_1217 : i32 to index
          %get3A_1222 = tpu.vector_load %arg7[%get3A_1219, %get3A_1220, %get3A_1221] {strides = array<i32>} : memref<8x8x768xf32, #tpu.memory_space<vmem>>, vector<1x1x16xf32>,
          %get3A_1223 = vector.shape_cast %get3A_1222 : vector<1x1x16xf32> to vector<16xf32>
          %swap3A_1224 = arith.constant 4 : i32
          %swap3A_1225 = arith.index_cast %swap3A_1224 : i32 to index
          %swap3A_1226 = arith.index_cast %add3A_934 : i32 to index
          %swap3A_1227 = arith.index_cast %mul3A_1217 : i32 to index
          %swap3A_1228 = tpu.vector_load %arg8[%swap3A_1225, %swap3A_1226, %swap3A_1227] {strides = array<i32>} : memref<8x8x768xf32, #tpu.memory_space<vmem>>, vector<1x1x16xf32>,
          %swap3A_1229 = vector.shape_cast %swap3A_1228 : vector<1x1x16xf32> to vector<16xf32>
          %swap3A_1230 = vector.shape_cast %get3A_1223 : vector<16xf32> to vector<1x1x16xf32>
          tpu.vector_store %arg8[%swap3A_1225, %swap3A_1226, %swap3A_1227], %swap3A_1230 {add = true, strides = array<i32>} : memref<8x8x768xf32, #tpu.memory_space<vmem>>, vector<1x1x16xf32>,
          %scan3A_1231 = arith.constant 14 : i32
          %scan3A_1232 = arith.addi %scan3A_940, %scan3A_1231 : i32
          %mul3A_1233 = arith.constant 1 : i32
          %mul3A_1234 = arith.muli %scan3A_1232, %mul3A_1233 : i32
          %add3A_1235 = arith.constant 0 : i32
          %add3A_1236 = arith.addi %add3A_1235, %mul3A_1234 : i32
          %mul3A_1237 = arith.constant 16 : i32
          %mul3A_1238 = arith.muli %add3A_1236, %mul3A_1237 : i32
          %get3A_1239 = arith.constant 4 : i32
          %get3A_1240 = arith.index_cast %get3A_1239 : i32 to index
          %get3A_1241 = arith.index_cast %add3A_934 : i32 to index
          %get3A_1242 = arith.index_cast %mul3A_1238 : i32 to index
          %get3A_1243 = tpu.vector_load %arg7[%get3A_1240, %get3A_1241, %get3A_1242] {strides = array<i32>} : memref<8x8x768xf32, #tpu.memory_space<vmem>>, vector<1x1x16xf32>,
          %get3A_1244 = vector.shape_cast %get3A_1243 : vector<1x1x16xf32> to vector<16xf32>
          %swap3A_1245 = arith.constant 4 : i32
          %swap3A_1246 = arith.index_cast %swap3A_1245 : i32 to index
          %swap3A_1247 = arith.index_cast %add3A_934 : i32 to index
          %swap3A_1248 = arith.index_cast %mul3A_1238 : i32 to index
          %swap3A_1249 = tpu.vector_load %arg8[%swap3A_1246, %swap3A_1247, %swap3A_1248] {strides = array<i32>} : memref<8x8x768xf32, #tpu.memory_space<vmem>>, vector<1x1x16xf32>,
          %swap3A_1250 = vector.shape_cast %swap3A_1249 : vector<1x1x16xf32> to vector<16xf32>
          %swap3A_1251 = vector.shape_cast %get3A_1244 : vector<16xf32> to vector<1x1x16xf32>
          tpu.vector_store %arg8[%swap3A_1246, %swap3A_1247, %swap3A_1248], %swap3A_1251 {add = true, strides = array<i32>} : memref<8x8x768xf32, #tpu.memory_space<vmem>>, vector<1x1x16xf32>,
          %scan3A_1252 = arith.constant 15 : i32
          %scan3A_1253 = arith.addi %scan3A_940, %scan3A_1252 : i32
          %mul3A_1254 = arith.constant 1 : i32
          %mul3A_1255 = arith.muli %scan3A_1253, %mul3A_1254 : i32
          %add3A_1256 = arith.constant 0 : i32
          %add3A_1257 = arith.addi %add3A_1256, %mul3A_1255 : i32
          %mul3A_1258 = arith.constant 16 : i32
          %mul3A_1259 = arith.muli %add3A_1257, %mul3A_1258 : i32
          %get3A_1260 = arith.constant 4 : i32
          %get3A_1261 = arith.index_cast %get3A_1260 : i32 to index
          %get3A_1262 = arith.index_cast %add3A_934 : i32 to index
          %get3A_1263 = arith.index_cast %mul3A_1259 : i32 to index
          %get3A_1264 = tpu.vector_load %arg7[%get3A_1261, %get3A_1262, %get3A_1263] {strides = array<i32>} : memref<8x8x768xf32, #tpu.memory_space<vmem>>, vector<1x1x16xf32>,
          %get3A_1265 = vector.shape_cast %get3A_1264 : vector<1x1x16xf32> to vector<16xf32>
          %swap3A_1266 = arith.constant 4 : i32
          %swap3A_1267 = arith.index_cast %swap3A_1266 : i32 to index
          %swap3A_1268 = arith.index_cast %add3A_934 : i32 to index
          %swap3A_1269 = arith.index_cast %mul3A_1259 : i32 to index
          %swap3A_1270 = tpu.vector_load %arg8[%swap3A_1267, %swap3A_1268, %swap3A_1269] {strides = array<i32>} : memref<8x8x768xf32, #tpu.memory_space<vmem>>, vector<1x1x16xf32>,
          %swap3A_1271 = vector.shape_cast %swap3A_1270 : vector<1x1x16xf32> to vector<16xf32>
          %swap3A_1272 = vector.shape_cast %get3A_1265 : vector<16xf32> to vector<1x1x16xf32>
          tpu.vector_store %arg8[%swap3A_1267, %swap3A_1268, %swap3A_1269], %swap3A_1272 {add = true, strides = array<i32>} : memref<8x8x768xf32, #tpu.memory_space<vmem>>, vector<1x1x16xf32>,
        }
        %scan3A_939 = arith.constant 48 : i32
      }
      %scan3A_707 = arith.constant 8 : i32
      %mul3A_708 = arith.constant 8 : i32
      %mul3A_709 = arith.muli %add3A_669, %mul3A_708 : i32
      %add3A_710 = arith.addi %mul3A_2, %mul3A_709 : i32
      %dma_start3A_711 = arith.constant 4 : i32
      %dma_start3A_712 = arith.constant 4 : i32
      %dma_start3A_713 = arith.constant 0 : i32
      %dma_start3A_714 = arith.constant 0 : i32
      %dma_start3A_715 = tpu.memref_slice %arg8[%dma_start3A_711, %dma_start3A_713, %dma_start3A_714] : memref<8x8x768xf32, #tpu.memory_space<vmem>> -> memref<1x8x768xf32, #tpu.memory_space<vmem>>
      %dma_start3A_716 = tpu.memref_squeeze %dma_start3A_715 : memref<1x8x768xf32, #tpu.memory_space<vmem>> -> memref<8x768xf32, #tpu.memory_space<vmem>>
      %dma_start3A_717 = arith.constant 0 : i32
      %dma_start3A_718 = tpu.memref_slice %arg5[%add3A_710, %dma_start3A_717] : memref<32768x768xf32, #tpu.memory_space<hbm>> -> memref<8x768xf32, #tpu.memory_space<hbm>>
      %dma_start3A_719 = tpu.memref_slice %arg11[%dma_start3A_712] : memref<8x!tpu.dma_semaphore, #tpu.memory_space<semaphore_mem>> -> memref<1x!tpu.dma_semaphore, #tpu.memory_space<semaphore_mem>>
      %dma_start3A_720 = tpu.memref_squeeze %dma_start3A_719 : memref<1x!tpu.dma_semaphore, #tpu.memory_space<semaphore_mem>> -> memref<!tpu.dma_semaphore, #tpu.memory_space<semaphore_mem>>
      %dma_start3A_721 = arith.constant 0 : i32
      %dma_start3A_722 = tpu.memref_slice %arg5[%add3A_710, %dma_start3A_721] : memref<32768x768xf32, #tpu.memory_space<hbm>> -> memref<8x768xf32, #tpu.memory_space<hbm>>
      %dma_start3A_723 = arith.constant 0 : i32
      %dma_start3A_724 = arith.constant 0 : i32
      %dma_start3A_725 = tpu.memref_slice %arg8[%dma_start3A_711, %dma_start3A_723, %dma_start3A_724] : memref<8x8x768xf32, #tpu.memory_space<vmem>> -> memref<1x8x768xf32, #tpu.memory_space<vmem>>
      %dma_start3A_726 = tpu.memref_squeeze %dma_start3A_725 : memref<1x8x768xf32, #tpu.memory_space<vmem>> -> memref<8x768xf32, #tpu.memory_space<vmem>>
      tpu.enqueue_dma source(%dma_start3A_726 : memref<8x768xf32, #tpu.memory_space<vmem>>) target(%dma_start3A_722 : memref<8x768xf32, #tpu.memory_space<hbm>>) target_semaphore(%dma_start3A_720 : memref<!tpu.dma_semaphore, #tpu.memory_space<semaphore_mem>>)
      %lt3A_727 = arith.constant 15 : i32
      %lt3A_728 = arith.cmpi slt, %add3A_370, %lt3A_727 : i32
      %convert_element_type3A_729 = arith.extui %lt3A_728 : i1 to i32
      %cond3A_730 = arith.constant 0 : i32
      %cond3A_731 = arith.cmpi ne, %convert_element_type3A_729, %cond3A_730 : i32
      scf.if %cond3A_731 {
        %mul3A_930 = arith.constant 8 : i32
        %mul3A_931 = arith.muli %add3A_370, %mul3A_930 : i32
        %add3A_932 = arith.constant 4 : i32
        %add3A_933 = arith.addi %mul3A_931, %add3A_932 : i32
        %add3A_934 = arith.constant 7 : i32
        %add3A_935 = arith.addi %add3A_933, %add3A_934 : i32
        %sub3A = arith.constant 8 : i32
        %sub3A_936 = arith.subi %add3A_935, %sub3A : i32
        %mul3A_937 = arith.constant 8 : i32
        %mul3A_938 = arith.muli %sub3A_936, %mul3A_937 : i32
        %add3A_939 = arith.addi %mul3A_2, %mul3A_938 : i32
        %dma_wait3A_940 = arith.constant 3 : i32
        %dma_wait3A_941 = arith.constant 3 : i32
        %dma_wait3A_942 = arith.constant 0 : i32
        %dma_wait3A_943 = arith.constant 0 : i32
        %dma_wait3A_944 = tpu.memref_slice %arg8[%dma_wait3A_940, %dma_wait3A_942, %dma_wait3A_943] : memref<8x8x768xf32, #tpu.memory_space<vmem>> -> memref<1x8x768xf32, #tpu.memory_space<vmem>>
        %dma_wait3A_945 = tpu.memref_squeeze %dma_wait3A_944 : memref<1x8x768xf32, #tpu.memory_space<vmem>> -> memref<8x768xf32, #tpu.memory_space<vmem>>
        %dma_wait3A_946 = arith.constant 0 : i32
        %dma_wait3A_947 = tpu.memref_slice %arg5[%add3A_939, %dma_wait3A_946] : memref<32768x768xf32, #tpu.memory_space<hbm>> -> memref<8x768xf32, #tpu.memory_space<hbm>>
        %dma_wait3A_948 = tpu.memref_slice %arg11[%dma_wait3A_941] : memref<8x!tpu.dma_semaphore, #tpu.memory_space<semaphore_mem>> -> memref<1x!tpu.dma_semaphore, #tpu.memory_space<semaphore_mem>>
        %dma_wait3A_949 = tpu.memref_squeeze %dma_wait3A_948 : memref<1x!tpu.dma_semaphore, #tpu.memory_space<semaphore_mem>> -> memref<!tpu.dma_semaphore, #tpu.memory_space<semaphore_mem>>
        %dma_wait3A_950 = arith.constant 0 : i32
        %dma_wait3A_951 = tpu.memref_slice %arg5[%add3A_939, %dma_wait3A_950] : memref<32768x768xf32, #tpu.memory_space<hbm>> -> memref<8x768xf32, #tpu.memory_space<hbm>>
        %dma_wait3A_952 = arith.constant 0 : i32
        %dma_wait3A_953 = arith.constant 0 : i32
        %dma_wait3A_954 = tpu.memref_slice %arg8[%dma_wait3A_940, %dma_wait3A_952, %dma_wait3A_953] : memref<8x8x768xf32, #tpu.memory_space<vmem>> -> memref<1x8x768xf32, #tpu.memory_space<vmem>>
        %dma_wait3A_955 = tpu.memref_squeeze %dma_wait3A_954 : memref<1x8x768xf32, #tpu.memory_space<vmem>> -> memref<8x768xf32, #tpu.memory_space<vmem>>
        tpu.wait_dma2 semaphore(%dma_wait3A_949 : memref<!tpu.dma_semaphore, #tpu.memory_space<semaphore_mem>>) src(%dma_wait3A_955 : memref<8x768xf32, #tpu.memory_space<vmem>>) dst(%dma_wait3A_951 : memref<8x768xf32, #tpu.memory_space<hbm>>)
        %add3A_956 = arith.constant 7 : i32
        %add3A_957 = arith.addi %add3A_669, %add3A_956 : i32
        %mul3A_958 = arith.constant 8 : i32
        %mul3A_959 = arith.muli %add3A_957, %mul3A_958 : i32
        %add3A_960 = arith.addi %mul3A_2, %mul3A_959 : i32
        %dma_start3A_961 = arith.constant 3 : i32
        %dma_start3A_962 = arith.constant 3 : i32
        %dma_start3A_963 = arith.constant 0 : i32
        %dma_start3A_964 = arith.constant 0 : i32
        %dma_start3A_965 = tpu.memref_slice %arg7[%dma_start3A_961, %dma_start3A_963, %dma_start3A_964] : memref<8x8x768xf32, #tpu.memory_space<vmem>> -> memref<1x8x768xf32, #tpu.memory_space<vmem>>
        %dma_start3A_966 = tpu.memref_squeeze %dma_start3A_965 : memref<1x8x768xf32, #tpu.memory_space<vmem>> -> memref<8x768xf32, #tpu.memory_space<vmem>>
        %dma_start3A_967 = arith.constant 0 : i32
        %dma_start3A_968 = tpu.memref_slice %arg2[%add3A_960, %dma_start3A_967] : memref<32768x768xf32, #tpu.memory_space<hbm>> -> memref<8x768xf32, #tpu.memory_space<hbm>>
        %dma_start3A_969 = tpu.memref_slice %arg9[%dma_start3A_962] : memref<8x!tpu.dma_semaphore, #tpu.memory_space<semaphore_mem>> -> memref<1x!tpu.dma_semaphore, #tpu.memory_space<semaphore_mem>>
        %dma_start3A_970 = tpu.memref_squeeze %dma_start3A_969 : memref<1x!tpu.dma_semaphore, #tpu.memory_space<semaphore_mem>> -> memref<!tpu.dma_semaphore, #tpu.memory_space<semaphore_mem>>
        %dma_start3A_971 = arith.constant 0 : i32
        %dma_start3A_972 = arith.constant 0 : i32
        %dma_start3A_973 = tpu.memref_slice %arg7[%dma_start3A_961, %dma_start3A_971, %dma_start3A_972] : memref<8x8x768xf32, #tpu.memory_space<vmem>> -> memref<1x8x768xf32, #tpu.memory_space<vmem>>
        %dma_start3A_974 = tpu.memref_squeeze %dma_start3A_973 : memref<1x8x768xf32, #tpu.memory_space<vmem>> -> memref<8x768xf32, #tpu.memory_space<vmem>>
        %dma_start3A_975 = arith.constant 0 : i32
        %dma_start3A_976 = tpu.memref_slice %arg2[%add3A_960, %dma_start3A_975] : memref<32768x768xf32, #tpu.memory_space<hbm>> -> memref<8x768xf32, #tpu.memory_space<hbm>>
        tpu.enqueue_dma source(%dma_start3A_976 : memref<8x768xf32, #tpu.memory_space<hbm>>) target(%dma_start3A_974 : memref<8x768xf32, #tpu.memory_space<vmem>>) target_semaphore(%dma_start3A_970 : memref<!tpu.dma_semaphore, #tpu.memory_space<semaphore_mem>>)
        %mul3A_977 = arith.constant 8 : i32
        %mul3A_978 = arith.muli %add3A_957, %mul3A_977 : i32
        %dma_start3A_979 = arith.constant 3 : i32
        %dma_start3A_980 = arith.constant 3 : i32
        %dma_start3A_981 = arith.constant 0 : i32
        %dma_start3A_982 = arith.constant 0 : i32
        %dma_start3A_983 = tpu.memref_slice %arg8[%dma_start3A_979, %dma_start3A_981, %dma_start3A_982] : memref<8x8x768xf32, #tpu.memory_space<vmem>> -> memref<1x8x768xf32, #tpu.memory_space<vmem>>
        %dma_start3A_984 = tpu.memref_squeeze %dma_start3A_983 : memref<1x8x768xf32, #tpu.memory_space<vmem>> -> memref<8x768xf32, #tpu.memory_space<vmem>>
        %dma_start3A_985 = tpu.memref_slice %arg6[%mul3A_978] : memref<1024xi32, #tpu.memory_space<vmem>> -> memref<8xi32, #tpu.memory_space<vmem>>
        %dma_start3A_986 = arith.constant 0 : i32
        %dma_start3A_987 = arith.constant 0 : i32
        %dma_start3A_988 = tpu.memref_slice %arg4[%dma_start3A_986, %dma_start3A_987] : memref<8192x768xf32, #tpu.memory_space<hbm>> -> memref<8192x768xf32, #tpu.memory_space<hbm>>
        %dma_start3A_989 = tpu.memref_slice %arg10[%dma_start3A_980] : memref<8x!tpu.dma_semaphore, #tpu.memory_space<semaphore_mem>> -> memref<1x!tpu.dma_semaphore, #tpu.memory_space<semaphore_mem>>
        %dma_start3A_990 = tpu.memref_squeeze %dma_start3A_989 : memref<1x!tpu.dma_semaphore, #tpu.memory_space<semaphore_mem>> -> memref<!tpu.dma_semaphore, #tpu.memory_space<semaphore_mem>>
        tpu.enqueue_indirect_dma source(%dma_start3A_988 : memref<8192x768xf32, #tpu.memory_space<hbm>>) target(%dma_start3A_984 : memref<8x768xf32, #tpu.memory_space<vmem>>) offsets(%dma_start3A_985 : memref<8xi32, #tpu.memory_space<vmem>>) semaphore(%dma_start3A_990 : memref<!tpu.dma_semaphore, #tpu.memory_space<semaphore_mem>>)
      } else {
      }
      %mul3A_732 = arith.constant 8 : i32
      %mul3A_733 = arith.muli %add3A_370, %mul3A_732 : i32
      %add3A_734 = arith.constant 5 : i32
      %add3A_735 = arith.addi %mul3A_733, %add3A_734 : i32
      %mul3A_736 = arith.constant 8 : i32
      %mul3A_737 = arith.muli %add3A_735, %mul3A_736 : i32
      %add3A_738 = arith.addi %mul3A_2, %mul3A_737 : i32
      %dma_wait3A_739 = arith.constant 5 : i32
      %dma_wait3A_740 = arith.constant 5 : i32
      %dma_wait3A_741 = arith.constant 0 : i32
      %dma_wait3A_742 = arith.constant 0 : i32
      %dma_wait3A_743 = tpu.memref_slice %arg7[%dma_wait3A_739, %dma_wait3A_741, %dma_wait3A_742] : memref<8x8x768xf32, #tpu.memory_space<vmem>> -> memref<1x8x768xf32, #tpu.memory_space<vmem>>
      %dma_wait3A_744 = tpu.memref_squeeze %dma_wait3A_743 : memref<1x8x768xf32, #tpu.memory_space<vmem>> -> memref<8x768xf32, #tpu.memory_space<vmem>>
      %dma_wait3A_745 = arith.constant 0 : i32
      %dma_wait3A_746 = tpu.memref_slice %arg2[%add3A_738, %dma_wait3A_745] : memref<32768x768xf32, #tpu.memory_space<hbm>> -> memref<8x768xf32, #tpu.memory_space<hbm>>
      %dma_wait3A_747 = tpu.memref_slice %arg9[%dma_wait3A_740] : memref<8x!tpu.dma_semaphore, #tpu.memory_space<semaphore_mem>> -> memref<1x!tpu.dma_semaphore, #tpu.memory_space<semaphore_mem>>
      %dma_wait3A_748 = tpu.memref_squeeze %dma_wait3A_747 : memref<1x!tpu.dma_semaphore, #tpu.memory_space<semaphore_mem>> -> memref<!tpu.dma_semaphore, #tpu.memory_space<semaphore_mem>>
      %dma_wait3A_749 = arith.constant 0 : i32
      %dma_wait3A_750 = arith.constant 0 : i32
      %dma_wait3A_751 = tpu.memref_slice %arg7[%dma_wait3A_739, %dma_wait3A_749, %dma_wait3A_750] : memref<8x8x768xf32, #tpu.memory_space<vmem>> -> memref<1x8x768xf32, #tpu.memory_space<vmem>>
      %dma_wait3A_752 = tpu.memref_squeeze %dma_wait3A_751 : memref<1x8x768xf32, #tpu.memory_space<vmem>> -> memref<8x768xf32, #tpu.memory_space<vmem>>
      %dma_wait3A_753 = arith.constant 0 : i32
      %dma_wait3A_754 = tpu.memref_slice %arg2[%add3A_738, %dma_wait3A_753] : memref<32768x768xf32, #tpu.memory_space<hbm>> -> memref<8x768xf32, #tpu.memory_space<hbm>>
      tpu.wait_dma2 semaphore(%dma_wait3A_748 : memref<!tpu.dma_semaphore, #tpu.memory_space<semaphore_mem>>) src(%dma_wait3A_754 : memref<8x768xf32, #tpu.memory_space<hbm>>) dst(%dma_wait3A_752 : memref<8x768xf32, #tpu.memory_space<vmem>>)
      %mul3A_755 = arith.constant 8 : i32
      %mul3A_756 = arith.muli %add3A_735, %mul3A_755 : i32
      %dma_wait3A_757 = arith.constant 5 : i32
      %dma_wait3A_758 = arith.constant 5 : i32
      %dma_wait3A_759 = arith.constant 0 : i32
      %dma_wait3A_760 = arith.constant 0 : i32
      %dma_wait3A_761 = tpu.memref_slice %arg8[%dma_wait3A_757, %dma_wait3A_759, %dma_wait3A_760] : memref<8x8x768xf32, #tpu.memory_space<vmem>> -> memref<1x8x768xf32, #tpu.memory_space<vmem>>
      %dma_wait3A_762 = tpu.memref_squeeze %dma_wait3A_761 : memref<1x8x768xf32, #tpu.memory_space<vmem>> -> memref<8x768xf32, #tpu.memory_space<vmem>>
      %dma_wait3A_763 = tpu.memref_slice %arg6[%mul3A_756] : memref<1024xi32, #tpu.memory_space<vmem>> -> memref<8xi32, #tpu.memory_space<vmem>>
      %dma_wait3A_764 = arith.constant 0 : i32
      %dma_wait3A_765 = arith.constant 0 : i32
      %dma_wait3A_766 = tpu.memref_slice %arg4[%dma_wait3A_764, %dma_wait3A_765] : memref<8192x768xf32, #tpu.memory_space<hbm>> -> memref<8192x768xf32, #tpu.memory_space<hbm>>
      %dma_wait3A_767 = tpu.memref_slice %arg10[%dma_wait3A_758] : memref<8x!tpu.dma_semaphore, #tpu.memory_space<semaphore_mem>> -> memref<1x!tpu.dma_semaphore, #tpu.memory_space<semaphore_mem>>
      %dma_wait3A_768 = tpu.memref_squeeze %dma_wait3A_767 : memref<1x!tpu.dma_semaphore, #tpu.memory_space<semaphore_mem>> -> memref<!tpu.dma_semaphore, #tpu.memory_space<semaphore_mem>>
      tpu.wait_indirect_dma semaphore(%dma_wait3A_768 : memref<!tpu.dma_semaphore, #tpu.memory_space<semaphore_mem>>) src(%dma_wait3A_766 : memref<8192x768xf32, #tpu.memory_space<hbm>>) dst(%dma_wait3A_762 : memref<8x768xf32, #tpu.memory_space<vmem>>)
      %scan3A_769 = arith.constant 0 : i32
      %scan3A_770 = arith.constant 8 : i32
      %scan3A_771 = arith.addi %scan3A_769, %scan3A_770 : i32
      %scan3A_772 = arith.constant 1 : i32
      scf.for %scan3A_930 = %scan3A_769 to %scan3A_771 step %scan3A_772  : i32 {
        %mul3A_931 = arith.constant 1 : i32
        %mul3A_932 = arith.muli %scan3A_930, %mul3A_931 : i32
        %add3A_933 = arith.constant 0 : i32
        %add3A_934 = arith.addi %add3A_933, %mul3A_932 : i32
        %scan3A_935 = arith.constant 0 : i32
        %scan3A_936 = arith.constant 48 : i32
        %scan3A_937 = arith.addi %scan3A_935, %scan3A_936 : i32
        %scan3A_938 = arith.constant 16 : i32
        scf.for %scan3A_940 = %scan3A_935 to %scan3A_937 step %scan3A_938  : i32 {
          %mul3A_941 = arith.constant 1 : i32
          %mul3A_942 = arith.muli %scan3A_940, %mul3A_941 : i32
          %add3A_943 = arith.constant 0 : i32
          %add3A_944 = arith.addi %add3A_943, %mul3A_942 : i32
          %mul3A_945 = arith.constant 16 : i32
          %mul3A_946 = arith.muli %add3A_944, %mul3A_945 : i32
          %get3A = arith.constant 5 : i32
          %get3A_947 = arith.index_cast %get3A : i32 to index
          %get3A_948 = arith.index_cast %add3A_934 : i32 to index
          %get3A_949 = arith.index_cast %mul3A_946 : i32 to index
          %get3A_950 = tpu.vector_load %arg7[%get3A_947, %get3A_948, %get3A_949] {strides = array<i32>} : memref<8x8x768xf32, #tpu.memory_space<vmem>>, vector<1x1x16xf32>,
          %get3A_951 = vector.shape_cast %get3A_950 : vector<1x1x16xf32> to vector<16xf32>
          %swap3A = arith.constant 5 : i32
          %swap3A_952 = arith.index_cast %swap3A : i32 to index
          %swap3A_953 = arith.index_cast %add3A_934 : i32 to index
          %swap3A_954 = arith.index_cast %mul3A_946 : i32 to index
          %swap3A_955 = tpu.vector_load %arg8[%swap3A_952, %swap3A_953, %swap3A_954] {strides = array<i32>} : memref<8x8x768xf32, #tpu.memory_space<vmem>>, vector<1x1x16xf32>,
          %swap3A_956 = vector.shape_cast %swap3A_955 : vector<1x1x16xf32> to vector<16xf32>
          %swap3A_957 = vector.shape_cast %get3A_951 : vector<16xf32> to vector<1x1x16xf32>
          tpu.vector_store %arg8[%swap3A_952, %swap3A_953, %swap3A_954], %swap3A_957 {add = true, strides = array<i32>} : memref<8x8x768xf32, #tpu.memory_space<vmem>>, vector<1x1x16xf32>,
          %scan3A_958 = arith.constant 1 : i32
          %scan3A_959 = arith.addi %scan3A_940, %scan3A_958 : i32
          %mul3A_960 = arith.constant 1 : i32
          %mul3A_961 = arith.muli %scan3A_959, %mul3A_960 : i32
          %add3A_962 = arith.constant 0 : i32
          %add3A_963 = arith.addi %add3A_962, %mul3A_961 : i32
          %mul3A_964 = arith.constant 16 : i32
          %mul3A_965 = arith.muli %add3A_963, %mul3A_964 : i32
          %get3A_966 = arith.constant 5 : i32
          %get3A_967 = arith.index_cast %get3A_966 : i32 to index
          %get3A_968 = arith.index_cast %add3A_934 : i32 to index
          %get3A_969 = arith.index_cast %mul3A_965 : i32 to index
          %get3A_970 = tpu.vector_load %arg7[%get3A_967, %get3A_968, %get3A_969] {strides = array<i32>} : memref<8x8x768xf32, #tpu.memory_space<vmem>>, vector<1x1x16xf32>,
          %get3A_971 = vector.shape_cast %get3A_970 : vector<1x1x16xf32> to vector<16xf32>
          %swap3A_972 = arith.constant 5 : i32
          %swap3A_973 = arith.index_cast %swap3A_972 : i32 to index
          %swap3A_974 = arith.index_cast %add3A_934 : i32 to index
          %swap3A_975 = arith.index_cast %mul3A_965 : i32 to index
          %swap3A_976 = tpu.vector_load %arg8[%swap3A_973, %swap3A_974, %swap3A_975] {strides = array<i32>} : memref<8x8x768xf32, #tpu.memory_space<vmem>>, vector<1x1x16xf32>,
          %swap3A_977 = vector.shape_cast %swap3A_976 : vector<1x1x16xf32> to vector<16xf32>
          %swap3A_978 = vector.shape_cast %get3A_971 : vector<16xf32> to vector<1x1x16xf32>
          tpu.vector_store %arg8[%swap3A_973, %swap3A_974, %swap3A_975], %swap3A_978 {add = true, strides = array<i32>} : memref<8x8x768xf32, #tpu.memory_space<vmem>>, vector<1x1x16xf32>,
          %scan3A_979 = arith.constant 2 : i32
          %scan3A_980 = arith.addi %scan3A_940, %scan3A_979 : i32
          %mul3A_981 = arith.constant 1 : i32
          %mul3A_982 = arith.muli %scan3A_980, %mul3A_981 : i32
          %add3A_983 = arith.constant 0 : i32
          %add3A_984 = arith.addi %add3A_983, %mul3A_982 : i32
          %mul3A_985 = arith.constant 16 : i32
          %mul3A_986 = arith.muli %add3A_984, %mul3A_985 : i32
          %get3A_987 = arith.constant 5 : i32
          %get3A_988 = arith.index_cast %get3A_987 : i32 to index
          %get3A_989 = arith.index_cast %add3A_934 : i32 to index
          %get3A_990 = arith.index_cast %mul3A_986 : i32 to index
          %get3A_991 = tpu.vector_load %arg7[%get3A_988, %get3A_989, %get3A_990] {strides = array<i32>} : memref<8x8x768xf32, #tpu.memory_space<vmem>>, vector<1x1x16xf32>,
          %get3A_992 = vector.shape_cast %get3A_991 : vector<1x1x16xf32> to vector<16xf32>
          %swap3A_993 = arith.constant 5 : i32
          %swap3A_994 = arith.index_cast %swap3A_993 : i32 to index
          %swap3A_995 = arith.index_cast %add3A_934 : i32 to index
          %swap3A_996 = arith.index_cast %mul3A_986 : i32 to index
          %swap3A_997 = tpu.vector_load %arg8[%swap3A_994, %swap3A_995, %swap3A_996] {strides = array<i32>} : memref<8x8x768xf32, #tpu.memory_space<vmem>>, vector<1x1x16xf32>,
          %swap3A_998 = vector.shape_cast %swap3A_997 : vector<1x1x16xf32> to vector<16xf32>
          %swap3A_999 = vector.shape_cast %get3A_992 : vector<16xf32> to vector<1x1x16xf32>
          tpu.vector_store %arg8[%swap3A_994, %swap3A_995, %swap3A_996], %swap3A_999 {add = true, strides = array<i32>} : memref<8x8x768xf32, #tpu.memory_space<vmem>>, vector<1x1x16xf32>,
          %scan3A_1000 = arith.constant 3 : i32
          %scan3A_1001 = arith.addi %scan3A_940, %scan3A_1000 : i32
          %mul3A_1002 = arith.constant 1 : i32
          %mul3A_1003 = arith.muli %scan3A_1001, %mul3A_1002 : i32
          %add3A_1004 = arith.constant 0 : i32
          %add3A_1005 = arith.addi %add3A_1004, %mul3A_1003 : i32
          %mul3A_1006 = arith.constant 16 : i32
          %mul3A_1007 = arith.muli %add3A_1005, %mul3A_1006 : i32
          %get3A_1008 = arith.constant 5 : i32
          %get3A_1009 = arith.index_cast %get3A_1008 : i32 to index
          %get3A_1010 = arith.index_cast %add3A_934 : i32 to index
          %get3A_1011 = arith.index_cast %mul3A_1007 : i32 to index
          %get3A_1012 = tpu.vector_load %arg7[%get3A_1009, %get3A_1010, %get3A_1011] {strides = array<i32>} : memref<8x8x768xf32, #tpu.memory_space<vmem>>, vector<1x1x16xf32>,
          %get3A_1013 = vector.shape_cast %get3A_1012 : vector<1x1x16xf32> to vector<16xf32>
          %swap3A_1014 = arith.constant 5 : i32
          %swap3A_1015 = arith.index_cast %swap3A_1014 : i32 to index
          %swap3A_1016 = arith.index_cast %add3A_934 : i32 to index
          %swap3A_1017 = arith.index_cast %mul3A_1007 : i32 to index
          %swap3A_1018 = tpu.vector_load %arg8[%swap3A_1015, %swap3A_1016, %swap3A_1017] {strides = array<i32>} : memref<8x8x768xf32, #tpu.memory_space<vmem>>, vector<1x1x16xf32>,
          %swap3A_1019 = vector.shape_cast %swap3A_1018 : vector<1x1x16xf32> to vector<16xf32>
          %swap3A_1020 = vector.shape_cast %get3A_1013 : vector<16xf32> to vector<1x1x16xf32>
          tpu.vector_store %arg8[%swap3A_1015, %swap3A_1016, %swap3A_1017], %swap3A_1020 {add = true, strides = array<i32>} : memref<8x8x768xf32, #tpu.memory_space<vmem>>, vector<1x1x16xf32>,
          %scan3A_1021 = arith.constant 4 : i32
          %scan3A_1022 = arith.addi %scan3A_940, %scan3A_1021 : i32
          %mul3A_1023 = arith.constant 1 : i32
          %mul3A_1024 = arith.muli %scan3A_1022, %mul3A_1023 : i32
          %add3A_1025 = arith.constant 0 : i32
          %add3A_1026 = arith.addi %add3A_1025, %mul3A_1024 : i32
          %mul3A_1027 = arith.constant 16 : i32
          %mul3A_1028 = arith.muli %add3A_1026, %mul3A_1027 : i32
          %get3A_1029 = arith.constant 5 : i32
          %get3A_1030 = arith.index_cast %get3A_1029 : i32 to index
          %get3A_1031 = arith.index_cast %add3A_934 : i32 to index
          %get3A_1032 = arith.index_cast %mul3A_1028 : i32 to index
          %get3A_1033 = tpu.vector_load %arg7[%get3A_1030, %get3A_1031, %get3A_1032] {strides = array<i32>} : memref<8x8x768xf32, #tpu.memory_space<vmem>>, vector<1x1x16xf32>,
          %get3A_1034 = vector.shape_cast %get3A_1033 : vector<1x1x16xf32> to vector<16xf32>
          %swap3A_1035 = arith.constant 5 : i32
          %swap3A_1036 = arith.index_cast %swap3A_1035 : i32 to index
          %swap3A_1037 = arith.index_cast %add3A_934 : i32 to index
          %swap3A_1038 = arith.index_cast %mul3A_1028 : i32 to index
          %swap3A_1039 = tpu.vector_load %arg8[%swap3A_1036, %swap3A_1037, %swap3A_1038] {strides = array<i32>} : memref<8x8x768xf32, #tpu.memory_space<vmem>>, vector<1x1x16xf32>,
          %swap3A_1040 = vector.shape_cast %swap3A_1039 : vector<1x1x16xf32> to vector<16xf32>
          %swap3A_1041 = vector.shape_cast %get3A_1034 : vector<16xf32> to vector<1x1x16xf32>
          tpu.vector_store %arg8[%swap3A_1036, %swap3A_1037, %swap3A_1038], %swap3A_1041 {add = true, strides = array<i32>} : memref<8x8x768xf32, #tpu.memory_space<vmem>>, vector<1x1x16xf32>,
          %scan3A_1042 = arith.constant 5 : i32
          %scan3A_1043 = arith.addi %scan3A_940, %scan3A_1042 : i32
          %mul3A_1044 = arith.constant 1 : i32
          %mul3A_1045 = arith.muli %scan3A_1043, %mul3A_1044 : i32
          %add3A_1046 = arith.constant 0 : i32
          %add3A_1047 = arith.addi %add3A_1046, %mul3A_1045 : i32
          %mul3A_1048 = arith.constant 16 : i32
          %mul3A_1049 = arith.muli %add3A_1047, %mul3A_1048 : i32
          %get3A_1050 = arith.constant 5 : i32
          %get3A_1051 = arith.index_cast %get3A_1050 : i32 to index
          %get3A_1052 = arith.index_cast %add3A_934 : i32 to index
          %get3A_1053 = arith.index_cast %mul3A_1049 : i32 to index
          %get3A_1054 = tpu.vector_load %arg7[%get3A_1051, %get3A_1052, %get3A_1053] {strides = array<i32>} : memref<8x8x768xf32, #tpu.memory_space<vmem>>, vector<1x1x16xf32>,
          %get3A_1055 = vector.shape_cast %get3A_1054 : vector<1x1x16xf32> to vector<16xf32>
          %swap3A_1056 = arith.constant 5 : i32
          %swap3A_1057 = arith.index_cast %swap3A_1056 : i32 to index
          %swap3A_1058 = arith.index_cast %add3A_934 : i32 to index
          %swap3A_1059 = arith.index_cast %mul3A_1049 : i32 to index
          %swap3A_1060 = tpu.vector_load %arg8[%swap3A_1057, %swap3A_1058, %swap3A_1059] {strides = array<i32>} : memref<8x8x768xf32, #tpu.memory_space<vmem>>, vector<1x1x16xf32>,
          %swap3A_1061 = vector.shape_cast %swap3A_1060 : vector<1x1x16xf32> to vector<16xf32>
          %swap3A_1062 = vector.shape_cast %get3A_1055 : vector<16xf32> to vector<1x1x16xf32>
          tpu.vector_store %arg8[%swap3A_1057, %swap3A_1058, %swap3A_1059], %swap3A_1062 {add = true, strides = array<i32>} : memref<8x8x768xf32, #tpu.memory_space<vmem>>, vector<1x1x16xf32>,
          %scan3A_1063 = arith.constant 6 : i32
          %scan3A_1064 = arith.addi %scan3A_940, %scan3A_1063 : i32
          %mul3A_1065 = arith.constant 1 : i32
          %mul3A_1066 = arith.muli %scan3A_1064, %mul3A_1065 : i32
          %add3A_1067 = arith.constant 0 : i32
          %add3A_1068 = arith.addi %add3A_1067, %mul3A_1066 : i32
          %mul3A_1069 = arith.constant 16 : i32
          %mul3A_1070 = arith.muli %add3A_1068, %mul3A_1069 : i32
          %get3A_1071 = arith.constant 5 : i32
          %get3A_1072 = arith.index_cast %get3A_1071 : i32 to index
          %get3A_1073 = arith.index_cast %add3A_934 : i32 to index
          %get3A_1074 = arith.index_cast %mul3A_1070 : i32 to index
          %get3A_1075 = tpu.vector_load %arg7[%get3A_1072, %get3A_1073, %get3A_1074] {strides = array<i32>} : memref<8x8x768xf32, #tpu.memory_space<vmem>>, vector<1x1x16xf32>,
          %get3A_1076 = vector.shape_cast %get3A_1075 : vector<1x1x16xf32> to vector<16xf32>
          %swap3A_1077 = arith.constant 5 : i32
          %swap3A_1078 = arith.index_cast %swap3A_1077 : i32 to index
          %swap3A_1079 = arith.index_cast %add3A_934 : i32 to index
          %swap3A_1080 = arith.index_cast %mul3A_1070 : i32 to index
          %swap3A_1081 = tpu.vector_load %arg8[%swap3A_1078, %swap3A_1079, %swap3A_1080] {strides = array<i32>} : memref<8x8x768xf32, #tpu.memory_space<vmem>>, vector<1x1x16xf32>,
          %swap3A_1082 = vector.shape_cast %swap3A_1081 : vector<1x1x16xf32> to vector<16xf32>
          %swap3A_1083 = vector.shape_cast %get3A_1076 : vector<16xf32> to vector<1x1x16xf32>
          tpu.vector_store %arg8[%swap3A_1078, %swap3A_1079, %swap3A_1080], %swap3A_1083 {add = true, strides = array<i32>} : memref<8x8x768xf32, #tpu.memory_space<vmem>>, vector<1x1x16xf32>,
          %scan3A_1084 = arith.constant 7 : i32
          %scan3A_1085 = arith.addi %scan3A_940, %scan3A_1084 : i32
          %mul3A_1086 = arith.constant 1 : i32
          %mul3A_1087 = arith.muli %scan3A_1085, %mul3A_1086 : i32
          %add3A_1088 = arith.constant 0 : i32
          %add3A_1089 = arith.addi %add3A_1088, %mul3A_1087 : i32
          %mul3A_1090 = arith.constant 16 : i32
          %mul3A_1091 = arith.muli %add3A_1089, %mul3A_1090 : i32
          %get3A_1092 = arith.constant 5 : i32
          %get3A_1093 = arith.index_cast %get3A_1092 : i32 to index
          %get3A_1094 = arith.index_cast %add3A_934 : i32 to index
          %get3A_1095 = arith.index_cast %mul3A_1091 : i32 to index
          %get3A_1096 = tpu.vector_load %arg7[%get3A_1093, %get3A_1094, %get3A_1095] {strides = array<i32>} : memref<8x8x768xf32, #tpu.memory_space<vmem>>, vector<1x1x16xf32>,
          %get3A_1097 = vector.shape_cast %get3A_1096 : vector<1x1x16xf32> to vector<16xf32>
          %swap3A_1098 = arith.constant 5 : i32
          %swap3A_1099 = arith.index_cast %swap3A_1098 : i32 to index
          %swap3A_1100 = arith.index_cast %add3A_934 : i32 to index
          %swap3A_1101 = arith.index_cast %mul3A_1091 : i32 to index
          %swap3A_1102 = tpu.vector_load %arg8[%swap3A_1099, %swap3A_1100, %swap3A_1101] {strides = array<i32>} : memref<8x8x768xf32, #tpu.memory_space<vmem>>, vector<1x1x16xf32>,
          %swap3A_1103 = vector.shape_cast %swap3A_1102 : vector<1x1x16xf32> to vector<16xf32>
          %swap3A_1104 = vector.shape_cast %get3A_1097 : vector<16xf32> to vector<1x1x16xf32>
          tpu.vector_store %arg8[%swap3A_1099, %swap3A_1100, %swap3A_1101], %swap3A_1104 {add = true, strides = array<i32>} : memref<8x8x768xf32, #tpu.memory_space<vmem>>, vector<1x1x16xf32>,
          %scan3A_1105 = arith.constant 8 : i32
          %scan3A_1106 = arith.addi %scan3A_940, %scan3A_1105 : i32
          %mul3A_1107 = arith.constant 1 : i32
          %mul3A_1108 = arith.muli %scan3A_1106, %mul3A_1107 : i32
          %add3A_1109 = arith.constant 0 : i32
          %add3A_1110 = arith.addi %add3A_1109, %mul3A_1108 : i32
          %mul3A_1111 = arith.constant 16 : i32
          %mul3A_1112 = arith.muli %add3A_1110, %mul3A_1111 : i32
          %get3A_1113 = arith.constant 5 : i32
          %get3A_1114 = arith.index_cast %get3A_1113 : i32 to index
          %get3A_1115 = arith.index_cast %add3A_934 : i32 to index
          %get3A_1116 = arith.index_cast %mul3A_1112 : i32 to index
          %get3A_1117 = tpu.vector_load %arg7[%get3A_1114, %get3A_1115, %get3A_1116] {strides = array<i32>} : memref<8x8x768xf32, #tpu.memory_space<vmem>>, vector<1x1x16xf32>,
          %get3A_1118 = vector.shape_cast %get3A_1117 : vector<1x1x16xf32> to vector<16xf32>
          %swap3A_1119 = arith.constant 5 : i32
          %swap3A_1120 = arith.index_cast %swap3A_1119 : i32 to index
          %swap3A_1121 = arith.index_cast %add3A_934 : i32 to index
          %swap3A_1122 = arith.index_cast %mul3A_1112 : i32 to index
          %swap3A_1123 = tpu.vector_load %arg8[%swap3A_1120, %swap3A_1121, %swap3A_1122] {strides = array<i32>} : memref<8x8x768xf32, #tpu.memory_space<vmem>>, vector<1x1x16xf32>,
          %swap3A_1124 = vector.shape_cast %swap3A_1123 : vector<1x1x16xf32> to vector<16xf32>
          %swap3A_1125 = vector.shape_cast %get3A_1118 : vector<16xf32> to vector<1x1x16xf32>
          tpu.vector_store %arg8[%swap3A_1120, %swap3A_1121, %swap3A_1122], %swap3A_1125 {add = true, strides = array<i32>} : memref<8x8x768xf32, #tpu.memory_space<vmem>>, vector<1x1x16xf32>,
          %scan3A_1126 = arith.constant 9 : i32
          %scan3A_1127 = arith.addi %scan3A_940, %scan3A_1126 : i32
          %mul3A_1128 = arith.constant 1 : i32
          %mul3A_1129 = arith.muli %scan3A_1127, %mul3A_1128 : i32
          %add3A_1130 = arith.constant 0 : i32
          %add3A_1131 = arith.addi %add3A_1130, %mul3A_1129 : i32
          %mul3A_1132 = arith.constant 16 : i32
          %mul3A_1133 = arith.muli %add3A_1131, %mul3A_1132 : i32
          %get3A_1134 = arith.constant 5 : i32
          %get3A_1135 = arith.index_cast %get3A_1134 : i32 to index
          %get3A_1136 = arith.index_cast %add3A_934 : i32 to index
          %get3A_1137 = arith.index_cast %mul3A_1133 : i32 to index
          %get3A_1138 = tpu.vector_load %arg7[%get3A_1135, %get3A_1136, %get3A_1137] {strides = array<i32>} : memref<8x8x768xf32, #tpu.memory_space<vmem>>, vector<1x1x16xf32>,
          %get3A_1139 = vector.shape_cast %get3A_1138 : vector<1x1x16xf32> to vector<16xf32>
          %swap3A_1140 = arith.constant 5 : i32
          %swap3A_1141 = arith.index_cast %swap3A_1140 : i32 to index
          %swap3A_1142 = arith.index_cast %add3A_934 : i32 to index
          %swap3A_1143 = arith.index_cast %mul3A_1133 : i32 to index
          %swap3A_1144 = tpu.vector_load %arg8[%swap3A_1141, %swap3A_1142, %swap3A_1143] {strides = array<i32>} : memref<8x8x768xf32, #tpu.memory_space<vmem>>, vector<1x1x16xf32>,
          %swap3A_1145 = vector.shape_cast %swap3A_1144 : vector<1x1x16xf32> to vector<16xf32>
          %swap3A_1146 = vector.shape_cast %get3A_1139 : vector<16xf32> to vector<1x1x16xf32>
          tpu.vector_store %arg8[%swap3A_1141, %swap3A_1142, %swap3A_1143], %swap3A_1146 {add = true, strides = array<i32>} : memref<8x8x768xf32, #tpu.memory_space<vmem>>, vector<1x1x16xf32>,
          %scan3A_1147 = arith.constant 10 : i32
          %scan3A_1148 = arith.addi %scan3A_940, %scan3A_1147 : i32
          %mul3A_1149 = arith.constant 1 : i32
          %mul3A_1150 = arith.muli %scan3A_1148, %mul3A_1149 : i32
          %add3A_1151 = arith.constant 0 : i32
          %add3A_1152 = arith.addi %add3A_1151, %mul3A_1150 : i32
          %mul3A_1153 = arith.constant 16 : i32
          %mul3A_1154 = arith.muli %add3A_1152, %mul3A_1153 : i32
          %get3A_1155 = arith.constant 5 : i32
          %get3A_1156 = arith.index_cast %get3A_1155 : i32 to index
          %get3A_1157 = arith.index_cast %add3A_934 : i32 to index
          %get3A_1158 = arith.index_cast %mul3A_1154 : i32 to index
          %get3A_1159 = tpu.vector_load %arg7[%get3A_1156, %get3A_1157, %get3A_1158] {strides = array<i32>} : memref<8x8x768xf32, #tpu.memory_space<vmem>>, vector<1x1x16xf32>,
          %get3A_1160 = vector.shape_cast %get3A_1159 : vector<1x1x16xf32> to vector<16xf32>
          %swap3A_1161 = arith.constant 5 : i32
          %swap3A_1162 = arith.index_cast %swap3A_1161 : i32 to index
          %swap3A_1163 = arith.index_cast %add3A_934 : i32 to index
          %swap3A_1164 = arith.index_cast %mul3A_1154 : i32 to index
          %swap3A_1165 = tpu.vector_load %arg8[%swap3A_1162, %swap3A_1163, %swap3A_1164] {strides = array<i32>} : memref<8x8x768xf32, #tpu.memory_space<vmem>>, vector<1x1x16xf32>,
          %swap3A_1166 = vector.shape_cast %swap3A_1165 : vector<1x1x16xf32> to vector<16xf32>
          %swap3A_1167 = vector.shape_cast %get3A_1160 : vector<16xf32> to vector<1x1x16xf32>
          tpu.vector_store %arg8[%swap3A_1162, %swap3A_1163, %swap3A_1164], %swap3A_1167 {add = true, strides = array<i32>} : memref<8x8x768xf32, #tpu.memory_space<vmem>>, vector<1x1x16xf32>,
          %scan3A_1168 = arith.constant 11 : i32
          %scan3A_1169 = arith.addi %scan3A_940, %scan3A_1168 : i32
          %mul3A_1170 = arith.constant 1 : i32
          %mul3A_1171 = arith.muli %scan3A_1169, %mul3A_1170 : i32
          %add3A_1172 = arith.constant 0 : i32
          %add3A_1173 = arith.addi %add3A_1172, %mul3A_1171 : i32
          %mul3A_1174 = arith.constant 16 : i32
          %mul3A_1175 = arith.muli %add3A_1173, %mul3A_1174 : i32
          %get3A_1176 = arith.constant 5 : i32
          %get3A_1177 = arith.index_cast %get3A_1176 : i32 to index
          %get3A_1178 = arith.index_cast %add3A_934 : i32 to index
          %get3A_1179 = arith.index_cast %mul3A_1175 : i32 to index
          %get3A_1180 = tpu.vector_load %arg7[%get3A_1177, %get3A_1178, %get3A_1179] {strides = array<i32>} : memref<8x8x768xf32, #tpu.memory_space<vmem>>, vector<1x1x16xf32>,
          %get3A_1181 = vector.shape_cast %get3A_1180 : vector<1x1x16xf32> to vector<16xf32>
          %swap3A_1182 = arith.constant 5 : i32
          %swap3A_1183 = arith.index_cast %swap3A_1182 : i32 to index
          %swap3A_1184 = arith.index_cast %add3A_934 : i32 to index
          %swap3A_1185 = arith.index_cast %mul3A_1175 : i32 to index
          %swap3A_1186 = tpu.vector_load %arg8[%swap3A_1183, %swap3A_1184, %swap3A_1185] {strides = array<i32>} : memref<8x8x768xf32, #tpu.memory_space<vmem>>, vector<1x1x16xf32>,
          %swap3A_1187 = vector.shape_cast %swap3A_1186 : vector<1x1x16xf32> to vector<16xf32>
          %swap3A_1188 = vector.shape_cast %get3A_1181 : vector<16xf32> to vector<1x1x16xf32>
          tpu.vector_store %arg8[%swap3A_1183, %swap3A_1184, %swap3A_1185], %swap3A_1188 {add = true, strides = array<i32>} : memref<8x8x768xf32, #tpu.memory_space<vmem>>, vector<1x1x16xf32>,
          %scan3A_1189 = arith.constant 12 : i32
          %scan3A_1190 = arith.addi %scan3A_940, %scan3A_1189 : i32
          %mul3A_1191 = arith.constant 1 : i32
          %mul3A_1192 = arith.muli %scan3A_1190, %mul3A_1191 : i32
          %add3A_1193 = arith.constant 0 : i32
          %add3A_1194 = arith.addi %add3A_1193, %mul3A_1192 : i32
          %mul3A_1195 = arith.constant 16 : i32
          %mul3A_1196 = arith.muli %add3A_1194, %mul3A_1195 : i32
          %get3A_1197 = arith.constant 5 : i32
          %get3A_1198 = arith.index_cast %get3A_1197 : i32 to index
          %get3A_1199 = arith.index_cast %add3A_934 : i32 to index
          %get3A_1200 = arith.index_cast %mul3A_1196 : i32 to index
          %get3A_1201 = tpu.vector_load %arg7[%get3A_1198, %get3A_1199, %get3A_1200] {strides = array<i32>} : memref<8x8x768xf32, #tpu.memory_space<vmem>>, vector<1x1x16xf32>,
          %get3A_1202 = vector.shape_cast %get3A_1201 : vector<1x1x16xf32> to vector<16xf32>
          %swap3A_1203 = arith.constant 5 : i32
          %swap3A_1204 = arith.index_cast %swap3A_1203 : i32 to index
          %swap3A_1205 = arith.index_cast %add3A_934 : i32 to index
          %swap3A_1206 = arith.index_cast %mul3A_1196 : i32 to index
          %swap3A_1207 = tpu.vector_load %arg8[%swap3A_1204, %swap3A_1205, %swap3A_1206] {strides = array<i32>} : memref<8x8x768xf32, #tpu.memory_space<vmem>>, vector<1x1x16xf32>,
          %swap3A_1208 = vector.shape_cast %swap3A_1207 : vector<1x1x16xf32> to vector<16xf32>
          %swap3A_1209 = vector.shape_cast %get3A_1202 : vector<16xf32> to vector<1x1x16xf32>
          tpu.vector_store %arg8[%swap3A_1204, %swap3A_1205, %swap3A_1206], %swap3A_1209 {add = true, strides = array<i32>} : memref<8x8x768xf32, #tpu.memory_space<vmem>>, vector<1x1x16xf32>,
          %scan3A_1210 = arith.constant 13 : i32
          %scan3A_1211 = arith.addi %scan3A_940, %scan3A_1210 : i32
          %mul3A_1212 = arith.constant 1 : i32
          %mul3A_1213 = arith.muli %scan3A_1211, %mul3A_1212 : i32
          %add3A_1214 = arith.constant 0 : i32
          %add3A_1215 = arith.addi %add3A_1214, %mul3A_1213 : i32
          %mul3A_1216 = arith.constant 16 : i32
          %mul3A_1217 = arith.muli %add3A_1215, %mul3A_1216 : i32
          %get3A_1218 = arith.constant 5 : i32
          %get3A_1219 = arith.index_cast %get3A_1218 : i32 to index
          %get3A_1220 = arith.index_cast %add3A_934 : i32 to index
          %get3A_1221 = arith.index_cast %mul3A_1217 : i32 to index
          %get3A_1222 = tpu.vector_load %arg7[%get3A_1219, %get3A_1220, %get3A_1221] {strides = array<i32>} : memref<8x8x768xf32, #tpu.memory_space<vmem>>, vector<1x1x16xf32>,
          %get3A_1223 = vector.shape_cast %get3A_1222 : vector<1x1x16xf32> to vector<16xf32>
          %swap3A_1224 = arith.constant 5 : i32
          %swap3A_1225 = arith.index_cast %swap3A_1224 : i32 to index
          %swap3A_1226 = arith.index_cast %add3A_934 : i32 to index
          %swap3A_1227 = arith.index_cast %mul3A_1217 : i32 to index
          %swap3A_1228 = tpu.vector_load %arg8[%swap3A_1225, %swap3A_1226, %swap3A_1227] {strides = array<i32>} : memref<8x8x768xf32, #tpu.memory_space<vmem>>, vector<1x1x16xf32>,
          %swap3A_1229 = vector.shape_cast %swap3A_1228 : vector<1x1x16xf32> to vector<16xf32>
          %swap3A_1230 = vector.shape_cast %get3A_1223 : vector<16xf32> to vector<1x1x16xf32>
          tpu.vector_store %arg8[%swap3A_1225, %swap3A_1226, %swap3A_1227], %swap3A_1230 {add = true, strides = array<i32>} : memref<8x8x768xf32, #tpu.memory_space<vmem>>, vector<1x1x16xf32>,
          %scan3A_1231 = arith.constant 14 : i32
          %scan3A_1232 = arith.addi %scan3A_940, %scan3A_1231 : i32
          %mul3A_1233 = arith.constant 1 : i32
          %mul3A_1234 = arith.muli %scan3A_1232, %mul3A_1233 : i32
          %add3A_1235 = arith.constant 0 : i32
          %add3A_1236 = arith.addi %add3A_1235, %mul3A_1234 : i32
          %mul3A_1237 = arith.constant 16 : i32
          %mul3A_1238 = arith.muli %add3A_1236, %mul3A_1237 : i32
          %get3A_1239 = arith.constant 5 : i32
          %get3A_1240 = arith.index_cast %get3A_1239 : i32 to index
          %get3A_1241 = arith.index_cast %add3A_934 : i32 to index
          %get3A_1242 = arith.index_cast %mul3A_1238 : i32 to index
          %get3A_1243 = tpu.vector_load %arg7[%get3A_1240, %get3A_1241, %get3A_1242] {strides = array<i32>} : memref<8x8x768xf32, #tpu.memory_space<vmem>>, vector<1x1x16xf32>,
          %get3A_1244 = vector.shape_cast %get3A_1243 : vector<1x1x16xf32> to vector<16xf32>
          %swap3A_1245 = arith.constant 5 : i32
          %swap3A_1246 = arith.index_cast %swap3A_1245 : i32 to index
          %swap3A_1247 = arith.index_cast %add3A_934 : i32 to index
          %swap3A_1248 = arith.index_cast %mul3A_1238 : i32 to index
          %swap3A_1249 = tpu.vector_load %arg8[%swap3A_1246, %swap3A_1247, %swap3A_1248] {strides = array<i32>} : memref<8x8x768xf32, #tpu.memory_space<vmem>>, vector<1x1x16xf32>,
          %swap3A_1250 = vector.shape_cast %swap3A_1249 : vector<1x1x16xf32> to vector<16xf32>
          %swap3A_1251 = vector.shape_cast %get3A_1244 : vector<16xf32> to vector<1x1x16xf32>
          tpu.vector_store %arg8[%swap3A_1246, %swap3A_1247, %swap3A_1248], %swap3A_1251 {add = true, strides = array<i32>} : memref<8x8x768xf32, #tpu.memory_space<vmem>>, vector<1x1x16xf32>,
          %scan3A_1252 = arith.constant 15 : i32
          %scan3A_1253 = arith.addi %scan3A_940, %scan3A_1252 : i32
          %mul3A_1254 = arith.constant 1 : i32
          %mul3A_1255 = arith.muli %scan3A_1253, %mul3A_1254 : i32
          %add3A_1256 = arith.constant 0 : i32
          %add3A_1257 = arith.addi %add3A_1256, %mul3A_1255 : i32
          %mul3A_1258 = arith.constant 16 : i32
          %mul3A_1259 = arith.muli %add3A_1257, %mul3A_1258 : i32
          %get3A_1260 = arith.constant 5 : i32
          %get3A_1261 = arith.index_cast %get3A_1260 : i32 to index
          %get3A_1262 = arith.index_cast %add3A_934 : i32 to index
          %get3A_1263 = arith.index_cast %mul3A_1259 : i32 to index
          %get3A_1264 = tpu.vector_load %arg7[%get3A_1261, %get3A_1262, %get3A_1263] {strides = array<i32>} : memref<8x8x768xf32, #tpu.memory_space<vmem>>, vector<1x1x16xf32>,
          %get3A_1265 = vector.shape_cast %get3A_1264 : vector<1x1x16xf32> to vector<16xf32>
          %swap3A_1266 = arith.constant 5 : i32
          %swap3A_1267 = arith.index_cast %swap3A_1266 : i32 to index
          %swap3A_1268 = arith.index_cast %add3A_934 : i32 to index
          %swap3A_1269 = arith.index_cast %mul3A_1259 : i32 to index
          %swap3A_1270 = tpu.vector_load %arg8[%swap3A_1267, %swap3A_1268, %swap3A_1269] {strides = array<i32>} : memref<8x8x768xf32, #tpu.memory_space<vmem>>, vector<1x1x16xf32>,
          %swap3A_1271 = vector.shape_cast %swap3A_1270 : vector<1x1x16xf32> to vector<16xf32>
          %swap3A_1272 = vector.shape_cast %get3A_1265 : vector<16xf32> to vector<1x1x16xf32>
          tpu.vector_store %arg8[%swap3A_1267, %swap3A_1268, %swap3A_1269], %swap3A_1272 {add = true, strides = array<i32>} : memref<8x8x768xf32, #tpu.memory_space<vmem>>, vector<1x1x16xf32>,
        }
        %scan3A_939 = arith.constant 48 : i32
      }
      %scan3A_773 = arith.constant 8 : i32
      %mul3A_774 = arith.constant 8 : i32
      %mul3A_775 = arith.muli %add3A_735, %mul3A_774 : i32
      %add3A_776 = arith.addi %mul3A_2, %mul3A_775 : i32
      %dma_start3A_777 = arith.constant 5 : i32
      %dma_start3A_778 = arith.constant 5 : i32
      %dma_start3A_779 = arith.constant 0 : i32
      %dma_start3A_780 = arith.constant 0 : i32
      %dma_start3A_781 = tpu.memref_slice %arg8[%dma_start3A_777, %dma_start3A_779, %dma_start3A_780] : memref<8x8x768xf32, #tpu.memory_space<vmem>> -> memref<1x8x768xf32, #tpu.memory_space<vmem>>
      %dma_start3A_782 = tpu.memref_squeeze %dma_start3A_781 : memref<1x8x768xf32, #tpu.memory_space<vmem>> -> memref<8x768xf32, #tpu.memory_space<vmem>>
      %dma_start3A_783 = arith.constant 0 : i32
      %dma_start3A_784 = tpu.memref_slice %arg5[%add3A_776, %dma_start3A_783] : memref<32768x768xf32, #tpu.memory_space<hbm>> -> memref<8x768xf32, #tpu.memory_space<hbm>>
      %dma_start3A_785 = tpu.memref_slice %arg11[%dma_start3A_778] : memref<8x!tpu.dma_semaphore, #tpu.memory_space<semaphore_mem>> -> memref<1x!tpu.dma_semaphore, #tpu.memory_space<semaphore_mem>>
      %dma_start3A_786 = tpu.memref_squeeze %dma_start3A_785 : memref<1x!tpu.dma_semaphore, #tpu.memory_space<semaphore_mem>> -> memref<!tpu.dma_semaphore, #tpu.memory_space<semaphore_mem>>
      %dma_start3A_787 = arith.constant 0 : i32
      %dma_start3A_788 = tpu.memref_slice %arg5[%add3A_776, %dma_start3A_787] : memref<32768x768xf32, #tpu.memory_space<hbm>> -> memref<8x768xf32, #tpu.memory_space<hbm>>
      %dma_start3A_789 = arith.constant 0 : i32
      %dma_start3A_790 = arith.constant 0 : i32
      %dma_start3A_791 = tpu.memref_slice %arg8[%dma_start3A_777, %dma_start3A_789, %dma_start3A_790] : memref<8x8x768xf32, #tpu.memory_space<vmem>> -> memref<1x8x768xf32, #tpu.memory_space<vmem>>
      %dma_start3A_792 = tpu.memref_squeeze %dma_start3A_791 : memref<1x8x768xf32, #tpu.memory_space<vmem>> -> memref<8x768xf32, #tpu.memory_space<vmem>>
      tpu.enqueue_dma source(%dma_start3A_792 : memref<8x768xf32, #tpu.memory_space<vmem>>) target(%dma_start3A_788 : memref<8x768xf32, #tpu.memory_space<hbm>>) target_semaphore(%dma_start3A_786 : memref<!tpu.dma_semaphore, #tpu.memory_space<semaphore_mem>>)
      %lt3A_793 = arith.constant 15 : i32
      %lt3A_794 = arith.cmpi slt, %add3A_370, %lt3A_793 : i32
      %convert_element_type3A_795 = arith.extui %lt3A_794 : i1 to i32
      %cond3A_796 = arith.constant 0 : i32
      %cond3A_797 = arith.cmpi ne, %convert_element_type3A_795, %cond3A_796 : i32
      scf.if %cond3A_797 {
        %mul3A_930 = arith.constant 8 : i32
        %mul3A_931 = arith.muli %add3A_370, %mul3A_930 : i32
        %add3A_932 = arith.constant 5 : i32
        %add3A_933 = arith.addi %mul3A_931, %add3A_932 : i32
        %add3A_934 = arith.constant 7 : i32
        %add3A_935 = arith.addi %add3A_933, %add3A_934 : i32
        %sub3A = arith.constant 8 : i32
        %sub3A_936 = arith.subi %add3A_935, %sub3A : i32
        %mul3A_937 = arith.constant 8 : i32
        %mul3A_938 = arith.muli %sub3A_936, %mul3A_937 : i32
        %add3A_939 = arith.addi %mul3A_2, %mul3A_938 : i32
        %dma_wait3A_940 = arith.constant 4 : i32
        %dma_wait3A_941 = arith.constant 4 : i32
        %dma_wait3A_942 = arith.constant 0 : i32
        %dma_wait3A_943 = arith.constant 0 : i32
        %dma_wait3A_944 = tpu.memref_slice %arg8[%dma_wait3A_940, %dma_wait3A_942, %dma_wait3A_943] : memref<8x8x768xf32, #tpu.memory_space<vmem>> -> memref<1x8x768xf32, #tpu.memory_space<vmem>>
        %dma_wait3A_945 = tpu.memref_squeeze %dma_wait3A_944 : memref<1x8x768xf32, #tpu.memory_space<vmem>> -> memref<8x768xf32, #tpu.memory_space<vmem>>
        %dma_wait3A_946 = arith.constant 0 : i32
        %dma_wait3A_947 = tpu.memref_slice %arg5[%add3A_939, %dma_wait3A_946] : memref<32768x768xf32, #tpu.memory_space<hbm>> -> memref<8x768xf32, #tpu.memory_space<hbm>>
        %dma_wait3A_948 = tpu.memref_slice %arg11[%dma_wait3A_941] : memref<8x!tpu.dma_semaphore, #tpu.memory_space<semaphore_mem>> -> memref<1x!tpu.dma_semaphore, #tpu.memory_space<semaphore_mem>>
        %dma_wait3A_949 = tpu.memref_squeeze %dma_wait3A_948 : memref<1x!tpu.dma_semaphore, #tpu.memory_space<semaphore_mem>> -> memref<!tpu.dma_semaphore, #tpu.memory_space<semaphore_mem>>
        %dma_wait3A_950 = arith.constant 0 : i32
        %dma_wait3A_951 = tpu.memref_slice %arg5[%add3A_939, %dma_wait3A_950] : memref<32768x768xf32, #tpu.memory_space<hbm>> -> memref<8x768xf32, #tpu.memory_space<hbm>>
        %dma_wait3A_952 = arith.constant 0 : i32
        %dma_wait3A_953 = arith.constant 0 : i32
        %dma_wait3A_954 = tpu.memref_slice %arg8[%dma_wait3A_940, %dma_wait3A_952, %dma_wait3A_953] : memref<8x8x768xf32, #tpu.memory_space<vmem>> -> memref<1x8x768xf32, #tpu.memory_space<vmem>>
        %dma_wait3A_955 = tpu.memref_squeeze %dma_wait3A_954 : memref<1x8x768xf32, #tpu.memory_space<vmem>> -> memref<8x768xf32, #tpu.memory_space<vmem>>
        tpu.wait_dma2 semaphore(%dma_wait3A_949 : memref<!tpu.dma_semaphore, #tpu.memory_space<semaphore_mem>>) src(%dma_wait3A_955 : memref<8x768xf32, #tpu.memory_space<vmem>>) dst(%dma_wait3A_951 : memref<8x768xf32, #tpu.memory_space<hbm>>)
        %add3A_956 = arith.constant 7 : i32
        %add3A_957 = arith.addi %add3A_735, %add3A_956 : i32
        %mul3A_958 = arith.constant 8 : i32
        %mul3A_959 = arith.muli %add3A_957, %mul3A_958 : i32
        %add3A_960 = arith.addi %mul3A_2, %mul3A_959 : i32
        %dma_start3A_961 = arith.constant 4 : i32
        %dma_start3A_962 = arith.constant 4 : i32
        %dma_start3A_963 = arith.constant 0 : i32
        %dma_start3A_964 = arith.constant 0 : i32
        %dma_start3A_965 = tpu.memref_slice %arg7[%dma_start3A_961, %dma_start3A_963, %dma_start3A_964] : memref<8x8x768xf32, #tpu.memory_space<vmem>> -> memref<1x8x768xf32, #tpu.memory_space<vmem>>
        %dma_start3A_966 = tpu.memref_squeeze %dma_start3A_965 : memref<1x8x768xf32, #tpu.memory_space<vmem>> -> memref<8x768xf32, #tpu.memory_space<vmem>>
        %dma_start3A_967 = arith.constant 0 : i32
        %dma_start3A_968 = tpu.memref_slice %arg2[%add3A_960, %dma_start3A_967] : memref<32768x768xf32, #tpu.memory_space<hbm>> -> memref<8x768xf32, #tpu.memory_space<hbm>>
        %dma_start3A_969 = tpu.memref_slice %arg9[%dma_start3A_962] : memref<8x!tpu.dma_semaphore, #tpu.memory_space<semaphore_mem>> -> memref<1x!tpu.dma_semaphore, #tpu.memory_space<semaphore_mem>>
        %dma_start3A_970 = tpu.memref_squeeze %dma_start3A_969 : memref<1x!tpu.dma_semaphore, #tpu.memory_space<semaphore_mem>> -> memref<!tpu.dma_semaphore, #tpu.memory_space<semaphore_mem>>
        %dma_start3A_971 = arith.constant 0 : i32
        %dma_start3A_972 = arith.constant 0 : i32
        %dma_start3A_973 = tpu.memref_slice %arg7[%dma_start3A_961, %dma_start3A_971, %dma_start3A_972] : memref<8x8x768xf32, #tpu.memory_space<vmem>> -> memref<1x8x768xf32, #tpu.memory_space<vmem>>
        %dma_start3A_974 = tpu.memref_squeeze %dma_start3A_973 : memref<1x8x768xf32, #tpu.memory_space<vmem>> -> memref<8x768xf32, #tpu.memory_space<vmem>>
        %dma_start3A_975 = arith.constant 0 : i32
        %dma_start3A_976 = tpu.memref_slice %arg2[%add3A_960, %dma_start3A_975] : memref<32768x768xf32, #tpu.memory_space<hbm>> -> memref<8x768xf32, #tpu.memory_space<hbm>>
        tpu.enqueue_dma source(%dma_start3A_976 : memref<8x768xf32, #tpu.memory_space<hbm>>) target(%dma_start3A_974 : memref<8x768xf32, #tpu.memory_space<vmem>>) target_semaphore(%dma_start3A_970 : memref<!tpu.dma_semaphore, #tpu.memory_space<semaphore_mem>>)
        %mul3A_977 = arith.constant 8 : i32
        %mul3A_978 = arith.muli %add3A_957, %mul3A_977 : i32
        %dma_start3A_979 = arith.constant 4 : i32
        %dma_start3A_980 = arith.constant 4 : i32
        %dma_start3A_981 = arith.constant 0 : i32
        %dma_start3A_982 = arith.constant 0 : i32
        %dma_start3A_983 = tpu.memref_slice %arg8[%dma_start3A_979, %dma_start3A_981, %dma_start3A_982] : memref<8x8x768xf32, #tpu.memory_space<vmem>> -> memref<1x8x768xf32, #tpu.memory_space<vmem>>
        %dma_start3A_984 = tpu.memref_squeeze %dma_start3A_983 : memref<1x8x768xf32, #tpu.memory_space<vmem>> -> memref<8x768xf32, #tpu.memory_space<vmem>>
        %dma_start3A_985 = tpu.memref_slice %arg6[%mul3A_978] : memref<1024xi32, #tpu.memory_space<vmem>> -> memref<8xi32, #tpu.memory_space<vmem>>
        %dma_start3A_986 = arith.constant 0 : i32
        %dma_start3A_987 = arith.constant 0 : i32
        %dma_start3A_988 = tpu.memref_slice %arg4[%dma_start3A_986, %dma_start3A_987] : memref<8192x768xf32, #tpu.memory_space<hbm>> -> memref<8192x768xf32, #tpu.memory_space<hbm>>
        %dma_start3A_989 = tpu.memref_slice %arg10[%dma_start3A_980] : memref<8x!tpu.dma_semaphore, #tpu.memory_space<semaphore_mem>> -> memref<1x!tpu.dma_semaphore, #tpu.memory_space<semaphore_mem>>
        %dma_start3A_990 = tpu.memref_squeeze %dma_start3A_989 : memref<1x!tpu.dma_semaphore, #tpu.memory_space<semaphore_mem>> -> memref<!tpu.dma_semaphore, #tpu.memory_space<semaphore_mem>>
        tpu.enqueue_indirect_dma source(%dma_start3A_988 : memref<8192x768xf32, #tpu.memory_space<hbm>>) target(%dma_start3A_984 : memref<8x768xf32, #tpu.memory_space<vmem>>) offsets(%dma_start3A_985 : memref<8xi32, #tpu.memory_space<vmem>>) semaphore(%dma_start3A_990 : memref<!tpu.dma_semaphore, #tpu.memory_space<semaphore_mem>>)
      } else {
      }
      %mul3A_798 = arith.constant 8 : i32
      %mul3A_799 = arith.muli %add3A_370, %mul3A_798 : i32
      %add3A_800 = arith.constant 6 : i32
      %add3A_801 = arith.addi %mul3A_799, %add3A_800 : i32
      %mul3A_802 = arith.constant 8 : i32
      %mul3A_803 = arith.muli %add3A_801, %mul3A_802 : i32
      %add3A_804 = arith.addi %mul3A_2, %mul3A_803 : i32
      %dma_wait3A_805 = arith.constant 6 : i32
      %dma_wait3A_806 = arith.constant 6 : i32
      %dma_wait3A_807 = arith.constant 0 : i32
      %dma_wait3A_808 = arith.constant 0 : i32
      %dma_wait3A_809 = tpu.memref_slice %arg7[%dma_wait3A_805, %dma_wait3A_807, %dma_wait3A_808] : memref<8x8x768xf32, #tpu.memory_space<vmem>> -> memref<1x8x768xf32, #tpu.memory_space<vmem>>
      %dma_wait3A_810 = tpu.memref_squeeze %dma_wait3A_809 : memref<1x8x768xf32, #tpu.memory_space<vmem>> -> memref<8x768xf32, #tpu.memory_space<vmem>>
      %dma_wait3A_811 = arith.constant 0 : i32
      %dma_wait3A_812 = tpu.memref_slice %arg2[%add3A_804, %dma_wait3A_811] : memref<32768x768xf32, #tpu.memory_space<hbm>> -> memref<8x768xf32, #tpu.memory_space<hbm>>
      %dma_wait3A_813 = tpu.memref_slice %arg9[%dma_wait3A_806] : memref<8x!tpu.dma_semaphore, #tpu.memory_space<semaphore_mem>> -> memref<1x!tpu.dma_semaphore, #tpu.memory_space<semaphore_mem>>
      %dma_wait3A_814 = tpu.memref_squeeze %dma_wait3A_813 : memref<1x!tpu.dma_semaphore, #tpu.memory_space<semaphore_mem>> -> memref<!tpu.dma_semaphore, #tpu.memory_space<semaphore_mem>>
      %dma_wait3A_815 = arith.constant 0 : i32
      %dma_wait3A_816 = arith.constant 0 : i32
      %dma_wait3A_817 = tpu.memref_slice %arg7[%dma_wait3A_805, %dma_wait3A_815, %dma_wait3A_816] : memref<8x8x768xf32, #tpu.memory_space<vmem>> -> memref<1x8x768xf32, #tpu.memory_space<vmem>>
      %dma_wait3A_818 = tpu.memref_squeeze %dma_wait3A_817 : memref<1x8x768xf32, #tpu.memory_space<vmem>> -> memref<8x768xf32, #tpu.memory_space<vmem>>
      %dma_wait3A_819 = arith.constant 0 : i32
      %dma_wait3A_820 = tpu.memref_slice %arg2[%add3A_804, %dma_wait3A_819] : memref<32768x768xf32, #tpu.memory_space<hbm>> -> memref<8x768xf32, #tpu.memory_space<hbm>>
      tpu.wait_dma2 semaphore(%dma_wait3A_814 : memref<!tpu.dma_semaphore, #tpu.memory_space<semaphore_mem>>) src(%dma_wait3A_820 : memref<8x768xf32, #tpu.memory_space<hbm>>) dst(%dma_wait3A_818 : memref<8x768xf32, #tpu.memory_space<vmem>>)
      %mul3A_821 = arith.constant 8 : i32
      %mul3A_822 = arith.muli %add3A_801, %mul3A_821 : i32
      %dma_wait3A_823 = arith.constant 6 : i32
      %dma_wait3A_824 = arith.constant 6 : i32
      %dma_wait3A_825 = arith.constant 0 : i32
      %dma_wait3A_826 = arith.constant 0 : i32
      %dma_wait3A_827 = tpu.memref_slice %arg8[%dma_wait3A_823, %dma_wait3A_825, %dma_wait3A_826] : memref<8x8x768xf32, #tpu.memory_space<vmem>> -> memref<1x8x768xf32, #tpu.memory_space<vmem>>
      %dma_wait3A_828 = tpu.memref_squeeze %dma_wait3A_827 : memref<1x8x768xf32, #tpu.memory_space<vmem>> -> memref<8x768xf32, #tpu.memory_space<vmem>>
      %dma_wait3A_829 = tpu.memref_slice %arg6[%mul3A_822] : memref<1024xi32, #tpu.memory_space<vmem>> -> memref<8xi32, #tpu.memory_space<vmem>>
      %dma_wait3A_830 = arith.constant 0 : i32
      %dma_wait3A_831 = arith.constant 0 : i32
      %dma_wait3A_832 = tpu.memref_slice %arg4[%dma_wait3A_830, %dma_wait3A_831] : memref<8192x768xf32, #tpu.memory_space<hbm>> -> memref<8192x768xf32, #tpu.memory_space<hbm>>
      %dma_wait3A_833 = tpu.memref_slice %arg10[%dma_wait3A_824] : memref<8x!tpu.dma_semaphore, #tpu.memory_space<semaphore_mem>> -> memref<1x!tpu.dma_semaphore, #tpu.memory_space<semaphore_mem>>
      %dma_wait3A_834 = tpu.memref_squeeze %dma_wait3A_833 : memref<1x!tpu.dma_semaphore, #tpu.memory_space<semaphore_mem>> -> memref<!tpu.dma_semaphore, #tpu.memory_space<semaphore_mem>>
      tpu.wait_indirect_dma semaphore(%dma_wait3A_834 : memref<!tpu.dma_semaphore, #tpu.memory_space<semaphore_mem>>) src(%dma_wait3A_832 : memref<8192x768xf32, #tpu.memory_space<hbm>>) dst(%dma_wait3A_828 : memref<8x768xf32, #tpu.memory_space<vmem>>)
      %scan3A_835 = arith.constant 0 : i32
      %scan3A_836 = arith.constant 8 : i32
      %scan3A_837 = arith.addi %scan3A_835, %scan3A_836 : i32
      %scan3A_838 = arith.constant 1 : i32
      scf.for %scan3A_930 = %scan3A_835 to %scan3A_837 step %scan3A_838  : i32 {
        %mul3A_931 = arith.constant 1 : i32
        %mul3A_932 = arith.muli %scan3A_930, %mul3A_931 : i32
        %add3A_933 = arith.constant 0 : i32
        %add3A_934 = arith.addi %add3A_933, %mul3A_932 : i32
        %scan3A_935 = arith.constant 0 : i32
        %scan3A_936 = arith.constant 48 : i32
        %scan3A_937 = arith.addi %scan3A_935, %scan3A_936 : i32
        %scan3A_938 = arith.constant 16 : i32
        scf.for %scan3A_940 = %scan3A_935 to %scan3A_937 step %scan3A_938  : i32 {
          %mul3A_941 = arith.constant 1 : i32
          %mul3A_942 = arith.muli %scan3A_940, %mul3A_941 : i32
          %add3A_943 = arith.constant 0 : i32
          %add3A_944 = arith.addi %add3A_943, %mul3A_942 : i32
          %mul3A_945 = arith.constant 16 : i32
          %mul3A_946 = arith.muli %add3A_944, %mul3A_945 : i32
          %get3A = arith.constant 6 : i32
          %get3A_947 = arith.index_cast %get3A : i32 to index
          %get3A_948 = arith.index_cast %add3A_934 : i32 to index
          %get3A_949 = arith.index_cast %mul3A_946 : i32 to index
          %get3A_950 = tpu.vector_load %arg7[%get3A_947, %get3A_948, %get3A_949] {strides = array<i32>} : memref<8x8x768xf32, #tpu.memory_space<vmem>>, vector<1x1x16xf32>,
          %get3A_951 = vector.shape_cast %get3A_950 : vector<1x1x16xf32> to vector<16xf32>
          %swap3A = arith.constant 6 : i32
          %swap3A_952 = arith.index_cast %swap3A : i32 to index
          %swap3A_953 = arith.index_cast %add3A_934 : i32 to index
          %swap3A_954 = arith.index_cast %mul3A_946 : i32 to index
          %swap3A_955 = tpu.vector_load %arg8[%swap3A_952, %swap3A_953, %swap3A_954] {strides = array<i32>} : memref<8x8x768xf32, #tpu.memory_space<vmem>>, vector<1x1x16xf32>,
          %swap3A_956 = vector.shape_cast %swap3A_955 : vector<1x1x16xf32> to vector<16xf32>
          %swap3A_957 = vector.shape_cast %get3A_951 : vector<16xf32> to vector<1x1x16xf32>
          tpu.vector_store %arg8[%swap3A_952, %swap3A_953, %swap3A_954], %swap3A_957 {add = true, strides = array<i32>} : memref<8x8x768xf32, #tpu.memory_space<vmem>>, vector<1x1x16xf32>,
          %scan3A_958 = arith.constant 1 : i32
          %scan3A_959 = arith.addi %scan3A_940, %scan3A_958 : i32
          %mul3A_960 = arith.constant 1 : i32
          %mul3A_961 = arith.muli %scan3A_959, %mul3A_960 : i32
          %add3A_962 = arith.constant 0 : i32
          %add3A_963 = arith.addi %add3A_962, %mul3A_961 : i32
          %mul3A_964 = arith.constant 16 : i32
          %mul3A_965 = arith.muli %add3A_963, %mul3A_964 : i32
          %get3A_966 = arith.constant 6 : i32
          %get3A_967 = arith.index_cast %get3A_966 : i32 to index
          %get3A_968 = arith.index_cast %add3A_934 : i32 to index
          %get3A_969 = arith.index_cast %mul3A_965 : i32 to index
          %get3A_970 = tpu.vector_load %arg7[%get3A_967, %get3A_968, %get3A_969] {strides = array<i32>} : memref<8x8x768xf32, #tpu.memory_space<vmem>>, vector<1x1x16xf32>,
          %get3A_971 = vector.shape_cast %get3A_970 : vector<1x1x16xf32> to vector<16xf32>
          %swap3A_972 = arith.constant 6 : i32
          %swap3A_973 = arith.index_cast %swap3A_972 : i32 to index
          %swap3A_974 = arith.index_cast %add3A_934 : i32 to index
          %swap3A_975 = arith.index_cast %mul3A_965 : i32 to index
          %swap3A_976 = tpu.vector_load %arg8[%swap3A_973, %swap3A_974, %swap3A_975] {strides = array<i32>} : memref<8x8x768xf32, #tpu.memory_space<vmem>>, vector<1x1x16xf32>,
          %swap3A_977 = vector.shape_cast %swap3A_976 : vector<1x1x16xf32> to vector<16xf32>
          %swap3A_978 = vector.shape_cast %get3A_971 : vector<16xf32> to vector<1x1x16xf32>
          tpu.vector_store %arg8[%swap3A_973, %swap3A_974, %swap3A_975], %swap3A_978 {add = true, strides = array<i32>} : memref<8x8x768xf32, #tpu.memory_space<vmem>>, vector<1x1x16xf32>,
          %scan3A_979 = arith.constant 2 : i32
          %scan3A_980 = arith.addi %scan3A_940, %scan3A_979 : i32
          %mul3A_981 = arith.constant 1 : i32
          %mul3A_982 = arith.muli %scan3A_980, %mul3A_981 : i32
          %add3A_983 = arith.constant 0 : i32
          %add3A_984 = arith.addi %add3A_983, %mul3A_982 : i32
          %mul3A_985 = arith.constant 16 : i32
          %mul3A_986 = arith.muli %add3A_984, %mul3A_985 : i32
          %get3A_987 = arith.constant 6 : i32
          %get3A_988 = arith.index_cast %get3A_987 : i32 to index
          %get3A_989 = arith.index_cast %add3A_934 : i32 to index
          %get3A_990 = arith.index_cast %mul3A_986 : i32 to index
          %get3A_991 = tpu.vector_load %arg7[%get3A_988, %get3A_989, %get3A_990] {strides = array<i32>} : memref<8x8x768xf32, #tpu.memory_space<vmem>>, vector<1x1x16xf32>,
          %get3A_992 = vector.shape_cast %get3A_991 : vector<1x1x16xf32> to vector<16xf32>
          %swap3A_993 = arith.constant 6 : i32
          %swap3A_994 = arith.index_cast %swap3A_993 : i32 to index
          %swap3A_995 = arith.index_cast %add3A_934 : i32 to index
          %swap3A_996 = arith.index_cast %mul3A_986 : i32 to index
          %swap3A_997 = tpu.vector_load %arg8[%swap3A_994, %swap3A_995, %swap3A_996] {strides = array<i32>} : memref<8x8x768xf32, #tpu.memory_space<vmem>>, vector<1x1x16xf32>,
          %swap3A_998 = vector.shape_cast %swap3A_997 : vector<1x1x16xf32> to vector<16xf32>
          %swap3A_999 = vector.shape_cast %get3A_992 : vector<16xf32> to vector<1x1x16xf32>
          tpu.vector_store %arg8[%swap3A_994, %swap3A_995, %swap3A_996], %swap3A_999 {add = true, strides = array<i32>} : memref<8x8x768xf32, #tpu.memory_space<vmem>>, vector<1x1x16xf32>,
          %scan3A_1000 = arith.constant 3 : i32
          %scan3A_1001 = arith.addi %scan3A_940, %scan3A_1000 : i32
          %mul3A_1002 = arith.constant 1 : i32
          %mul3A_1003 = arith.muli %scan3A_1001, %mul3A_1002 : i32
          %add3A_1004 = arith.constant 0 : i32
          %add3A_1005 = arith.addi %add3A_1004, %mul3A_1003 : i32
          %mul3A_1006 = arith.constant 16 : i32
          %mul3A_1007 = arith.muli %add3A_1005, %mul3A_1006 : i32
          %get3A_1008 = arith.constant 6 : i32
          %get3A_1009 = arith.index_cast %get3A_1008 : i32 to index
          %get3A_1010 = arith.index_cast %add3A_934 : i32 to index
          %get3A_1011 = arith.index_cast %mul3A_1007 : i32 to index
          %get3A_1012 = tpu.vector_load %arg7[%get3A_1009, %get3A_1010, %get3A_1011] {strides = array<i32>} : memref<8x8x768xf32, #tpu.memory_space<vmem>>, vector<1x1x16xf32>,
          %get3A_1013 = vector.shape_cast %get3A_1012 : vector<1x1x16xf32> to vector<16xf32>
          %swap3A_1014 = arith.constant 6 : i32
          %swap3A_1015 = arith.index_cast %swap3A_1014 : i32 to index
          %swap3A_1016 = arith.index_cast %add3A_934 : i32 to index
          %swap3A_1017 = arith.index_cast %mul3A_1007 : i32 to index
          %swap3A_1018 = tpu.vector_load %arg8[%swap3A_1015, %swap3A_1016, %swap3A_1017] {strides = array<i32>} : memref<8x8x768xf32, #tpu.memory_space<vmem>>, vector<1x1x16xf32>,
          %swap3A_1019 = vector.shape_cast %swap3A_1018 : vector<1x1x16xf32> to vector<16xf32>
          %swap3A_1020 = vector.shape_cast %get3A_1013 : vector<16xf32> to vector<1x1x16xf32>
          tpu.vector_store %arg8[%swap3A_1015, %swap3A_1016, %swap3A_1017], %swap3A_1020 {add = true, strides = array<i32>} : memref<8x8x768xf32, #tpu.memory_space<vmem>>, vector<1x1x16xf32>,
          %scan3A_1021 = arith.constant 4 : i32
          %scan3A_1022 = arith.addi %scan3A_940, %scan3A_1021 : i32
          %mul3A_1023 = arith.constant 1 : i32
          %mul3A_1024 = arith.muli %scan3A_1022, %mul3A_1023 : i32
          %add3A_1025 = arith.constant 0 : i32
          %add3A_1026 = arith.addi %add3A_1025, %mul3A_1024 : i32
          %mul3A_1027 = arith.constant 16 : i32
          %mul3A_1028 = arith.muli %add3A_1026, %mul3A_1027 : i32
          %get3A_1029 = arith.constant 6 : i32
          %get3A_1030 = arith.index_cast %get3A_1029 : i32 to index
          %get3A_1031 = arith.index_cast %add3A_934 : i32 to index
          %get3A_1032 = arith.index_cast %mul3A_1028 : i32 to index
          %get3A_1033 = tpu.vector_load %arg7[%get3A_1030, %get3A_1031, %get3A_1032] {strides = array<i32>} : memref<8x8x768xf32, #tpu.memory_space<vmem>>, vector<1x1x16xf32>,
          %get3A_1034 = vector.shape_cast %get3A_1033 : vector<1x1x16xf32> to vector<16xf32>
          %swap3A_1035 = arith.constant 6 : i32
          %swap3A_1036 = arith.index_cast %swap3A_1035 : i32 to index
          %swap3A_1037 = arith.index_cast %add3A_934 : i32 to index
          %swap3A_1038 = arith.index_cast %mul3A_1028 : i32 to index
          %swap3A_1039 = tpu.vector_load %arg8[%swap3A_1036, %swap3A_1037, %swap3A_1038] {strides = array<i32>} : memref<8x8x768xf32, #tpu.memory_space<vmem>>, vector<1x1x16xf32>,
          %swap3A_1040 = vector.shape_cast %swap3A_1039 : vector<1x1x16xf32> to vector<16xf32>
          %swap3A_1041 = vector.shape_cast %get3A_1034 : vector<16xf32> to vector<1x1x16xf32>
          tpu.vector_store %arg8[%swap3A_1036, %swap3A_1037, %swap3A_1038], %swap3A_1041 {add = true, strides = array<i32>} : memref<8x8x768xf32, #tpu.memory_space<vmem>>, vector<1x1x16xf32>,
          %scan3A_1042 = arith.constant 5 : i32
          %scan3A_1043 = arith.addi %scan3A_940, %scan3A_1042 : i32
          %mul3A_1044 = arith.constant 1 : i32
          %mul3A_1045 = arith.muli %scan3A_1043, %mul3A_1044 : i32
          %add3A_1046 = arith.constant 0 : i32
          %add3A_1047 = arith.addi %add3A_1046, %mul3A_1045 : i32
          %mul3A_1048 = arith.constant 16 : i32
          %mul3A_1049 = arith.muli %add3A_1047, %mul3A_1048 : i32
          %get3A_1050 = arith.constant 6 : i32
          %get3A_1051 = arith.index_cast %get3A_1050 : i32 to index
          %get3A_1052 = arith.index_cast %add3A_934 : i32 to index
          %get3A_1053 = arith.index_cast %mul3A_1049 : i32 to index
          %get3A_1054 = tpu.vector_load %arg7[%get3A_1051, %get3A_1052, %get3A_1053] {strides = array<i32>} : memref<8x8x768xf32, #tpu.memory_space<vmem>>, vector<1x1x16xf32>,
          %get3A_1055 = vector.shape_cast %get3A_1054 : vector<1x1x16xf32> to vector<16xf32>
          %swap3A_1056 = arith.constant 6 : i32
          %swap3A_1057 = arith.index_cast %swap3A_1056 : i32 to index
          %swap3A_1058 = arith.index_cast %add3A_934 : i32 to index
          %swap3A_1059 = arith.index_cast %mul3A_1049 : i32 to index
          %swap3A_1060 = tpu.vector_load %arg8[%swap3A_1057, %swap3A_1058, %swap3A_1059] {strides = array<i32>} : memref<8x8x768xf32, #tpu.memory_space<vmem>>, vector<1x1x16xf32>,
          %swap3A_1061 = vector.shape_cast %swap3A_1060 : vector<1x1x16xf32> to vector<16xf32>
          %swap3A_1062 = vector.shape_cast %get3A_1055 : vector<16xf32> to vector<1x1x16xf32>
          tpu.vector_store %arg8[%swap3A_1057, %swap3A_1058, %swap3A_1059], %swap3A_1062 {add = true, strides = array<i32>} : memref<8x8x768xf32, #tpu.memory_space<vmem>>, vector<1x1x16xf32>,
          %scan3A_1063 = arith.constant 6 : i32
          %scan3A_1064 = arith.addi %scan3A_940, %scan3A_1063 : i32
          %mul3A_1065 = arith.constant 1 : i32
          %mul3A_1066 = arith.muli %scan3A_1064, %mul3A_1065 : i32
          %add3A_1067 = arith.constant 0 : i32
          %add3A_1068 = arith.addi %add3A_1067, %mul3A_1066 : i32
          %mul3A_1069 = arith.constant 16 : i32
          %mul3A_1070 = arith.muli %add3A_1068, %mul3A_1069 : i32
          %get3A_1071 = arith.constant 6 : i32
          %get3A_1072 = arith.index_cast %get3A_1071 : i32 to index
          %get3A_1073 = arith.index_cast %add3A_934 : i32 to index
          %get3A_1074 = arith.index_cast %mul3A_1070 : i32 to index
          %get3A_1075 = tpu.vector_load %arg7[%get3A_1072, %get3A_1073, %get3A_1074] {strides = array<i32>} : memref<8x8x768xf32, #tpu.memory_space<vmem>>, vector<1x1x16xf32>,
          %get3A_1076 = vector.shape_cast %get3A_1075 : vector<1x1x16xf32> to vector<16xf32>
          %swap3A_1077 = arith.constant 6 : i32
          %swap3A_1078 = arith.index_cast %swap3A_1077 : i32 to index
          %swap3A_1079 = arith.index_cast %add3A_934 : i32 to index
          %swap3A_1080 = arith.index_cast %mul3A_1070 : i32 to index
          %swap3A_1081 = tpu.vector_load %arg8[%swap3A_1078, %swap3A_1079, %swap3A_1080] {strides = array<i32>} : memref<8x8x768xf32, #tpu.memory_space<vmem>>, vector<1x1x16xf32>,
          %swap3A_1082 = vector.shape_cast %swap3A_1081 : vector<1x1x16xf32> to vector<16xf32>
          %swap3A_1083 = vector.shape_cast %get3A_1076 : vector<16xf32> to vector<1x1x16xf32>
          tpu.vector_store %arg8[%swap3A_1078, %swap3A_1079, %swap3A_1080], %swap3A_1083 {add = true, strides = array<i32>} : memref<8x8x768xf32, #tpu.memory_space<vmem>>, vector<1x1x16xf32>,
          %scan3A_1084 = arith.constant 7 : i32
          %scan3A_1085 = arith.addi %scan3A_940, %scan3A_1084 : i32
          %mul3A_1086 = arith.constant 1 : i32
          %mul3A_1087 = arith.muli %scan3A_1085, %mul3A_1086 : i32
          %add3A_1088 = arith.constant 0 : i32
          %add3A_1089 = arith.addi %add3A_1088, %mul3A_1087 : i32
          %mul3A_1090 = arith.constant 16 : i32
          %mul3A_1091 = arith.muli %add3A_1089, %mul3A_1090 : i32
          %get3A_1092 = arith.constant 6 : i32
          %get3A_1093 = arith.index_cast %get3A_1092 : i32 to index
          %get3A_1094 = arith.index_cast %add3A_934 : i32 to index
          %get3A_1095 = arith.index_cast %mul3A_1091 : i32 to index
          %get3A_1096 = tpu.vector_load %arg7[%get3A_1093, %get3A_1094, %get3A_1095] {strides = array<i32>} : memref<8x8x768xf32, #tpu.memory_space<vmem>>, vector<1x1x16xf32>,
          %get3A_1097 = vector.shape_cast %get3A_1096 : vector<1x1x16xf32> to vector<16xf32>
          %swap3A_1098 = arith.constant 6 : i32
          %swap3A_1099 = arith.index_cast %swap3A_1098 : i32 to index
          %swap3A_1100 = arith.index_cast %add3A_934 : i32 to index
          %swap3A_1101 = arith.index_cast %mul3A_1091 : i32 to index
          %swap3A_1102 = tpu.vector_load %arg8[%swap3A_1099, %swap3A_1100, %swap3A_1101] {strides = array<i32>} : memref<8x8x768xf32, #tpu.memory_space<vmem>>, vector<1x1x16xf32>,
          %swap3A_1103 = vector.shape_cast %swap3A_1102 : vector<1x1x16xf32> to vector<16xf32>
          %swap3A_1104 = vector.shape_cast %get3A_1097 : vector<16xf32> to vector<1x1x16xf32>
          tpu.vector_store %arg8[%swap3A_1099, %swap3A_1100, %swap3A_1101], %swap3A_1104 {add = true, strides = array<i32>} : memref<8x8x768xf32, #tpu.memory_space<vmem>>, vector<1x1x16xf32>,
          %scan3A_1105 = arith.constant 8 : i32
          %scan3A_1106 = arith.addi %scan3A_940, %scan3A_1105 : i32
          %mul3A_1107 = arith.constant 1 : i32
          %mul3A_1108 = arith.muli %scan3A_1106, %mul3A_1107 : i32
          %add3A_1109 = arith.constant 0 : i32
          %add3A_1110 = arith.addi %add3A_1109, %mul3A_1108 : i32
          %mul3A_1111 = arith.constant 16 : i32
          %mul3A_1112 = arith.muli %add3A_1110, %mul3A_1111 : i32
          %get3A_1113 = arith.constant 6 : i32
          %get3A_1114 = arith.index_cast %get3A_1113 : i32 to index
          %get3A_1115 = arith.index_cast %add3A_934 : i32 to index
          %get3A_1116 = arith.index_cast %mul3A_1112 : i32 to index
          %get3A_1117 = tpu.vector_load %arg7[%get3A_1114, %get3A_1115, %get3A_1116] {strides = array<i32>} : memref<8x8x768xf32, #tpu.memory_space<vmem>>, vector<1x1x16xf32>,
          %get3A_1118 = vector.shape_cast %get3A_1117 : vector<1x1x16xf32> to vector<16xf32>
          %swap3A_1119 = arith.constant 6 : i32
          %swap3A_1120 = arith.index_cast %swap3A_1119 : i32 to index
          %swap3A_1121 = arith.index_cast %add3A_934 : i32 to index
          %swap3A_1122 = arith.index_cast %mul3A_1112 : i32 to index
          %swap3A_1123 = tpu.vector_load %arg8[%swap3A_1120, %swap3A_1121, %swap3A_1122] {strides = array<i32>} : memref<8x8x768xf32, #tpu.memory_space<vmem>>, vector<1x1x16xf32>,
          %swap3A_1124 = vector.shape_cast %swap3A_1123 : vector<1x1x16xf32> to vector<16xf32>
          %swap3A_1125 = vector.shape_cast %get3A_1118 : vector<16xf32> to vector<1x1x16xf32>
          tpu.vector_store %arg8[%swap3A_1120, %swap3A_1121, %swap3A_1122], %swap3A_1125 {add = true, strides = array<i32>} : memref<8x8x768xf32, #tpu.memory_space<vmem>>, vector<1x1x16xf32>,
          %scan3A_1126 = arith.constant 9 : i32
          %scan3A_1127 = arith.addi %scan3A_940, %scan3A_1126 : i32
          %mul3A_1128 = arith.constant 1 : i32
          %mul3A_1129 = arith.muli %scan3A_1127, %mul3A_1128 : i32
          %add3A_1130 = arith.constant 0 : i32
          %add3A_1131 = arith.addi %add3A_1130, %mul3A_1129 : i32
          %mul3A_1132 = arith.constant 16 : i32
          %mul3A_1133 = arith.muli %add3A_1131, %mul3A_1132 : i32
          %get3A_1134 = arith.constant 6 : i32
          %get3A_1135 = arith.index_cast %get3A_1134 : i32 to index
          %get3A_1136 = arith.index_cast %add3A_934 : i32 to index
          %get3A_1137 = arith.index_cast %mul3A_1133 : i32 to index
          %get3A_1138 = tpu.vector_load %arg7[%get3A_1135, %get3A_1136, %get3A_1137] {strides = array<i32>} : memref<8x8x768xf32, #tpu.memory_space<vmem>>, vector<1x1x16xf32>,
          %get3A_1139 = vector.shape_cast %get3A_1138 : vector<1x1x16xf32> to vector<16xf32>
          %swap3A_1140 = arith.constant 6 : i32
          %swap3A_1141 = arith.index_cast %swap3A_1140 : i32 to index
          %swap3A_1142 = arith.index_cast %add3A_934 : i32 to index
          %swap3A_1143 = arith.index_cast %mul3A_1133 : i32 to index
          %swap3A_1144 = tpu.vector_load %arg8[%swap3A_1141, %swap3A_1142, %swap3A_1143] {strides = array<i32>} : memref<8x8x768xf32, #tpu.memory_space<vmem>>, vector<1x1x16xf32>,
          %swap3A_1145 = vector.shape_cast %swap3A_1144 : vector<1x1x16xf32> to vector<16xf32>
          %swap3A_1146 = vector.shape_cast %get3A_1139 : vector<16xf32> to vector<1x1x16xf32>
          tpu.vector_store %arg8[%swap3A_1141, %swap3A_1142, %swap3A_1143], %swap3A_1146 {add = true, strides = array<i32>} : memref<8x8x768xf32, #tpu.memory_space<vmem>>, vector<1x1x16xf32>,
          %scan3A_1147 = arith.constant 10 : i32
          %scan3A_1148 = arith.addi %scan3A_940, %scan3A_1147 : i32
          %mul3A_1149 = arith.constant 1 : i32
          %mul3A_1150 = arith.muli %scan3A_1148, %mul3A_1149 : i32
          %add3A_1151 = arith.constant 0 : i32
          %add3A_1152 = arith.addi %add3A_1151, %mul3A_1150 : i32
          %mul3A_1153 = arith.constant 16 : i32
          %mul3A_1154 = arith.muli %add3A_1152, %mul3A_1153 : i32
          %get3A_1155 = arith.constant 6 : i32
          %get3A_1156 = arith.index_cast %get3A_1155 : i32 to index
          %get3A_1157 = arith.index_cast %add3A_934 : i32 to index
          %get3A_1158 = arith.index_cast %mul3A_1154 : i32 to index
          %get3A_1159 = tpu.vector_load %arg7[%get3A_1156, %get3A_1157, %get3A_1158] {strides = array<i32>} : memref<8x8x768xf32, #tpu.memory_space<vmem>>, vector<1x1x16xf32>,
          %get3A_1160 = vector.shape_cast %get3A_1159 : vector<1x1x16xf32> to vector<16xf32>
          %swap3A_1161 = arith.constant 6 : i32
          %swap3A_1162 = arith.index_cast %swap3A_1161 : i32 to index
          %swap3A_1163 = arith.index_cast %add3A_934 : i32 to index
          %swap3A_1164 = arith.index_cast %mul3A_1154 : i32 to index
          %swap3A_1165 = tpu.vector_load %arg8[%swap3A_1162, %swap3A_1163, %swap3A_1164] {strides = array<i32>} : memref<8x8x768xf32, #tpu.memory_space<vmem>>, vector<1x1x16xf32>,
          %swap3A_1166 = vector.shape_cast %swap3A_1165 : vector<1x1x16xf32> to vector<16xf32>
          %swap3A_1167 = vector.shape_cast %get3A_1160 : vector<16xf32> to vector<1x1x16xf32>
          tpu.vector_store %arg8[%swap3A_1162, %swap3A_1163, %swap3A_1164], %swap3A_1167 {add = true, strides = array<i32>} : memref<8x8x768xf32, #tpu.memory_space<vmem>>, vector<1x1x16xf32>,
          %scan3A_1168 = arith.constant 11 : i32
          %scan3A_1169 = arith.addi %scan3A_940, %scan3A_1168 : i32
          %mul3A_1170 = arith.constant 1 : i32
          %mul3A_1171 = arith.muli %scan3A_1169, %mul3A_1170 : i32
          %add3A_1172 = arith.constant 0 : i32
          %add3A_1173 = arith.addi %add3A_1172, %mul3A_1171 : i32
          %mul3A_1174 = arith.constant 16 : i32
          %mul3A_1175 = arith.muli %add3A_1173, %mul3A_1174 : i32
          %get3A_1176 = arith.constant 6 : i32
          %get3A_1177 = arith.index_cast %get3A_1176 : i32 to index
          %get3A_1178 = arith.index_cast %add3A_934 : i32 to index
          %get3A_1179 = arith.index_cast %mul3A_1175 : i32 to index
          %get3A_1180 = tpu.vector_load %arg7[%get3A_1177, %get3A_1178, %get3A_1179] {strides = array<i32>} : memref<8x8x768xf32, #tpu.memory_space<vmem>>, vector<1x1x16xf32>,
          %get3A_1181 = vector.shape_cast %get3A_1180 : vector<1x1x16xf32> to vector<16xf32>
          %swap3A_1182 = arith.constant 6 : i32
          %swap3A_1183 = arith.index_cast %swap3A_1182 : i32 to index
          %swap3A_1184 = arith.index_cast %add3A_934 : i32 to index
          %swap3A_1185 = arith.index_cast %mul3A_1175 : i32 to index
          %swap3A_1186 = tpu.vector_load %arg8[%swap3A_1183, %swap3A_1184, %swap3A_1185] {strides = array<i32>} : memref<8x8x768xf32, #tpu.memory_space<vmem>>, vector<1x1x16xf32>,
          %swap3A_1187 = vector.shape_cast %swap3A_1186 : vector<1x1x16xf32> to vector<16xf32>
          %swap3A_1188 = vector.shape_cast %get3A_1181 : vector<16xf32> to vector<1x1x16xf32>
          tpu.vector_store %arg8[%swap3A_1183, %swap3A_1184, %swap3A_1185], %swap3A_1188 {add = true, strides = array<i32>} : memref<8x8x768xf32, #tpu.memory_space<vmem>>, vector<1x1x16xf32>,
          %scan3A_1189 = arith.constant 12 : i32
          %scan3A_1190 = arith.addi %scan3A_940, %scan3A_1189 : i32
          %mul3A_1191 = arith.constant 1 : i32
          %mul3A_1192 = arith.muli %scan3A_1190, %mul3A_1191 : i32
          %add3A_1193 = arith.constant 0 : i32
          %add3A_1194 = arith.addi %add3A_1193, %mul3A_1192 : i32
          %mul3A_1195 = arith.constant 16 : i32
          %mul3A_1196 = arith.muli %add3A_1194, %mul3A_1195 : i32
          %get3A_1197 = arith.constant 6 : i32
          %get3A_1198 = arith.index_cast %get3A_1197 : i32 to index
          %get3A_1199 = arith.index_cast %add3A_934 : i32 to index
          %get3A_1200 = arith.index_cast %mul3A_1196 : i32 to index
          %get3A_1201 = tpu.vector_load %arg7[%get3A_1198, %get3A_1199, %get3A_1200] {strides = array<i32>} : memref<8x8x768xf32, #tpu.memory_space<vmem>>, vector<1x1x16xf32>,
          %get3A_1202 = vector.shape_cast %get3A_1201 : vector<1x1x16xf32> to vector<16xf32>
          %swap3A_1203 = arith.constant 6 : i32
          %swap3A_1204 = arith.index_cast %swap3A_1203 : i32 to index
          %swap3A_1205 = arith.index_cast %add3A_934 : i32 to index
          %swap3A_1206 = arith.index_cast %mul3A_1196 : i32 to index
          %swap3A_1207 = tpu.vector_load %arg8[%swap3A_1204, %swap3A_1205, %swap3A_1206] {strides = array<i32>} : memref<8x8x768xf32, #tpu.memory_space<vmem>>, vector<1x1x16xf32>,
          %swap3A_1208 = vector.shape_cast %swap3A_1207 : vector<1x1x16xf32> to vector<16xf32>
          %swap3A_1209 = vector.shape_cast %get3A_1202 : vector<16xf32> to vector<1x1x16xf32>
          tpu.vector_store %arg8[%swap3A_1204, %swap3A_1205, %swap3A_1206], %swap3A_1209 {add = true, strides = array<i32>} : memref<8x8x768xf32, #tpu.memory_space<vmem>>, vector<1x1x16xf32>,
          %scan3A_1210 = arith.constant 13 : i32
          %scan3A_1211 = arith.addi %scan3A_940, %scan3A_1210 : i32
          %mul3A_1212 = arith.constant 1 : i32
          %mul3A_1213 = arith.muli %scan3A_1211, %mul3A_1212 : i32
          %add3A_1214 = arith.constant 0 : i32
          %add3A_1215 = arith.addi %add3A_1214, %mul3A_1213 : i32
          %mul3A_1216 = arith.constant 16 : i32
          %mul3A_1217 = arith.muli %add3A_1215, %mul3A_1216 : i32
          %get3A_1218 = arith.constant 6 : i32
          %get3A_1219 = arith.index_cast %get3A_1218 : i32 to index
          %get3A_1220 = arith.index_cast %add3A_934 : i32 to index
          %get3A_1221 = arith.index_cast %mul3A_1217 : i32 to index
          %get3A_1222 = tpu.vector_load %arg7[%get3A_1219, %get3A_1220, %get3A_1221] {strides = array<i32>} : memref<8x8x768xf32, #tpu.memory_space<vmem>>, vector<1x1x16xf32>,
          %get3A_1223 = vector.shape_cast %get3A_1222 : vector<1x1x16xf32> to vector<16xf32>
          %swap3A_1224 = arith.constant 6 : i32
          %swap3A_1225 = arith.index_cast %swap3A_1224 : i32 to index
          %swap3A_1226 = arith.index_cast %add3A_934 : i32 to index
          %swap3A_1227 = arith.index_cast %mul3A_1217 : i32 to index
          %swap3A_1228 = tpu.vector_load %arg8[%swap3A_1225, %swap3A_1226, %swap3A_1227] {strides = array<i32>} : memref<8x8x768xf32, #tpu.memory_space<vmem>>, vector<1x1x16xf32>,
          %swap3A_1229 = vector.shape_cast %swap3A_1228 : vector<1x1x16xf32> to vector<16xf32>
          %swap3A_1230 = vector.shape_cast %get3A_1223 : vector<16xf32> to vector<1x1x16xf32>
          tpu.vector_store %arg8[%swap3A_1225, %swap3A_1226, %swap3A_1227], %swap3A_1230 {add = true, strides = array<i32>} : memref<8x8x768xf32, #tpu.memory_space<vmem>>, vector<1x1x16xf32>,
          %scan3A_1231 = arith.constant 14 : i32
          %scan3A_1232 = arith.addi %scan3A_940, %scan3A_1231 : i32
          %mul3A_1233 = arith.constant 1 : i32
          %mul3A_1234 = arith.muli %scan3A_1232, %mul3A_1233 : i32
          %add3A_1235 = arith.constant 0 : i32
          %add3A_1236 = arith.addi %add3A_1235, %mul3A_1234 : i32
          %mul3A_1237 = arith.constant 16 : i32
          %mul3A_1238 = arith.muli %add3A_1236, %mul3A_1237 : i32
          %get3A_1239 = arith.constant 6 : i32
          %get3A_1240 = arith.index_cast %get3A_1239 : i32 to index
          %get3A_1241 = arith.index_cast %add3A_934 : i32 to index
          %get3A_1242 = arith.index_cast %mul3A_1238 : i32 to index
          %get3A_1243 = tpu.vector_load %arg7[%get3A_1240, %get3A_1241, %get3A_1242] {strides = array<i32>} : memref<8x8x768xf32, #tpu.memory_space<vmem>>, vector<1x1x16xf32>,
          %get3A_1244 = vector.shape_cast %get3A_1243 : vector<1x1x16xf32> to vector<16xf32>
          %swap3A_1245 = arith.constant 6 : i32
          %swap3A_1246 = arith.index_cast %swap3A_1245 : i32 to index
          %swap3A_1247 = arith.index_cast %add3A_934 : i32 to index
          %swap3A_1248 = arith.index_cast %mul3A_1238 : i32 to index
          %swap3A_1249 = tpu.vector_load %arg8[%swap3A_1246, %swap3A_1247, %swap3A_1248] {strides = array<i32>} : memref<8x8x768xf32, #tpu.memory_space<vmem>>, vector<1x1x16xf32>,
          %swap3A_1250 = vector.shape_cast %swap3A_1249 : vector<1x1x16xf32> to vector<16xf32>
          %swap3A_1251 = vector.shape_cast %get3A_1244 : vector<16xf32> to vector<1x1x16xf32>
          tpu.vector_store %arg8[%swap3A_1246, %swap3A_1247, %swap3A_1248], %swap3A_1251 {add = true, strides = array<i32>} : memref<8x8x768xf32, #tpu.memory_space<vmem>>, vector<1x1x16xf32>,
          %scan3A_1252 = arith.constant 15 : i32
          %scan3A_1253 = arith.addi %scan3A_940, %scan3A_1252 : i32
          %mul3A_1254 = arith.constant 1 : i32
          %mul3A_1255 = arith.muli %scan3A_1253, %mul3A_1254 : i32
          %add3A_1256 = arith.constant 0 : i32
          %add3A_1257 = arith.addi %add3A_1256, %mul3A_1255 : i32
          %mul3A_1258 = arith.constant 16 : i32
          %mul3A_1259 = arith.muli %add3A_1257, %mul3A_1258 : i32
          %get3A_1260 = arith.constant 6 : i32
          %get3A_1261 = arith.index_cast %get3A_1260 : i32 to index
          %get3A_1262 = arith.index_cast %add3A_934 : i32 to index
          %get3A_1263 = arith.index_cast %mul3A_1259 : i32 to index
          %get3A_1264 = tpu.vector_load %arg7[%get3A_1261, %get3A_1262, %get3A_1263] {strides = array<i32>} : memref<8x8x768xf32, #tpu.memory_space<vmem>>, vector<1x1x16xf32>,
          %get3A_1265 = vector.shape_cast %get3A_1264 : vector<1x1x16xf32> to vector<16xf32>
          %swap3A_1266 = arith.constant 6 : i32
          %swap3A_1267 = arith.index_cast %swap3A_1266 : i32 to index
          %swap3A_1268 = arith.index_cast %add3A_934 : i32 to index
          %swap3A_1269 = arith.index_cast %mul3A_1259 : i32 to index
          %swap3A_1270 = tpu.vector_load %arg8[%swap3A_1267, %swap3A_1268, %swap3A_1269] {strides = array<i32>} : memref<8x8x768xf32, #tpu.memory_space<vmem>>, vector<1x1x16xf32>,
          %swap3A_1271 = vector.shape_cast %swap3A_1270 : vector<1x1x16xf32> to vector<16xf32>
          %swap3A_1272 = vector.shape_cast %get3A_1265 : vector<16xf32> to vector<1x1x16xf32>
          tpu.vector_store %arg8[%swap3A_1267, %swap3A_1268, %swap3A_1269], %swap3A_1272 {add = true, strides = array<i32>} : memref<8x8x768xf32, #tpu.memory_space<vmem>>, vector<1x1x16xf32>,
        }
        %scan3A_939 = arith.constant 48 : i32
      }
      %scan3A_839 = arith.constant 8 : i32
      %mul3A_840 = arith.constant 8 : i32
      %mul3A_841 = arith.muli %add3A_801, %mul3A_840 : i32
      %add3A_842 = arith.addi %mul3A_2, %mul3A_841 : i32
      %dma_start3A_843 = arith.constant 6 : i32
      %dma_start3A_844 = arith.constant 6 : i32
      %dma_start3A_845 = arith.constant 0 : i32
      %dma_start3A_846 = arith.constant 0 : i32
      %dma_start3A_847 = tpu.memref_slice %arg8[%dma_start3A_843, %dma_start3A_845, %dma_start3A_846] : memref<8x8x768xf32, #tpu.memory_space<vmem>> -> memref<1x8x768xf32, #tpu.memory_space<vmem>>
      %dma_start3A_848 = tpu.memref_squeeze %dma_start3A_847 : memref<1x8x768xf32, #tpu.memory_space<vmem>> -> memref<8x768xf32, #tpu.memory_space<vmem>>
      %dma_start3A_849 = arith.constant 0 : i32
      %dma_start3A_850 = tpu.memref_slice %arg5[%add3A_842, %dma_start3A_849] : memref<32768x768xf32, #tpu.memory_space<hbm>> -> memref<8x768xf32, #tpu.memory_space<hbm>>
      %dma_start3A_851 = tpu.memref_slice %arg11[%dma_start3A_844] : memref<8x!tpu.dma_semaphore, #tpu.memory_space<semaphore_mem>> -> memref<1x!tpu.dma_semaphore, #tpu.memory_space<semaphore_mem>>
      %dma_start3A_852 = tpu.memref_squeeze %dma_start3A_851 : memref<1x!tpu.dma_semaphore, #tpu.memory_space<semaphore_mem>> -> memref<!tpu.dma_semaphore, #tpu.memory_space<semaphore_mem>>
      %dma_start3A_853 = arith.constant 0 : i32
      %dma_start3A_854 = tpu.memref_slice %arg5[%add3A_842, %dma_start3A_853] : memref<32768x768xf32, #tpu.memory_space<hbm>> -> memref<8x768xf32, #tpu.memory_space<hbm>>
      %dma_start3A_855 = arith.constant 0 : i32
      %dma_start3A_856 = arith.constant 0 : i32
      %dma_start3A_857 = tpu.memref_slice %arg8[%dma_start3A_843, %dma_start3A_855, %dma_start3A_856] : memref<8x8x768xf32, #tpu.memory_space<vmem>> -> memref<1x8x768xf32, #tpu.memory_space<vmem>>
      %dma_start3A_858 = tpu.memref_squeeze %dma_start3A_857 : memref<1x8x768xf32, #tpu.memory_space<vmem>> -> memref<8x768xf32, #tpu.memory_space<vmem>>
      tpu.enqueue_dma source(%dma_start3A_858 : memref<8x768xf32, #tpu.memory_space<vmem>>) target(%dma_start3A_854 : memref<8x768xf32, #tpu.memory_space<hbm>>) target_semaphore(%dma_start3A_852 : memref<!tpu.dma_semaphore, #tpu.memory_space<semaphore_mem>>)
      %lt3A_859 = arith.constant 15 : i32
      %lt3A_860 = arith.cmpi slt, %add3A_370, %lt3A_859 : i32
      %convert_element_type3A_861 = arith.extui %lt3A_860 : i1 to i32
      %cond3A_862 = arith.constant 0 : i32
      %cond3A_863 = arith.cmpi ne, %convert_element_type3A_861, %cond3A_862 : i32
      scf.if %cond3A_863 {
        %mul3A_930 = arith.constant 8 : i32
        %mul3A_931 = arith.muli %add3A_370, %mul3A_930 : i32
        %add3A_932 = arith.constant 6 : i32
        %add3A_933 = arith.addi %mul3A_931, %add3A_932 : i32
        %add3A_934 = arith.constant 7 : i32
        %add3A_935 = arith.addi %add3A_933, %add3A_934 : i32
        %sub3A = arith.constant 8 : i32
        %sub3A_936 = arith.subi %add3A_935, %sub3A : i32
        %mul3A_937 = arith.constant 8 : i32
        %mul3A_938 = arith.muli %sub3A_936, %mul3A_937 : i32
        %add3A_939 = arith.addi %mul3A_2, %mul3A_938 : i32
        %dma_wait3A_940 = arith.constant 5 : i32
        %dma_wait3A_941 = arith.constant 5 : i32
        %dma_wait3A_942 = arith.constant 0 : i32
        %dma_wait3A_943 = arith.constant 0 : i32
        %dma_wait3A_944 = tpu.memref_slice %arg8[%dma_wait3A_940, %dma_wait3A_942, %dma_wait3A_943] : memref<8x8x768xf32, #tpu.memory_space<vmem>> -> memref<1x8x768xf32, #tpu.memory_space<vmem>>
        %dma_wait3A_945 = tpu.memref_squeeze %dma_wait3A_944 : memref<1x8x768xf32, #tpu.memory_space<vmem>> -> memref<8x768xf32, #tpu.memory_space<vmem>>
        %dma_wait3A_946 = arith.constant 0 : i32
        %dma_wait3A_947 = tpu.memref_slice %arg5[%add3A_939, %dma_wait3A_946] : memref<32768x768xf32, #tpu.memory_space<hbm>> -> memref<8x768xf32, #tpu.memory_space<hbm>>
        %dma_wait3A_948 = tpu.memref_slice %arg11[%dma_wait3A_941] : memref<8x!tpu.dma_semaphore, #tpu.memory_space<semaphore_mem>> -> memref<1x!tpu.dma_semaphore, #tpu.memory_space<semaphore_mem>>
        %dma_wait3A_949 = tpu.memref_squeeze %dma_wait3A_948 : memref<1x!tpu.dma_semaphore, #tpu.memory_space<semaphore_mem>> -> memref<!tpu.dma_semaphore, #tpu.memory_space<semaphore_mem>>
        %dma_wait3A_950 = arith.constant 0 : i32
        %dma_wait3A_951 = tpu.memref_slice %arg5[%add3A_939, %dma_wait3A_950] : memref<32768x768xf32, #tpu.memory_space<hbm>> -> memref<8x768xf32, #tpu.memory_space<hbm>>
        %dma_wait3A_952 = arith.constant 0 : i32
        %dma_wait3A_953 = arith.constant 0 : i32
        %dma_wait3A_954 = tpu.memref_slice %arg8[%dma_wait3A_940, %dma_wait3A_952, %dma_wait3A_953] : memref<8x8x768xf32, #tpu.memory_space<vmem>> -> memref<1x8x768xf32, #tpu.memory_space<vmem>>
        %dma_wait3A_955 = tpu.memref_squeeze %dma_wait3A_954 : memref<1x8x768xf32, #tpu.memory_space<vmem>> -> memref<8x768xf32, #tpu.memory_space<vmem>>
        tpu.wait_dma2 semaphore(%dma_wait3A_949 : memref<!tpu.dma_semaphore, #tpu.memory_space<semaphore_mem>>) src(%dma_wait3A_955 : memref<8x768xf32, #tpu.memory_space<vmem>>) dst(%dma_wait3A_951 : memref<8x768xf32, #tpu.memory_space<hbm>>)
        %add3A_956 = arith.constant 7 : i32
        %add3A_957 = arith.addi %add3A_801, %add3A_956 : i32
        %mul3A_958 = arith.constant 8 : i32
        %mul3A_959 = arith.muli %add3A_957, %mul3A_958 : i32
        %add3A_960 = arith.addi %mul3A_2, %mul3A_959 : i32
        %dma_start3A_961 = arith.constant 5 : i32
        %dma_start3A_962 = arith.constant 5 : i32
        %dma_start3A_963 = arith.constant 0 : i32
        %dma_start3A_964 = arith.constant 0 : i32
        %dma_start3A_965 = tpu.memref_slice %arg7[%dma_start3A_961, %dma_start3A_963, %dma_start3A_964] : memref<8x8x768xf32, #tpu.memory_space<vmem>> -> memref<1x8x768xf32, #tpu.memory_space<vmem>>
        %dma_start3A_966 = tpu.memref_squeeze %dma_start3A_965 : memref<1x8x768xf32, #tpu.memory_space<vmem>> -> memref<8x768xf32, #tpu.memory_space<vmem>>
        %dma_start3A_967 = arith.constant 0 : i32
        %dma_start3A_968 = tpu.memref_slice %arg2[%add3A_960, %dma_start3A_967] : memref<32768x768xf32, #tpu.memory_space<hbm>> -> memref<8x768xf32, #tpu.memory_space<hbm>>
        %dma_start3A_969 = tpu.memref_slice %arg9[%dma_start3A_962] : memref<8x!tpu.dma_semaphore, #tpu.memory_space<semaphore_mem>> -> memref<1x!tpu.dma_semaphore, #tpu.memory_space<semaphore_mem>>
        %dma_start3A_970 = tpu.memref_squeeze %dma_start3A_969 : memref<1x!tpu.dma_semaphore, #tpu.memory_space<semaphore_mem>> -> memref<!tpu.dma_semaphore, #tpu.memory_space<semaphore_mem>>
        %dma_start3A_971 = arith.constant 0 : i32
        %dma_start3A_972 = arith.constant 0 : i32
        %dma_start3A_973 = tpu.memref_slice %arg7[%dma_start3A_961, %dma_start3A_971, %dma_start3A_972] : memref<8x8x768xf32, #tpu.memory_space<vmem>> -> memref<1x8x768xf32, #tpu.memory_space<vmem>>
        %dma_start3A_974 = tpu.memref_squeeze %dma_start3A_973 : memref<1x8x768xf32, #tpu.memory_space<vmem>> -> memref<8x768xf32, #tpu.memory_space<vmem>>
        %dma_start3A_975 = arith.constant 0 : i32
        %dma_start3A_976 = tpu.memref_slice %arg2[%add3A_960, %dma_start3A_975] : memref<32768x768xf32, #tpu.memory_space<hbm>> -> memref<8x768xf32, #tpu.memory_space<hbm>>
        tpu.enqueue_dma source(%dma_start3A_976 : memref<8x768xf32, #tpu.memory_space<hbm>>) target(%dma_start3A_974 : memref<8x768xf32, #tpu.memory_space<vmem>>) target_semaphore(%dma_start3A_970 : memref<!tpu.dma_semaphore, #tpu.memory_space<semaphore_mem>>)
        %mul3A_977 = arith.constant 8 : i32
        %mul3A_978 = arith.muli %add3A_957, %mul3A_977 : i32
        %dma_start3A_979 = arith.constant 5 : i32
        %dma_start3A_980 = arith.constant 5 : i32
        %dma_start3A_981 = arith.constant 0 : i32
        %dma_start3A_982 = arith.constant 0 : i32
        %dma_start3A_983 = tpu.memref_slice %arg8[%dma_start3A_979, %dma_start3A_981, %dma_start3A_982] : memref<8x8x768xf32, #tpu.memory_space<vmem>> -> memref<1x8x768xf32, #tpu.memory_space<vmem>>
        %dma_start3A_984 = tpu.memref_squeeze %dma_start3A_983 : memref<1x8x768xf32, #tpu.memory_space<vmem>> -> memref<8x768xf32, #tpu.memory_space<vmem>>
        %dma_start3A_985 = tpu.memref_slice %arg6[%mul3A_978] : memref<1024xi32, #tpu.memory_space<vmem>> -> memref<8xi32, #tpu.memory_space<vmem>>
        %dma_start3A_986 = arith.constant 0 : i32
        %dma_start3A_987 = arith.constant 0 : i32
        %dma_start3A_988 = tpu.memref_slice %arg4[%dma_start3A_986, %dma_start3A_987] : memref<8192x768xf32, #tpu.memory_space<hbm>> -> memref<8192x768xf32, #tpu.memory_space<hbm>>
        %dma_start3A_989 = tpu.memref_slice %arg10[%dma_start3A_980] : memref<8x!tpu.dma_semaphore, #tpu.memory_space<semaphore_mem>> -> memref<1x!tpu.dma_semaphore, #tpu.memory_space<semaphore_mem>>
        %dma_start3A_990 = tpu.memref_squeeze %dma_start3A_989 : memref<1x!tpu.dma_semaphore, #tpu.memory_space<semaphore_mem>> -> memref<!tpu.dma_semaphore, #tpu.memory_space<semaphore_mem>>
        tpu.enqueue_indirect_dma source(%dma_start3A_988 : memref<8192x768xf32, #tpu.memory_space<hbm>>) target(%dma_start3A_984 : memref<8x768xf32, #tpu.memory_space<vmem>>) offsets(%dma_start3A_985 : memref<8xi32, #tpu.memory_space<vmem>>) semaphore(%dma_start3A_990 : memref<!tpu.dma_semaphore, #tpu.memory_space<semaphore_mem>>)
      } else {
      }
      %mul3A_864 = arith.constant 8 : i32
      %mul3A_865 = arith.muli %add3A_370, %mul3A_864 : i32
      %add3A_866 = arith.constant 7 : i32
      %add3A_867 = arith.addi %mul3A_865, %add3A_866 : i32
      %mul3A_868 = arith.constant 8 : i32
      %mul3A_869 = arith.muli %add3A_867, %mul3A_868 : i32
      %add3A_870 = arith.addi %mul3A_2, %mul3A_869 : i32
      %dma_wait3A_871 = arith.constant 7 : i32
      %dma_wait3A_872 = arith.constant 7 : i32
      %dma_wait3A_873 = arith.constant 0 : i32
      %dma_wait3A_874 = arith.constant 0 : i32
      %dma_wait3A_875 = tpu.memref_slice %arg7[%dma_wait3A_871, %dma_wait3A_873, %dma_wait3A_874] : memref<8x8x768xf32, #tpu.memory_space<vmem>> -> memref<1x8x768xf32, #tpu.memory_space<vmem>>
      %dma_wait3A_876 = tpu.memref_squeeze %dma_wait3A_875 : memref<1x8x768xf32, #tpu.memory_space<vmem>> -> memref<8x768xf32, #tpu.memory_space<vmem>>
      %dma_wait3A_877 = arith.constant 0 : i32
      %dma_wait3A_878 = tpu.memref_slice %arg2[%add3A_870, %dma_wait3A_877] : memref<32768x768xf32, #tpu.memory_space<hbm>> -> memref<8x768xf32, #tpu.memory_space<hbm>>
      %dma_wait3A_879 = tpu.memref_slice %arg9[%dma_wait3A_872] : memref<8x!tpu.dma_semaphore, #tpu.memory_space<semaphore_mem>> -> memref<1x!tpu.dma_semaphore, #tpu.memory_space<semaphore_mem>>
      %dma_wait3A_880 = tpu.memref_squeeze %dma_wait3A_879 : memref<1x!tpu.dma_semaphore, #tpu.memory_space<semaphore_mem>> -> memref<!tpu.dma_semaphore, #tpu.memory_space<semaphore_mem>>
      %dma_wait3A_881 = arith.constant 0 : i32
      %dma_wait3A_882 = arith.constant 0 : i32
      %dma_wait3A_883 = tpu.memref_slice %arg7[%dma_wait3A_871, %dma_wait3A_881, %dma_wait3A_882] : memref<8x8x768xf32, #tpu.memory_space<vmem>> -> memref<1x8x768xf32, #tpu.memory_space<vmem>>
      %dma_wait3A_884 = tpu.memref_squeeze %dma_wait3A_883 : memref<1x8x768xf32, #tpu.memory_space<vmem>> -> memref<8x768xf32, #tpu.memory_space<vmem>>
      %dma_wait3A_885 = arith.constant 0 : i32
      %dma_wait3A_886 = tpu.memref_slice %arg2[%add3A_870, %dma_wait3A_885] : memref<32768x768xf32, #tpu.memory_space<hbm>> -> memref<8x768xf32, #tpu.memory_space<hbm>>
      tpu.wait_dma2 semaphore(%dma_wait3A_880 : memref<!tpu.dma_semaphore, #tpu.memory_space<semaphore_mem>>) src(%dma_wait3A_886 : memref<8x768xf32, #tpu.memory_space<hbm>>) dst(%dma_wait3A_884 : memref<8x768xf32, #tpu.memory_space<vmem>>)
      %mul3A_887 = arith.constant 8 : i32
      %mul3A_888 = arith.muli %add3A_867, %mul3A_887 : i32
      %dma_wait3A_889 = arith.constant 7 : i32
      %dma_wait3A_890 = arith.constant 7 : i32
      %dma_wait3A_891 = arith.constant 0 : i32
      %dma_wait3A_892 = arith.constant 0 : i32
      %dma_wait3A_893 = tpu.memref_slice %arg8[%dma_wait3A_889, %dma_wait3A_891, %dma_wait3A_892] : memref<8x8x768xf32, #tpu.memory_space<vmem>> -> memref<1x8x768xf32, #tpu.memory_space<vmem>>
      %dma_wait3A_894 = tpu.memref_squeeze %dma_wait3A_893 : memref<1x8x768xf32, #tpu.memory_space<vmem>> -> memref<8x768xf32, #tpu.memory_space<vmem>>
      %dma_wait3A_895 = tpu.memref_slice %arg6[%mul3A_888] : memref<1024xi32, #tpu.memory_space<vmem>> -> memref<8xi32, #tpu.memory_space<vmem>>
      %dma_wait3A_896 = arith.constant 0 : i32
      %dma_wait3A_897 = arith.constant 0 : i32
      %dma_wait3A_898 = tpu.memref_slice %arg4[%dma_wait3A_896, %dma_wait3A_897] : memref<8192x768xf32, #tpu.memory_space<hbm>> -> memref<8192x768xf32, #tpu.memory_space<hbm>>
      %dma_wait3A_899 = tpu.memref_slice %arg10[%dma_wait3A_890] : memref<8x!tpu.dma_semaphore, #tpu.memory_space<semaphore_mem>> -> memref<1x!tpu.dma_semaphore, #tpu.memory_space<semaphore_mem>>
      %dma_wait3A_900 = tpu.memref_squeeze %dma_wait3A_899 : memref<1x!tpu.dma_semaphore, #tpu.memory_space<semaphore_mem>> -> memref<!tpu.dma_semaphore, #tpu.memory_space<semaphore_mem>>
      tpu.wait_indirect_dma semaphore(%dma_wait3A_900 : memref<!tpu.dma_semaphore, #tpu.memory_space<semaphore_mem>>) src(%dma_wait3A_898 : memref<8192x768xf32, #tpu.memory_space<hbm>>) dst(%dma_wait3A_894 : memref<8x768xf32, #tpu.memory_space<vmem>>)
      %scan3A_901 = arith.constant 0 : i32
      %scan3A_902 = arith.constant 8 : i32
      %scan3A_903 = arith.addi %scan3A_901, %scan3A_902 : i32
      %scan3A_904 = arith.constant 1 : i32
      scf.for %scan3A_930 = %scan3A_901 to %scan3A_903 step %scan3A_904  : i32 {
        %mul3A_931 = arith.constant 1 : i32
        %mul3A_932 = arith.muli %scan3A_930, %mul3A_931 : i32
        %add3A_933 = arith.constant 0 : i32
        %add3A_934 = arith.addi %add3A_933, %mul3A_932 : i32
        %scan3A_935 = arith.constant 0 : i32
        %scan3A_936 = arith.constant 48 : i32
        %scan3A_937 = arith.addi %scan3A_935, %scan3A_936 : i32
        %scan3A_938 = arith.constant 16 : i32
        scf.for %scan3A_940 = %scan3A_935 to %scan3A_937 step %scan3A_938  : i32 {
          %mul3A_941 = arith.constant 1 : i32
          %mul3A_942 = arith.muli %scan3A_940, %mul3A_941 : i32
          %add3A_943 = arith.constant 0 : i32
          %add3A_944 = arith.addi %add3A_943, %mul3A_942 : i32
          %mul3A_945 = arith.constant 16 : i32
          %mul3A_946 = arith.muli %add3A_944, %mul3A_945 : i32
          %get3A = arith.constant 7 : i32
          %get3A_947 = arith.index_cast %get3A : i32 to index
          %get3A_948 = arith.index_cast %add3A_934 : i32 to index
          %get3A_949 = arith.index_cast %mul3A_946 : i32 to index
          %get3A_950 = tpu.vector_load %arg7[%get3A_947, %get3A_948, %get3A_949] {strides = array<i32>} : memref<8x8x768xf32, #tpu.memory_space<vmem>>, vector<1x1x16xf32>,
          %get3A_951 = vector.shape_cast %get3A_950 : vector<1x1x16xf32> to vector<16xf32>
          %swap3A = arith.constant 7 : i32
          %swap3A_952 = arith.index_cast %swap3A : i32 to index
          %swap3A_953 = arith.index_cast %add3A_934 : i32 to index
          %swap3A_954 = arith.index_cast %mul3A_946 : i32 to index
          %swap3A_955 = tpu.vector_load %arg8[%swap3A_952, %swap3A_953, %swap3A_954] {strides = array<i32>} : memref<8x8x768xf32, #tpu.memory_space<vmem>>, vector<1x1x16xf32>,
          %swap3A_956 = vector.shape_cast %swap3A_955 : vector<1x1x16xf32> to vector<16xf32>
          %swap3A_957 = vector.shape_cast %get3A_951 : vector<16xf32> to vector<1x1x16xf32>
          tpu.vector_store %arg8[%swap3A_952, %swap3A_953, %swap3A_954], %swap3A_957 {add = true, strides = array<i32>} : memref<8x8x768xf32, #tpu.memory_space<vmem>>, vector<1x1x16xf32>,
          %scan3A_958 = arith.constant 1 : i32
          %scan3A_959 = arith.addi %scan3A_940, %scan3A_958 : i32
          %mul3A_960 = arith.constant 1 : i32
          %mul3A_961 = arith.muli %scan3A_959, %mul3A_960 : i32
          %add3A_962 = arith.constant 0 : i32
          %add3A_963 = arith.addi %add3A_962, %mul3A_961 : i32
          %mul3A_964 = arith.constant 16 : i32
          %mul3A_965 = arith.muli %add3A_963, %mul3A_964 : i32
          %get3A_966 = arith.constant 7 : i32
          %get3A_967 = arith.index_cast %get3A_966 : i32 to index
          %get3A_968 = arith.index_cast %add3A_934 : i32 to index
          %get3A_969 = arith.index_cast %mul3A_965 : i32 to index
          %get3A_970 = tpu.vector_load %arg7[%get3A_967, %get3A_968, %get3A_969] {strides = array<i32>} : memref<8x8x768xf32, #tpu.memory_space<vmem>>, vector<1x1x16xf32>,
          %get3A_971 = vector.shape_cast %get3A_970 : vector<1x1x16xf32> to vector<16xf32>
          %swap3A_972 = arith.constant 7 : i32
          %swap3A_973 = arith.index_cast %swap3A_972 : i32 to index
          %swap3A_974 = arith.index_cast %add3A_934 : i32 to index
          %swap3A_975 = arith.index_cast %mul3A_965 : i32 to index
          %swap3A_976 = tpu.vector_load %arg8[%swap3A_973, %swap3A_974, %swap3A_975] {strides = array<i32>} : memref<8x8x768xf32, #tpu.memory_space<vmem>>, vector<1x1x16xf32>,
          %swap3A_977 = vector.shape_cast %swap3A_976 : vector<1x1x16xf32> to vector<16xf32>
          %swap3A_978 = vector.shape_cast %get3A_971 : vector<16xf32> to vector<1x1x16xf32>
          tpu.vector_store %arg8[%swap3A_973, %swap3A_974, %swap3A_975], %swap3A_978 {add = true, strides = array<i32>} : memref<8x8x768xf32, #tpu.memory_space<vmem>>, vector<1x1x16xf32>,
          %scan3A_979 = arith.constant 2 : i32
          %scan3A_980 = arith.addi %scan3A_940, %scan3A_979 : i32
          %mul3A_981 = arith.constant 1 : i32
          %mul3A_982 = arith.muli %scan3A_980, %mul3A_981 : i32
          %add3A_983 = arith.constant 0 : i32
          %add3A_984 = arith.addi %add3A_983, %mul3A_982 : i32
          %mul3A_985 = arith.constant 16 : i32
          %mul3A_986 = arith.muli %add3A_984, %mul3A_985 : i32
          %get3A_987 = arith.constant 7 : i32
          %get3A_988 = arith.index_cast %get3A_987 : i32 to index
          %get3A_989 = arith.index_cast %add3A_934 : i32 to index
          %get3A_990 = arith.index_cast %mul3A_986 : i32 to index
          %get3A_991 = tpu.vector_load %arg7[%get3A_988, %get3A_989, %get3A_990] {strides = array<i32>} : memref<8x8x768xf32, #tpu.memory_space<vmem>>, vector<1x1x16xf32>,
          %get3A_992 = vector.shape_cast %get3A_991 : vector<1x1x16xf32> to vector<16xf32>
          %swap3A_993 = arith.constant 7 : i32
          %swap3A_994 = arith.index_cast %swap3A_993 : i32 to index
          %swap3A_995 = arith.index_cast %add3A_934 : i32 to index
          %swap3A_996 = arith.index_cast %mul3A_986 : i32 to index
          %swap3A_997 = tpu.vector_load %arg8[%swap3A_994, %swap3A_995, %swap3A_996] {strides = array<i32>} : memref<8x8x768xf32, #tpu.memory_space<vmem>>, vector<1x1x16xf32>,
          %swap3A_998 = vector.shape_cast %swap3A_997 : vector<1x1x16xf32> to vector<16xf32>
          %swap3A_999 = vector.shape_cast %get3A_992 : vector<16xf32> to vector<1x1x16xf32>
          tpu.vector_store %arg8[%swap3A_994, %swap3A_995, %swap3A_996], %swap3A_999 {add = true, strides = array<i32>} : memref<8x8x768xf32, #tpu.memory_space<vmem>>, vector<1x1x16xf32>,
          %scan3A_1000 = arith.constant 3 : i32
          %scan3A_1001 = arith.addi %scan3A_940, %scan3A_1000 : i32
          %mul3A_1002 = arith.constant 1 : i32
          %mul3A_1003 = arith.muli %scan3A_1001, %mul3A_1002 : i32
          %add3A_1004 = arith.constant 0 : i32
          %add3A_1005 = arith.addi %add3A_1004, %mul3A_1003 : i32
          %mul3A_1006 = arith.constant 16 : i32
          %mul3A_1007 = arith.muli %add3A_1005, %mul3A_1006 : i32
          %get3A_1008 = arith.constant 7 : i32
          %get3A_1009 = arith.index_cast %get3A_1008 : i32 to index
          %get3A_1010 = arith.index_cast %add3A_934 : i32 to index
          %get3A_1011 = arith.index_cast %mul3A_1007 : i32 to index
          %get3A_1012 = tpu.vector_load %arg7[%get3A_1009, %get3A_1010, %get3A_1011] {strides = array<i32>} : memref<8x8x768xf32, #tpu.memory_space<vmem>>, vector<1x1x16xf32>,
          %get3A_1013 = vector.shape_cast %get3A_1012 : vector<1x1x16xf32> to vector<16xf32>
          %swap3A_1014 = arith.constant 7 : i32
          %swap3A_1015 = arith.index_cast %swap3A_1014 : i32 to index
          %swap3A_1016 = arith.index_cast %add3A_934 : i32 to index
          %swap3A_1017 = arith.index_cast %mul3A_1007 : i32 to index
          %swap3A_1018 = tpu.vector_load %arg8[%swap3A_1015, %swap3A_1016, %swap3A_1017] {strides = array<i32>} : memref<8x8x768xf32, #tpu.memory_space<vmem>>, vector<1x1x16xf32>,
          %swap3A_1019 = vector.shape_cast %swap3A_1018 : vector<1x1x16xf32> to vector<16xf32>
          %swap3A_1020 = vector.shape_cast %get3A_1013 : vector<16xf32> to vector<1x1x16xf32>
          tpu.vector_store %arg8[%swap3A_1015, %swap3A_1016, %swap3A_1017], %swap3A_1020 {add = true, strides = array<i32>} : memref<8x8x768xf32, #tpu.memory_space<vmem>>, vector<1x1x16xf32>,
          %scan3A_1021 = arith.constant 4 : i32
          %scan3A_1022 = arith.addi %scan3A_940, %scan3A_1021 : i32
          %mul3A_1023 = arith.constant 1 : i32
          %mul3A_1024 = arith.muli %scan3A_1022, %mul3A_1023 : i32
          %add3A_1025 = arith.constant 0 : i32
          %add3A_1026 = arith.addi %add3A_1025, %mul3A_1024 : i32
          %mul3A_1027 = arith.constant 16 : i32
          %mul3A_1028 = arith.muli %add3A_1026, %mul3A_1027 : i32
          %get3A_1029 = arith.constant 7 : i32
          %get3A_1030 = arith.index_cast %get3A_1029 : i32 to index
          %get3A_1031 = arith.index_cast %add3A_934 : i32 to index
          %get3A_1032 = arith.index_cast %mul3A_1028 : i32 to index
          %get3A_1033 = tpu.vector_load %arg7[%get3A_1030, %get3A_1031, %get3A_1032] {strides = array<i32>} : memref<8x8x768xf32, #tpu.memory_space<vmem>>, vector<1x1x16xf32>,
          %get3A_1034 = vector.shape_cast %get3A_1033 : vector<1x1x16xf32> to vector<16xf32>
          %swap3A_1035 = arith.constant 7 : i32
          %swap3A_1036 = arith.index_cast %swap3A_1035 : i32 to index
          %swap3A_1037 = arith.index_cast %add3A_934 : i32 to index
          %swap3A_1038 = arith.index_cast %mul3A_1028 : i32 to index
          %swap3A_1039 = tpu.vector_load %arg8[%swap3A_1036, %swap3A_1037, %swap3A_1038] {strides = array<i32>} : memref<8x8x768xf32, #tpu.memory_space<vmem>>, vector<1x1x16xf32>,
          %swap3A_1040 = vector.shape_cast %swap3A_1039 : vector<1x1x16xf32> to vector<16xf32>
          %swap3A_1041 = vector.shape_cast %get3A_1034 : vector<16xf32> to vector<1x1x16xf32>
          tpu.vector_store %arg8[%swap3A_1036, %swap3A_1037, %swap3A_1038], %swap3A_1041 {add = true, strides = array<i32>} : memref<8x8x768xf32, #tpu.memory_space<vmem>>, vector<1x1x16xf32>,
          %scan3A_1042 = arith.constant 5 : i32
          %scan3A_1043 = arith.addi %scan3A_940, %scan3A_1042 : i32
          %mul3A_1044 = arith.constant 1 : i32
          %mul3A_1045 = arith.muli %scan3A_1043, %mul3A_1044 : i32
          %add3A_1046 = arith.constant 0 : i32
          %add3A_1047 = arith.addi %add3A_1046, %mul3A_1045 : i32
          %mul3A_1048 = arith.constant 16 : i32
          %mul3A_1049 = arith.muli %add3A_1047, %mul3A_1048 : i32
          %get3A_1050 = arith.constant 7 : i32
          %get3A_1051 = arith.index_cast %get3A_1050 : i32 to index
          %get3A_1052 = arith.index_cast %add3A_934 : i32 to index
          %get3A_1053 = arith.index_cast %mul3A_1049 : i32 to index
          %get3A_1054 = tpu.vector_load %arg7[%get3A_1051, %get3A_1052, %get3A_1053] {strides = array<i32>} : memref<8x8x768xf32, #tpu.memory_space<vmem>>, vector<1x1x16xf32>,
          %get3A_1055 = vector.shape_cast %get3A_1054 : vector<1x1x16xf32> to vector<16xf32>
          %swap3A_1056 = arith.constant 7 : i32
          %swap3A_1057 = arith.index_cast %swap3A_1056 : i32 to index
          %swap3A_1058 = arith.index_cast %add3A_934 : i32 to index
          %swap3A_1059 = arith.index_cast %mul3A_1049 : i32 to index
          %swap3A_1060 = tpu.vector_load %arg8[%swap3A_1057, %swap3A_1058, %swap3A_1059] {strides = array<i32>} : memref<8x8x768xf32, #tpu.memory_space<vmem>>, vector<1x1x16xf32>,
          %swap3A_1061 = vector.shape_cast %swap3A_1060 : vector<1x1x16xf32> to vector<16xf32>
          %swap3A_1062 = vector.shape_cast %get3A_1055 : vector<16xf32> to vector<1x1x16xf32>
          tpu.vector_store %arg8[%swap3A_1057, %swap3A_1058, %swap3A_1059], %swap3A_1062 {add = true, strides = array<i32>} : memref<8x8x768xf32, #tpu.memory_space<vmem>>, vector<1x1x16xf32>,
          %scan3A_1063 = arith.constant 6 : i32
          %scan3A_1064 = arith.addi %scan3A_940, %scan3A_1063 : i32
          %mul3A_1065 = arith.constant 1 : i32
          %mul3A_1066 = arith.muli %scan3A_1064, %mul3A_1065 : i32
          %add3A_1067 = arith.constant 0 : i32
          %add3A_1068 = arith.addi %add3A_1067, %mul3A_1066 : i32
          %mul3A_1069 = arith.constant 16 : i32
          %mul3A_1070 = arith.muli %add3A_1068, %mul3A_1069 : i32
          %get3A_1071 = arith.constant 7 : i32
          %get3A_1072 = arith.index_cast %get3A_1071 : i32 to index
          %get3A_1073 = arith.index_cast %add3A_934 : i32 to index
          %get3A_1074 = arith.index_cast %mul3A_1070 : i32 to index
          %get3A_1075 = tpu.vector_load %arg7[%get3A_1072, %get3A_1073, %get3A_1074] {strides = array<i32>} : memref<8x8x768xf32, #tpu.memory_space<vmem>>, vector<1x1x16xf32>,
          %get3A_1076 = vector.shape_cast %get3A_1075 : vector<1x1x16xf32> to vector<16xf32>
          %swap3A_1077 = arith.constant 7 : i32
          %swap3A_1078 = arith.index_cast %swap3A_1077 : i32 to index
          %swap3A_1079 = arith.index_cast %add3A_934 : i32 to index
          %swap3A_1080 = arith.index_cast %mul3A_1070 : i32 to index
          %swap3A_1081 = tpu.vector_load %arg8[%swap3A_1078, %swap3A_1079, %swap3A_1080] {strides = array<i32>} : memref<8x8x768xf32, #tpu.memory_space<vmem>>, vector<1x1x16xf32>,
          %swap3A_1082 = vector.shape_cast %swap3A_1081 : vector<1x1x16xf32> to vector<16xf32>
          %swap3A_1083 = vector.shape_cast %get3A_1076 : vector<16xf32> to vector<1x1x16xf32>
          tpu.vector_store %arg8[%swap3A_1078, %swap3A_1079, %swap3A_1080], %swap3A_1083 {add = true, strides = array<i32>} : memref<8x8x768xf32, #tpu.memory_space<vmem>>, vector<1x1x16xf32>,
          %scan3A_1084 = arith.constant 7 : i32
          %scan3A_1085 = arith.addi %scan3A_940, %scan3A_1084 : i32
          %mul3A_1086 = arith.constant 1 : i32
          %mul3A_1087 = arith.muli %scan3A_1085, %mul3A_1086 : i32
          %add3A_1088 = arith.constant 0 : i32
          %add3A_1089 = arith.addi %add3A_1088, %mul3A_1087 : i32
          %mul3A_1090 = arith.constant 16 : i32
          %mul3A_1091 = arith.muli %add3A_1089, %mul3A_1090 : i32
          %get3A_1092 = arith.constant 7 : i32
          %get3A_1093 = arith.index_cast %get3A_1092 : i32 to index
          %get3A_1094 = arith.index_cast %add3A_934 : i32 to index
          %get3A_1095 = arith.index_cast %mul3A_1091 : i32 to index
          %get3A_1096 = tpu.vector_load %arg7[%get3A_1093, %get3A_1094, %get3A_1095] {strides = array<i32>} : memref<8x8x768xf32, #tpu.memory_space<vmem>>, vector<1x1x16xf32>,
          %get3A_1097 = vector.shape_cast %get3A_1096 : vector<1x1x16xf32> to vector<16xf32>
          %swap3A_1098 = arith.constant 7 : i32
          %swap3A_1099 = arith.index_cast %swap3A_1098 : i32 to index
          %swap3A_1100 = arith.index_cast %add3A_934 : i32 to index
          %swap3A_1101 = arith.index_cast %mul3A_1091 : i32 to index
          %swap3A_1102 = tpu.vector_load %arg8[%swap3A_1099, %swap3A_1100, %swap3A_1101] {strides = array<i32>} : memref<8x8x768xf32, #tpu.memory_space<vmem>>, vector<1x1x16xf32>,
          %swap3A_1103 = vector.shape_cast %swap3A_1102 : vector<1x1x16xf32> to vector<16xf32>
          %swap3A_1104 = vector.shape_cast %get3A_1097 : vector<16xf32> to vector<1x1x16xf32>
          tpu.vector_store %arg8[%swap3A_1099, %swap3A_1100, %swap3A_1101], %swap3A_1104 {add = true, strides = array<i32>} : memref<8x8x768xf32, #tpu.memory_space<vmem>>, vector<1x1x16xf32>,
          %scan3A_1105 = arith.constant 8 : i32
          %scan3A_1106 = arith.addi %scan3A_940, %scan3A_1105 : i32
          %mul3A_1107 = arith.constant 1 : i32
          %mul3A_1108 = arith.muli %scan3A_1106, %mul3A_1107 : i32
          %add3A_1109 = arith.constant 0 : i32
          %add3A_1110 = arith.addi %add3A_1109, %mul3A_1108 : i32
          %mul3A_1111 = arith.constant 16 : i32
          %mul3A_1112 = arith.muli %add3A_1110, %mul3A_1111 : i32
          %get3A_1113 = arith.constant 7 : i32
          %get3A_1114 = arith.index_cast %get3A_1113 : i32 to index
          %get3A_1115 = arith.index_cast %add3A_934 : i32 to index
          %get3A_1116 = arith.index_cast %mul3A_1112 : i32 to index
          %get3A_1117 = tpu.vector_load %arg7[%get3A_1114, %get3A_1115, %get3A_1116] {strides = array<i32>} : memref<8x8x768xf32, #tpu.memory_space<vmem>>, vector<1x1x16xf32>,
          %get3A_1118 = vector.shape_cast %get3A_1117 : vector<1x1x16xf32> to vector<16xf32>
          %swap3A_1119 = arith.constant 7 : i32
          %swap3A_1120 = arith.index_cast %swap3A_1119 : i32 to index
          %swap3A_1121 = arith.index_cast %add3A_934 : i32 to index
          %swap3A_1122 = arith.index_cast %mul3A_1112 : i32 to index
          %swap3A_1123 = tpu.vector_load %arg8[%swap3A_1120, %swap3A_1121, %swap3A_1122] {strides = array<i32>} : memref<8x8x768xf32, #tpu.memory_space<vmem>>, vector<1x1x16xf32>,
          %swap3A_1124 = vector.shape_cast %swap3A_1123 : vector<1x1x16xf32> to vector<16xf32>
          %swap3A_1125 = vector.shape_cast %get3A_1118 : vector<16xf32> to vector<1x1x16xf32>
          tpu.vector_store %arg8[%swap3A_1120, %swap3A_1121, %swap3A_1122], %swap3A_1125 {add = true, strides = array<i32>} : memref<8x8x768xf32, #tpu.memory_space<vmem>>, vector<1x1x16xf32>,
          %scan3A_1126 = arith.constant 9 : i32
          %scan3A_1127 = arith.addi %scan3A_940, %scan3A_1126 : i32
          %mul3A_1128 = arith.constant 1 : i32
          %mul3A_1129 = arith.muli %scan3A_1127, %mul3A_1128 : i32
          %add3A_1130 = arith.constant 0 : i32
          %add3A_1131 = arith.addi %add3A_1130, %mul3A_1129 : i32
          %mul3A_1132 = arith.constant 16 : i32
          %mul3A_1133 = arith.muli %add3A_1131, %mul3A_1132 : i32
          %get3A_1134 = arith.constant 7 : i32
          %get3A_1135 = arith.index_cast %get3A_1134 : i32 to index
          %get3A_1136 = arith.index_cast %add3A_934 : i32 to index
          %get3A_1137 = arith.index_cast %mul3A_1133 : i32 to index
          %get3A_1138 = tpu.vector_load %arg7[%get3A_1135, %get3A_1136, %get3A_1137] {strides = array<i32>} : memref<8x8x768xf32, #tpu.memory_space<vmem>>, vector<1x1x16xf32>,
          %get3A_1139 = vector.shape_cast %get3A_1138 : vector<1x1x16xf32> to vector<16xf32>
          %swap3A_1140 = arith.constant 7 : i32
          %swap3A_1141 = arith.index_cast %swap3A_1140 : i32 to index
          %swap3A_1142 = arith.index_cast %add3A_934 : i32 to index
          %swap3A_1143 = arith.index_cast %mul3A_1133 : i32 to index
          %swap3A_1144 = tpu.vector_load %arg8[%swap3A_1141, %swap3A_1142, %swap3A_1143] {strides = array<i32>} : memref<8x8x768xf32, #tpu.memory_space<vmem>>, vector<1x1x16xf32>,
          %swap3A_1145 = vector.shape_cast %swap3A_1144 : vector<1x1x16xf32> to vector<16xf32>
          %swap3A_1146 = vector.shape_cast %get3A_1139 : vector<16xf32> to vector<1x1x16xf32>
          tpu.vector_store %arg8[%swap3A_1141, %swap3A_1142, %swap3A_1143], %swap3A_1146 {add = true, strides = array<i32>} : memref<8x8x768xf32, #tpu.memory_space<vmem>>, vector<1x1x16xf32>,
          %scan3A_1147 = arith.constant 10 : i32
          %scan3A_1148 = arith.addi %scan3A_940, %scan3A_1147 : i32
          %mul3A_1149 = arith.constant 1 : i32
          %mul3A_1150 = arith.muli %scan3A_1148, %mul3A_1149 : i32
          %add3A_1151 = arith.constant 0 : i32
          %add3A_1152 = arith.addi %add3A_1151, %mul3A_1150 : i32
          %mul3A_1153 = arith.constant 16 : i32
          %mul3A_1154 = arith.muli %add3A_1152, %mul3A_1153 : i32
          %get3A_1155 = arith.constant 7 : i32
          %get3A_1156 = arith.index_cast %get3A_1155 : i32 to index
          %get3A_1157 = arith.index_cast %add3A_934 : i32 to index
          %get3A_1158 = arith.index_cast %mul3A_1154 : i32 to index
          %get3A_1159 = tpu.vector_load %arg7[%get3A_1156, %get3A_1157, %get3A_1158] {strides = array<i32>} : memref<8x8x768xf32, #tpu.memory_space<vmem>>, vector<1x1x16xf32>,
          %get3A_1160 = vector.shape_cast %get3A_1159 : vector<1x1x16xf32> to vector<16xf32>
          %swap3A_1161 = arith.constant 7 : i32
          %swap3A_1162 = arith.index_cast %swap3A_1161 : i32 to index
          %swap3A_1163 = arith.index_cast %add3A_934 : i32 to index
          %swap3A_1164 = arith.index_cast %mul3A_1154 : i32 to index
          %swap3A_1165 = tpu.vector_load %arg8[%swap3A_1162, %swap3A_1163, %swap3A_1164] {strides = array<i32>} : memref<8x8x768xf32, #tpu.memory_space<vmem>>, vector<1x1x16xf32>,
          %swap3A_1166 = vector.shape_cast %swap3A_1165 : vector<1x1x16xf32> to vector<16xf32>
          %swap3A_1167 = vector.shape_cast %get3A_1160 : vector<16xf32> to vector<1x1x16xf32>
          tpu.vector_store %arg8[%swap3A_1162, %swap3A_1163, %swap3A_1164], %swap3A_1167 {add = true, strides = array<i32>} : memref<8x8x768xf32, #tpu.memory_space<vmem>>, vector<1x1x16xf32>,
          %scan3A_1168 = arith.constant 11 : i32
          %scan3A_1169 = arith.addi %scan3A_940, %scan3A_1168 : i32
          %mul3A_1170 = arith.constant 1 : i32
          %mul3A_1171 = arith.muli %scan3A_1169, %mul3A_1170 : i32
          %add3A_1172 = arith.constant 0 : i32
          %add3A_1173 = arith.addi %add3A_1172, %mul3A_1171 : i32
          %mul3A_1174 = arith.constant 16 : i32
          %mul3A_1175 = arith.muli %add3A_1173, %mul3A_1174 : i32
          %get3A_1176 = arith.constant 7 : i32
          %get3A_1177 = arith.index_cast %get3A_1176 : i32 to index
          %get3A_1178 = arith.index_cast %add3A_934 : i32 to index
          %get3A_1179 = arith.index_cast %mul3A_1175 : i32 to index
          %get3A_1180 = tpu.vector_load %arg7[%get3A_1177, %get3A_1178, %get3A_1179] {strides = array<i32>} : memref<8x8x768xf32, #tpu.memory_space<vmem>>, vector<1x1x16xf32>,
          %get3A_1181 = vector.shape_cast %get3A_1180 : vector<1x1x16xf32> to vector<16xf32>
          %swap3A_1182 = arith.constant 7 : i32
          %swap3A_1183 = arith.index_cast %swap3A_1182 : i32 to index
          %swap3A_1184 = arith.index_cast %add3A_934 : i32 to index
          %swap3A_1185 = arith.index_cast %mul3A_1175 : i32 to index
          %swap3A_1186 = tpu.vector_load %arg8[%swap3A_1183, %swap3A_1184, %swap3A_1185] {strides = array<i32>} : memref<8x8x768xf32, #tpu.memory_space<vmem>>, vector<1x1x16xf32>,
          %swap3A_1187 = vector.shape_cast %swap3A_1186 : vector<1x1x16xf32> to vector<16xf32>
          %swap3A_1188 = vector.shape_cast %get3A_1181 : vector<16xf32> to vector<1x1x16xf32>
          tpu.vector_store %arg8[%swap3A_1183, %swap3A_1184, %swap3A_1185], %swap3A_1188 {add = true, strides = array<i32>} : memref<8x8x768xf32, #tpu.memory_space<vmem>>, vector<1x1x16xf32>,
          %scan3A_1189 = arith.constant 12 : i32
          %scan3A_1190 = arith.addi %scan3A_940, %scan3A_1189 : i32
          %mul3A_1191 = arith.constant 1 : i32
          %mul3A_1192 = arith.muli %scan3A_1190, %mul3A_1191 : i32
          %add3A_1193 = arith.constant 0 : i32
          %add3A_1194 = arith.addi %add3A_1193, %mul3A_1192 : i32
          %mul3A_1195 = arith.constant 16 : i32
          %mul3A_1196 = arith.muli %add3A_1194, %mul3A_1195 : i32
          %get3A_1197 = arith.constant 7 : i32
          %get3A_1198 = arith.index_cast %get3A_1197 : i32 to index
          %get3A_1199 = arith.index_cast %add3A_934 : i32 to index
          %get3A_1200 = arith.index_cast %mul3A_1196 : i32 to index
          %get3A_1201 = tpu.vector_load %arg7[%get3A_1198, %get3A_1199, %get3A_1200] {strides = array<i32>} : memref<8x8x768xf32, #tpu.memory_space<vmem>>, vector<1x1x16xf32>,
          %get3A_1202 = vector.shape_cast %get3A_1201 : vector<1x1x16xf32> to vector<16xf32>
          %swap3A_1203 = arith.constant 7 : i32
          %swap3A_1204 = arith.index_cast %swap3A_1203 : i32 to index
          %swap3A_1205 = arith.index_cast %add3A_934 : i32 to index
          %swap3A_1206 = arith.index_cast %mul3A_1196 : i32 to index
          %swap3A_1207 = tpu.vector_load %arg8[%swap3A_1204, %swap3A_1205, %swap3A_1206] {strides = array<i32>} : memref<8x8x768xf32, #tpu.memory_space<vmem>>, vector<1x1x16xf32>,
          %swap3A_1208 = vector.shape_cast %swap3A_1207 : vector<1x1x16xf32> to vector<16xf32>
          %swap3A_1209 = vector.shape_cast %get3A_1202 : vector<16xf32> to vector<1x1x16xf32>
          tpu.vector_store %arg8[%swap3A_1204, %swap3A_1205, %swap3A_1206], %swap3A_1209 {add = true, strides = array<i32>} : memref<8x8x768xf32, #tpu.memory_space<vmem>>, vector<1x1x16xf32>,
          %scan3A_1210 = arith.constant 13 : i32
          %scan3A_1211 = arith.addi %scan3A_940, %scan3A_1210 : i32
          %mul3A_1212 = arith.constant 1 : i32
          %mul3A_1213 = arith.muli %scan3A_1211, %mul3A_1212 : i32
          %add3A_1214 = arith.constant 0 : i32
          %add3A_1215 = arith.addi %add3A_1214, %mul3A_1213 : i32
          %mul3A_1216 = arith.constant 16 : i32
          %mul3A_1217 = arith.muli %add3A_1215, %mul3A_1216 : i32
          %get3A_1218 = arith.constant 7 : i32
          %get3A_1219 = arith.index_cast %get3A_1218 : i32 to index
          %get3A_1220 = arith.index_cast %add3A_934 : i32 to index
          %get3A_1221 = arith.index_cast %mul3A_1217 : i32 to index
          %get3A_1222 = tpu.vector_load %arg7[%get3A_1219, %get3A_1220, %get3A_1221] {strides = array<i32>} : memref<8x8x768xf32, #tpu.memory_space<vmem>>, vector<1x1x16xf32>,
          %get3A_1223 = vector.shape_cast %get3A_1222 : vector<1x1x16xf32> to vector<16xf32>
          %swap3A_1224 = arith.constant 7 : i32
          %swap3A_1225 = arith.index_cast %swap3A_1224 : i32 to index
          %swap3A_1226 = arith.index_cast %add3A_934 : i32 to index
          %swap3A_1227 = arith.index_cast %mul3A_1217 : i32 to index
          %swap3A_1228 = tpu.vector_load %arg8[%swap3A_1225, %swap3A_1226, %swap3A_1227] {strides = array<i32>} : memref<8x8x768xf32, #tpu.memory_space<vmem>>, vector<1x1x16xf32>,
          %swap3A_1229 = vector.shape_cast %swap3A_1228 : vector<1x1x16xf32> to vector<16xf32>
          %swap3A_1230 = vector.shape_cast %get3A_1223 : vector<16xf32> to vector<1x1x16xf32>
          tpu.vector_store %arg8[%swap3A_1225, %swap3A_1226, %swap3A_1227], %swap3A_1230 {add = true, strides = array<i32>} : memref<8x8x768xf32, #tpu.memory_space<vmem>>, vector<1x1x16xf32>,
          %scan3A_1231 = arith.constant 14 : i32
          %scan3A_1232 = arith.addi %scan3A_940, %scan3A_1231 : i32
          %mul3A_1233 = arith.constant 1 : i32
          %mul3A_1234 = arith.muli %scan3A_1232, %mul3A_1233 : i32
          %add3A_1235 = arith.constant 0 : i32
          %add3A_1236 = arith.addi %add3A_1235, %mul3A_1234 : i32
          %mul3A_1237 = arith.constant 16 : i32
          %mul3A_1238 = arith.muli %add3A_1236, %mul3A_1237 : i32
          %get3A_1239 = arith.constant 7 : i32
          %get3A_1240 = arith.index_cast %get3A_1239 : i32 to index
          %get3A_1241 = arith.index_cast %add3A_934 : i32 to index
          %get3A_1242 = arith.index_cast %mul3A_1238 : i32 to index
          %get3A_1243 = tpu.vector_load %arg7[%get3A_1240, %get3A_1241, %get3A_1242] {strides = array<i32>} : memref<8x8x768xf32, #tpu.memory_space<vmem>>, vector<1x1x16xf32>,
          %get3A_1244 = vector.shape_cast %get3A_1243 : vector<1x1x16xf32> to vector<16xf32>
          %swap3A_1245 = arith.constant 7 : i32
          %swap3A_1246 = arith.index_cast %swap3A_1245 : i32 to index
          %swap3A_1247 = arith.index_cast %add3A_934 : i32 to index
          %swap3A_1248 = arith.index_cast %mul3A_1238 : i32 to index
          %swap3A_1249 = tpu.vector_load %arg8[%swap3A_1246, %swap3A_1247, %swap3A_1248] {strides = array<i32>} : memref<8x8x768xf32, #tpu.memory_space<vmem>>, vector<1x1x16xf32>,
          %swap3A_1250 = vector.shape_cast %swap3A_1249 : vector<1x1x16xf32> to vector<16xf32>
          %swap3A_1251 = vector.shape_cast %get3A_1244 : vector<16xf32> to vector<1x1x16xf32>
          tpu.vector_store %arg8[%swap3A_1246, %swap3A_1247, %swap3A_1248], %swap3A_1251 {add = true, strides = array<i32>} : memref<8x8x768xf32, #tpu.memory_space<vmem>>, vector<1x1x16xf32>,
          %scan3A_1252 = arith.constant 15 : i32
          %scan3A_1253 = arith.addi %scan3A_940, %scan3A_1252 : i32
          %mul3A_1254 = arith.constant 1 : i32
          %mul3A_1255 = arith.muli %scan3A_1253, %mul3A_1254 : i32
          %add3A_1256 = arith.constant 0 : i32
          %add3A_1257 = arith.addi %add3A_1256, %mul3A_1255 : i32
          %mul3A_1258 = arith.constant 16 : i32
          %mul3A_1259 = arith.muli %add3A_1257, %mul3A_1258 : i32
          %get3A_1260 = arith.constant 7 : i32
          %get3A_1261 = arith.index_cast %get3A_1260 : i32 to index
          %get3A_1262 = arith.index_cast %add3A_934 : i32 to index
          %get3A_1263 = arith.index_cast %mul3A_1259 : i32 to index
          %get3A_1264 = tpu.vector_load %arg7[%get3A_1261, %get3A_1262, %get3A_1263] {strides = array<i32>} : memref<8x8x768xf32, #tpu.memory_space<vmem>>, vector<1x1x16xf32>,
          %get3A_1265 = vector.shape_cast %get3A_1264 : vector<1x1x16xf32> to vector<16xf32>
          %swap3A_1266 = arith.constant 7 : i32
          %swap3A_1267 = arith.index_cast %swap3A_1266 : i32 to index
          %swap3A_1268 = arith.index_cast %add3A_934 : i32 to index
          %swap3A_1269 = arith.index_cast %mul3A_1259 : i32 to index
          %swap3A_1270 = tpu.vector_load %arg8[%swap3A_1267, %swap3A_1268, %swap3A_1269] {strides = array<i32>} : memref<8x8x768xf32, #tpu.memory_space<vmem>>, vector<1x1x16xf32>,
          %swap3A_1271 = vector.shape_cast %swap3A_1270 : vector<1x1x16xf32> to vector<16xf32>
          %swap3A_1272 = vector.shape_cast %get3A_1265 : vector<16xf32> to vector<1x1x16xf32>
          tpu.vector_store %arg8[%swap3A_1267, %swap3A_1268, %swap3A_1269], %swap3A_1272 {add = true, strides = array<i32>} : memref<8x8x768xf32, #tpu.memory_space<vmem>>, vector<1x1x16xf32>,
        }
        %scan3A_939 = arith.constant 48 : i32
      }
      %scan3A_905 = arith.constant 8 : i32
      %mul3A_906 = arith.constant 8 : i32
      %mul3A_907 = arith.muli %add3A_867, %mul3A_906 : i32
      %add3A_908 = arith.addi %mul3A_2, %mul3A_907 : i32
      %dma_start3A_909 = arith.constant 7 : i32
      %dma_start3A_910 = arith.constant 7 : i32
      %dma_start3A_911 = arith.constant 0 : i32
      %dma_start3A_912 = arith.constant 0 : i32
      %dma_start3A_913 = tpu.memref_slice %arg8[%dma_start3A_909, %dma_start3A_911, %dma_start3A_912] : memref<8x8x768xf32, #tpu.memory_space<vmem>> -> memref<1x8x768xf32, #tpu.memory_space<vmem>>
      %dma_start3A_914 = tpu.memref_squeeze %dma_start3A_913 : memref<1x8x768xf32, #tpu.memory_space<vmem>> -> memref<8x768xf32, #tpu.memory_space<vmem>>
      %dma_start3A_915 = arith.constant 0 : i32
      %dma_start3A_916 = tpu.memref_slice %arg5[%add3A_908, %dma_start3A_915] : memref<32768x768xf32, #tpu.memory_space<hbm>> -> memref<8x768xf32, #tpu.memory_space<hbm>>
      %dma_start3A_917 = tpu.memref_slice %arg11[%dma_start3A_910] : memref<8x!tpu.dma_semaphore, #tpu.memory_space<semaphore_mem>> -> memref<1x!tpu.dma_semaphore, #tpu.memory_space<semaphore_mem>>
      %dma_start3A_918 = tpu.memref_squeeze %dma_start3A_917 : memref<1x!tpu.dma_semaphore, #tpu.memory_space<semaphore_mem>> -> memref<!tpu.dma_semaphore, #tpu.memory_space<semaphore_mem>>
      %dma_start3A_919 = arith.constant 0 : i32
      %dma_start3A_920 = tpu.memref_slice %arg5[%add3A_908, %dma_start3A_919] : memref<32768x768xf32, #tpu.memory_space<hbm>> -> memref<8x768xf32, #tpu.memory_space<hbm>>
      %dma_start3A_921 = arith.constant 0 : i32
      %dma_start3A_922 = arith.constant 0 : i32
      %dma_start3A_923 = tpu.memref_slice %arg8[%dma_start3A_909, %dma_start3A_921, %dma_start3A_922] : memref<8x8x768xf32, #tpu.memory_space<vmem>> -> memref<1x8x768xf32, #tpu.memory_space<vmem>>
      %dma_start3A_924 = tpu.memref_squeeze %dma_start3A_923 : memref<1x8x768xf32, #tpu.memory_space<vmem>> -> memref<8x768xf32, #tpu.memory_space<vmem>>
      tpu.enqueue_dma source(%dma_start3A_924 : memref<8x768xf32, #tpu.memory_space<vmem>>) target(%dma_start3A_920 : memref<8x768xf32, #tpu.memory_space<hbm>>) target_semaphore(%dma_start3A_918 : memref<!tpu.dma_semaphore, #tpu.memory_space<semaphore_mem>>)
      %lt3A_925 = arith.constant 15 : i32
      %lt3A_926 = arith.cmpi slt, %add3A_370, %lt3A_925 : i32
      %convert_element_type3A_927 = arith.extui %lt3A_926 : i1 to i32
      %cond3A_928 = arith.constant 0 : i32
      %cond3A_929 = arith.cmpi ne, %convert_element_type3A_927, %cond3A_928 : i32
      scf.if %cond3A_929 {
        %mul3A_930 = arith.constant 8 : i32
        %mul3A_931 = arith.muli %add3A_370, %mul3A_930 : i32
        %add3A_932 = arith.constant 7 : i32
        %add3A_933 = arith.addi %mul3A_931, %add3A_932 : i32
        %add3A_934 = arith.constant 7 : i32
        %add3A_935 = arith.addi %add3A_933, %add3A_934 : i32
        %sub3A = arith.constant 8 : i32
        %sub3A_936 = arith.subi %add3A_935, %sub3A : i32
        %mul3A_937 = arith.constant 8 : i32
        %mul3A_938 = arith.muli %sub3A_936, %mul3A_937 : i32
        %add3A_939 = arith.addi %mul3A_2, %mul3A_938 : i32
        %dma_wait3A_940 = arith.constant 6 : i32
        %dma_wait3A_941 = arith.constant 6 : i32
        %dma_wait3A_942 = arith.constant 0 : i32
        %dma_wait3A_943 = arith.constant 0 : i32
        %dma_wait3A_944 = tpu.memref_slice %arg8[%dma_wait3A_940, %dma_wait3A_942, %dma_wait3A_943] : memref<8x8x768xf32, #tpu.memory_space<vmem>> -> memref<1x8x768xf32, #tpu.memory_space<vmem>>
        %dma_wait3A_945 = tpu.memref_squeeze %dma_wait3A_944 : memref<1x8x768xf32, #tpu.memory_space<vmem>> -> memref<8x768xf32, #tpu.memory_space<vmem>>
        %dma_wait3A_946 = arith.constant 0 : i32
        %dma_wait3A_947 = tpu.memref_slice %arg5[%add3A_939, %dma_wait3A_946] : memref<32768x768xf32, #tpu.memory_space<hbm>> -> memref<8x768xf32, #tpu.memory_space<hbm>>
        %dma_wait3A_948 = tpu.memref_slice %arg11[%dma_wait3A_941] : memref<8x!tpu.dma_semaphore, #tpu.memory_space<semaphore_mem>> -> memref<1x!tpu.dma_semaphore, #tpu.memory_space<semaphore_mem>>
        %dma_wait3A_949 = tpu.memref_squeeze %dma_wait3A_948 : memref<1x!tpu.dma_semaphore, #tpu.memory_space<semaphore_mem>> -> memref<!tpu.dma_semaphore, #tpu.memory_space<semaphore_mem>>
        %dma_wait3A_950 = arith.constant 0 : i32
        %dma_wait3A_951 = tpu.memref_slice %arg5[%add3A_939, %dma_wait3A_950] : memref<32768x768xf32, #tpu.memory_space<hbm>> -> memref<8x768xf32, #tpu.memory_space<hbm>>
        %dma_wait3A_952 = arith.constant 0 : i32
        %dma_wait3A_953 = arith.constant 0 : i32
        %dma_wait3A_954 = tpu.memref_slice %arg8[%dma_wait3A_940, %dma_wait3A_952, %dma_wait3A_953] : memref<8x8x768xf32, #tpu.memory_space<vmem>> -> memref<1x8x768xf32, #tpu.memory_space<vmem>>
        %dma_wait3A_955 = tpu.memref_squeeze %dma_wait3A_954 : memref<1x8x768xf32, #tpu.memory_space<vmem>> -> memref<8x768xf32, #tpu.memory_space<vmem>>
        tpu.wait_dma2 semaphore(%dma_wait3A_949 : memref<!tpu.dma_semaphore, #tpu.memory_space<semaphore_mem>>) src(%dma_wait3A_955 : memref<8x768xf32, #tpu.memory_space<vmem>>) dst(%dma_wait3A_951 : memref<8x768xf32, #tpu.memory_space<hbm>>)
        %add3A_956 = arith.constant 7 : i32
        %add3A_957 = arith.addi %add3A_867, %add3A_956 : i32
        %mul3A_958 = arith.constant 8 : i32
        %mul3A_959 = arith.muli %add3A_957, %mul3A_958 : i32
        %add3A_960 = arith.addi %mul3A_2, %mul3A_959 : i32
        %dma_start3A_961 = arith.constant 6 : i32
        %dma_start3A_962 = arith.constant 6 : i32
        %dma_start3A_963 = arith.constant 0 : i32
        %dma_start3A_964 = arith.constant 0 : i32
        %dma_start3A_965 = tpu.memref_slice %arg7[%dma_start3A_961, %dma_start3A_963, %dma_start3A_964] : memref<8x8x768xf32, #tpu.memory_space<vmem>> -> memref<1x8x768xf32, #tpu.memory_space<vmem>>
        %dma_start3A_966 = tpu.memref_squeeze %dma_start3A_965 : memref<1x8x768xf32, #tpu.memory_space<vmem>> -> memref<8x768xf32, #tpu.memory_space<vmem>>
        %dma_start3A_967 = arith.constant 0 : i32
        %dma_start3A_968 = tpu.memref_slice %arg2[%add3A_960, %dma_start3A_967] : memref<32768x768xf32, #tpu.memory_space<hbm>> -> memref<8x768xf32, #tpu.memory_space<hbm>>
        %dma_start3A_969 = tpu.memref_slice %arg9[%dma_start3A_962] : memref<8x!tpu.dma_semaphore, #tpu.memory_space<semaphore_mem>> -> memref<1x!tpu.dma_semaphore, #tpu.memory_space<semaphore_mem>>
        %dma_start3A_970 = tpu.memref_squeeze %dma_start3A_969 : memref<1x!tpu.dma_semaphore, #tpu.memory_space<semaphore_mem>> -> memref<!tpu.dma_semaphore, #tpu.memory_space<semaphore_mem>>
        %dma_start3A_971 = arith.constant 0 : i32
        %dma_start3A_972 = arith.constant 0 : i32
        %dma_start3A_973 = tpu.memref_slice %arg7[%dma_start3A_961, %dma_start3A_971, %dma_start3A_972] : memref<8x8x768xf32, #tpu.memory_space<vmem>> -> memref<1x8x768xf32, #tpu.memory_space<vmem>>
        %dma_start3A_974 = tpu.memref_squeeze %dma_start3A_973 : memref<1x8x768xf32, #tpu.memory_space<vmem>> -> memref<8x768xf32, #tpu.memory_space<vmem>>
        %dma_start3A_975 = arith.constant 0 : i32
        %dma_start3A_976 = tpu.memref_slice %arg2[%add3A_960, %dma_start3A_975] : memref<32768x768xf32, #tpu.memory_space<hbm>> -> memref<8x768xf32, #tpu.memory_space<hbm>>
        tpu.enqueue_dma source(%dma_start3A_976 : memref<8x768xf32, #tpu.memory_space<hbm>>) target(%dma_start3A_974 : memref<8x768xf32, #tpu.memory_space<vmem>>) target_semaphore(%dma_start3A_970 : memref<!tpu.dma_semaphore, #tpu.memory_space<semaphore_mem>>)
        %mul3A_977 = arith.constant 8 : i32
        %mul3A_978 = arith.muli %add3A_957, %mul3A_977 : i32
        %dma_start3A_979 = arith.constant 6 : i32
        %dma_start3A_980 = arith.constant 6 : i32
        %dma_start3A_981 = arith.constant 0 : i32
        %dma_start3A_982 = arith.constant 0 : i32
        %dma_start3A_983 = tpu.memref_slice %arg8[%dma_start3A_979, %dma_start3A_981, %dma_start3A_982] : memref<8x8x768xf32, #tpu.memory_space<vmem>> -> memref<1x8x768xf32, #tpu.memory_space<vmem>>
        %dma_start3A_984 = tpu.memref_squeeze %dma_start3A_983 : memref<1x8x768xf32, #tpu.memory_space<vmem>> -> memref<8x768xf32, #tpu.memory_space<vmem>>
        %dma_start3A_985 = tpu.memref_slice %arg6[%mul3A_978] : memref<1024xi32, #tpu.memory_space<vmem>> -> memref<8xi32, #tpu.memory_space<vmem>>
        %dma_start3A_986 = arith.constant 0 : i32
        %dma_start3A_987 = arith.constant 0 : i32
        %dma_start3A_988 = tpu.memref_slice %arg4[%dma_start3A_986, %dma_start3A_987] : memref<8192x768xf32, #tpu.memory_space<hbm>> -> memref<8192x768xf32, #tpu.memory_space<hbm>>
        %dma_start3A_989 = tpu.memref_slice %arg10[%dma_start3A_980] : memref<8x!tpu.dma_semaphore, #tpu.memory_space<semaphore_mem>> -> memref<1x!tpu.dma_semaphore, #tpu.memory_space<semaphore_mem>>
        %dma_start3A_990 = tpu.memref_squeeze %dma_start3A_989 : memref<1x!tpu.dma_semaphore, #tpu.memory_space<semaphore_mem>> -> memref<!tpu.dma_semaphore, #tpu.memory_space<semaphore_mem>>
        tpu.enqueue_indirect_dma source(%dma_start3A_988 : memref<8192x768xf32, #tpu.memory_space<hbm>>) target(%dma_start3A_984 : memref<8x768xf32, #tpu.memory_space<vmem>>) offsets(%dma_start3A_985 : memref<8xi32, #tpu.memory_space<vmem>>) semaphore(%dma_start3A_990 : memref<!tpu.dma_semaphore, #tpu.memory_space<semaphore_mem>>)
      } else {
      }
    }
    %scan3A_222 = arith.constant 16 : i32
    %add3A_223 = arith.constant 960 : i32
    %add3A_224 = arith.addi %mul3A_2, %add3A_223 : i32
    %dma_wait3A = arith.constant 0 : i32
    %dma_wait3A_225 = arith.constant 0 : i32
    %dma_wait3A_226 = arith.constant 0 : i32
    %dma_wait3A_227 = arith.constant 0 : i32
    %dma_wait3A_228 = tpu.memref_slice %arg8[%dma_wait3A, %dma_wait3A_226, %dma_wait3A_227] : memref<8x8x768xf32, #tpu.memory_space<vmem>> -> memref<1x8x768xf32, #tpu.memory_space<vmem>>
    %dma_wait3A_229 = tpu.memref_squeeze %dma_wait3A_228 : memref<1x8x768xf32, #tpu.memory_space<vmem>> -> memref<8x768xf32, #tpu.memory_space<vmem>>
    %dma_wait3A_230 = arith.constant 0 : i32
    %dma_wait3A_231 = tpu.memref_slice %arg5[%add3A_224, %dma_wait3A_230] : memref<32768x768xf32, #tpu.memory_space<hbm>> -> memref<8x768xf32, #tpu.memory_space<hbm>>
    %dma_wait3A_232 = tpu.memref_slice %arg11[%dma_wait3A_225] : memref<8x!tpu.dma_semaphore, #tpu.memory_space<semaphore_mem>> -> memref<1x!tpu.dma_semaphore, #tpu.memory_space<semaphore_mem>>
    %dma_wait3A_233 = tpu.memref_squeeze %dma_wait3A_232 : memref<1x!tpu.dma_semaphore, #tpu.memory_space<semaphore_mem>> -> memref<!tpu.dma_semaphore, #tpu.memory_space<semaphore_mem>>
    %dma_wait3A_234 = arith.constant 0 : i32
    %dma_wait3A_235 = tpu.memref_slice %arg5[%add3A_224, %dma_wait3A_234] : memref<32768x768xf32, #tpu.memory_space<hbm>> -> memref<8x768xf32, #tpu.memory_space<hbm>>
    %dma_wait3A_236 = arith.constant 0 : i32
    %dma_wait3A_237 = arith.constant 0 : i32
    %dma_wait3A_238 = tpu.memref_slice %arg8[%dma_wait3A, %dma_wait3A_236, %dma_wait3A_237] : memref<8x8x768xf32, #tpu.memory_space<vmem>> -> memref<1x8x768xf32, #tpu.memory_space<vmem>>
    %dma_wait3A_239 = tpu.memref_squeeze %dma_wait3A_238 : memref<1x8x768xf32, #tpu.memory_space<vmem>> -> memref<8x768xf32, #tpu.memory_space<vmem>>
    tpu.wait_dma2 semaphore(%dma_wait3A_233 : memref<!tpu.dma_semaphore, #tpu.memory_space<semaphore_mem>>) src(%dma_wait3A_239 : memref<8x768xf32, #tpu.memory_space<vmem>>) dst(%dma_wait3A_235 : memref<8x768xf32, #tpu.memory_space<hbm>>)
    %add3A_240 = arith.constant 968 : i32
    %add3A_241 = arith.addi %mul3A_2, %add3A_240 : i32
    %dma_wait3A_242 = arith.constant 1 : i32
    %dma_wait3A_243 = arith.constant 1 : i32
    %dma_wait3A_244 = arith.constant 0 : i32
    %dma_wait3A_245 = arith.constant 0 : i32
    %dma_wait3A_246 = tpu.memref_slice %arg8[%dma_wait3A_242, %dma_wait3A_244, %dma_wait3A_245] : memref<8x8x768xf32, #tpu.memory_space<vmem>> -> memref<1x8x768xf32, #tpu.memory_space<vmem>>
    %dma_wait3A_247 = tpu.memref_squeeze %dma_wait3A_246 : memref<1x8x768xf32, #tpu.memory_space<vmem>> -> memref<8x768xf32, #tpu.memory_space<vmem>>
    %dma_wait3A_248 = arith.constant 0 : i32
    %dma_wait3A_249 = tpu.memref_slice %arg5[%add3A_241, %dma_wait3A_248] : memref<32768x768xf32, #tpu.memory_space<hbm>> -> memref<8x768xf32, #tpu.memory_space<hbm>>
    %dma_wait3A_250 = tpu.memref_slice %arg11[%dma_wait3A_243] : memref<8x!tpu.dma_semaphore, #tpu.memory_space<semaphore_mem>> -> memref<1x!tpu.dma_semaphore, #tpu.memory_space<semaphore_mem>>
    %dma_wait3A_251 = tpu.memref_squeeze %dma_wait3A_250 : memref<1x!tpu.dma_semaphore, #tpu.memory_space<semaphore_mem>> -> memref<!tpu.dma_semaphore, #tpu.memory_space<semaphore_mem>>
    %dma_wait3A_252 = arith.constant 0 : i32
    %dma_wait3A_253 = tpu.memref_slice %arg5[%add3A_241, %dma_wait3A_252] : memref<32768x768xf32, #tpu.memory_space<hbm>> -> memref<8x768xf32, #tpu.memory_space<hbm>>
    %dma_wait3A_254 = arith.constant 0 : i32
    %dma_wait3A_255 = arith.constant 0 : i32
    %dma_wait3A_256 = tpu.memref_slice %arg8[%dma_wait3A_242, %dma_wait3A_254, %dma_wait3A_255] : memref<8x8x768xf32, #tpu.memory_space<vmem>> -> memref<1x8x768xf32, #tpu.memory_space<vmem>>
    %dma_wait3A_257 = tpu.memref_squeeze %dma_wait3A_256 : memref<1x8x768xf32, #tpu.memory_space<vmem>> -> memref<8x768xf32, #tpu.memory_space<vmem>>
    tpu.wait_dma2 semaphore(%dma_wait3A_251 : memref<!tpu.dma_semaphore, #tpu.memory_space<semaphore_mem>>) src(%dma_wait3A_257 : memref<8x768xf32, #tpu.memory_space<vmem>>) dst(%dma_wait3A_253 : memref<8x768xf32, #tpu.memory_space<hbm>>)
    %add3A_258 = arith.constant 976 : i32
    %add3A_259 = arith.addi %mul3A_2, %add3A_258 : i32
    %dma_wait3A_260 = arith.constant 2 : i32
    %dma_wait3A_261 = arith.constant 2 : i32
    %dma_wait3A_262 = arith.constant 0 : i32
    %dma_wait3A_263 = arith.constant 0 : i32
    %dma_wait3A_264 = tpu.memref_slice %arg8[%dma_wait3A_260, %dma_wait3A_262, %dma_wait3A_263] : memref<8x8x768xf32, #tpu.memory_space<vmem>> -> memref<1x8x768xf32, #tpu.memory_space<vmem>>
    %dma_wait3A_265 = tpu.memref_squeeze %dma_wait3A_264 : memref<1x8x768xf32, #tpu.memory_space<vmem>> -> memref<8x768xf32, #tpu.memory_space<vmem>>
    %dma_wait3A_266 = arith.constant 0 : i32
    %dma_wait3A_267 = tpu.memref_slice %arg5[%add3A_259, %dma_wait3A_266] : memref<32768x768xf32, #tpu.memory_space<hbm>> -> memref<8x768xf32, #tpu.memory_space<hbm>>
    %dma_wait3A_268 = tpu.memref_slice %arg11[%dma_wait3A_261] : memref<8x!tpu.dma_semaphore, #tpu.memory_space<semaphore_mem>> -> memref<1x!tpu.dma_semaphore, #tpu.memory_space<semaphore_mem>>
    %dma_wait3A_269 = tpu.memref_squeeze %dma_wait3A_268 : memref<1x!tpu.dma_semaphore, #tpu.memory_space<semaphore_mem>> -> memref<!tpu.dma_semaphore, #tpu.memory_space<semaphore_mem>>
    %dma_wait3A_270 = arith.constant 0 : i32
    %dma_wait3A_271 = tpu.memref_slice %arg5[%add3A_259, %dma_wait3A_270] : memref<32768x768xf32, #tpu.memory_space<hbm>> -> memref<8x768xf32, #tpu.memory_space<hbm>>
    %dma_wait3A_272 = arith.constant 0 : i32
    %dma_wait3A_273 = arith.constant 0 : i32
    %dma_wait3A_274 = tpu.memref_slice %arg8[%dma_wait3A_260, %dma_wait3A_272, %dma_wait3A_273] : memref<8x8x768xf32, #tpu.memory_space<vmem>> -> memref<1x8x768xf32, #tpu.memory_space<vmem>>
    %dma_wait3A_275 = tpu.memref_squeeze %dma_wait3A_274 : memref<1x8x768xf32, #tpu.memory_space<vmem>> -> memref<8x768xf32, #tpu.memory_space<vmem>>
    tpu.wait_dma2 semaphore(%dma_wait3A_269 : memref<!tpu.dma_semaphore, #tpu.memory_space<semaphore_mem>>) src(%dma_wait3A_275 : memref<8x768xf32, #tpu.memory_space<vmem>>) dst(%dma_wait3A_271 : memref<8x768xf32, #tpu.memory_space<hbm>>)
    %add3A_276 = arith.constant 984 : i32
    %add3A_277 = arith.addi %mul3A_2, %add3A_276 : i32
    %dma_wait3A_278 = arith.constant 3 : i32
    %dma_wait3A_279 = arith.constant 3 : i32
    %dma_wait3A_280 = arith.constant 0 : i32
    %dma_wait3A_281 = arith.constant 0 : i32
    %dma_wait3A_282 = tpu.memref_slice %arg8[%dma_wait3A_278, %dma_wait3A_280, %dma_wait3A_281] : memref<8x8x768xf32, #tpu.memory_space<vmem>> -> memref<1x8x768xf32, #tpu.memory_space<vmem>>
    %dma_wait3A_283 = tpu.memref_squeeze %dma_wait3A_282 : memref<1x8x768xf32, #tpu.memory_space<vmem>> -> memref<8x768xf32, #tpu.memory_space<vmem>>
    %dma_wait3A_284 = arith.constant 0 : i32
    %dma_wait3A_285 = tpu.memref_slice %arg5[%add3A_277, %dma_wait3A_284] : memref<32768x768xf32, #tpu.memory_space<hbm>> -> memref<8x768xf32, #tpu.memory_space<hbm>>
    %dma_wait3A_286 = tpu.memref_slice %arg11[%dma_wait3A_279] : memref<8x!tpu.dma_semaphore, #tpu.memory_space<semaphore_mem>> -> memref<1x!tpu.dma_semaphore, #tpu.memory_space<semaphore_mem>>
    %dma_wait3A_287 = tpu.memref_squeeze %dma_wait3A_286 : memref<1x!tpu.dma_semaphore, #tpu.memory_space<semaphore_mem>> -> memref<!tpu.dma_semaphore, #tpu.memory_space<semaphore_mem>>
    %dma_wait3A_288 = arith.constant 0 : i32
    %dma_wait3A_289 = tpu.memref_slice %arg5[%add3A_277, %dma_wait3A_288] : memref<32768x768xf32, #tpu.memory_space<hbm>> -> memref<8x768xf32, #tpu.memory_space<hbm>>
    %dma_wait3A_290 = arith.constant 0 : i32
    %dma_wait3A_291 = arith.constant 0 : i32
    %dma_wait3A_292 = tpu.memref_slice %arg8[%dma_wait3A_278, %dma_wait3A_290, %dma_wait3A_291] : memref<8x8x768xf32, #tpu.memory_space<vmem>> -> memref<1x8x768xf32, #tpu.memory_space<vmem>>
    %dma_wait3A_293 = tpu.memref_squeeze %dma_wait3A_292 : memref<1x8x768xf32, #tpu.memory_space<vmem>> -> memref<8x768xf32, #tpu.memory_space<vmem>>
    tpu.wait_dma2 semaphore(%dma_wait3A_287 : memref<!tpu.dma_semaphore, #tpu.memory_space<semaphore_mem>>) src(%dma_wait3A_293 : memref<8x768xf32, #tpu.memory_space<vmem>>) dst(%dma_wait3A_289 : memref<8x768xf32, #tpu.memory_space<hbm>>)
    %add3A_294 = arith.constant 992 : i32
    %add3A_295 = arith.addi %mul3A_2, %add3A_294 : i32
    %dma_wait3A_296 = arith.constant 4 : i32
    %dma_wait3A_297 = arith.constant 4 : i32
    %dma_wait3A_298 = arith.constant 0 : i32
    %dma_wait3A_299 = arith.constant 0 : i32
    %dma_wait3A_300 = tpu.memref_slice %arg8[%dma_wait3A_296, %dma_wait3A_298, %dma_wait3A_299] : memref<8x8x768xf32, #tpu.memory_space<vmem>> -> memref<1x8x768xf32, #tpu.memory_space<vmem>>
    %dma_wait3A_301 = tpu.memref_squeeze %dma_wait3A_300 : memref<1x8x768xf32, #tpu.memory_space<vmem>> -> memref<8x768xf32, #tpu.memory_space<vmem>>
    %dma_wait3A_302 = arith.constant 0 : i32
    %dma_wait3A_303 = tpu.memref_slice %arg5[%add3A_295, %dma_wait3A_302] : memref<32768x768xf32, #tpu.memory_space<hbm>> -> memref<8x768xf32, #tpu.memory_space<hbm>>
    %dma_wait3A_304 = tpu.memref_slice %arg11[%dma_wait3A_297] : memref<8x!tpu.dma_semaphore, #tpu.memory_space<semaphore_mem>> -> memref<1x!tpu.dma_semaphore, #tpu.memory_space<semaphore_mem>>
    %dma_wait3A_305 = tpu.memref_squeeze %dma_wait3A_304 : memref<1x!tpu.dma_semaphore, #tpu.memory_space<semaphore_mem>> -> memref<!tpu.dma_semaphore, #tpu.memory_space<semaphore_mem>>
    %dma_wait3A_306 = arith.constant 0 : i32
    %dma_wait3A_307 = tpu.memref_slice %arg5[%add3A_295, %dma_wait3A_306] : memref<32768x768xf32, #tpu.memory_space<hbm>> -> memref<8x768xf32, #tpu.memory_space<hbm>>
    %dma_wait3A_308 = arith.constant 0 : i32
    %dma_wait3A_309 = arith.constant 0 : i32
    %dma_wait3A_310 = tpu.memref_slice %arg8[%dma_wait3A_296, %dma_wait3A_308, %dma_wait3A_309] : memref<8x8x768xf32, #tpu.memory_space<vmem>> -> memref<1x8x768xf32, #tpu.memory_space<vmem>>
    %dma_wait3A_311 = tpu.memref_squeeze %dma_wait3A_310 : memref<1x8x768xf32, #tpu.memory_space<vmem>> -> memref<8x768xf32, #tpu.memory_space<vmem>>
    tpu.wait_dma2 semaphore(%dma_wait3A_305 : memref<!tpu.dma_semaphore, #tpu.memory_space<semaphore_mem>>) src(%dma_wait3A_311 : memref<8x768xf32, #tpu.memory_space<vmem>>) dst(%dma_wait3A_307 : memref<8x768xf32, #tpu.memory_space<hbm>>)
    %add3A_312 = arith.constant 1000 : i32
    %add3A_313 = arith.addi %mul3A_2, %add3A_312 : i32
    %dma_wait3A_314 = arith.constant 5 : i32
    %dma_wait3A_315 = arith.constant 5 : i32
    %dma_wait3A_316 = arith.constant 0 : i32
    %dma_wait3A_317 = arith.constant 0 : i32
    %dma_wait3A_318 = tpu.memref_slice %arg8[%dma_wait3A_314, %dma_wait3A_316, %dma_wait3A_317] : memref<8x8x768xf32, #tpu.memory_space<vmem>> -> memref<1x8x768xf32, #tpu.memory_space<vmem>>
    %dma_wait3A_319 = tpu.memref_squeeze %dma_wait3A_318 : memref<1x8x768xf32, #tpu.memory_space<vmem>> -> memref<8x768xf32, #tpu.memory_space<vmem>>
    %dma_wait3A_320 = arith.constant 0 : i32
    %dma_wait3A_321 = tpu.memref_slice %arg5[%add3A_313, %dma_wait3A_320] : memref<32768x768xf32, #tpu.memory_space<hbm>> -> memref<8x768xf32, #tpu.memory_space<hbm>>
    %dma_wait3A_322 = tpu.memref_slice %arg11[%dma_wait3A_315] : memref<8x!tpu.dma_semaphore, #tpu.memory_space<semaphore_mem>> -> memref<1x!tpu.dma_semaphore, #tpu.memory_space<semaphore_mem>>
    %dma_wait3A_323 = tpu.memref_squeeze %dma_wait3A_322 : memref<1x!tpu.dma_semaphore, #tpu.memory_space<semaphore_mem>> -> memref<!tpu.dma_semaphore, #tpu.memory_space<semaphore_mem>>
    %dma_wait3A_324 = arith.constant 0 : i32
    %dma_wait3A_325 = tpu.memref_slice %arg5[%add3A_313, %dma_wait3A_324] : memref<32768x768xf32, #tpu.memory_space<hbm>> -> memref<8x768xf32, #tpu.memory_space<hbm>>
    %dma_wait3A_326 = arith.constant 0 : i32
    %dma_wait3A_327 = arith.constant 0 : i32
    %dma_wait3A_328 = tpu.memref_slice %arg8[%dma_wait3A_314, %dma_wait3A_326, %dma_wait3A_327] : memref<8x8x768xf32, #tpu.memory_space<vmem>> -> memref<1x8x768xf32, #tpu.memory_space<vmem>>
    %dma_wait3A_329 = tpu.memref_squeeze %dma_wait3A_328 : memref<1x8x768xf32, #tpu.memory_space<vmem>> -> memref<8x768xf32, #tpu.memory_space<vmem>>
    tpu.wait_dma2 semaphore(%dma_wait3A_323 : memref<!tpu.dma_semaphore, #tpu.memory_space<semaphore_mem>>) src(%dma_wait3A_329 : memref<8x768xf32, #tpu.memory_space<vmem>>) dst(%dma_wait3A_325 : memref<8x768xf32, #tpu.memory_space<hbm>>)
    %add3A_330 = arith.constant 1008 : i32
    %add3A_331 = arith.addi %mul3A_2, %add3A_330 : i32
    %dma_wait3A_332 = arith.constant 6 : i32
    %dma_wait3A_333 = arith.constant 6 : i32
    %dma_wait3A_334 = arith.constant 0 : i32
    %dma_wait3A_335 = arith.constant 0 : i32
    %dma_wait3A_336 = tpu.memref_slice %arg8[%dma_wait3A_332, %dma_wait3A_334, %dma_wait3A_335] : memref<8x8x768xf32, #tpu.memory_space<vmem>> -> memref<1x8x768xf32, #tpu.memory_space<vmem>>
    %dma_wait3A_337 = tpu.memref_squeeze %dma_wait3A_336 : memref<1x8x768xf32, #tpu.memory_space<vmem>> -> memref<8x768xf32, #tpu.memory_space<vmem>>
    %dma_wait3A_338 = arith.constant 0 : i32
    %dma_wait3A_339 = tpu.memref_slice %arg5[%add3A_331, %dma_wait3A_338] : memref<32768x768xf32, #tpu.memory_space<hbm>> -> memref<8x768xf32, #tpu.memory_space<hbm>>
    %dma_wait3A_340 = tpu.memref_slice %arg11[%dma_wait3A_333] : memref<8x!tpu.dma_semaphore, #tpu.memory_space<semaphore_mem>> -> memref<1x!tpu.dma_semaphore, #tpu.memory_space<semaphore_mem>>
    %dma_wait3A_341 = tpu.memref_squeeze %dma_wait3A_340 : memref<1x!tpu.dma_semaphore, #tpu.memory_space<semaphore_mem>> -> memref<!tpu.dma_semaphore, #tpu.memory_space<semaphore_mem>>
    %dma_wait3A_342 = arith.constant 0 : i32
    %dma_wait3A_343 = tpu.memref_slice %arg5[%add3A_331, %dma_wait3A_342] : memref<32768x768xf32, #tpu.memory_space<hbm>> -> memref<8x768xf32, #tpu.memory_space<hbm>>
    %dma_wait3A_344 = arith.constant 0 : i32
    %dma_wait3A_345 = arith.constant 0 : i32
    %dma_wait3A_346 = tpu.memref_slice %arg8[%dma_wait3A_332, %dma_wait3A_344, %dma_wait3A_345] : memref<8x8x768xf32, #tpu.memory_space<vmem>> -> memref<1x8x768xf32, #tpu.memory_space<vmem>>
    %dma_wait3A_347 = tpu.memref_squeeze %dma_wait3A_346 : memref<1x8x768xf32, #tpu.memory_space<vmem>> -> memref<8x768xf32, #tpu.memory_space<vmem>>
    tpu.wait_dma2 semaphore(%dma_wait3A_341 : memref<!tpu.dma_semaphore, #tpu.memory_space<semaphore_mem>>) src(%dma_wait3A_347 : memref<8x768xf32, #tpu.memory_space<vmem>>) dst(%dma_wait3A_343 : memref<8x768xf32, #tpu.memory_space<hbm>>)
    %add3A_348 = arith.constant 1016 : i32
    %add3A_349 = arith.addi %mul3A_2, %add3A_348 : i32
    %dma_wait3A_350 = arith.constant 7 : i32
    %dma_wait3A_351 = arith.constant 7 : i32
    %dma_wait3A_352 = arith.constant 0 : i32
    %dma_wait3A_353 = arith.constant 0 : i32
    %dma_wait3A_354 = tpu.memref_slice %arg8[%dma_wait3A_350, %dma_wait3A_352, %dma_wait3A_353] : memref<8x8x768xf32, #tpu.memory_space<vmem>> -> memref<1x8x768xf32, #tpu.memory_space<vmem>>
    %dma_wait3A_355 = tpu.memref_squeeze %dma_wait3A_354 : memref<1x8x768xf32, #tpu.memory_space<vmem>> -> memref<8x768xf32, #tpu.memory_space<vmem>>
    %dma_wait3A_356 = arith.constant 0 : i32
    %dma_wait3A_357 = tpu.memref_slice %arg5[%add3A_349, %dma_wait3A_356] : memref<32768x768xf32, #tpu.memory_space<hbm>> -> memref<8x768xf32, #tpu.memory_space<hbm>>
    %dma_wait3A_358 = tpu.memref_slice %arg11[%dma_wait3A_351] : memref<8x!tpu.dma_semaphore, #tpu.memory_space<semaphore_mem>> -> memref<1x!tpu.dma_semaphore, #tpu.memory_space<semaphore_mem>>
    %dma_wait3A_359 = tpu.memref_squeeze %dma_wait3A_358 : memref<1x!tpu.dma_semaphore, #tpu.memory_space<semaphore_mem>> -> memref<!tpu.dma_semaphore, #tpu.memory_space<semaphore_mem>>
    %dma_wait3A_360 = arith.constant 0 : i32
    %dma_wait3A_361 = tpu.memref_slice %arg5[%add3A_349, %dma_wait3A_360] : memref<32768x768xf32, #tpu.memory_space<hbm>> -> memref<8x768xf32, #tpu.memory_space<hbm>>
    %dma_wait3A_362 = arith.constant 0 : i32
    %dma_wait3A_363 = arith.constant 0 : i32
    %dma_wait3A_364 = tpu.memref_slice %arg8[%dma_wait3A_350, %dma_wait3A_362, %dma_wait3A_363] : memref<8x8x768xf32, #tpu.memory_space<vmem>> -> memref<1x8x768xf32, #tpu.memory_space<vmem>>
    %dma_wait3A_365 = tpu.memref_squeeze %dma_wait3A_364 : memref<1x8x768xf32, #tpu.memory_space<vmem>> -> memref<8x768xf32, #tpu.memory_space<vmem>>
    tpu.wait_dma2 semaphore(%dma_wait3A_359 : memref<!tpu.dma_semaphore, #tpu.memory_space<semaphore_mem>>) src(%dma_wait3A_365 : memref<8x768xf32, #tpu.memory_space<vmem>>) dst(%dma_wait3A_361 : memref<8x768xf32, #tpu.memory_space<hbm>>)
    return
  }
}

</mosaic_0001>

<sc_bundles>
// kernel: kernel.3.cloned.1.call-start
scs
__scs_entry_jumppad:
0x0: {  	(pc) =	sbr.rel $0x88, $3  }
0x1: {  	(tag) =	ssettag $0x0;
	lr =	simm.s32 $0x1  }
0x2: {  	[smem:$0x3F9E] =	sst lr;
	_ =	strace $0xD0000000  }
0x3: {  	_ = 	snop  }
0x4: {  	_ = 	snop  }
0x5: {  	_ = 	snop  }
0x6: {  	_ = 	snop  }
0x7: {  	_ = 	snop  }
__scs_overlays_trampoline_lowered:
0x8: {  	[smem:$0x3FAD] =	sst s0  }
0x9: {  	[smem:$0x3FAE] =	sst s1  }
0xa: {  	[smem:$0x3FAF] =	sst s2  }
0xb: {  	[smem:$0x3FB0] =	sst s3  }
0xc: {  	[smem:$0x3FB1] =	sst s4  }
0xd: {  	[smem:$0x3FB2] =	sst s5  }
0xe: {  	[smem:$0x3FB3] =	sst s6  }
0xf: {  	[smem:$0x3FB4] =	sst s7  }
0x10: {  	[smem:$0x3FB5] =	sst s8  }
0x11: {  	[smem:$0x3FB6] =	sst s9;
	s0 =	simm.s32 @!p0 $0x0  }
0x12: {  	s1 =	sld [smem:$0x3F9C];
	s0 =	simm.s32 @p0 $0x1  }
0x13: {  	[smem:$0x3FB7] =	sst s0;
	s0 =	simm.s32 @!p1 $0x0  }
0x14: {  	s2 =	sld [smem:$0x3F9B];
	s0 =	simm.s32 @p1 $0x1  }
0x15: {  	[smem:$0x3FB8] =	sst s0;
	s0 =	simm.s32 @!p2 $0x0  }
0x16: {  	s3 =	sld [smem:$0x3FDB];
	s0 =	simm.s32 @p2 $0x1  }
0x17: {  	s4 =	simm.s32 $0x1BF5;
	[smem:$0x3FBA] =	sst s0  }
0x18: {  	s0 =	sld [smem:$0x3F9D];
	_ =	swait.ge [sflag:s4], $0x0  }
0x19: {  	s7 =	sld [smem:$0x3F9E]  }
0x1a: {  	s8 =	sadd.s32 $0xFFFFE003, lr  }
0x1b: {  	s9 =	sadd.s32 $0xFFFFFEF7, lr;
	s5 =	simm.s32 $0xFFFFFFFF;
	p2 =	slt.u32 s8, $0xFFFFF086  }
0x1c: {  	p1 =	slt.u32 s9, $0xF7A;
	s5 =	simm.s32 @!p2 $0x0  }
0x1d: {  	s5 =	simm.s32 @p1 $0x1;
	p0 =	seq.s32 s7, s2  }
0x1e: {  	s7 =	smul.u32 @!p0 $0xF7A, s2;
	p2 =	seq.s32 @!p0 s5, $0x0  }
0x1f: {  	s9 =	smul.u32 $0xF7A, s1;
	s8 =	simm.s32 @!p0 $0x1BF5;
	p2 =	por !p2, p0  }
0x20: {  	[sflag:s8] =	ssyncset.s32 @!p0 $0xFFFFF086;
	s6 =	sadd.s32 @!p0 s3, s7;
	s7 =	simm.s32 @!p0 $0x108  }
0x21: {  	s3 =	sadd.s32 s3, s9;
	s6 =	sadd.s32 @!p0 $0x88, s6;
	s7 =	simm.s32 @p2 $0x1082  }
0x22: {  	[simem:s7], [sflag:s8] =	dma.local @!p0 [hbm:s6], $0xF7A  }
0x23: {  	s9 =	sor.u32 $0xD0000000, s2;
	s6 =	simm.s32 $0x108;
	_ =	swait.ge @!p0 [sflag:s8], $0x0  }
0x24: {  	s3 =	sadd.s32 $0x88, s3;
	s6 =	simm.s32 @!p1 $0x1082;
	[sflag:s4] =	ssyncset.s32 $0xFFFFF086  }
0x25: {  	[simem:s6], [sflag:s4] =	dma.local [hbm:s3], $0xF7A  }
0x26: {  	[smem:$0x3F9E] =	sst s1;
	(tag) =	ssettag s2;
	_ =	strace s9  }
0x27: {  	s1 =	sld [smem:$0x3FAE]  }
0x28: {  	s2 =	sld [smem:$0x3FAF]  }
0x29: {  	s4 =	sld [smem:$0x3FB1]  }
0x2a: {  	p0 =	seq.s32 s5, $0x0;
	s5 =	sld [smem:$0x3FB2]  }
0x2b: {  	s6 =	sld [smem:$0x3FB3]  }
0x2c: {  	s7 =	sld [smem:$0x3FB4]  }
0x2d: {  	s3 =	simm.s32 $0x108;
	s8 =	sld [smem:$0x3FB5]  }
0x2e: {  	s3 =	simm.s32 @!p0 $0x1082;
	s9 =	sld [smem:$0x3FB6]  }
0x2f: {  	lr =	sadd.s32 s0, s3;
	s0 =	sld [smem:$0x3FAD]  }
0x30: {  	s3 =	sld [smem:$0x3FB0]  }
0x31: {  	[smem:$0x3FB9] =	sst s10  }
0x32: {  	s10 =	sld [smem:$0x3FB7];
	_ =	sdelay $0x3  }
0x33: {  	p0 =	seq.s32 s10, $0x1;
	s10 =	sld [smem:$0x3FB9];
	_ =	sdelay $0x3  }
0x34: {  	[smem:$0x3FB9] =	sst s10  }
0x35: {  	s10 =	sld [smem:$0x3FB8];
	_ =	sdelay $0x3  }
0x36: {  	p1 =	seq.s32 s10, $0x1;
	s10 =	sld [smem:$0x3FB9];
	_ =	sdelay $0x3  }
0x37: {  	[smem:$0x3FB9] =	sst s10  }
0x38: {  	s10 =	sld [smem:$0x3FBA]  }
0x39: {  	_ = 	snop;
	(pc) =	sbr.ind lr, $3  }
0x3a: {  	_ = 	snop  }
0x3b: {  	_ = 	snop  }
0x3c: {  	p2 =	seq.s32 s10, $0x1;
	s10 =	sld [smem:$0x3FB9]  }
0x3d: {  	_ =	shalt  }
0x3e: {  	_ =	shalt  }
0x3f: {  	_ =	shalt  }
0x40: {  	_ =	shalt  }
0x41: {  	_ =	shalt  }
0x42: {  	_ =	shalt  }
0x43: {  	_ =	shalt  }
0x44: {  	_ =	shalt  }
0x45: {  	_ =	shalt  }
0x46: {  	_ =	shalt  }
0x47: {  	_ =	shalt  }
0x48: {  	_ =	shalt  }
0x49: {  	_ =	shalt  }
0x4a: {  	_ =	shalt  }
0x4b: {  	_ =	shalt  }
0x4c: {  	_ =	shalt  }
0x4d: {  	_ =	shalt  }
0x4e: {  	_ =	shalt  }
0x4f: {  	_ =	shalt  }
0x50: {  	_ =	shalt  }
0x51: {  	_ =	shalt  }
0x52: {  	_ =	shalt  }
0x53: {  	_ =	shalt  }
0x54: {  	_ =	shalt  }
0x55: {  	_ =	shalt  }
0x56: {  	_ =	shalt  }
0x57: {  	_ =	shalt  }
0x58: {  	_ =	shalt  }
0x59: {  	_ =	shalt  }
0x5a: {  	_ =	shalt  }
0x5b: {  	_ =	shalt  }
0x5c: {  	_ =	shalt  }
0x5d: {  	_ =	shalt  }
0x5e: {  	_ =	shalt  }
0x5f: {  	_ =	shalt  }
0x60: {  	_ =	shalt  }
0x61: {  	_ =	shalt  }
0x62: {  	_ =	shalt  }
0x63: {  	_ =	shalt  }
0x64: {  	_ =	shalt  }
0x65: {  	_ =	shalt  }
0x66: {  	_ =	shalt  }
0x67: {  	_ =	shalt  }
0x68: {  	_ =	shalt  }
0x69: {  	_ =	shalt  }
0x6a: {  	_ =	shalt  }
0x6b: {  	_ =	shalt  }
0x6c: {  	_ =	shalt  }
0x6d: {  	_ =	shalt  }
0x6e: {  	_ =	shalt  }
0x6f: {  	_ =	shalt  }
0x70: {  	_ =	shalt  }
0x71: {  	_ =	shalt  }
0x72: {  	_ =	shalt  }
0x73: {  	_ =	shalt  }
0x74: {  	_ =	shalt  }
0x75: {  	_ =	shalt  }
0x76: {  	_ =	shalt  }
0x77: {  	_ =	shalt  }
0x78: {  	_ =	shalt  }
0x79: {  	_ =	shalt  }
0x7a: {  	_ =	shalt  }
0x7b: {  	_ =	shalt  }
0x7c: {  	_ =	shalt  }
0x7d: {  	_ =	shalt  }
0x7e: {  	_ =	shalt  }
0x7f: {  	_ =	shalt  }
0x80: {  	_ =	shalt  }
0x81: {  	_ =	shalt  }
0x82: {  	_ =	shalt  }
0x83: {  	_ =	shalt  }
0x84: {  	_ =	shalt  }
0x85: {  	_ =	shalt  }
0x86: {  	_ =	shalt  }
0x87: {  	_ =	shalt  }
.Lfunc_end0:
.L_simem_size_0:
called_computation_lowered:
.L_overlay_start_0:
0x88: {  	s2 =	sld [smem:$0x3FD9]  }
0x89: {  	s3 =	sld [smem:$0x3FFE];
	_ =	sdelay $0x1  }
0x8a: {  	s1 =	srdreg.scid  }
0x8b: {  	s0 =	sand.u32 $0x1, s1  }
0x8c: {  	s17 =	sshll.u32 s0, $0xA;
	s2 =	sadd.s32 s3, s2  }
0x8d: {  	s2 =	sadd.s32 s2, s17  }
0x8e: {  	[smem:$0x3FC5] =	sst s2  }
0x8f: {  	_ = 	snop  }
0x90: {  	s2 =	sld [smem:$0x3FC9]  }
0x91: {  	s18 =	sld [smem:$0x3FC7]  }
0x92: {  	s4 =	sld [smem:$0x3FD0];
	(tm) =	ssettm $0x1  }
0x93: {  	s5 =	sld [smem:$0x3FFB];
	_ =	sdelay $0x3  }
0x94: {  	_ =	strace s5  }
0x95: {  	s5 =	sld [smem:$0x3FFC];
	_ =	sdelay $0x3  }
0x96: {  	_ =	strace s5  }
0x97: {  	s5 =	sld [smem:$0x3FFD];
	_ =	sdelay $0x3  }
0x98: {  	_ =	strace s5  }
0x99: {  	_ =	strace $0x8FFFFFFF  }
0x9a: {  	s19 =	sld [smem:$0x3FDB];
	_ =	sdelay $0x1  }
0x9b: {  	s6 =	simm.s32 $_scs_section_size  }
0x9c: {  	s7 =	simm.s32 $_size__tile_overlayer_lowered;
	s8 =	simm.s32 $_tile_overlayer_lowered  }
0x9d: {  	s22 =	simm.s32 $0x1BFF;
	s21 =	sshll.u32 s8, $0x1;
	s5 =	sadd.s32 s6, s19  }
0x9e: {  	s9 =	simm.s32 $0x0;
	s20 =	sshll.u32 s7, $0x1;
	s7 =	sadd.s32 s21, s5  }
0x9f: {  	[timem:s9], [sflag:s22] =	dma.local [hbm:s7], s20  }
0xa0: {  	_ =	swait.ge [sflag:s22], s20  }
0xa1: {  	s6 =	ssub.s32 $0x0, s20;
	[sflag:s22] =	ssyncset.done $0x0  }
0xa2: {  	[sflag:s22] =	ssyncadd.s32 s6;
	_ =	sdelay $0x1  }
0xa3: {  	s23 =	simm.s32 $0x1B8B  }
0xa4: {  	_ =	swait.ge [sflag:s23], $0x1  }
0xa5: {  	[sflag:s23] =	ssyncset.done $0x0  }
0xa6: {  	s25 =	simm.s32 $0x1B8E;
	s24 =	sld [smem:$0x3FFE];
	[sflag:s23] =	ssyncadd.s32 $0xFFFFFFFF  }
0xa7: {  	s26 =	simm.s32 $execute0_lowered;
	[smem:$0x3FD2] =	sst s25  }
0xa8: {  	s7 =	sshll.u32 s26, $0x1;
	_ =	strace $0x80000046;
	[dreg:$0x1] =	wrdreg $0xFFFFFFFF  }
0xa9: {  	s28 =	simm.s32 $_size_execute0_lowered;
	s5 =	sadd.s32 s5, s7;
	[dreg:$0x0] =	wrdreg $0x0  }
0xaa: {  	s7 =	sshll.u32 s28, $0x1;
	[dreg:$0x2] =	wrdreg s5  }
0xab: {  	[dreg:$0x3] =	wrdreg s7  }
0xac: {  	[dreg:$0x4] =	wrdreg $0xC0  }
0xad: {  	_ =	task [dreg:s9], $0x5FFFF  }
0xae: {  	[dreg:$0x1] =	wrdreg $0xFFFFFFFF  }
0xaf: {  	[dreg:$0x0] =	wrdreg $0x60  }
0xb0: {  	[dreg:$0x2] =	wrdreg s2  }
0xb1: {  	[dreg:$0x3] =	wrdreg s24  }
0xb2: {  	[dreg:$0x4] =	wrdreg s18  }
0xb3: {  	[dreg:$0x5] =	wrdreg s4  }
0xb4: {  	[dreg:$0x6] =	wrdreg $0x9  }
0xb5: {  	_ =	task.clear_ibuf [dreg:s9], $0x7FFFF;
	_ =	strace $0x90000046  }
0xb6: {  	s29 =	simm.s32 $0x9;
	_ =	strace $0x80000048  }
0xb7: {  	_ =	swait.ge [sflag:s29], $0x1  }
0xb8: {  	[sflag:s29] =	ssyncadd.s32 $0xFFFFFFFF  }
0xb9: {  	_ =	strace $0x90000048  }
0xba: {  	_ =	sfence  }
0xbb: {  	s30 =	sld [smem:$0x0];
	_ =	sdelay $0x2  }
0xbc: {  	s31 =	sshll.u32 s1, $0xD;
	s1 =	sshrl.u32 s1, $0x2  }
0xbd: {  	s3 =	sand.u32 $0x4000, s31;
	s1 =	sadd.s32 s1, s30  }
0xbe: {  	s0 =	sor.u32 s3, s0;
	s1 =	sshll.u32 s1, $0x11  }
0xbf: {  	s0 =	sor.u32 s1, s0  }
0xc0: {  	s0 =	sadd.s32 $0x8F2B, s0  }
0xc1: {  	[sflag:s0] =	ssyncadd.remote.s32 $0x1  }
0xc2: {  	_ =	sfence.sel $0xFFFF  }
0xc3: {  	[dreg:$0x0] =	wrdreg $0xFFFFFFFF;
	(pc) =	sbr.abs _section_cstart, $3  }
0xc4: {  	[dreg:$0x1] =	wrdreg $0xFFFFFFFF  }
0xc5: {  	_ =	task.clear_ibuf [dreg:s9], $0x2FFFF;
	_ =	strace $0x9FFFFFFF  }
0xc6: {  	(tm) =	ssettm $0x7FFFFFFF  }
0xc7: {  	_ =	shalt  }
tec
execute0_lowered:
.L_overlay_start_1:
0x0: {  	(tag) =	ssettag $0x1  }
0x1: {  	s1 =	rddreg [dreg:$0x0]  }
0x2: {  	s0 =	rddreg [dreg:$0x1]  }
0x3: {  	s2 =	srdreg.scid;
	s3 =	rddreg [dreg:$0x2]  }
0x4: {  	s4 =	stileid.u32;
	s8 =	rddreg [dreg:$0x3]  }
0x5: {  	s5 =	simm.s32 $0x0;
	s30 =	simm.s32 $0x16C00;
	s16 =	simm.s32 $0x2  }
0x6: {  	s17 =	simm.s32 $0xA;
	s12 =	simm.s32 $0xD;
	s14 =	simm.s32 $0x6  }
0x7: {  	s15 =	simm.s32 $0xE;
	s29 =	simm.s32 $0xF;
	s28 =	simm.s32 $0x10  }
0x8: {  	s2 =	sand.u32 $0x1, s2;
	s4 =	sshll.u32 s4, $0xB;
	[smem:$0x7FF] =	sst s5  }
0x9: {  	s24 =	sadd.s32 $0x900, s8;
	s25 =	sadd.s32 $0xC00, s8;
	s26 =	sadd.s32 $0xF00, s8  }
0xa: {  	s31 =	sadd.s32 $0x1200, s8;
	_ =	strace $0x80000047;
	[dreg:$0xe] =	wrdreg s24  }
0xb: {  	s6 =	sshll.u32 s2, $0xA;
	s2 =	ssub.s32 $0x2, s2;
	[dreg:$0xf] =	wrdreg s25  }
0xc: {  	[dreg:$0x10] =	wrdreg s26;
	s6 =	sor.u32 s6, s4;
	s7 =	sshrl.u32 s2, $0x1  }
0xd: {  	[dreg:$0x11] =	wrdreg s31;
	s4 =	sshrl.u32 s6, $0x3;
	s2 =	ssub.s32 s2, s7  }
0xe: {  	s0 =	sadd.s32 s4, s0;
	s4 =	smul.u32 $0x300, s4;
	s23 =	smax.u32 s2, $0x1  }
0xf: {  	s11 =	simm.s32 $0x0;
	s0 =	sadd.s32 $0x400, s0;
	[dreg:$0xd] =	wrdreg s23  }
0x10: {  	s9 =	sadd.s32 $0x100, s3;
	[dreg:$0x5] =	wrdreg s0;
	s18 =	sadd.s32 s1, s4  }
0x11: {  	s10 =	sadd.s32 $0x200, s3;
	s4 =	sadd.s32 $0x300, s18;
	[dreg:$0x6] =	wrdreg s18  }
0x12: {  	s8 =	simm.s32 $0x3;
	s19 =	sadd.s32 $0x600, s18;
	[dreg:$0x7] =	wrdreg s4  }
0x13: {  	s26 =	simm.s32 $0x4;
	s20 =	sadd.s32 $0x900, s18;
	[dreg:$0x8] =	wrdreg s19  }
.Ltmp0:
0x14: {  	s21 =	sadd.s32 $0xC00, s18;
	[dreg:$0x9] =	wrdreg s20;
	(pc) =	sbr.rel .LBB2_1-.Ltmp0, $4  }
0x15: {  	s25 =	simm.s32 $0x5;
	s22 =	sadd.s32 $0xF00, s18;
	[dreg:$0xa] =	wrdreg s21  }
0x16: {  	v0 =	vlaneseq.u32;
	s24 =	simm.s32 $0x7;
	s0 =	sadd.s32 $0x1200, s18;
	[dreg:$0xb] =	wrdreg s22  }
0x17: {  	v1 =	vshrl.u32 v0, $0x3;
	s2 =	simm.s32 $0xC;
	s23 =	simm.s32 $0x17;
	[dreg:$0xc] =	wrdreg s0  }
0x18: {  	vm0 =	vmmov $0xffff;
	v0 =	vand.u32 $0x7, v0;
	v1 =	vmul.u32 $0x8, v1;
	s21 =	simm.s32 $0x15400;
	s22 =	simm.s32 $0xB;
	s0 =	simm.s32 $0x8  }
.LBB2_36:
0x19: {  	s4 =	simm.s32 $0x11  }
0x1a: {  	_ =	swait.ge [sflag:s4], $0x1800  }
0x1b: {  	[sflag:s4] =	ssyncset.done $0x0  }
0x1c: {  	s11 =	simm.s32 $0x12;
	[sflag:s4] =	ssyncadd.s32 $0xFFFFE800  }
0x1d: {  	_ =	swait.ge [sflag:s11], $0x1800  }
0x1e: {  	[sflag:s11] =	ssyncset.done $0x0  }
0x1f: {  	s13 =	simm.s32 $0x13;
	[sflag:s11] =	ssyncadd.s32 $0xFFFFE800  }
0x20: {  	_ =	swait.ge [sflag:s13], $0x1800  }
0x21: {  	[sflag:s13] =	ssyncset.done $0x0  }
0x22: {  	s18 =	simm.s32 $0x14;
	[sflag:s13] =	ssyncadd.s32 $0xFFFFE800  }
0x23: {  	_ =	swait.ge [sflag:s18], $0x1800  }
0x24: {  	[sflag:s18] =	ssyncset.done $0x0  }
0x25: {  	s19 =	simm.s32 $0x15;
	[sflag:s18] =	ssyncadd.s32 $0xFFFFE800  }
0x26: {  	_ =	swait.ge [sflag:s19], $0x1800  }
0x27: {  	[sflag:s19] =	ssyncset.done $0x0  }
0x28: {  	s20 =	simm.s32 $0x16;
	[sflag:s19] =	ssyncadd.s32 $0xFFFFE800  }
0x29: {  	_ =	swait.ge [sflag:s20], $0x1800  }
0x2a: {  	[sflag:s20] =	ssyncset.done $0x0  }
0x2b: {  	[sflag:s20] =	ssyncadd.s32 $0xFFFFE800  }
0x2c: {  	_ =	swait.ge [sflag:s23], $0x1800  }
0x2d: {  	[sflag:s23] =	ssyncset.done $0x0  }
0x2e: {  	s7 =	simm.s32 $0x18;
	[sflag:s23] =	ssyncadd.s32 $0xFFFFE800  }
0x2f: {  	_ =	swait.ge [sflag:s7], $0x1800  }
0x30: {  	s11 =	rddreg [dreg:$0x12]  }
0x31: {  	s31 =	rddreg [dreg:$0xd];
	s11 =	sadd.s32 $0x1, s11  }
0x32: {  	p0 =	sne.s32 s11, s31  }
.Ltmp1:
0x33: {  	_ = 	snop;
	(pc) =	sbr.rel @!p0 .LBB2_37-.Ltmp1, $3  }
0x34: {  	_ =	sdelay $0x1  }
0x35: {  	[sflag:s7] =	ssyncset.done $0x0  }
0x36: {  	[sflag:s7] =	ssyncadd.s32 $0xFFFFE800  }
.LBB2_1:
0x37: {  	[dreg:$0x12] =	wrdreg s11  }
0x38: {  	s4 =	rddreg [dreg:$0x5];
	s19 =	simm.s32 $0x19  }
0x39: {  	[tilespmem:s5], [sflag:$0x19] =	stream.linear.gather [hbm4b:s4+s5], $0x400, $0x38;
	[tilespmem:$0x18400] =	vst v63  }
0x3a: {  	_ =	swait.ge [sflag:s19], $0x400  }
0x3b: {  	[sflag:s19] =	ssyncset.done $0x0  }
0x3c: {  	s7 =	simm.s32 $0x400;
	s20 =	rddreg [dreg:$0x6];
	[sflag:s19] =	ssyncadd.s32 $0xFFFFFC00  }
0x3d: {  	[tilespmem:s7], [sflag:$0x1] =	stream.linear.gather [hbm4b:s20+s5], $0x1800, $0x38;
	[tilespmem:$0x18400] =	vst v63  }
0x3e: {  	v2 =	vld.msk [tilespmem:$0x0], $0xff;
	_ =	sdelay $0x4  }
0x3f: {  	v3 =	vshrl.u32 v2, $0x3  }
0x40: {  	v3 =	vmul.u32 $0x30, v3  }
0x41: {  	v2 =	vand.u32 $0x7, v2  }
0x42: {  	v2 =	vor.u32 v2, v3  }
0x43: {  	v2 =	vperm.xlane v2, v0;
	_ =	sdelay $0x1  }
0x44: {  	v2 =	vadd.s32 v1, v2;
	_ =	sdelay $0x3  }
0x45: {  	s11 =	simm.s32 $0xC400  }
0x46: {  	[tilespmem:s11], [sflag:$0x9] =	stream.indirect_vreg.gather [hbm4b:s3+s5], $0x80, v2, vm0, $0xb8;
	[tilespmem:$0x18400] =	vst v63  }
0x47: {  	s13 =	simm.s32 $0xCC00  }
0x48: {  	[tilespmem:s13], [sflag:$0x9] =	stream.indirect_vreg.gather [hbm4b:s9+s5], $0x80, v2, vm0, $0xb8;
	[tilespmem:$0x18400] =	vst v63  }
0x49: {  	s18 =	simm.s32 $0xD400  }
0x4a: {  	[tilespmem:s18], [sflag:$0x9] =	stream.indirect_vreg.gather [hbm4b:s10+s5], $0x80, v2, vm0, $0xb8;
	[tilespmem:$0x18400] =	vst v63  }
0x4b: {  	s19 =	rddreg [dreg:$0x7];
	s20 =	simm.s32 $0x1C00  }
0x4c: {  	[tilespmem:s20], [sflag:$0x2] =	stream.linear.gather [hbm4b:s19+s5], $0x1800, $0x38;
	[tilespmem:$0x18400] =	vst v63  }
0x4d: {  	v2 =	vld.msk [tilespmem:$0x8], $0xff;
	_ =	sdelay $0x4  }
0x4e: {  	v3 =	vshrl.u32 v2, $0x3  }
0x4f: {  	v3 =	vmul.u32 $0x30, v3  }
0x50: {  	v2 =	vand.u32 $0x7, v2  }
0x51: {  	v2 =	vor.u32 v2, v3  }
0x52: {  	v2 =	vperm.xlane v2, v0;
	_ =	sdelay $0x1  }
0x53: {  	v2 =	vadd.s32 v1, v2;
	_ =	sdelay $0x3  }
0x54: {  	s11 =	simm.s32 $0xDC00  }
0x55: {  	[tilespmem:s11], [sflag:$0xA] =	stream.indirect_vreg.gather [hbm4b:s3+s5], $0x80, v2, vm0, $0xb8;
	[tilespmem:$0x18400] =	vst v63  }
0x56: {  	s13 =	simm.s32 $0xE400  }
0x57: {  	[tilespmem:s13], [sflag:$0xA] =	stream.indirect_vreg.gather [hbm4b:s9+s5], $0x80, v2, vm0, $0xb8;
	[tilespmem:$0x18400] =	vst v63  }
0x58: {  	s18 =	simm.s32 $0xEC00  }
0x59: {  	[tilespmem:s18], [sflag:$0xA] =	stream.indirect_vreg.gather [hbm4b:s10+s5], $0x80, v2, vm0, $0xb8;
	[tilespmem:$0x18400] =	vst v63  }
0x5a: {  	s19 =	rddreg [dreg:$0x8];
	s20 =	simm.s32 $0x3400  }
0x5b: {  	[tilespmem:s20], [sflag:$0x3] =	stream.linear.gather [hbm4b:s19+s5], $0x1800, $0x38;
	[tilespmem:$0x18400] =	vst v63  }
0x5c: {  	v2 =	vld.msk [tilespmem:$0x10], $0xff;
	_ =	sdelay $0x4  }
0x5d: {  	v3 =	vshrl.u32 v2, $0x3  }
0x5e: {  	v3 =	vmul.u32 $0x30, v3  }
0x5f: {  	v2 =	vand.u32 $0x7, v2  }
0x60: {  	v2 =	vor.u32 v2, v3  }
0x61: {  	v2 =	vperm.xlane v2, v0;
	_ =	sdelay $0x1  }
0x62: {  	v2 =	vadd.s32 v1, v2;
	_ =	sdelay $0x3  }
0x63: {  	s11 =	simm.s32 $0xF400  }
0x64: {  	[tilespmem:s11], [sflag:$0xB] =	stream.indirect_vreg.gather [hbm4b:s3+s5], $0x80, v2, vm0, $0xb8;
	[tilespmem:$0x18400] =	vst v63  }
0x65: {  	s13 =	simm.s32 $0xFC00  }
0x66: {  	[tilespmem:s13], [sflag:$0xB] =	stream.indirect_vreg.gather [hbm4b:s9+s5], $0x80, v2, vm0, $0xb8;
	[tilespmem:$0x18400] =	vst v63  }
0x67: {  	s18 =	simm.s32 $0x10400  }
0x68: {  	[tilespmem:s18], [sflag:$0xB] =	stream.indirect_vreg.gather [hbm4b:s10+s5], $0x80, v2, vm0, $0xb8;
	[tilespmem:$0x18400] =	vst v63  }
0x69: {  	s19 =	rddreg [dreg:$0x9];
	s20 =	simm.s32 $0x4C00  }
0x6a: {  	[tilespmem:s20], [sflag:$0x4] =	stream.linear.gather [hbm4b:s19+s5], $0x1800, $0x38;
	[tilespmem:$0x18400] =	vst v63  }
0x6b: {  	v2 =	vld.msk [tilespmem:$0x18], $0xff;
	_ =	sdelay $0x4  }
0x6c: {  	v3 =	vshrl.u32 v2, $0x3  }
0x6d: {  	v3 =	vmul.u32 $0x30, v3  }
0x6e: {  	v2 =	vand.u32 $0x7, v2  }
0x6f: {  	v2 =	vor.u32 v2, v3  }
0x70: {  	v2 =	vperm.xlane v2, v0;
	_ =	sdelay $0x1  }
0x71: {  	v2 =	vadd.s32 v1, v2;
	_ =	sdelay $0x3  }
0x72: {  	s11 =	simm.s32 $0x10C00  }
0x73: {  	[tilespmem:s11], [sflag:$0xC] =	stream.indirect_vreg.gather [hbm4b:s3+s5], $0x80, v2, vm0, $0xb8;
	[tilespmem:$0x18400] =	vst v63  }
0x74: {  	s13 =	simm.s32 $0x11400  }
0x75: {  	[tilespmem:s13], [sflag:$0xC] =	stream.indirect_vreg.gather [hbm4b:s9+s5], $0x80, v2, vm0, $0xb8;
	[tilespmem:$0x18400] =	vst v63  }
0x76: {  	s18 =	simm.s32 $0x11C00  }
0x77: {  	[tilespmem:s18], [sflag:$0xC] =	stream.indirect_vreg.gather [hbm4b:s10+s5], $0x80, v2, vm0, $0xb8;
	[tilespmem:$0x18400] =	vst v63  }
0x78: {  	s19 =	rddreg [dreg:$0xa];
	s20 =	simm.s32 $0x6400  }
0x79: {  	[tilespmem:s20], [sflag:$0x5] =	stream.linear.gather [hbm4b:s19+s5], $0x1800, $0x38;
	[tilespmem:$0x18400] =	vst v63  }
0x7a: {  	v2 =	vld.msk [tilespmem:$0x20], $0xff;
	_ =	sdelay $0x4  }
0x7b: {  	v3 =	vshrl.u32 v2, $0x3  }
0x7c: {  	v3 =	vmul.u32 $0x30, v3  }
0x7d: {  	v2 =	vand.u32 $0x7, v2  }
0x7e: {  	v2 =	vor.u32 v2, v3  }
0x7f: {  	v2 =	vperm.xlane v2, v0;
	_ =	sdelay $0x1  }
0x80: {  	v2 =	vadd.s32 v1, v2;
	_ =	sdelay $0x3  }
0x81: {  	s11 =	simm.s32 $0x12400  }
0x82: {  	[tilespmem:s11], [sflag:$0xD] =	stream.indirect_vreg.gather [hbm4b:s3+s5], $0x80, v2, vm0, $0xb8;
	[tilespmem:$0x18400] =	vst v63  }
0x83: {  	s13 =	simm.s32 $0x12C00  }
0x84: {  	[tilespmem:s13], [sflag:$0xD] =	stream.indirect_vreg.gather [hbm4b:s9+s5], $0x80, v2, vm0, $0xb8;
	[tilespmem:$0x18400] =	vst v63  }
0x85: {  	s18 =	simm.s32 $0x13400  }
0x86: {  	[tilespmem:s18], [sflag:$0xD] =	stream.indirect_vreg.gather [hbm4b:s10+s5], $0x80, v2, vm0, $0xb8;
	[tilespmem:$0x18400] =	vst v63  }
0x87: {  	s19 =	rddreg [dreg:$0xb];
	s20 =	simm.s32 $0x7C00  }
0x88: {  	[tilespmem:s20], [sflag:$0x6] =	stream.linear.gather [hbm4b:s19+s5], $0x1800, $0x38;
	[tilespmem:$0x18400] =	vst v63  }
0x89: {  	v2 =	vld.msk [tilespmem:$0x28], $0xff;
	_ =	sdelay $0x4  }
0x8a: {  	v3 =	vshrl.u32 v2, $0x3  }
0x8b: {  	v3 =	vmul.u32 $0x30, v3  }
0x8c: {  	v2 =	vand.u32 $0x7, v2  }
0x8d: {  	v2 =	vor.u32 v2, v3  }
0x8e: {  	v2 =	vperm.xlane v2, v0;
	_ =	sdelay $0x1  }
0x8f: {  	v2 =	vadd.s32 v1, v2;
	_ =	sdelay $0x3  }
0x90: {  	s7 =	simm.s32 $0x13C00  }
0x91: {  	[tilespmem:s7], [sflag:$0xE] =	stream.indirect_vreg.gather [hbm4b:s3+s5], $0x80, v2, vm0, $0xb8;
	[tilespmem:$0x18400] =	vst v63  }
0x92: {  	s11 =	simm.s32 $0x14400  }
0x93: {  	[tilespmem:s11], [sflag:$0xE] =	stream.indirect_vreg.gather [hbm4b:s9+s5], $0x80, v2, vm0, $0xb8;
	[tilespmem:$0x18400] =	vst v63  }
0x94: {  	s13 =	simm.s32 $0x14C00  }
0x95: {  	[tilespmem:s13], [sflag:$0xE] =	stream.indirect_vreg.gather [hbm4b:s10+s5], $0x80, v2, vm0, $0xb8;
	[tilespmem:$0x18400] =	vst v63  }
0x96: {  	s18 =	rddreg [dreg:$0xc];
	s19 =	simm.s32 $0x9400  }
0x97: {  	[tilespmem:s19], [sflag:$0x7] =	stream.linear.gather [hbm4b:s18+s5], $0x1800, $0x38;
	[tilespmem:$0x18400] =	vst v63  }
0x98: {  	v2 =	vld.msk [tilespmem:$0x30], $0xff;
	_ =	sdelay $0x4  }
0x99: {  	v3 =	vshrl.u32 v2, $0x3  }
0x9a: {  	v3 =	vmul.u32 $0x30, v3  }
0x9b: {  	v2 =	vand.u32 $0x7, v2  }
0x9c: {  	v2 =	vor.u32 v2, v3  }
0x9d: {  	v2 =	vperm.xlane v2, v0;
	_ =	sdelay $0x1  }
0x9e: {  	v2 =	vadd.s32 v1, v2;
	_ =	sdelay $0x4  }
0x9f: {  	[tilespmem:s21], [sflag:$0xF] =	stream.indirect_vreg.gather [hbm4b:s3+s5], $0x80, v2, vm0, $0xb8;
	[tilespmem:$0x18400] =	vst v63  }
0xa0: {  	s20 =	simm.s32 $0x15C00  }
0xa1: {  	[tilespmem:s20], [sflag:$0xF] =	stream.indirect_vreg.gather [hbm4b:s9+s5], $0x80, v2, vm0, $0xb8;
	[tilespmem:$0x18400] =	vst v63  }
0xa2: {  	s31 =	simm.s32 $0x0;
	s21 =	simm.s32 $0x16400  }
0xa3: {  	[tilespmem:s21], [sflag:$0xF] =	stream.indirect_vreg.gather [hbm4b:s10+s5], $0x80, v2, vm0, $0xb8;
	[tilespmem:$0x18400] =	vst v63  }
.LBB2_2:
0xa4: {  	s4 =	simm.s32 $0x1  }
0xa5: {  	_ =	swait.ge [sflag:s4], $0x1800  }
0xa6: {  	[sflag:s4] =	ssyncset.done $0x0  }
0xa7: {  	s21 =	simm.s32 $0x9;
	[sflag:s4] =	ssyncadd.s32 $0xFFFFE800  }
0xa8: {  	_ =	swait.ge [sflag:s21], $0x1800  }
0xa9: {  	[sflag:s21] =	ssyncset.done $0x0  }
0xaa: {  	s18 =	simm.s32 $0x0;
	s19 =	simm.s32 $0x0;
	[sflag:s21] =	ssyncadd.s32 $0xFFFFE800  }
.LBB2_3:
0xab: {  	s13 =	sshra.s32 s18, $0x2  }
0xac: {  	v2 =	vld [tilespmem:s13+$0x870]  }
0xad: {  	v3 =	vld [tilespmem:s13+$0x400]  }
0xae: {  	v4 =	vld [tilespmem:s13+$0x410]  }
0xaf: {  	v5 =	vld [tilespmem:s13+$0x420]  }
0xb0: {  	v6 =	vld [tilespmem:s13+$0x430]  }
0xb1: {  	v7 =	vld [tilespmem:s13+$0x440]  }
0xb2: {  	v8 =	vld [tilespmem:s13+$0x450]  }
0xb3: {  	v9 =	vld [tilespmem:s13+$0x460]  }
0xb4: {  	v10 =	vld [tilespmem:s13+$0x470]  }
0xb5: {  	v11 =	vld [tilespmem:s13+$0x800]  }
0xb6: {  	v12 =	vld [tilespmem:s13+$0x810]  }
0xb7: {  	v13 =	vld [tilespmem:s13+$0x820]  }
0xb8: {  	v14 =	vld [tilespmem:s13+$0x830]  }
0xb9: {  	v15 =	vld [tilespmem:s13+$0x840]  }
0xba: {  	v16 =	vld [tilespmem:s13+$0x850]  }
0xbb: {  	[tilespmem:s13+$0xC870] =	vst.add.f32.msk $0xffff, v2  }
0xbc: {  	v2 =	vld [tilespmem:s13+$0x860]  }
0xbd: {  	[tilespmem:s13+$0xC400] =	vst.add.f32.msk $0xffff, v3  }
0xbe: {  	[tilespmem:s13+$0xC410] =	vst.add.f32.msk $0xffff, v4  }
0xbf: {  	[tilespmem:s13+$0xC420] =	vst.add.f32.msk $0xffff, v5  }
0xc0: {  	[tilespmem:s13+$0xC430] =	vst.add.f32.msk $0xffff, v6  }
0xc1: {  	[tilespmem:s13+$0xC440] =	vst.add.f32.msk $0xffff, v7  }
0xc2: {  	[tilespmem:s13+$0xC450] =	vst.add.f32.msk $0xffff, v8  }
0xc3: {  	[tilespmem:s13+$0xC460] =	vst.add.f32.msk $0xffff, v9  }
0xc4: {  	[tilespmem:s13+$0xC470] =	vst.add.f32.msk $0xffff, v10  }
0xc5: {  	[tilespmem:s13+$0xC800] =	vst.add.f32.msk $0xffff, v11  }
0xc6: {  	[tilespmem:s13+$0xC810] =	vst.add.f32.msk $0xffff, v12  }
0xc7: {  	[tilespmem:s13+$0xC820] =	vst.add.f32.msk $0xffff, v13  }
0xc8: {  	[tilespmem:s13+$0xC830] =	vst.add.f32.msk $0xffff, v14  }
0xc9: {  	[tilespmem:s13+$0xC840] =	vst.add.f32.msk $0xffff, v15  }
0xca: {  	s4 =	simm.s32 $0x0;
	s7 =	sadd.s32 $0x2000, s18;
	[tilespmem:s13+$0xC850] =	vst.add.f32.msk $0xffff, v16  }
.LBB2_4:
0xcb: {  	s4 =	sadd.s32 $0x10, s4;
	[tilespmem:s13+$0xC860] =	vst.add.f32.msk $0xffff, v2;
	s13 =	sshra.s32 s7, $0x2  }
0xcc: {  	v2 =	vld [tilespmem:s13+$0x870];
	p0 =	slt.u32 s4, $0x20  }
0xcd: {  	v3 =	vld [tilespmem:s13+$0x400]  }
0xce: {  	v4 =	vld [tilespmem:s13+$0x410]  }
0xcf: {  	v5 =	vld [tilespmem:s13+$0x420]  }
0xd0: {  	v6 =	vld [tilespmem:s13+$0x430]  }
0xd1: {  	[tilespmem:s13+$0xC870] =	vst.add.f32.msk $0xffff, v2  }
0xd2: {  	v7 =	vld [tilespmem:s13+$0x440]  }
0xd3: {  	v8 =	vld [tilespmem:s13+$0x450]  }
0xd4: {  	v9 =	vld [tilespmem:s13+$0x460]  }
0xd5: {  	v10 =	vld [tilespmem:s13+$0x470]  }
0xd6: {  	v11 =	vld [tilespmem:s13+$0x800]  }
0xd7: {  	v12 =	vld [tilespmem:s13+$0x810]  }
0xd8: {  	v13 =	vld [tilespmem:s13+$0x820]  }
0xd9: {  	v14 =	vld [tilespmem:s13+$0x830]  }
0xda: {  	v15 =	vld [tilespmem:s13+$0x840]  }
0xdb: {  	v16 =	vld [tilespmem:s13+$0x850]  }
0xdc: {  	v2 =	vld [tilespmem:s13+$0x860]  }
0xdd: {  	[tilespmem:s13+$0xC400] =	vst.add.f32.msk $0xffff, v3  }
0xde: {  	[tilespmem:s13+$0xC410] =	vst.add.f32.msk $0xffff, v4  }
0xdf: {  	[tilespmem:s13+$0xC420] =	vst.add.f32.msk $0xffff, v5  }
0xe0: {  	[tilespmem:s13+$0xC430] =	vst.add.f32.msk $0xffff, v6  }
0xe1: {  	[tilespmem:s13+$0xC440] =	vst.add.f32.msk $0xffff, v7  }
0xe2: {  	[tilespmem:s13+$0xC450] =	vst.add.f32.msk $0xffff, v8  }
0xe3: {  	[tilespmem:s13+$0xC460] =	vst.add.f32.msk $0xffff, v9  }
0xe4: {  	[tilespmem:s13+$0xC470] =	vst.add.f32.msk $0xffff, v10  }
0xe5: {  	[tilespmem:s13+$0xC800] =	vst.add.f32.msk $0xffff, v11  }
.Ltmp2:
0xe6: {  	[tilespmem:s13+$0xC810] =	vst.add.f32.msk $0xffff, v12;
	(pc) =	sbr.rel @p0 .LBB2_4-.Ltmp2, $4  }
0xe7: {  	[tilespmem:s13+$0xC820] =	vst.add.f32.msk $0xffff, v13  }
0xe8: {  	[tilespmem:s13+$0xC830] =	vst.add.f32.msk $0xffff, v14  }
0xe9: {  	[tilespmem:s13+$0xC840] =	vst.add.f32.msk $0xffff, v15  }
0xea: {  	s7 =	sadd.s32 $0x2000, s7;
	[tilespmem:s13+$0xC850] =	vst.add.f32.msk $0xffff, v16  }
0xeb: {  	s19 =	sadd.s32 $0x1, s19  }
0xec: {  	p0 =	sne.s32 s19, $0x8  }
.Ltmp3:
0xed: {  	_ = 	snop;
	(pc) =	sbr.rel @p0 .LBB2_3-.Ltmp3, $2  }
0xee: {  	_ =	sdelay $0x2  }
0xef: {  	[tilespmem:s13+$0xC860] =	vst.add.f32.msk $0xffff, v2;
	s18 =	sadd.s32 $0x200, s18  }
0xf0: {  	s18 =	sshll.u32 s31, $0x6  }
0xf1: {  	s4 =	sor.u32 s6, s18  }
0xf2: {  	s4 =	sshrl.u32 s4, $0x3  }
0xf3: {  	s20 =	smul.u32 $0x300, s4  }
0xf4: {  	s19 =	rddreg [dreg:$0x3]  }
0xf5: {  	s7 =	simm.s32 $0xC400;
	s4 =	sadd.s32 s19, s20  }
0xf6: {  	[hbm4b:s4+s5] =	stream.linear.scatter [tilespmem:s7], [sflag:$0x11], $0x1800, $0x38;
	[tilespmem:$0x18400] =	vst v63  }
0xf7: {  	s4 =	sor.u32 $0x38, s18  }
0xf8: {  	p0 =	seq.s32 s31, $0x0;
	s21 =	sor.u32 s6, s4  }
0xf9: {  	s11 =	simm.s32 @!p0 $0x18;
	s7 =	sshrl.u32 s21, $0x3  }
0xfa: {  	_ =	swait.ge @!p0 [sflag:s11], $0x1800;
	s19 =	smul.u32 $0x300, s7  }
0xfb: {  	s13 =	simm.s32 $0xAC00;
	[sflag:s11] =	ssyncset.done @!p0 $0x0  }
0xfc: {  	s21 =	simm.s32 $0x0;
	[sflag:s11] =	ssyncadd.s32 @!p0 $0xFFFFE800;
	s7 =	sadd.s32 s1, s19  }
0xfd: {  	[tilespmem:s13], [sflag:$0x8] =	stream.linear.gather [hbm4b:s7+s21], $0x1800, $0x38;
	[tilespmem:$0x18400] =	vst v63  }
0xfe: {  	v2 =	vld.msk [tilespmem:s4+$0x0], $0xff;
	_ =	sdelay $0x4  }
0xff: {  	v3 =	vshrl.u32 v2, $0x3  }
0x100: {  	v3 =	vmul.u32 $0x30, v3  }
0x101: {  	v2 =	vand.u32 $0x7, v2  }
0x102: {  	v2 =	vor.u32 v2, v3  }
0x103: {  	v2 =	vperm.xlane v2, v0;
	_ =	sdelay $0x1  }
0x104: {  	v2 =	vadd.s32 v1, v2;
	_ =	sdelay $0x4  }
0x105: {  	[tilespmem:s30], [sflag:$0x10] =	stream.indirect_vreg.gather [hbm4b:s3+s21], $0x80, v2, vm0, $0xb8;
	[tilespmem:$0x18400] =	vst v63  }
0x106: {  	s11 =	simm.s32 $0x17400  }
0x107: {  	[tilespmem:s11], [sflag:$0x10] =	stream.indirect_vreg.gather [hbm4b:s9+s21], $0x80, v2, vm0, $0xb8;
	[tilespmem:$0x18400] =	vst v63  }
0x108: {  	s13 =	simm.s32 $0x17C00  }
0x109: {  	[tilespmem:s13], [sflag:$0x10] =	stream.indirect_vreg.gather [hbm4b:s10+s21], $0x80, v2, vm0, $0xb8;
	[tilespmem:$0x18400] =	vst v63  }
0x10a: {  	_ =	swait.ge [sflag:s16], $0x1800  }
0x10b: {  	[sflag:s16] =	ssyncset.done $0x0  }
0x10c: {  	[sflag:s16] =	ssyncadd.s32 $0xFFFFE800  }
0x10d: {  	_ =	swait.ge [sflag:s17], $0x1800  }
0x10e: {  	[sflag:s17] =	ssyncset.done $0x0  }
0x10f: {  	s30 =	simm.s32 $0x0;
	[sflag:s17] =	ssyncadd.s32 $0xFFFFE800  }
.LBB2_7:
0x110: {  	s13 =	sshra.s32 s21, $0x2  }
0x111: {  	v2 =	vld [tilespmem:s13+$0x2070]  }
0x112: {  	v3 =	vld [tilespmem:s13+$0x1C00]  }
0x113: {  	v4 =	vld [tilespmem:s13+$0x1C10]  }
0x114: {  	v5 =	vld [tilespmem:s13+$0x1C20]  }
0x115: {  	v6 =	vld [tilespmem:s13+$0x1C30]  }
0x116: {  	v7 =	vld [tilespmem:s13+$0x1C40]  }
0x117: {  	v8 =	vld [tilespmem:s13+$0x1C50]  }
0x118: {  	v9 =	vld [tilespmem:s13+$0x1C60]  }
0x119: {  	v10 =	vld [tilespmem:s13+$0x1C70]  }
0x11a: {  	v11 =	vld [tilespmem:s13+$0x2000]  }
0x11b: {  	v12 =	vld [tilespmem:s13+$0x2010]  }
0x11c: {  	v13 =	vld [tilespmem:s13+$0x2020]  }
0x11d: {  	v14 =	vld [tilespmem:s13+$0x2030]  }
0x11e: {  	v15 =	vld [tilespmem:s13+$0x2040]  }
0x11f: {  	v16 =	vld [tilespmem:s13+$0x2050]  }
0x120: {  	[tilespmem:s13+$0xE070] =	vst.add.f32.msk $0xffff, v2  }
0x121: {  	v2 =	vld [tilespmem:s13+$0x2060]  }
0x122: {  	[tilespmem:s13+$0xDC00] =	vst.add.f32.msk $0xffff, v3  }
0x123: {  	[tilespmem:s13+$0xDC10] =	vst.add.f32.msk $0xffff, v4  }
0x124: {  	[tilespmem:s13+$0xDC20] =	vst.add.f32.msk $0xffff, v5  }
0x125: {  	[tilespmem:s13+$0xDC30] =	vst.add.f32.msk $0xffff, v6  }
0x126: {  	[tilespmem:s13+$0xDC40] =	vst.add.f32.msk $0xffff, v7  }
0x127: {  	[tilespmem:s13+$0xDC50] =	vst.add.f32.msk $0xffff, v8  }
0x128: {  	[tilespmem:s13+$0xDC60] =	vst.add.f32.msk $0xffff, v9  }
0x129: {  	[tilespmem:s13+$0xDC70] =	vst.add.f32.msk $0xffff, v10  }
0x12a: {  	[tilespmem:s13+$0xE000] =	vst.add.f32.msk $0xffff, v11  }
0x12b: {  	[tilespmem:s13+$0xE010] =	vst.add.f32.msk $0xffff, v12  }
0x12c: {  	[tilespmem:s13+$0xE020] =	vst.add.f32.msk $0xffff, v13  }
0x12d: {  	[tilespmem:s13+$0xE030] =	vst.add.f32.msk $0xffff, v14  }
0x12e: {  	[tilespmem:s13+$0xE040] =	vst.add.f32.msk $0xffff, v15  }
0x12f: {  	s4 =	simm.s32 $0x0;
	s7 =	sadd.s32 $0x2000, s21;
	[tilespmem:s13+$0xE050] =	vst.add.f32.msk $0xffff, v16  }
.LBB2_8:
0x130: {  	s4 =	sadd.s32 $0x10, s4;
	[tilespmem:s13+$0xE060] =	vst.add.f32.msk $0xffff, v2;
	s13 =	sshra.s32 s7, $0x2  }
0x131: {  	v2 =	vld [tilespmem:s13+$0x2070];
	p0 =	slt.u32 s4, $0x20  }
0x132: {  	v3 =	vld [tilespmem:s13+$0x1C00]  }
0x133: {  	v4 =	vld [tilespmem:s13+$0x1C10]  }
0x134: {  	v5 =	vld [tilespmem:s13+$0x1C20]  }
0x135: {  	v6 =	vld [tilespmem:s13+$0x1C30]  }
0x136: {  	[tilespmem:s13+$0xE070] =	vst.add.f32.msk $0xffff, v2  }
0x137: {  	v7 =	vld [tilespmem:s13+$0x1C40]  }
0x138: {  	v8 =	vld [tilespmem:s13+$0x1C50]  }
0x139: {  	v9 =	vld [tilespmem:s13+$0x1C60]  }
0x13a: {  	v10 =	vld [tilespmem:s13+$0x1C70]  }
0x13b: {  	v11 =	vld [tilespmem:s13+$0x2000]  }
0x13c: {  	v12 =	vld [tilespmem:s13+$0x2010]  }
0x13d: {  	v13 =	vld [tilespmem:s13+$0x2020]  }
0x13e: {  	v14 =	vld [tilespmem:s13+$0x2030]  }
0x13f: {  	v15 =	vld [tilespmem:s13+$0x2040]  }
0x140: {  	v16 =	vld [tilespmem:s13+$0x2050]  }
0x141: {  	v2 =	vld [tilespmem:s13+$0x2060]  }
0x142: {  	[tilespmem:s13+$0xDC00] =	vst.add.f32.msk $0xffff, v3  }
0x143: {  	[tilespmem:s13+$0xDC10] =	vst.add.f32.msk $0xffff, v4  }
0x144: {  	[tilespmem:s13+$0xDC20] =	vst.add.f32.msk $0xffff, v5  }
0x145: {  	[tilespmem:s13+$0xDC30] =	vst.add.f32.msk $0xffff, v6  }
0x146: {  	[tilespmem:s13+$0xDC40] =	vst.add.f32.msk $0xffff, v7  }
0x147: {  	[tilespmem:s13+$0xDC50] =	vst.add.f32.msk $0xffff, v8  }
0x148: {  	[tilespmem:s13+$0xDC60] =	vst.add.f32.msk $0xffff, v9  }
0x149: {  	[tilespmem:s13+$0xDC70] =	vst.add.f32.msk $0xffff, v10  }
0x14a: {  	[tilespmem:s13+$0xE000] =	vst.add.f32.msk $0xffff, v11  }
.Ltmp4:
0x14b: {  	[tilespmem:s13+$0xE010] =	vst.add.f32.msk $0xffff, v12;
	(pc) =	sbr.rel @p0 .LBB2_8-.Ltmp4, $4  }
0x14c: {  	[tilespmem:s13+$0xE020] =	vst.add.f32.msk $0xffff, v13  }
0x14d: {  	[tilespmem:s13+$0xE030] =	vst.add.f32.msk $0xffff, v14  }
0x14e: {  	[tilespmem:s13+$0xE040] =	vst.add.f32.msk $0xffff, v15  }
0x14f: {  	s7 =	sadd.s32 $0x2000, s7;
	[tilespmem:s13+$0xE050] =	vst.add.f32.msk $0xffff, v16  }
0x150: {  	s30 =	sadd.s32 $0x1, s30  }
0x151: {  	p0 =	sne.s32 s30, $0x8  }
.Ltmp5:
0x152: {  	_ = 	snop;
	(pc) =	sbr.rel @p0 .LBB2_7-.Ltmp5, $2  }
0x153: {  	_ =	sdelay $0x2  }
0x154: {  	[tilespmem:s13+$0xE060] =	vst.add.f32.msk $0xffff, v2;
	s21 =	sadd.s32 $0x200, s21  }
0x155: {  	s4 =	rddreg [dreg:$0x3]  }
0x156: {  	s21 =	sadd.s32 s20, s4  }
0x157: {  	s7 =	simm.s32 $0xDC00;
	p0 =	seq.s32 s31, $0xF;
	s4 =	sadd.s32 $0x300, s21  }
0x158: {  	[hbm4b:s4+s5] =	stream.linear.scatter [tilespmem:s7], [sflag:$0x12], $0x1800, $0x38;
	[tilespmem:$0x18400] =	vst v63  }
0x159: {  	s4 =	sadd.s32 @!p0 $0x40, s18  }
0x15a: {  	s4 =	sadd.s32 @!p0 s6, s4  }
0x15b: {  	s7 =	simm.s32 @!p0 $0x11;
	s4 =	sshrl.u32 @!p0 s4, $0x3  }
0x15c: {  	_ =	swait.ge @!p0 [sflag:s7], $0x1800;
	s4 =	smul.u32 @!p0 $0x300, s4  }
0x15d: {  	s11 =	simm.s32 @!p0 $0x400;
	[sflag:s7] =	ssyncset.done @!p0 $0x0  }
0x15e: {  	[sflag:s7] =	ssyncadd.s32 @!p0 $0xFFFFE800;
	s7 =	simm.s32 @!p0 $0x0;
	s4 =	sadd.s32 @!p0 s1, s4  }
0x15f: {  	[tilespmem:s11], [sflag:$0x1] =	stream.linear.gather @!p0 [hbm4b:s4+s7], $0x1800, $0x38;
	[tilespmem:$0x18400] =	vst v63  }
0x160: {  	v2 =	vld.msk @!p0 [tilespmem:s18+$0x40], $0xff;
	_ =	sdelay $0x4  }
0x161: {  	v3 =	vshrl.u32 @!p0 v2, $0x3  }
0x162: {  	v3 =	vmul.u32 @!p0 $0x30, v3  }
0x163: {  	v4 =	vlaneseq.u32 @!p0;
	v2 =	vand.u32 @!p0 $0x7, v2  }
0x164: {  	v2 =	vor.u32 @!p0 v2, v3;
	v3 =	vand.u32 @!p0 $0x7, v4;
	v4 =	vshrl.u32 @!p0 v4, $0x3  }
0x165: {  	v2 =	vperm.xlane @!p0 v2, v3;
	v3 =	vmul.u32 @!p0 $0x8, v4;
	_ =	sdelay $0x1  }
0x166: {  	v2 =	vadd.s32 @!p0 v3, v2;
	_ =	sdelay $0x3  }
0x167: {  	vm1 =	vmmov @!p0 $0xffff;
	s4 =	simm.s32 @!p0 $0xC400  }
0x168: {  	[tilespmem:s4], [sflag:$0x9] =	stream.indirect_vreg.gather @!p0 [hbm4b:s3+s7], $0x80, v2, vm1, $0xb8;
	[tilespmem:$0x18400] =	vst v63  }
0x169: {  	s4 =	simm.s32 @!p0 $0xCC00  }
0x16a: {  	[tilespmem:s4], [sflag:$0x9] =	stream.indirect_vreg.gather @!p0 [hbm4b:s9+s7], $0x80, v2, vm1, $0xb8;
	[tilespmem:$0x18400] =	vst v63  }
0x16b: {  	s4 =	simm.s32 @!p0 $0xD400  }
0x16c: {  	[tilespmem:s4], [sflag:$0x9] =	stream.indirect_vreg.gather @!p0 [hbm4b:s10+s7], $0x80, v2, vm1, $0xb8;
	[tilespmem:$0x18400] =	vst v63  }
0x16d: {  	_ =	swait.ge [sflag:s8], $0x1800  }
0x16e: {  	[sflag:s8] =	ssyncset.done $0x0  }
0x16f: {  	[sflag:s8] =	ssyncadd.s32 $0xFFFFE800  }
0x170: {  	_ =	swait.ge [sflag:s22], $0x1800  }
0x171: {  	[sflag:s22] =	ssyncset.done $0x0  }
0x172: {  	s30 =	simm.s32 $0x0;
	s13 =	simm.s32 $0x0;
	[sflag:s22] =	ssyncadd.s32 $0xFFFFE800  }
.LBB2_11:
0x173: {  	s4 =	sshra.s32 s30, $0x2  }
0x174: {  	v2 =	vld [tilespmem:s4+$0x3870]  }
0x175: {  	v3 =	vld [tilespmem:s4+$0x3400]  }
0x176: {  	v4 =	vld [tilespmem:s4+$0x3410]  }
0x177: {  	v5 =	vld [tilespmem:s4+$0x3420]  }
0x178: {  	v6 =	vld [tilespmem:s4+$0x3430]  }
0x179: {  	v7 =	vld [tilespmem:s4+$0x3440]  }
0x17a: {  	v8 =	vld [tilespmem:s4+$0x3450]  }
0x17b: {  	v9 =	vld [tilespmem:s4+$0x3460]  }
0x17c: {  	v10 =	vld [tilespmem:s4+$0x3470]  }
0x17d: {  	v11 =	vld [tilespmem:s4+$0x3800]  }
0x17e: {  	v12 =	vld [tilespmem:s4+$0x3810]  }
0x17f: {  	v13 =	vld [tilespmem:s4+$0x3820]  }
0x180: {  	v14 =	vld [tilespmem:s4+$0x3830]  }
0x181: {  	v15 =	vld [tilespmem:s4+$0x3840]  }
0x182: {  	v16 =	vld [tilespmem:s4+$0x3850]  }
0x183: {  	[tilespmem:s4+$0xF870] =	vst.add.f32.msk $0xffff, v2  }
0x184: {  	v2 =	vld [tilespmem:s4+$0x3860]  }
0x185: {  	[tilespmem:s4+$0xF400] =	vst.add.f32.msk $0xffff, v3  }
0x186: {  	[tilespmem:s4+$0xF410] =	vst.add.f32.msk $0xffff, v4  }
0x187: {  	[tilespmem:s4+$0xF420] =	vst.add.f32.msk $0xffff, v5  }
0x188: {  	[tilespmem:s4+$0xF430] =	vst.add.f32.msk $0xffff, v6  }
0x189: {  	[tilespmem:s4+$0xF440] =	vst.add.f32.msk $0xffff, v7  }
0x18a: {  	[tilespmem:s4+$0xF450] =	vst.add.f32.msk $0xffff, v8  }
0x18b: {  	[tilespmem:s4+$0xF460] =	vst.add.f32.msk $0xffff, v9  }
0x18c: {  	[tilespmem:s4+$0xF470] =	vst.add.f32.msk $0xffff, v10  }
0x18d: {  	[tilespmem:s4+$0xF800] =	vst.add.f32.msk $0xffff, v11  }
0x18e: {  	[tilespmem:s4+$0xF810] =	vst.add.f32.msk $0xffff, v12  }
0x18f: {  	[tilespmem:s4+$0xF820] =	vst.add.f32.msk $0xffff, v13  }
0x190: {  	[tilespmem:s4+$0xF830] =	vst.add.f32.msk $0xffff, v14  }
0x191: {  	[tilespmem:s4+$0xF840] =	vst.add.f32.msk $0xffff, v15  }
0x192: {  	s7 =	simm.s32 $0x0;
	s11 =	sadd.s32 $0x2000, s30;
	[tilespmem:s4+$0xF850] =	vst.add.f32.msk $0xffff, v16  }
.LBB2_12:
0x193: {  	s7 =	sadd.s32 $0x10, s7;
	[tilespmem:s4+$0xF860] =	vst.add.f32.msk $0xffff, v2;
	s4 =	sshra.s32 s11, $0x2  }
0x194: {  	v2 =	vld [tilespmem:s4+$0x3870];
	p1 =	slt.u32 s7, $0x20  }
0x195: {  	v3 =	vld [tilespmem:s4+$0x3400]  }
0x196: {  	v4 =	vld [tilespmem:s4+$0x3410]  }
0x197: {  	v5 =	vld [tilespmem:s4+$0x3420]  }
0x198: {  	v6 =	vld [tilespmem:s4+$0x3430]  }
0x199: {  	[tilespmem:s4+$0xF870] =	vst.add.f32.msk $0xffff, v2  }
0x19a: {  	v7 =	vld [tilespmem:s4+$0x3440]  }
0x19b: {  	v8 =	vld [tilespmem:s4+$0x3450]  }
0x19c: {  	v9 =	vld [tilespmem:s4+$0x3460]  }
0x19d: {  	v10 =	vld [tilespmem:s4+$0x3470]  }
0x19e: {  	v11 =	vld [tilespmem:s4+$0x3800]  }
0x19f: {  	v12 =	vld [tilespmem:s4+$0x3810]  }
0x1a0: {  	v13 =	vld [tilespmem:s4+$0x3820]  }
0x1a1: {  	v14 =	vld [tilespmem:s4+$0x3830]  }
0x1a2: {  	v15 =	vld [tilespmem:s4+$0x3840]  }
0x1a3: {  	v16 =	vld [tilespmem:s4+$0x3850]  }
0x1a4: {  	v2 =	vld [tilespmem:s4+$0x3860]  }
0x1a5: {  	[tilespmem:s4+$0xF400] =	vst.add.f32.msk $0xffff, v3  }
0x1a6: {  	[tilespmem:s4+$0xF410] =	vst.add.f32.msk $0xffff, v4  }
0x1a7: {  	[tilespmem:s4+$0xF420] =	vst.add.f32.msk $0xffff, v5  }
0x1a8: {  	[tilespmem:s4+$0xF430] =	vst.add.f32.msk $0xffff, v6  }
0x1a9: {  	[tilespmem:s4+$0xF440] =	vst.add.f32.msk $0xffff, v7  }
0x1aa: {  	[tilespmem:s4+$0xF450] =	vst.add.f32.msk $0xffff, v8  }
0x1ab: {  	[tilespmem:s4+$0xF460] =	vst.add.f32.msk $0xffff, v9  }
0x1ac: {  	[tilespmem:s4+$0xF470] =	vst.add.f32.msk $0xffff, v10  }
0x1ad: {  	[tilespmem:s4+$0xF800] =	vst.add.f32.msk $0xffff, v11  }
.Ltmp6:
0x1ae: {  	[tilespmem:s4+$0xF810] =	vst.add.f32.msk $0xffff, v12;
	(pc) =	sbr.rel @p1 .LBB2_12-.Ltmp6, $4  }
0x1af: {  	[tilespmem:s4+$0xF820] =	vst.add.f32.msk $0xffff, v13  }
0x1b0: {  	[tilespmem:s4+$0xF830] =	vst.add.f32.msk $0xffff, v14  }
0x1b1: {  	[tilespmem:s4+$0xF840] =	vst.add.f32.msk $0xffff, v15  }
0x1b2: {  	s11 =	sadd.s32 $0x2000, s11;
	[tilespmem:s4+$0xF850] =	vst.add.f32.msk $0xffff, v16  }
0x1b3: {  	s13 =	sadd.s32 $0x1, s13  }
0x1b4: {  	p1 =	sne.s32 s13, $0x8  }
.Ltmp7:
0x1b5: {  	_ = 	snop;
	(pc) =	sbr.rel @p1 .LBB2_11-.Ltmp7, $2  }
0x1b6: {  	_ =	sdelay $0x2  }
0x1b7: {  	[tilespmem:s4+$0xF860] =	vst.add.f32.msk $0xffff, v2;
	s30 =	sadd.s32 $0x200, s30  }
0x1b8: {  	s4 =	sadd.s32 $0x600, s21;
	s7 =	simm.s32 $0xF400  }
0x1b9: {  	[hbm4b:s4+s5] =	stream.linear.scatter [tilespmem:s7], [sflag:$0x13], $0x1800, $0x38;
	[tilespmem:$0x18400] =	vst v63  }
0x1ba: {  	s4 =	sadd.s32 @!p0 $0x48, s18  }
0x1bb: {  	s4 =	sadd.s32 @!p0 s6, s4  }
0x1bc: {  	s7 =	simm.s32 @!p0 $0x12;
	s4 =	sshrl.u32 @!p0 s4, $0x3  }
0x1bd: {  	_ =	swait.ge @!p0 [sflag:s7], $0x1800;
	s4 =	smul.u32 @!p0 $0x300, s4  }
0x1be: {  	s11 =	simm.s32 @!p0 $0x1C00;
	[sflag:s7] =	ssyncset.done @!p0 $0x0  }
0x1bf: {  	[sflag:s7] =	ssyncadd.s32 @!p0 $0xFFFFE800;
	s7 =	simm.s32 @!p0 $0x0;
	s4 =	sadd.s32 @!p0 s1, s4  }
0x1c0: {  	[tilespmem:s11], [sflag:$0x2] =	stream.linear.gather @!p0 [hbm4b:s4+s7], $0x1800, $0x38;
	[tilespmem:$0x18400] =	vst v63  }
0x1c1: {  	v2 =	vld.msk @!p0 [tilespmem:s18+$0x48], $0xff;
	_ =	sdelay $0x4  }
0x1c2: {  	v3 =	vshrl.u32 @!p0 v2, $0x3  }
0x1c3: {  	v3 =	vmul.u32 @!p0 $0x30, v3  }
0x1c4: {  	v4 =	vlaneseq.u32 @!p0;
	v2 =	vand.u32 @!p0 $0x7, v2  }
0x1c5: {  	v2 =	vor.u32 @!p0 v2, v3;
	v3 =	vand.u32 @!p0 $0x7, v4;
	v4 =	vshrl.u32 @!p0 v4, $0x3  }
0x1c6: {  	v2 =	vperm.xlane @!p0 v2, v3;
	v3 =	vmul.u32 @!p0 $0x8, v4;
	_ =	sdelay $0x1  }
0x1c7: {  	v2 =	vadd.s32 @!p0 v3, v2;
	_ =	sdelay $0x3  }
0x1c8: {  	s4 =	simm.s32 @!p0 $0xDC00  }
0x1c9: {  	[tilespmem:s4], [sflag:$0xA] =	stream.indirect_vreg.gather @!p0 [hbm4b:s3+s7], $0x80, v2, vm1, $0xb8;
	[tilespmem:$0x18400] =	vst v63  }
0x1ca: {  	s4 =	simm.s32 @!p0 $0xE400  }
0x1cb: {  	[tilespmem:s4], [sflag:$0xA] =	stream.indirect_vreg.gather @!p0 [hbm4b:s9+s7], $0x80, v2, vm1, $0xb8;
	[tilespmem:$0x18400] =	vst v63  }
0x1cc: {  	s4 =	simm.s32 @!p0 $0xEC00  }
0x1cd: {  	[tilespmem:s4], [sflag:$0xA] =	stream.indirect_vreg.gather @!p0 [hbm4b:s10+s7], $0x80, v2, vm1, $0xb8;
	[tilespmem:$0x18400] =	vst v63  }
0x1ce: {  	_ =	swait.ge [sflag:s26], $0x1800  }
0x1cf: {  	[sflag:s26] =	ssyncset.done $0x0  }
0x1d0: {  	[sflag:s26] =	ssyncadd.s32 $0xFFFFE800  }
0x1d1: {  	_ =	swait.ge [sflag:s2], $0x1800  }
0x1d2: {  	s21 =	simm.s32 $0x0;
	[sflag:s2] =	ssyncset.done $0x0  }
0x1d3: {  	s13 =	simm.s32 $0x0;
	s30 =	simm.s32 $0x16C00;
	[sflag:s2] =	ssyncadd.s32 $0xFFFFE800  }
.LBB2_15:
0x1d4: {  	s4 =	sshra.s32 s21, $0x2  }
0x1d5: {  	v2 =	vld [tilespmem:s4+$0x5070]  }
0x1d6: {  	v3 =	vld [tilespmem:s4+$0x4C00]  }
0x1d7: {  	v4 =	vld [tilespmem:s4+$0x4C10]  }
0x1d8: {  	v5 =	vld [tilespmem:s4+$0x4C20]  }
0x1d9: {  	v6 =	vld [tilespmem:s4+$0x4C30]  }
0x1da: {  	v7 =	vld [tilespmem:s4+$0x4C40]  }
0x1db: {  	v8 =	vld [tilespmem:s4+$0x4C50]  }
0x1dc: {  	v9 =	vld [tilespmem:s4+$0x4C60]  }
0x1dd: {  	v10 =	vld [tilespmem:s4+$0x4C70]  }
0x1de: {  	v11 =	vld [tilespmem:s4+$0x5000]  }
0x1df: {  	v12 =	vld [tilespmem:s4+$0x5010]  }
0x1e0: {  	v13 =	vld [tilespmem:s4+$0x5020]  }
0x1e1: {  	v14 =	vld [tilespmem:s4+$0x5030]  }
0x1e2: {  	v15 =	vld [tilespmem:s4+$0x5040]  }
0x1e3: {  	v16 =	vld [tilespmem:s4+$0x5050]  }
0x1e4: {  	[tilespmem:s4+$0x11070] =	vst.add.f32.msk $0xffff, v2  }
0x1e5: {  	v2 =	vld [tilespmem:s4+$0x5060]  }
0x1e6: {  	[tilespmem:s4+$0x10C00] =	vst.add.f32.msk $0xffff, v3  }
0x1e7: {  	[tilespmem:s4+$0x10C10] =	vst.add.f32.msk $0xffff, v4  }
0x1e8: {  	[tilespmem:s4+$0x10C20] =	vst.add.f32.msk $0xffff, v5  }
0x1e9: {  	[tilespmem:s4+$0x10C30] =	vst.add.f32.msk $0xffff, v6  }
0x1ea: {  	[tilespmem:s4+$0x10C40] =	vst.add.f32.msk $0xffff, v7  }
0x1eb: {  	[tilespmem:s4+$0x10C50] =	vst.add.f32.msk $0xffff, v8  }
0x1ec: {  	[tilespmem:s4+$0x10C60] =	vst.add.f32.msk $0xffff, v9  }
0x1ed: {  	[tilespmem:s4+$0x10C70] =	vst.add.f32.msk $0xffff, v10  }
0x1ee: {  	[tilespmem:s4+$0x11000] =	vst.add.f32.msk $0xffff, v11  }
0x1ef: {  	[tilespmem:s4+$0x11010] =	vst.add.f32.msk $0xffff, v12  }
0x1f0: {  	[tilespmem:s4+$0x11020] =	vst.add.f32.msk $0xffff, v13  }
0x1f1: {  	[tilespmem:s4+$0x11030] =	vst.add.f32.msk $0xffff, v14  }
0x1f2: {  	[tilespmem:s4+$0x11040] =	vst.add.f32.msk $0xffff, v15  }
0x1f3: {  	s7 =	simm.s32 $0x0;
	s11 =	sadd.s32 $0x2000, s21;
	[tilespmem:s4+$0x11050] =	vst.add.f32.msk $0xffff, v16  }
.LBB2_16:
0x1f4: {  	s7 =	sadd.s32 $0x10, s7;
	[tilespmem:s4+$0x11060] =	vst.add.f32.msk $0xffff, v2;
	s4 =	sshra.s32 s11, $0x2  }
0x1f5: {  	v2 =	vld [tilespmem:s4+$0x5070];
	p1 =	slt.u32 s7, $0x20  }
0x1f6: {  	v3 =	vld [tilespmem:s4+$0x4C00]  }
0x1f7: {  	v4 =	vld [tilespmem:s4+$0x4C10]  }
0x1f8: {  	v5 =	vld [tilespmem:s4+$0x4C20]  }
0x1f9: {  	v6 =	vld [tilespmem:s4+$0x4C30]  }
0x1fa: {  	[tilespmem:s4+$0x11070] =	vst.add.f32.msk $0xffff, v2  }
0x1fb: {  	v7 =	vld [tilespmem:s4+$0x4C40]  }
0x1fc: {  	v8 =	vld [tilespmem:s4+$0x4C50]  }
0x1fd: {  	v9 =	vld [tilespmem:s4+$0x4C60]  }
0x1fe: {  	v10 =	vld [tilespmem:s4+$0x4C70]  }
0x1ff: {  	v11 =	vld [tilespmem:s4+$0x5000]  }
0x200: {  	v12 =	vld [tilespmem:s4+$0x5010]  }
0x201: {  	v13 =	vld [tilespmem:s4+$0x5020]  }
0x202: {  	v14 =	vld [tilespmem:s4+$0x5030]  }
0x203: {  	v15 =	vld [tilespmem:s4+$0x5040]  }
0x204: {  	v16 =	vld [tilespmem:s4+$0x5050]  }
0x205: {  	v2 =	vld [tilespmem:s4+$0x5060]  }
0x206: {  	[tilespmem:s4+$0x10C00] =	vst.add.f32.msk $0xffff, v3  }
0x207: {  	[tilespmem:s4+$0x10C10] =	vst.add.f32.msk $0xffff, v4  }
0x208: {  	[tilespmem:s4+$0x10C20] =	vst.add.f32.msk $0xffff, v5  }
0x209: {  	[tilespmem:s4+$0x10C30] =	vst.add.f32.msk $0xffff, v6  }
0x20a: {  	[tilespmem:s4+$0x10C40] =	vst.add.f32.msk $0xffff, v7  }
0x20b: {  	[tilespmem:s4+$0x10C50] =	vst.add.f32.msk $0xffff, v8  }
0x20c: {  	[tilespmem:s4+$0x10C60] =	vst.add.f32.msk $0xffff, v9  }
0x20d: {  	[tilespmem:s4+$0x10C70] =	vst.add.f32.msk $0xffff, v10  }
0x20e: {  	[tilespmem:s4+$0x11000] =	vst.add.f32.msk $0xffff, v11  }
.Ltmp8:
0x20f: {  	[tilespmem:s4+$0x11010] =	vst.add.f32.msk $0xffff, v12;
	(pc) =	sbr.rel @p1 .LBB2_16-.Ltmp8, $4  }
0x210: {  	[tilespmem:s4+$0x11020] =	vst.add.f32.msk $0xffff, v13  }
0x211: {  	[tilespmem:s4+$0x11030] =	vst.add.f32.msk $0xffff, v14  }
0x212: {  	[tilespmem:s4+$0x11040] =	vst.add.f32.msk $0xffff, v15  }
0x213: {  	s11 =	sadd.s32 $0x2000, s11;
	[tilespmem:s4+$0x11050] =	vst.add.f32.msk $0xffff, v16  }
0x214: {  	s13 =	sadd.s32 $0x1, s13  }
0x215: {  	p1 =	sne.s32 s13, $0x8  }
.Ltmp9:
0x216: {  	_ = 	snop;
	(pc) =	sbr.rel @p1 .LBB2_15-.Ltmp9, $2  }
0x217: {  	_ =	sdelay $0x2  }
0x218: {  	[tilespmem:s4+$0x11060] =	vst.add.f32.msk $0xffff, v2;
	s21 =	sadd.s32 $0x200, s21  }
0x219: {  	s4 =	rddreg [dreg:$0xe]  }
0x21a: {  	s7 =	simm.s32 $0x10C00;
	s4 =	sadd.s32 s4, s20  }
0x21b: {  	[hbm4b:s4+s5] =	stream.linear.scatter [tilespmem:s7], [sflag:$0x14], $0x1800, $0x38;
	[tilespmem:$0x18400] =	vst v63  }
0x21c: {  	s4 =	sadd.s32 @!p0 $0x50, s18  }
0x21d: {  	s4 =	sadd.s32 @!p0 s6, s4  }
0x21e: {  	s7 =	simm.s32 @!p0 $0x13;
	s4 =	sshrl.u32 @!p0 s4, $0x3  }
0x21f: {  	_ =	swait.ge @!p0 [sflag:s7], $0x1800;
	s4 =	smul.u32 @!p0 $0x300, s4  }
0x220: {  	s11 =	simm.s32 @!p0 $0x3400;
	[sflag:s7] =	ssyncset.done @!p0 $0x0  }
0x221: {  	[sflag:s7] =	ssyncadd.s32 @!p0 $0xFFFFE800;
	s7 =	simm.s32 @!p0 $0x0;
	s4 =	sadd.s32 @!p0 s1, s4  }
0x222: {  	[tilespmem:s11], [sflag:$0x3] =	stream.linear.gather @!p0 [hbm4b:s4+s7], $0x1800, $0x38;
	[tilespmem:$0x18400] =	vst v63  }
0x223: {  	v2 =	vld.msk @!p0 [tilespmem:s18+$0x50], $0xff;
	_ =	sdelay $0x4  }
0x224: {  	v3 =	vshrl.u32 @!p0 v2, $0x3  }
0x225: {  	v3 =	vmul.u32 @!p0 $0x30, v3  }
0x226: {  	v4 =	vlaneseq.u32 @!p0;
	v2 =	vand.u32 @!p0 $0x7, v2  }
0x227: {  	v2 =	vor.u32 @!p0 v2, v3;
	v3 =	vand.u32 @!p0 $0x7, v4;
	v4 =	vshrl.u32 @!p0 v4, $0x3  }
0x228: {  	v2 =	vperm.xlane @!p0 v2, v3;
	v3 =	vmul.u32 @!p0 $0x8, v4;
	_ =	sdelay $0x1  }
0x229: {  	v2 =	vadd.s32 @!p0 v3, v2;
	_ =	sdelay $0x3  }
0x22a: {  	s4 =	simm.s32 @!p0 $0xF400  }
0x22b: {  	[tilespmem:s4], [sflag:$0xB] =	stream.indirect_vreg.gather @!p0 [hbm4b:s3+s7], $0x80, v2, vm1, $0xb8;
	[tilespmem:$0x18400] =	vst v63  }
0x22c: {  	s4 =	simm.s32 @!p0 $0xFC00  }
0x22d: {  	[tilespmem:s4], [sflag:$0xB] =	stream.indirect_vreg.gather @!p0 [hbm4b:s9+s7], $0x80, v2, vm1, $0xb8;
	[tilespmem:$0x18400] =	vst v63  }
0x22e: {  	s4 =	simm.s32 @!p0 $0x10400  }
0x22f: {  	[tilespmem:s4], [sflag:$0xB] =	stream.indirect_vreg.gather @!p0 [hbm4b:s10+s7], $0x80, v2, vm1, $0xb8;
	[tilespmem:$0x18400] =	vst v63  }
0x230: {  	_ =	swait.ge [sflag:s25], $0x1800  }
0x231: {  	[sflag:s25] =	ssyncset.done $0x0  }
0x232: {  	[sflag:s25] =	ssyncadd.s32 $0xFFFFE800  }
0x233: {  	_ =	swait.ge [sflag:s12], $0x1800  }
0x234: {  	[sflag:s12] =	ssyncset.done $0x0  }
0x235: {  	s21 =	simm.s32 $0x0;
	s13 =	simm.s32 $0x0;
	[sflag:s12] =	ssyncadd.s32 $0xFFFFE800  }
.LBB2_19:
0x236: {  	s4 =	sshra.s32 s21, $0x2  }
0x237: {  	v2 =	vld [tilespmem:s4+$0x6870]  }
0x238: {  	v3 =	vld [tilespmem:s4+$0x6400]  }
0x239: {  	v4 =	vld [tilespmem:s4+$0x6410]  }
0x23a: {  	v5 =	vld [tilespmem:s4+$0x6420]  }
0x23b: {  	v6 =	vld [tilespmem:s4+$0x6430]  }
0x23c: {  	v7 =	vld [tilespmem:s4+$0x6440]  }
0x23d: {  	v8 =	vld [tilespmem:s4+$0x6450]  }
0x23e: {  	v9 =	vld [tilespmem:s4+$0x6460]  }
0x23f: {  	v10 =	vld [tilespmem:s4+$0x6470]  }
0x240: {  	v11 =	vld [tilespmem:s4+$0x6800]  }
0x241: {  	v12 =	vld [tilespmem:s4+$0x6810]  }
0x242: {  	v13 =	vld [tilespmem:s4+$0x6820]  }
0x243: {  	v14 =	vld [tilespmem:s4+$0x6830]  }
0x244: {  	v15 =	vld [tilespmem:s4+$0x6840]  }
0x245: {  	v16 =	vld [tilespmem:s4+$0x6850]  }
0x246: {  	[tilespmem:s4+$0x12870] =	vst.add.f32.msk $0xffff, v2  }
0x247: {  	v2 =	vld [tilespmem:s4+$0x6860]  }
0x248: {  	[tilespmem:s4+$0x12400] =	vst.add.f32.msk $0xffff, v3  }
0x249: {  	[tilespmem:s4+$0x12410] =	vst.add.f32.msk $0xffff, v4  }
0x24a: {  	[tilespmem:s4+$0x12420] =	vst.add.f32.msk $0xffff, v5  }
0x24b: {  	[tilespmem:s4+$0x12430] =	vst.add.f32.msk $0xffff, v6  }
0x24c: {  	[tilespmem:s4+$0x12440] =	vst.add.f32.msk $0xffff, v7  }
0x24d: {  	[tilespmem:s4+$0x12450] =	vst.add.f32.msk $0xffff, v8  }
0x24e: {  	[tilespmem:s4+$0x12460] =	vst.add.f32.msk $0xffff, v9  }
0x24f: {  	[tilespmem:s4+$0x12470] =	vst.add.f32.msk $0xffff, v10  }
0x250: {  	[tilespmem:s4+$0x12800] =	vst.add.f32.msk $0xffff, v11  }
0x251: {  	[tilespmem:s4+$0x12810] =	vst.add.f32.msk $0xffff, v12  }
0x252: {  	[tilespmem:s4+$0x12820] =	vst.add.f32.msk $0xffff, v13  }
0x253: {  	[tilespmem:s4+$0x12830] =	vst.add.f32.msk $0xffff, v14  }
0x254: {  	[tilespmem:s4+$0x12840] =	vst.add.f32.msk $0xffff, v15  }
0x255: {  	s7 =	simm.s32 $0x0;
	s11 =	sadd.s32 $0x2000, s21;
	[tilespmem:s4+$0x12850] =	vst.add.f32.msk $0xffff, v16  }
.LBB2_20:
0x256: {  	s7 =	sadd.s32 $0x10, s7;
	[tilespmem:s4+$0x12860] =	vst.add.f32.msk $0xffff, v2;
	s4 =	sshra.s32 s11, $0x2  }
0x257: {  	v2 =	vld [tilespmem:s4+$0x6870];
	p1 =	slt.u32 s7, $0x20  }
0x258: {  	v3 =	vld [tilespmem:s4+$0x6400]  }
0x259: {  	v4 =	vld [tilespmem:s4+$0x6410]  }
0x25a: {  	v5 =	vld [tilespmem:s4+$0x6420]  }
0x25b: {  	v6 =	vld [tilespmem:s4+$0x6430]  }
0x25c: {  	[tilespmem:s4+$0x12870] =	vst.add.f32.msk $0xffff, v2  }
0x25d: {  	v7 =	vld [tilespmem:s4+$0x6440]  }
0x25e: {  	v8 =	vld [tilespmem:s4+$0x6450]  }
0x25f: {  	v9 =	vld [tilespmem:s4+$0x6460]  }
0x260: {  	v10 =	vld [tilespmem:s4+$0x6470]  }
0x261: {  	v11 =	vld [tilespmem:s4+$0x6800]  }
0x262: {  	v12 =	vld [tilespmem:s4+$0x6810]  }
0x263: {  	v13 =	vld [tilespmem:s4+$0x6820]  }
0x264: {  	v14 =	vld [tilespmem:s4+$0x6830]  }
0x265: {  	v15 =	vld [tilespmem:s4+$0x6840]  }
0x266: {  	v16 =	vld [tilespmem:s4+$0x6850]  }
0x267: {  	v2 =	vld [tilespmem:s4+$0x6860]  }
0x268: {  	[tilespmem:s4+$0x12400] =	vst.add.f32.msk $0xffff, v3  }
0x269: {  	[tilespmem:s4+$0x12410] =	vst.add.f32.msk $0xffff, v4  }
0x26a: {  	[tilespmem:s4+$0x12420] =	vst.add.f32.msk $0xffff, v5  }
0x26b: {  	[tilespmem:s4+$0x12430] =	vst.add.f32.msk $0xffff, v6  }
0x26c: {  	[tilespmem:s4+$0x12440] =	vst.add.f32.msk $0xffff, v7  }
0x26d: {  	[tilespmem:s4+$0x12450] =	vst.add.f32.msk $0xffff, v8  }
0x26e: {  	[tilespmem:s4+$0x12460] =	vst.add.f32.msk $0xffff, v9  }
0x26f: {  	[tilespmem:s4+$0x12470] =	vst.add.f32.msk $0xffff, v10  }
0x270: {  	[tilespmem:s4+$0x12800] =	vst.add.f32.msk $0xffff, v11  }
.Ltmp10:
0x271: {  	[tilespmem:s4+$0x12810] =	vst.add.f32.msk $0xffff, v12;
	(pc) =	sbr.rel @p1 .LBB2_20-.Ltmp10, $4  }
0x272: {  	[tilespmem:s4+$0x12820] =	vst.add.f32.msk $0xffff, v13  }
0x273: {  	[tilespmem:s4+$0x12830] =	vst.add.f32.msk $0xffff, v14  }
0x274: {  	[tilespmem:s4+$0x12840] =	vst.add.f32.msk $0xffff, v15  }
0x275: {  	s11 =	sadd.s32 $0x2000, s11;
	[tilespmem:s4+$0x12850] =	vst.add.f32.msk $0xffff, v16  }
0x276: {  	s13 =	sadd.s32 $0x1, s13  }
0x277: {  	p1 =	sne.s32 s13, $0x8  }
.Ltmp11:
0x278: {  	_ = 	snop;
	(pc) =	sbr.rel @p1 .LBB2_19-.Ltmp11, $2  }
0x279: {  	_ =	sdelay $0x2  }
0x27a: {  	[tilespmem:s4+$0x12860] =	vst.add.f32.msk $0xffff, v2;
	s21 =	sadd.s32 $0x200, s21  }
0x27b: {  	s4 =	rddreg [dreg:$0xf]  }
0x27c: {  	s7 =	simm.s32 $0x12400;
	s4 =	sadd.s32 s4, s20  }
0x27d: {  	[hbm4b:s4+s5] =	stream.linear.scatter [tilespmem:s7], [sflag:$0x15], $0x1800, $0x38;
	[tilespmem:$0x18400] =	vst v63  }
0x27e: {  	s4 =	sadd.s32 @!p0 $0x58, s18  }
0x27f: {  	s4 =	sadd.s32 @!p0 s6, s4  }
0x280: {  	s7 =	simm.s32 @!p0 $0x14;
	s4 =	sshrl.u32 @!p0 s4, $0x3  }
0x281: {  	_ =	swait.ge @!p0 [sflag:s7], $0x1800;
	s4 =	smul.u32 @!p0 $0x300, s4  }
0x282: {  	s11 =	simm.s32 @!p0 $0x4C00;
	[sflag:s7] =	ssyncset.done @!p0 $0x0  }
0x283: {  	[sflag:s7] =	ssyncadd.s32 @!p0 $0xFFFFE800;
	s7 =	simm.s32 @!p0 $0x0;
	s4 =	sadd.s32 @!p0 s1, s4  }
0x284: {  	[tilespmem:s11], [sflag:$0x4] =	stream.linear.gather @!p0 [hbm4b:s4+s7], $0x1800, $0x38;
	[tilespmem:$0x18400] =	vst v63  }
0x285: {  	v2 =	vld.msk @!p0 [tilespmem:s18+$0x58], $0xff;
	_ =	sdelay $0x4  }
0x286: {  	v3 =	vshrl.u32 @!p0 v2, $0x3  }
0x287: {  	v3 =	vmul.u32 @!p0 $0x30, v3  }
0x288: {  	v4 =	vlaneseq.u32 @!p0;
	v2 =	vand.u32 @!p0 $0x7, v2  }
0x289: {  	v2 =	vor.u32 @!p0 v2, v3;
	v3 =	vand.u32 @!p0 $0x7, v4;
	v4 =	vshrl.u32 @!p0 v4, $0x3  }
0x28a: {  	v2 =	vperm.xlane @!p0 v2, v3;
	v3 =	vmul.u32 @!p0 $0x8, v4;
	_ =	sdelay $0x1  }
0x28b: {  	v2 =	vadd.s32 @!p0 v3, v2;
	_ =	sdelay $0x3  }
0x28c: {  	s4 =	simm.s32 @!p0 $0x10C00  }
0x28d: {  	[tilespmem:s4], [sflag:$0xC] =	stream.indirect_vreg.gather @!p0 [hbm4b:s3+s7], $0x80, v2, vm1, $0xb8;
	[tilespmem:$0x18400] =	vst v63  }
0x28e: {  	s4 =	simm.s32 @!p0 $0x11400  }
0x28f: {  	[tilespmem:s4], [sflag:$0xC] =	stream.indirect_vreg.gather @!p0 [hbm4b:s9+s7], $0x80, v2, vm1, $0xb8;
	[tilespmem:$0x18400] =	vst v63  }
0x290: {  	s4 =	simm.s32 @!p0 $0x11C00  }
0x291: {  	[tilespmem:s4], [sflag:$0xC] =	stream.indirect_vreg.gather @!p0 [hbm4b:s10+s7], $0x80, v2, vm1, $0xb8;
	[tilespmem:$0x18400] =	vst v63  }
0x292: {  	_ =	swait.ge [sflag:s14], $0x1800  }
0x293: {  	[sflag:s14] =	ssyncset.done $0x0  }
0x294: {  	[sflag:s14] =	ssyncadd.s32 $0xFFFFE800  }
0x295: {  	_ =	swait.ge [sflag:s15], $0x1800  }
0x296: {  	[sflag:s15] =	ssyncset.done $0x0  }
0x297: {  	s21 =	simm.s32 $0x0;
	s13 =	simm.s32 $0x0;
	[sflag:s15] =	ssyncadd.s32 $0xFFFFE800  }
.LBB2_23:
0x298: {  	s4 =	sshra.s32 s21, $0x2  }
0x299: {  	v2 =	vld [tilespmem:s4+$0x8070]  }
0x29a: {  	v3 =	vld [tilespmem:s4+$0x7C00]  }
0x29b: {  	v4 =	vld [tilespmem:s4+$0x7C10]  }
0x29c: {  	v5 =	vld [tilespmem:s4+$0x7C20]  }
0x29d: {  	v6 =	vld [tilespmem:s4+$0x7C30]  }
0x29e: {  	v7 =	vld [tilespmem:s4+$0x7C40]  }
0x29f: {  	v8 =	vld [tilespmem:s4+$0x7C50]  }
0x2a0: {  	v9 =	vld [tilespmem:s4+$0x7C60]  }
0x2a1: {  	v10 =	vld [tilespmem:s4+$0x7C70]  }
0x2a2: {  	v11 =	vld [tilespmem:s4+$0x8000]  }
0x2a3: {  	v12 =	vld [tilespmem:s4+$0x8010]  }
0x2a4: {  	v13 =	vld [tilespmem:s4+$0x8020]  }
0x2a5: {  	v14 =	vld [tilespmem:s4+$0x8030]  }
0x2a6: {  	v15 =	vld [tilespmem:s4+$0x8040]  }
0x2a7: {  	v16 =	vld [tilespmem:s4+$0x8050]  }
0x2a8: {  	[tilespmem:s4+$0x14070] =	vst.add.f32.msk $0xffff, v2  }
0x2a9: {  	v2 =	vld [tilespmem:s4+$0x8060]  }
0x2aa: {  	[tilespmem:s4+$0x13C00] =	vst.add.f32.msk $0xffff, v3  }
0x2ab: {  	[tilespmem:s4+$0x13C10] =	vst.add.f32.msk $0xffff, v4  }
0x2ac: {  	[tilespmem:s4+$0x13C20] =	vst.add.f32.msk $0xffff, v5  }
0x2ad: {  	[tilespmem:s4+$0x13C30] =	vst.add.f32.msk $0xffff, v6  }
0x2ae: {  	[tilespmem:s4+$0x13C40] =	vst.add.f32.msk $0xffff, v7  }
0x2af: {  	[tilespmem:s4+$0x13C50] =	vst.add.f32.msk $0xffff, v8  }
0x2b0: {  	[tilespmem:s4+$0x13C60] =	vst.add.f32.msk $0xffff, v9  }
0x2b1: {  	[tilespmem:s4+$0x13C70] =	vst.add.f32.msk $0xffff, v10  }
0x2b2: {  	[tilespmem:s4+$0x14000] =	vst.add.f32.msk $0xffff, v11  }
0x2b3: {  	[tilespmem:s4+$0x14010] =	vst.add.f32.msk $0xffff, v12  }
0x2b4: {  	[tilespmem:s4+$0x14020] =	vst.add.f32.msk $0xffff, v13  }
0x2b5: {  	[tilespmem:s4+$0x14030] =	vst.add.f32.msk $0xffff, v14  }
0x2b6: {  	[tilespmem:s4+$0x14040] =	vst.add.f32.msk $0xffff, v15  }
0x2b7: {  	s7 =	simm.s32 $0x0;
	s11 =	sadd.s32 $0x2000, s21;
	[tilespmem:s4+$0x14050] =	vst.add.f32.msk $0xffff, v16  }
.LBB2_24:
0x2b8: {  	s7 =	sadd.s32 $0x10, s7;
	[tilespmem:s4+$0x14060] =	vst.add.f32.msk $0xffff, v2;
	s4 =	sshra.s32 s11, $0x2  }
0x2b9: {  	v2 =	vld [tilespmem:s4+$0x8070];
	p1 =	slt.u32 s7, $0x20  }
0x2ba: {  	v3 =	vld [tilespmem:s4+$0x7C00]  }
0x2bb: {  	v4 =	vld [tilespmem:s4+$0x7C10]  }
0x2bc: {  	v5 =	vld [tilespmem:s4+$0x7C20]  }
0x2bd: {  	v6 =	vld [tilespmem:s4+$0x7C30]  }
0x2be: {  	[tilespmem:s4+$0x14070] =	vst.add.f32.msk $0xffff, v2  }
0x2bf: {  	v7 =	vld [tilespmem:s4+$0x7C40]  }
0x2c0: {  	v8 =	vld [tilespmem:s4+$0x7C50]  }
0x2c1: {  	v9 =	vld [tilespmem:s4+$0x7C60]  }
0x2c2: {  	v10 =	vld [tilespmem:s4+$0x7C70]  }
0x2c3: {  	v11 =	vld [tilespmem:s4+$0x8000]  }
0x2c4: {  	v12 =	vld [tilespmem:s4+$0x8010]  }
0x2c5: {  	v13 =	vld [tilespmem:s4+$0x8020]  }
0x2c6: {  	v14 =	vld [tilespmem:s4+$0x8030]  }
0x2c7: {  	v15 =	vld [tilespmem:s4+$0x8040]  }
0x2c8: {  	v16 =	vld [tilespmem:s4+$0x8050]  }
0x2c9: {  	v2 =	vld [tilespmem:s4+$0x8060]  }
0x2ca: {  	[tilespmem:s4+$0x13C00] =	vst.add.f32.msk $0xffff, v3  }
0x2cb: {  	[tilespmem:s4+$0x13C10] =	vst.add.f32.msk $0xffff, v4  }
0x2cc: {  	[tilespmem:s4+$0x13C20] =	vst.add.f32.msk $0xffff, v5  }
0x2cd: {  	[tilespmem:s4+$0x13C30] =	vst.add.f32.msk $0xffff, v6  }
0x2ce: {  	[tilespmem:s4+$0x13C40] =	vst.add.f32.msk $0xffff, v7  }
0x2cf: {  	[tilespmem:s4+$0x13C50] =	vst.add.f32.msk $0xffff, v8  }
0x2d0: {  	[tilespmem:s4+$0x13C60] =	vst.add.f32.msk $0xffff, v9  }
0x2d1: {  	[tilespmem:s4+$0x13C70] =	vst.add.f32.msk $0xffff, v10  }
0x2d2: {  	[tilespmem:s4+$0x14000] =	vst.add.f32.msk $0xffff, v11  }
.Ltmp12:
0x2d3: {  	[tilespmem:s4+$0x14010] =	vst.add.f32.msk $0xffff, v12;
	(pc) =	sbr.rel @p1 .LBB2_24-.Ltmp12, $4  }
0x2d4: {  	[tilespmem:s4+$0x14020] =	vst.add.f32.msk $0xffff, v13  }
0x2d5: {  	[tilespmem:s4+$0x14030] =	vst.add.f32.msk $0xffff, v14  }
0x2d6: {  	[tilespmem:s4+$0x14040] =	vst.add.f32.msk $0xffff, v15  }
0x2d7: {  	s11 =	sadd.s32 $0x2000, s11;
	[tilespmem:s4+$0x14050] =	vst.add.f32.msk $0xffff, v16  }
0x2d8: {  	s13 =	sadd.s32 $0x1, s13  }
0x2d9: {  	p1 =	sne.s32 s13, $0x8  }
.Ltmp13:
0x2da: {  	_ = 	snop;
	(pc) =	sbr.rel @p1 .LBB2_23-.Ltmp13, $2  }
0x2db: {  	_ =	sdelay $0x2  }
0x2dc: {  	[tilespmem:s4+$0x14060] =	vst.add.f32.msk $0xffff, v2;
	s21 =	sadd.s32 $0x200, s21  }
0x2dd: {  	s4 =	rddreg [dreg:$0x10]  }
0x2de: {  	s7 =	simm.s32 $0x13C00;
	s4 =	sadd.s32 s4, s20  }
0x2df: {  	[hbm4b:s4+s5] =	stream.linear.scatter [tilespmem:s7], [sflag:$0x16], $0x1800, $0x38;
	[tilespmem:$0x18400] =	vst v63  }
0x2e0: {  	s4 =	sadd.s32 @!p0 $0x60, s18  }
0x2e1: {  	s4 =	sadd.s32 @!p0 s6, s4  }
0x2e2: {  	s7 =	simm.s32 @!p0 $0x15;
	s4 =	sshrl.u32 @!p0 s4, $0x3  }
0x2e3: {  	_ =	swait.ge @!p0 [sflag:s7], $0x1800;
	s4 =	smul.u32 @!p0 $0x300, s4  }
0x2e4: {  	s11 =	simm.s32 @!p0 $0x6400;
	[sflag:s7] =	ssyncset.done @!p0 $0x0  }
0x2e5: {  	[sflag:s7] =	ssyncadd.s32 @!p0 $0xFFFFE800;
	s7 =	simm.s32 @!p0 $0x0;
	s4 =	sadd.s32 @!p0 s1, s4  }
0x2e6: {  	[tilespmem:s11], [sflag:$0x5] =	stream.linear.gather @!p0 [hbm4b:s4+s7], $0x1800, $0x38;
	[tilespmem:$0x18400] =	vst v63  }
0x2e7: {  	v2 =	vld.msk @!p0 [tilespmem:s18+$0x60], $0xff;
	_ =	sdelay $0x4  }
0x2e8: {  	v3 =	vshrl.u32 @!p0 v2, $0x3  }
0x2e9: {  	v3 =	vmul.u32 @!p0 $0x30, v3  }
0x2ea: {  	v4 =	vlaneseq.u32 @!p0;
	v2 =	vand.u32 @!p0 $0x7, v2  }
0x2eb: {  	v2 =	vor.u32 @!p0 v2, v3;
	v3 =	vand.u32 @!p0 $0x7, v4;
	v4 =	vshrl.u32 @!p0 v4, $0x3  }
0x2ec: {  	v2 =	vperm.xlane @!p0 v2, v3;
	v3 =	vmul.u32 @!p0 $0x8, v4;
	_ =	sdelay $0x1  }
0x2ed: {  	v2 =	vadd.s32 @!p0 v3, v2;
	_ =	sdelay $0x3  }
0x2ee: {  	s4 =	simm.s32 @!p0 $0x12400  }
0x2ef: {  	[tilespmem:s4], [sflag:$0xD] =	stream.indirect_vreg.gather @!p0 [hbm4b:s3+s7], $0x80, v2, vm1, $0xb8;
	[tilespmem:$0x18400] =	vst v63  }
0x2f0: {  	s4 =	simm.s32 @!p0 $0x12C00  }
0x2f1: {  	[tilespmem:s4], [sflag:$0xD] =	stream.indirect_vreg.gather @!p0 [hbm4b:s9+s7], $0x80, v2, vm1, $0xb8;
	[tilespmem:$0x18400] =	vst v63  }
0x2f2: {  	s4 =	simm.s32 @!p0 $0x13400  }
0x2f3: {  	[tilespmem:s4], [sflag:$0xD] =	stream.indirect_vreg.gather @!p0 [hbm4b:s10+s7], $0x80, v2, vm1, $0xb8;
	[tilespmem:$0x18400] =	vst v63  }
0x2f4: {  	_ =	swait.ge [sflag:s24], $0x1800  }
0x2f5: {  	[sflag:s24] =	ssyncset.done $0x0  }
0x2f6: {  	[sflag:s24] =	ssyncadd.s32 $0xFFFFE800  }
0x2f7: {  	_ =	swait.ge [sflag:s29], $0x1800  }
0x2f8: {  	[sflag:s29] =	ssyncset.done $0x0  }
0x2f9: {  	s21 =	simm.s32 $0x0;
	s13 =	simm.s32 $0x0;
	[sflag:s29] =	ssyncadd.s32 $0xFFFFE800  }
.LBB2_27:
0x2fa: {  	s4 =	sshra.s32 s21, $0x2  }
0x2fb: {  	v2 =	vld [tilespmem:s4+$0x9870]  }
0x2fc: {  	v3 =	vld [tilespmem:s4+$0x9400]  }
0x2fd: {  	v4 =	vld [tilespmem:s4+$0x9410]  }
0x2fe: {  	v5 =	vld [tilespmem:s4+$0x9420]  }
0x2ff: {  	v6 =	vld [tilespmem:s4+$0x9430]  }
0x300: {  	v7 =	vld [tilespmem:s4+$0x9440]  }
0x301: {  	v8 =	vld [tilespmem:s4+$0x9450]  }
0x302: {  	v9 =	vld [tilespmem:s4+$0x9460]  }
0x303: {  	v10 =	vld [tilespmem:s4+$0x9470]  }
0x304: {  	v11 =	vld [tilespmem:s4+$0x9800]  }
0x305: {  	v12 =	vld [tilespmem:s4+$0x9810]  }
0x306: {  	v13 =	vld [tilespmem:s4+$0x9820]  }
0x307: {  	v14 =	vld [tilespmem:s4+$0x9830]  }
0x308: {  	v15 =	vld [tilespmem:s4+$0x9840]  }
0x309: {  	v16 =	vld [tilespmem:s4+$0x9850]  }
0x30a: {  	[tilespmem:s4+$0x15870] =	vst.add.f32.msk $0xffff, v2  }
0x30b: {  	v2 =	vld [tilespmem:s4+$0x9860]  }
0x30c: {  	[tilespmem:s4+$0x15400] =	vst.add.f32.msk $0xffff, v3  }
0x30d: {  	[tilespmem:s4+$0x15410] =	vst.add.f32.msk $0xffff, v4  }
0x30e: {  	[tilespmem:s4+$0x15420] =	vst.add.f32.msk $0xffff, v5  }
0x30f: {  	[tilespmem:s4+$0x15430] =	vst.add.f32.msk $0xffff, v6  }
0x310: {  	[tilespmem:s4+$0x15440] =	vst.add.f32.msk $0xffff, v7  }
0x311: {  	[tilespmem:s4+$0x15450] =	vst.add.f32.msk $0xffff, v8  }
0x312: {  	[tilespmem:s4+$0x15460] =	vst.add.f32.msk $0xffff, v9  }
0x313: {  	[tilespmem:s4+$0x15470] =	vst.add.f32.msk $0xffff, v10  }
0x314: {  	[tilespmem:s4+$0x15800] =	vst.add.f32.msk $0xffff, v11  }
0x315: {  	[tilespmem:s4+$0x15810] =	vst.add.f32.msk $0xffff, v12  }
0x316: {  	[tilespmem:s4+$0x15820] =	vst.add.f32.msk $0xffff, v13  }
0x317: {  	[tilespmem:s4+$0x15830] =	vst.add.f32.msk $0xffff, v14  }
0x318: {  	[tilespmem:s4+$0x15840] =	vst.add.f32.msk $0xffff, v15  }
0x319: {  	s7 =	simm.s32 $0x0;
	s11 =	sadd.s32 $0x2000, s21;
	[tilespmem:s4+$0x15850] =	vst.add.f32.msk $0xffff, v16  }
.LBB2_28:
0x31a: {  	s7 =	sadd.s32 $0x10, s7;
	[tilespmem:s4+$0x15860] =	vst.add.f32.msk $0xffff, v2;
	s4 =	sshra.s32 s11, $0x2  }
0x31b: {  	v2 =	vld [tilespmem:s4+$0x9870];
	p1 =	slt.u32 s7, $0x20  }
0x31c: {  	v3 =	vld [tilespmem:s4+$0x9400]  }
0x31d: {  	v4 =	vld [tilespmem:s4+$0x9410]  }
0x31e: {  	v5 =	vld [tilespmem:s4+$0x9420]  }
0x31f: {  	v6 =	vld [tilespmem:s4+$0x9430]  }
0x320: {  	[tilespmem:s4+$0x15870] =	vst.add.f32.msk $0xffff, v2  }
0x321: {  	v7 =	vld [tilespmem:s4+$0x9440]  }
0x322: {  	v8 =	vld [tilespmem:s4+$0x9450]  }
0x323: {  	v9 =	vld [tilespmem:s4+$0x9460]  }
0x324: {  	v10 =	vld [tilespmem:s4+$0x9470]  }
0x325: {  	v11 =	vld [tilespmem:s4+$0x9800]  }
0x326: {  	v12 =	vld [tilespmem:s4+$0x9810]  }
0x327: {  	v13 =	vld [tilespmem:s4+$0x9820]  }
0x328: {  	v14 =	vld [tilespmem:s4+$0x9830]  }
0x329: {  	v15 =	vld [tilespmem:s4+$0x9840]  }
0x32a: {  	v16 =	vld [tilespmem:s4+$0x9850]  }
0x32b: {  	v2 =	vld [tilespmem:s4+$0x9860]  }
0x32c: {  	[tilespmem:s4+$0x15400] =	vst.add.f32.msk $0xffff, v3  }
0x32d: {  	[tilespmem:s4+$0x15410] =	vst.add.f32.msk $0xffff, v4  }
0x32e: {  	[tilespmem:s4+$0x15420] =	vst.add.f32.msk $0xffff, v5  }
0x32f: {  	[tilespmem:s4+$0x15430] =	vst.add.f32.msk $0xffff, v6  }
0x330: {  	[tilespmem:s4+$0x15440] =	vst.add.f32.msk $0xffff, v7  }
0x331: {  	[tilespmem:s4+$0x15450] =	vst.add.f32.msk $0xffff, v8  }
0x332: {  	[tilespmem:s4+$0x15460] =	vst.add.f32.msk $0xffff, v9  }
0x333: {  	[tilespmem:s4+$0x15470] =	vst.add.f32.msk $0xffff, v10  }
0x334: {  	[tilespmem:s4+$0x15800] =	vst.add.f32.msk $0xffff, v11  }
.Ltmp14:
0x335: {  	[tilespmem:s4+$0x15810] =	vst.add.f32.msk $0xffff, v12;
	(pc) =	sbr.rel @p1 .LBB2_28-.Ltmp14, $4  }
0x336: {  	[tilespmem:s4+$0x15820] =	vst.add.f32.msk $0xffff, v13  }
0x337: {  	[tilespmem:s4+$0x15830] =	vst.add.f32.msk $0xffff, v14  }
0x338: {  	[tilespmem:s4+$0x15840] =	vst.add.f32.msk $0xffff, v15  }
0x339: {  	s11 =	sadd.s32 $0x2000, s11;
	[tilespmem:s4+$0x15850] =	vst.add.f32.msk $0xffff, v16  }
0x33a: {  	s13 =	sadd.s32 $0x1, s13  }
0x33b: {  	p1 =	sne.s32 s13, $0x8  }
.Ltmp15:
0x33c: {  	_ = 	snop;
	(pc) =	sbr.rel @p1 .LBB2_27-.Ltmp15, $2  }
0x33d: {  	_ =	sdelay $0x2  }
0x33e: {  	[tilespmem:s4+$0x15860] =	vst.add.f32.msk $0xffff, v2;
	s21 =	sadd.s32 $0x200, s21  }
0x33f: {  	s4 =	rddreg [dreg:$0x11]  }
0x340: {  	s21 =	simm.s32 $0x15400;
	s4 =	sadd.s32 s4, s20  }
0x341: {  	[hbm4b:s4+s5] =	stream.linear.scatter [tilespmem:s21], [sflag:$0x17], $0x1800, $0x38;
	[tilespmem:$0x18400] =	vst v63  }
0x342: {  	s4 =	sadd.s32 @!p0 $0x68, s18  }
0x343: {  	s4 =	sadd.s32 @!p0 s6, s4  }
0x344: {  	s7 =	simm.s32 @!p0 $0x16;
	s4 =	sshrl.u32 @!p0 s4, $0x3  }
0x345: {  	_ =	swait.ge @!p0 [sflag:s7], $0x1800;
	s4 =	smul.u32 @!p0 $0x300, s4  }
0x346: {  	s11 =	simm.s32 @!p0 $0x7C00;
	[sflag:s7] =	ssyncset.done @!p0 $0x0  }
0x347: {  	[sflag:s7] =	ssyncadd.s32 @!p0 $0xFFFFE800;
	s7 =	simm.s32 @!p0 $0x0;
	s4 =	sadd.s32 @!p0 s1, s4  }
0x348: {  	[tilespmem:s11], [sflag:$0x6] =	stream.linear.gather @!p0 [hbm4b:s4+s7], $0x1800, $0x38;
	[tilespmem:$0x18400] =	vst v63  }
0x349: {  	v2 =	vld.msk @!p0 [tilespmem:s18+$0x68], $0xff;
	_ =	sdelay $0x4  }
0x34a: {  	v3 =	vshrl.u32 @!p0 v2, $0x3  }
0x34b: {  	v3 =	vmul.u32 @!p0 $0x30, v3  }
0x34c: {  	v4 =	vlaneseq.u32 @!p0;
	v2 =	vand.u32 @!p0 $0x7, v2  }
0x34d: {  	v2 =	vor.u32 @!p0 v2, v3;
	v3 =	vand.u32 @!p0 $0x7, v4;
	v4 =	vshrl.u32 @!p0 v4, $0x3  }
0x34e: {  	v2 =	vperm.xlane @!p0 v2, v3;
	v3 =	vmul.u32 @!p0 $0x8, v4;
	_ =	sdelay $0x1  }
0x34f: {  	v2 =	vadd.s32 @!p0 v3, v2;
	_ =	sdelay $0x3  }
0x350: {  	s4 =	simm.s32 @!p0 $0x13C00  }
0x351: {  	[tilespmem:s4], [sflag:$0xE] =	stream.indirect_vreg.gather @!p0 [hbm4b:s3+s7], $0x80, v2, vm1, $0xb8;
	[tilespmem:$0x18400] =	vst v63  }
0x352: {  	s4 =	simm.s32 @!p0 $0x14400  }
0x353: {  	[tilespmem:s4], [sflag:$0xE] =	stream.indirect_vreg.gather @!p0 [hbm4b:s9+s7], $0x80, v2, vm1, $0xb8;
	[tilespmem:$0x18400] =	vst v63  }
0x354: {  	s4 =	simm.s32 @!p0 $0x14C00  }
0x355: {  	[tilespmem:s4], [sflag:$0xE] =	stream.indirect_vreg.gather @!p0 [hbm4b:s10+s7], $0x80, v2, vm1, $0xb8;
	[tilespmem:$0x18400] =	vst v63  }
0x356: {  	_ =	swait.ge [sflag:s0], $0x1800  }
0x357: {  	[sflag:s0] =	ssyncset.done $0x0  }
0x358: {  	[sflag:s0] =	ssyncadd.s32 $0xFFFFE800  }
0x359: {  	_ =	swait.ge [sflag:s28], $0x1800  }
0x35a: {  	[sflag:s28] =	ssyncset.done $0x0  }
0x35b: {  	s13 =	simm.s32 $0x0;
	s20 =	simm.s32 $0x0;
	[sflag:s28] =	ssyncadd.s32 $0xFFFFE800  }
.LBB2_31:
0x35c: {  	s4 =	sshra.s32 s20, $0x2  }
0x35d: {  	v2 =	vld [tilespmem:s4+$0xB070]  }
0x35e: {  	v3 =	vld [tilespmem:s4+$0xAC00]  }
0x35f: {  	v4 =	vld [tilespmem:s4+$0xAC10]  }
0x360: {  	v5 =	vld [tilespmem:s4+$0xAC20]  }
0x361: {  	v6 =	vld [tilespmem:s4+$0xAC30]  }
0x362: {  	v7 =	vld [tilespmem:s4+$0xAC40]  }
0x363: {  	v8 =	vld [tilespmem:s4+$0xAC50]  }
0x364: {  	v9 =	vld [tilespmem:s4+$0xAC60]  }
0x365: {  	v10 =	vld [tilespmem:s4+$0xAC70]  }
0x366: {  	v11 =	vld [tilespmem:s4+$0xB000]  }
0x367: {  	v12 =	vld [tilespmem:s4+$0xB010]  }
0x368: {  	v13 =	vld [tilespmem:s4+$0xB020]  }
0x369: {  	v14 =	vld [tilespmem:s4+$0xB030]  }
0x36a: {  	v15 =	vld [tilespmem:s4+$0xB040]  }
0x36b: {  	v16 =	vld [tilespmem:s4+$0xB050]  }
0x36c: {  	[tilespmem:s4+$0x17070] =	vst.add.f32.msk $0xffff, v2  }
0x36d: {  	v2 =	vld [tilespmem:s4+$0xB060]  }
0x36e: {  	[tilespmem:s4+$0x16C00] =	vst.add.f32.msk $0xffff, v3  }
0x36f: {  	[tilespmem:s4+$0x16C10] =	vst.add.f32.msk $0xffff, v4  }
0x370: {  	[tilespmem:s4+$0x16C20] =	vst.add.f32.msk $0xffff, v5  }
0x371: {  	[tilespmem:s4+$0x16C30] =	vst.add.f32.msk $0xffff, v6  }
0x372: {  	[tilespmem:s4+$0x16C40] =	vst.add.f32.msk $0xffff, v7  }
0x373: {  	[tilespmem:s4+$0x16C50] =	vst.add.f32.msk $0xffff, v8  }
0x374: {  	[tilespmem:s4+$0x16C60] =	vst.add.f32.msk $0xffff, v9  }
0x375: {  	[tilespmem:s4+$0x16C70] =	vst.add.f32.msk $0xffff, v10  }
0x376: {  	[tilespmem:s4+$0x17000] =	vst.add.f32.msk $0xffff, v11  }
0x377: {  	[tilespmem:s4+$0x17010] =	vst.add.f32.msk $0xffff, v12  }
0x378: {  	[tilespmem:s4+$0x17020] =	vst.add.f32.msk $0xffff, v13  }
0x379: {  	[tilespmem:s4+$0x17030] =	vst.add.f32.msk $0xffff, v14  }
0x37a: {  	[tilespmem:s4+$0x17040] =	vst.add.f32.msk $0xffff, v15  }
0x37b: {  	s7 =	simm.s32 $0x0;
	s11 =	sadd.s32 $0x2000, s20;
	[tilespmem:s4+$0x17050] =	vst.add.f32.msk $0xffff, v16  }
.LBB2_32:
0x37c: {  	s7 =	sadd.s32 $0x10, s7;
	[tilespmem:s4+$0x17060] =	vst.add.f32.msk $0xffff, v2;
	s4 =	sshra.s32 s11, $0x2  }
0x37d: {  	v2 =	vld [tilespmem:s4+$0xB070];
	p1 =	slt.u32 s7, $0x20  }
0x37e: {  	v3 =	vld [tilespmem:s4+$0xAC00]  }
0x37f: {  	v4 =	vld [tilespmem:s4+$0xAC10]  }
0x380: {  	v5 =	vld [tilespmem:s4+$0xAC20]  }
0x381: {  	v6 =	vld [tilespmem:s4+$0xAC30]  }
0x382: {  	[tilespmem:s4+$0x17070] =	vst.add.f32.msk $0xffff, v2  }
0x383: {  	v7 =	vld [tilespmem:s4+$0xAC40]  }
0x384: {  	v8 =	vld [tilespmem:s4+$0xAC50]  }
0x385: {  	v9 =	vld [tilespmem:s4+$0xAC60]  }
0x386: {  	v10 =	vld [tilespmem:s4+$0xAC70]  }
0x387: {  	v11 =	vld [tilespmem:s4+$0xB000]  }
0x388: {  	v12 =	vld [tilespmem:s4+$0xB010]  }
0x389: {  	v13 =	vld [tilespmem:s4+$0xB020]  }
0x38a: {  	v14 =	vld [tilespmem:s4+$0xB030]  }
0x38b: {  	v15 =	vld [tilespmem:s4+$0xB040]  }
0x38c: {  	v16 =	vld [tilespmem:s4+$0xB050]  }
0x38d: {  	v2 =	vld [tilespmem:s4+$0xB060]  }
0x38e: {  	[tilespmem:s4+$0x16C00] =	vst.add.f32.msk $0xffff, v3  }
0x38f: {  	[tilespmem:s4+$0x16C10] =	vst.add.f32.msk $0xffff, v4  }
0x390: {  	[tilespmem:s4+$0x16C20] =	vst.add.f32.msk $0xffff, v5  }
0x391: {  	[tilespmem:s4+$0x16C30] =	vst.add.f32.msk $0xffff, v6  }
0x392: {  	[tilespmem:s4+$0x16C40] =	vst.add.f32.msk $0xffff, v7  }
0x393: {  	[tilespmem:s4+$0x16C50] =	vst.add.f32.msk $0xffff, v8  }
0x394: {  	[tilespmem:s4+$0x16C60] =	vst.add.f32.msk $0xffff, v9  }
0x395: {  	[tilespmem:s4+$0x16C70] =	vst.add.f32.msk $0xffff, v10  }
0x396: {  	[tilespmem:s4+$0x17000] =	vst.add.f32.msk $0xffff, v11  }
.Ltmp16:
0x397: {  	[tilespmem:s4+$0x17010] =	vst.add.f32.msk $0xffff, v12;
	(pc) =	sbr.rel @p1 .LBB2_32-.Ltmp16, $4  }
0x398: {  	[tilespmem:s4+$0x17020] =	vst.add.f32.msk $0xffff, v13  }
0x399: {  	[tilespmem:s4+$0x17030] =	vst.add.f32.msk $0xffff, v14  }
0x39a: {  	[tilespmem:s4+$0x17040] =	vst.add.f32.msk $0xffff, v15  }
0x39b: {  	s11 =	sadd.s32 $0x2000, s11;
	[tilespmem:s4+$0x17050] =	vst.add.f32.msk $0xffff, v16  }
0x39c: {  	s13 =	sadd.s32 $0x1, s13  }
0x39d: {  	p1 =	sne.s32 s13, $0x8  }
.Ltmp17:
0x39e: {  	_ = 	snop;
	(pc) =	sbr.rel @p1 .LBB2_31-.Ltmp17, $2  }
0x39f: {  	_ =	sdelay $0x2  }
0x3a0: {  	[tilespmem:s4+$0x17060] =	vst.add.f32.msk $0xffff, v2;
	s20 =	sadd.s32 $0x200, s20  }
.Ltmp18:
0x3a1: {  	(pc) =	sbr.rel @p0 .LBB2_36-.Ltmp18, $4  }
0x3a2: {  	_ = 	snop  }
0x3a3: {  	s4 =	rddreg [dreg:$0x3]  }
0x3a4: {  	s4 =	sadd.s32 s4, s19  }
0x3a5: {  	[hbm4b:s4+s5] =	stream.linear.scatter [tilespmem:s30], [sflag:$0x18], $0x1800, $0x38;
	[tilespmem:$0x18400] =	vst v63  }
0x3a6: {  	s4 =	sadd.s32 $0x70, s18  }
0x3a7: {  	s4 =	sadd.s32 s6, s4  }
0x3a8: {  	s4 =	sshrl.u32 s4, $0x3  }
0x3a9: {  	_ =	swait.ge [sflag:s23], $0x1800;
	s4 =	smul.u32 $0x300, s4  }
0x3aa: {  	[sflag:s23] =	ssyncset.done $0x0  }
0x3ab: {  	s7 =	simm.s32 $0x9400;
	[sflag:s23] =	ssyncadd.s32 $0xFFFFE800;
	s4 =	sadd.s32 s1, s4  }
0x3ac: {  	[tilespmem:s7], [sflag:$0x7] =	stream.linear.gather [hbm4b:s4+s5], $0x1800, $0x38;
	[tilespmem:$0x18400] =	vst v63  }
0x3ad: {  	v2 =	vld.msk [tilespmem:s18+$0x70], $0xff;
	_ =	sdelay $0x4  }
0x3ae: {  	v3 =	vshrl.u32 v2, $0x3  }
0x3af: {  	v3 =	vmul.u32 $0x30, v3  }
0x3b0: {  	v2 =	vand.u32 $0x7, v2  }
0x3b1: {  	v2 =	vor.u32 v2, v3  }
0x3b2: {  	v2 =	vperm.xlane v2, v0;
	_ =	sdelay $0x1  }
0x3b3: {  	v2 =	vadd.s32 v1, v2;
	_ =	sdelay $0x4  }
0x3b4: {  	[tilespmem:s21], [sflag:$0xF] =	stream.indirect_vreg.gather [hbm4b:s3+s5], $0x80, v2, vm0, $0xb8;
	[tilespmem:$0x18400] =	vst v63  }
.Ltmp19:
0x3b5: {  	_ = 	snop;
	(pc) =	sbr.rel .LBB2_2-.Ltmp19, $4  }
0x3b6: {  	s20 =	simm.s32 $0x15C00  }
0x3b7: {  	[tilespmem:s20], [sflag:$0xF] =	stream.indirect_vreg.gather [hbm4b:s9+s5], $0x80, v2, vm0, $0xb8;
	[tilespmem:$0x18400] =	vst v63  }
0x3b8: {  	s31 =	sadd.s32 $0x1, s31;
	s21 =	simm.s32 $0x16400  }
0x3b9: {  	[tilespmem:s21], [sflag:$0xF] =	stream.indirect_vreg.gather [hbm4b:s10+s5], $0x80, v2, vm0, $0xb8;
	[tilespmem:$0x18400] =	vst v63  }
.LBB2_37:
0x3ba: {  	_ =	sfence.sel $0x180000  }
0x3bb: {  	[bflag:$0x0] =	sbarrier.arrive $0xFFFF  }
0x3bc: {  	_ =	strace $0x90000047  }
0x3bd: {  	s0 =	stileid.u32;
	[bflag:$0x2] =	sbarrier.arrive $0xFFFF  }
0x3be: {  	p0 =	sne.s32 s0, $0x0;
	s0 =	rddreg [dreg:$0x4]  }
0x3bf: {  	s0 =	sadd.s32 @!p0 $0x100000, s0  }
0x3c0: {  	[sflag:s0] =	ssyncadd.tile.s32 @!p0 $0x1;
	_ =	shalt  }
.Lfunc_end2:
_tile_overlayer_lowered:
.L_overlay_start_2:
0x3c1: {  	(tag) =	ssettag $0x2  }
0x3c2: {  	s0 =	rddreg [dreg:$0x0];
	s2 =	stileid.u32  }
0x3c3: {  	s1 =	rddreg [dreg:$0x1];
	p0 =	sne.s32 s2, $0x0  }
0x3c4: {  	s3 =	rddreg [dreg:$0x2];
	[bflag:$0x3] =	sbarrier.arrive $0xFFFF;
	s2 =	simm.s32 @!p0 $0x1C19  }
0x3c5: {  	[timem:s3], [sflag:s2] =	dma.local @!p0 [hbm:s0], s1  }
0x3c6: {  	s0 =	simm.s32 @!p0 $0x19  }
0x3c7: {  	_ =	swait.ge @!p0 [sflag:s0], s1  }
0x3c8: {  	s1 =	ssub.s32 @!p0 $0x0, s1;
	[sflag:s0] =	ssyncset.done @!p0 $0x0  }
0x3c9: {  	[sflag:s0] =	ssyncadd.s32 @!p0 s1  }
0x3ca: {  	[bflag:$0x3] =	sbarrier.arrive $0xFFFF  }
0x3cb: {  	_ =	shalt  }

</sc_bundles>
